<compile_context>
chip_gen: v7x
topology: tpu7x:2x2x1
jax: 0.10.2.dev20260603
libtpu: 0.0.44.dev20260713+nightly
codegen_flags: <defaults>
</compile_context>

<pallas_src>
import functools

import jax
import jax.numpy as jnp
from jax import lax
from jax.experimental import pallas as pl
from jax.experimental.pallas import tpu as pltpu
from jax.experimental.pallas import tpu_sc as plsc

_NC = 2
_NS = 16
_L = 16
_NB = 3


def _mm_body(x_ref, w_ref, o_ref):
    p = jnp.dot(x_ref[...], w_ref[...], preferred_element_type=jnp.float32)
    dh = o_ref.shape[2]
    o_ref[0] = p[:, :dh]
    o_ref[1] = p[:, dh:]


def _make_sc_scatter(N, D, NCH, CH):
    DH = D // _NC
    EPS = NCH * CH
    assert CH % _L == 0 and CH <= 128 and DH % _L == 0
    rps = (N // _NS) // 8 * 8
    tail = N - _NS * rps
    mesh = plsc.VectorSubcoreMesh(core_axis_name="c", subcore_axis_name="s")

    @functools.partial(
        pl.kernel,
        mesh=mesh,
        out_type=jax.ShapeDtypeStruct((N, D), jnp.float32),
        scratch_types=[
            pltpu.VMEM((EPS,), jnp.int32),
            pltpu.VMEM((NCH, CH), jnp.int32),
            pltpu.VMEM((EPS,), jnp.float32),
            pltpu.VMEM((_NB, CH, DH), jnp.float32),
            pltpu.VMEM_SHARED((N, DH), jnp.float32),
            pltpu.SemaphoreType.DMA,
            pltpu.SemaphoreType.DMA,
        ],
        compiler_params=pltpu.CompilerParams(use_tc_tiling_on_sc=False),
    )
    def sc_kernel(support, col2, row3, w2, zeros, out,
                  col_v, row_v, w_v, rows_v, acc, gsem, ssem):
        c = lax.axis_index("c")
        s = lax.axis_index("s")
        pltpu.sync_copy(zeros.at[pl.ds(s * rps, rps)],
                        acc.at[pl.ds(s * rps, rps)])
        if tail:
            @pl.when(s == _NS - 1)
            def _():
                pltpu.sync_copy(zeros.at[pl.ds(_NS * rps, tail)],
                                acc.at[pl.ds(_NS * rps, tail)])
        pltpu.sync_copy(col2.at[s], col_v)
        pltpu.sync_copy(row3.at[s], row_v)
        pltpu.sync_copy(w2.at[s], w_v)
        plsc.subcore_barrier()

        def gather_start(i, b):
            pltpu.async_copy(support.at[c].at[col_v.at[pl.ds(i * CH, CH)]],
                             rows_v.at[b], gsem)

        def gather_wait(i, b):
            pltpu.make_async_copy(
                support.at[c].at[col_v.at[pl.ds(i * CH, CH)]],
                rows_v.at[b], gsem).wait()

        def scatter_start(i, b):
            pltpu.async_copy(rows_v.at[b], acc.at[row_v.at[i]], ssem, add=True)

        def scatter_wait(i, b):
            pltpu.make_async_copy(rows_v.at[b], acc.at[row_v.at[i]], ssem).wait()

        def scale(i, b):
            rb = rows_v.at[b]

            def edge_body(e, carry2):
                wg = w_v[pl.ds(i * CH + e // _L * _L, _L)]
                wb = wg.at[jnp.full((_L,), e % _L, jnp.int32)].get(
                    mode="promise_in_bounds")
                for j in range(DH // _L):
                    sl = pl.ds(j * _L, _L)
                    rb[e, sl] = rb[e, sl] * wb
                return carry2

            lax.fori_loop(0, CH, edge_body, 0, unroll=8)

        def step(i, b):
            @pl.when(i >= _NB - 1)
            def _():
                scatter_wait(i - (_NB - 1), (i + 1) % _NB)

            @pl.when(i + 1 < NCH)
            def _():
                gather_start(i + 1, (i + 1) % _NB)

            gather_wait(i, b)
            scale(i, b)
            scatter_start(i, b)

        gather_start(0, 0)

        def ring_body(p, carry):
            for b in range(_NB):
                step(_NB * p + b, b)
            return carry

        lax.fori_loop(0, NCH // _NB, ring_body, 0)
        for i in range(NCH // _NB * _NB, NCH):
            step(i, i % _NB)
        for i in range(max(NCH - (_NB - 1), 0), NCH):
            scatter_wait(i, i % _NB)
        plsc.subcore_barrier()
        pltpu.sync_copy(acc.at[pl.ds(s * rps, rps)],
                        out.at[pl.ds(s * rps, rps), pl.ds(c * DH, DH)])
        if tail:
            @pl.when(s == _NS - 1)
            def _():
                pltpu.sync_copy(acc.at[pl.ds(_NS * rps, tail)],
                                out.at[pl.ds(_NS * rps, tail), pl.ds(c * DH, DH)])

    return sc_kernel


def kernel(x, edge_index, edge_weight, W):
    N, D_IN = x.shape
    D = W.shape[1]
    E = edge_weight.shape[0]
    DH = D // _NC
    CH = 128
    NCH = -(-E // (_NS * CH))
    EPS = NCH * CH
    pad = EPS * _NS - E

    blk = 1000
    support = pl.pallas_call(
        _mm_body,
        grid=(N // blk,),
        in_specs=[
            pl.BlockSpec((blk, D_IN), lambda i: (i, 0)),
            pl.BlockSpec((D_IN, D), lambda i: (0, 0)),
        ],
        out_specs=pl.BlockSpec((_NC, blk, DH), lambda i: (0, i, 0)),
        out_shape=jax.ShapeDtypeStruct((_NC, N, DH), jnp.float32),
    )(x, W)

    ipad = jnp.zeros((pad,), jnp.int32)
    row3 = jnp.concatenate([edge_index[0], ipad]).reshape(_NS, NCH, CH)
    col2 = jnp.concatenate([edge_index[1], ipad]).reshape(_NS, EPS)
    w2 = jnp.concatenate([edge_weight, jnp.zeros((pad,), jnp.float32)]
                         ).reshape(_NS, EPS)
    zeros = jnp.zeros((N, DH), jnp.float32)

    return _make_sc_scatter(N, D, NCH, CH)(support, col2, row3, w2, zeros)

# --- scband reference (transcript-rebuilt; emitter-appended) ---
"""Pipeline reference for scband-gatlayer-st-59115929862466 (READ-ONLY COPY).

The authoritative reference and input builder live on the scoring server;
editing this copy changes nothing except your own understanding.
"""

import jax, jax.numpy as jnp
import numpy as np
import math

N = 10000
E = 320000
D_IN = 128
D_OUT = 128
NHEAD = 1


def setup_inputs(seed: int = 0) -> dict:
    key = jax.random.key(seed)
    k1, k2, k3, k4 = jax.random.split(key, 4)
    x = jax.random.normal(k1, (N, D_IN), dtype=jnp.float32)
    edge_index = jax.random.randint(k2, (2, E), 0, N, dtype=jnp.int32)
    edge_weight = jax.random.uniform(k3, (E,), dtype=jnp.float32)
    stdv = math.sqrt(6.0 / (D_IN + D_OUT * NHEAD))
    W = jax.random.uniform(k4, (D_IN, D_OUT * NHEAD), dtype=jnp.float32, minval=-stdv, maxval=stdv)
    return {"x": x, "edge_index": edge_index, "edge_weight": edge_weight, "W": W}


def reference(x, edge_index, edge_weight, W):
    # support = self.linear(x): undefined in source; the only projection defined is W,
    # so the linear projection is realized as x @ W (shape [N, out_feats*nhead]).
    support = jnp.matmul(x, W)
    # h is computed in the original forward but never used for the output (dead code);
    # reproduced here for faithfulness.
    h = jnp.matmul(x, W).reshape(-1, NHEAD, D_OUT)
    h = jnp.where(jnp.isnan(h), 0.0, h)
    row = edge_index[0]
    col = edge_index[1]
    # spmm_scatter: out[row] += edge_weight * support[col]
    msgs = edge_weight[:, None] * jnp.take(support, col, axis=0)
    out = jax.ops.segment_sum(msgs, row, num_segments=N)
    # residual=False, norm=None, act=None
    return out

if __name__ == "__main__":
    import jax
    _d = setup_inputs()
    print(jax.jit(kernel)(*tuple(_d.values())))

</pallas_src>

<mosaic_0001>
#map = affine_map<(d0, d1) -> (0, 0, 0)>
#map1 = affine_map<(d0, d1) -> (0, 0)>
module attributes {stable_mosaic.version = 14 : i64} {
  func.func @sc_kernel(%arg0: i32, %arg1: i32, %arg2: memref<2x10000x64xf32, #tpu.memory_space<hbm>>, %arg3: memref<16x20096xi32, #tpu.memory_space<hbm>>, %arg4: memref<16x157x128xi32, #tpu.memory_space<hbm>>, %arg5: memref<16x20096xf32, #tpu.memory_space<hbm>>, %arg6: memref<10000x64xf32, #tpu.memory_space<hbm>>, %arg7: memref<10000x128xf32, #tpu.memory_space<hbm>>, %arg8: memref<20096xi32, #tpu.memory_space<vmem>>, %arg9: memref<157x128xi32, #tpu.memory_space<vmem>>, %arg10: memref<20096xf32, #tpu.memory_space<vmem>>, %arg11: memref<3x128x64xf32, #tpu.memory_space<vmem>>, %arg12: memref<10000x64xf32, #tpu.memory_space<vmem_shared>>, %arg13: memref<!tpu.dma_semaphore, #tpu.memory_space<semaphore_mem>>, %arg14: memref<!tpu.dma_semaphore, #tpu.memory_space<semaphore_mem>>) attributes {dimension_semantics = [#tpu.dimension_semantics<core_parallel>, #tpu.dimension_semantics<subcore_parallel>], iteration_bounds = array<i64: 2, 16>, scalar_prefetch = 0 : i64, scratch_operands = 7 : i64, tpu.core_type = #tpu.core_type<sc_vector_subcore>, window_params = [{transform_indices = #map}, {transform_indices = #map1}, {transform_indices = #map}, {transform_indices = #map1}, {transform_indices = #map1}, {transform_indices = #map1}]} {
    %mul3A = arith.constant 624 : i32
    %mul3A_0 = arith.muli %arg1, %mul3A : i32
    %mul3A_1 = arith.constant 624 : i32
    %mul3A_2 = arith.muli %arg1, %mul3A_1 : i32
    "tpu.region"() ({
      %run_scoped3A = tpu.sem_alloc : memref<!tpu.dma_semaphore, #tpu.memory_space<semaphore_mem>>
      %dma_start3A_103 = arith.constant 0 : i32
      %dma_start3A_104 = tpu.memref_slice %arg12[%mul3A_2, %dma_start3A_103] : memref<10000x64xf32, #tpu.memory_space<vmem_shared>> -> memref<624x64xf32, #tpu.memory_space<vmem_shared>>
      %dma_start3A_105 = arith.constant 0 : i32
      %dma_start3A_106 = tpu.memref_slice %arg6[%mul3A_0, %dma_start3A_105] : memref<10000x64xf32, #tpu.memory_space<hbm>> -> memref<624x64xf32, #tpu.memory_space<hbm>>
      tpu.enqueue_dma source(%dma_start3A_106 : memref<624x64xf32, #tpu.memory_space<hbm>>) target(%dma_start3A_104 : memref<624x64xf32, #tpu.memory_space<vmem_shared>>) target_semaphore(%run_scoped3A : memref<!tpu.dma_semaphore, #tpu.memory_space<semaphore_mem>>)
      %dma_wait3A_107 = arith.constant 0 : i32
      %dma_wait3A_108 = tpu.memref_slice %arg12[%mul3A_2, %dma_wait3A_107] : memref<10000x64xf32, #tpu.memory_space<vmem_shared>> -> memref<624x64xf32, #tpu.memory_space<vmem_shared>>
      %dma_wait3A_109 = arith.constant 0 : i32
      %dma_wait3A_110 = tpu.memref_slice %arg6[%mul3A_0, %dma_wait3A_109] : memref<10000x64xf32, #tpu.memory_space<hbm>> -> memref<624x64xf32, #tpu.memory_space<hbm>>
      tpu.wait_dma2 semaphore(%run_scoped3A : memref<!tpu.dma_semaphore, #tpu.memory_space<semaphore_mem>>) src(%dma_wait3A_110 : memref<624x64xf32, #tpu.memory_space<hbm>>) dst(%dma_wait3A_108 : memref<624x64xf32, #tpu.memory_space<vmem_shared>>)
      tpu.yield
    }) : () -> ()
    %eq3A = arith.constant 15 : i32
    %eq3A_3 = arith.cmpi eq, %arg1, %eq3A : i32
    %convert_element_type3A = arith.extui %eq3A_3 : i1 to i32
    %cond3A = arith.constant 0 : i32
    %cond3A_4 = arith.cmpi ne, %convert_element_type3A, %cond3A : i32
    scf.if %cond3A_4 {
      "tpu.region"() ({
        %run_scoped3A = tpu.sem_alloc : memref<!tpu.dma_semaphore, #tpu.memory_space<semaphore_mem>>
        %dma_start3A_103 = arith.constant 9984 : i32
        %dma_start3A_104 = arith.constant 0 : i32
        %dma_start3A_105 = tpu.memref_slice %arg12[%dma_start3A_103, %dma_start3A_104] : memref<10000x64xf32, #tpu.memory_space<vmem_shared>> -> memref<16x64xf32, #tpu.memory_space<vmem_shared>>
        %dma_start3A_106 = arith.constant 9984 : i32
        %dma_start3A_107 = arith.constant 0 : i32
        %dma_start3A_108 = tpu.memref_slice %arg6[%dma_start3A_106, %dma_start3A_107] : memref<10000x64xf32, #tpu.memory_space<hbm>> -> memref<16x64xf32, #tpu.memory_space<hbm>>
        tpu.enqueue_dma source(%dma_start3A_108 : memref<16x64xf32, #tpu.memory_space<hbm>>) target(%dma_start3A_105 : memref<16x64xf32, #tpu.memory_space<vmem_shared>>) target_semaphore(%run_scoped3A : memref<!tpu.dma_semaphore, #tpu.memory_space<semaphore_mem>>)
        %dma_wait3A_109 = arith.constant 9984 : i32
        %dma_wait3A_110 = arith.constant 0 : i32
        %dma_wait3A_111 = tpu.memref_slice %arg12[%dma_wait3A_109, %dma_wait3A_110] : memref<10000x64xf32, #tpu.memory_space<vmem_shared>> -> memref<16x64xf32, #tpu.memory_space<vmem_shared>>
        %dma_wait3A_112 = arith.constant 9984 : i32
        %dma_wait3A_113 = arith.constant 0 : i32
        %dma_wait3A_114 = tpu.memref_slice %arg6[%dma_wait3A_112, %dma_wait3A_113] : memref<10000x64xf32, #tpu.memory_space<hbm>> -> memref<16x64xf32, #tpu.memory_space<hbm>>
        tpu.wait_dma2 semaphore(%run_scoped3A : memref<!tpu.dma_semaphore, #tpu.memory_space<semaphore_mem>>) src(%dma_wait3A_114 : memref<16x64xf32, #tpu.memory_space<hbm>>) dst(%dma_wait3A_111 : memref<16x64xf32, #tpu.memory_space<vmem_shared>>)
        tpu.yield
      }) : () -> ()
    } else {
    }
    "tpu.region"() ({
      %run_scoped3A = tpu.sem_alloc : memref<!tpu.dma_semaphore, #tpu.memory_space<semaphore_mem>>
      %dma_start3A_103 = arith.constant 0 : i32
      %dma_start3A_104 = tpu.memref_slice %arg3[%arg1, %dma_start3A_103] : memref<16x20096xi32, #tpu.memory_space<hbm>> -> memref<1x20096xi32, #tpu.memory_space<hbm>>
      %dma_start3A_105 = tpu.memref_squeeze %dma_start3A_104 : memref<1x20096xi32, #tpu.memory_space<hbm>> -> memref<20096xi32, #tpu.memory_space<hbm>>
      %dma_start3A_106 = arith.constant 0 : i32
      %dma_start3A_107 = tpu.memref_slice %arg3[%arg1, %dma_start3A_106] : memref<16x20096xi32, #tpu.memory_space<hbm>> -> memref<1x20096xi32, #tpu.memory_space<hbm>>
      %dma_start3A_108 = tpu.memref_squeeze %dma_start3A_107 : memref<1x20096xi32, #tpu.memory_space<hbm>> -> memref<20096xi32, #tpu.memory_space<hbm>>
      tpu.enqueue_dma source(%dma_start3A_108 : memref<20096xi32, #tpu.memory_space<hbm>>) target(%arg8 : memref<20096xi32, #tpu.memory_space<vmem>>) target_semaphore(%run_scoped3A : memref<!tpu.dma_semaphore, #tpu.memory_space<semaphore_mem>>)
      %dma_wait3A_109 = arith.constant 0 : i32
      %dma_wait3A_110 = tpu.memref_slice %arg3[%arg1, %dma_wait3A_109] : memref<16x20096xi32, #tpu.memory_space<hbm>> -> memref<1x20096xi32, #tpu.memory_space<hbm>>
      %dma_wait3A_111 = tpu.memref_squeeze %dma_wait3A_110 : memref<1x20096xi32, #tpu.memory_space<hbm>> -> memref<20096xi32, #tpu.memory_space<hbm>>
      %dma_wait3A_112 = arith.constant 0 : i32
      %dma_wait3A_113 = tpu.memref_slice %arg3[%arg1, %dma_wait3A_112] : memref<16x20096xi32, #tpu.memory_space<hbm>> -> memref<1x20096xi32, #tpu.memory_space<hbm>>
      %dma_wait3A_114 = tpu.memref_squeeze %dma_wait3A_113 : memref<1x20096xi32, #tpu.memory_space<hbm>> -> memref<20096xi32, #tpu.memory_space<hbm>>
      tpu.wait_dma2 semaphore(%run_scoped3A : memref<!tpu.dma_semaphore, #tpu.memory_space<semaphore_mem>>) src(%dma_wait3A_114 : memref<20096xi32, #tpu.memory_space<hbm>>) dst(%arg8 : memref<20096xi32, #tpu.memory_space<vmem>>)
      tpu.yield
    }) : () -> ()
    "tpu.region"() ({
      %run_scoped3A = tpu.sem_alloc : memref<!tpu.dma_semaphore, #tpu.memory_space<semaphore_mem>>
      %dma_start3A_103 = arith.constant 0 : i32
      %dma_start3A_104 = arith.constant 0 : i32
      %dma_start3A_105 = tpu.memref_slice %arg4[%arg1, %dma_start3A_103, %dma_start3A_104] : memref<16x157x128xi32, #tpu.memory_space<hbm>> -> memref<1x157x128xi32, #tpu.memory_space<hbm>>
      %dma_start3A_106 = tpu.memref_squeeze %dma_start3A_105 : memref<1x157x128xi32, #tpu.memory_space<hbm>> -> memref<157x128xi32, #tpu.memory_space<hbm>>
      %dma_start3A_107 = arith.constant 0 : i32
      %dma_start3A_108 = arith.constant 0 : i32
      %dma_start3A_109 = tpu.memref_slice %arg4[%arg1, %dma_start3A_107, %dma_start3A_108] : memref<16x157x128xi32, #tpu.memory_space<hbm>> -> memref<1x157x128xi32, #tpu.memory_space<hbm>>
      %dma_start3A_110 = tpu.memref_squeeze %dma_start3A_109 : memref<1x157x128xi32, #tpu.memory_space<hbm>> -> memref<157x128xi32, #tpu.memory_space<hbm>>
      tpu.enqueue_dma source(%dma_start3A_110 : memref<157x128xi32, #tpu.memory_space<hbm>>) target(%arg9 : memref<157x128xi32, #tpu.memory_space<vmem>>) target_semaphore(%run_scoped3A : memref<!tpu.dma_semaphore, #tpu.memory_space<semaphore_mem>>)
      %dma_wait3A_111 = arith.constant 0 : i32
      %dma_wait3A_112 = arith.constant 0 : i32
      %dma_wait3A_113 = tpu.memref_slice %arg4[%arg1, %dma_wait3A_111, %dma_wait3A_112] : memref<16x157x128xi32, #tpu.memory_space<hbm>> -> memref<1x157x128xi32, #tpu.memory_space<hbm>>
      %dma_wait3A_114 = tpu.memref_squeeze %dma_wait3A_113 : memref<1x157x128xi32, #tpu.memory_space<hbm>> -> memref<157x128xi32, #tpu.memory_space<hbm>>
      %dma_wait3A_115 = arith.constant 0 : i32
      %dma_wait3A_116 = arith.constant 0 : i32
      %dma_wait3A_117 = tpu.memref_slice %arg4[%arg1, %dma_wait3A_115, %dma_wait3A_116] : memref<16x157x128xi32, #tpu.memory_space<hbm>> -> memref<1x157x128xi32, #tpu.memory_space<hbm>>
      %dma_wait3A_118 = tpu.memref_squeeze %dma_wait3A_117 : memref<1x157x128xi32, #tpu.memory_space<hbm>> -> memref<157x128xi32, #tpu.memory_space<hbm>>
      tpu.wait_dma2 semaphore(%run_scoped3A : memref<!tpu.dma_semaphore, #tpu.memory_space<semaphore_mem>>) src(%dma_wait3A_118 : memref<157x128xi32, #tpu.memory_space<hbm>>) dst(%arg9 : memref<157x128xi32, #tpu.memory_space<vmem>>)
      tpu.yield
    }) : () -> ()
    "tpu.region"() ({
      %run_scoped3A = tpu.sem_alloc : memref<!tpu.dma_semaphore, #tpu.memory_space<semaphore_mem>>
      %dma_start3A_103 = arith.constant 0 : i32
      %dma_start3A_104 = tpu.memref_slice %arg5[%arg1, %dma_start3A_103] : memref<16x20096xf32, #tpu.memory_space<hbm>> -> memref<1x20096xf32, #tpu.memory_space<hbm>>
      %dma_start3A_105 = tpu.memref_squeeze %dma_start3A_104 : memref<1x20096xf32, #tpu.memory_space<hbm>> -> memref<20096xf32, #tpu.memory_space<hbm>>
      %dma_start3A_106 = arith.constant 0 : i32
      %dma_start3A_107 = tpu.memref_slice %arg5[%arg1, %dma_start3A_106] : memref<16x20096xf32, #tpu.memory_space<hbm>> -> memref<1x20096xf32, #tpu.memory_space<hbm>>
      %dma_start3A_108 = tpu.memref_squeeze %dma_start3A_107 : memref<1x20096xf32, #tpu.memory_space<hbm>> -> memref<20096xf32, #tpu.memory_space<hbm>>
      tpu.enqueue_dma source(%dma_start3A_108 : memref<20096xf32, #tpu.memory_space<hbm>>) target(%arg10 : memref<20096xf32, #tpu.memory_space<vmem>>) target_semaphore(%run_scoped3A : memref<!tpu.dma_semaphore, #tpu.memory_space<semaphore_mem>>)
      %dma_wait3A_109 = arith.constant 0 : i32
      %dma_wait3A_110 = tpu.memref_slice %arg5[%arg1, %dma_wait3A_109] : memref<16x20096xf32, #tpu.memory_space<hbm>> -> memref<1x20096xf32, #tpu.memory_space<hbm>>
      %dma_wait3A_111 = tpu.memref_squeeze %dma_wait3A_110 : memref<1x20096xf32, #tpu.memory_space<hbm>> -> memref<20096xf32, #tpu.memory_space<hbm>>
      %dma_wait3A_112 = arith.constant 0 : i32
      %dma_wait3A_113 = tpu.memref_slice %arg5[%arg1, %dma_wait3A_112] : memref<16x20096xf32, #tpu.memory_space<hbm>> -> memref<1x20096xf32, #tpu.memory_space<hbm>>
      %dma_wait3A_114 = tpu.memref_squeeze %dma_wait3A_113 : memref<1x20096xf32, #tpu.memory_space<hbm>> -> memref<20096xf32, #tpu.memory_space<hbm>>
      tpu.wait_dma2 semaphore(%run_scoped3A : memref<!tpu.dma_semaphore, #tpu.memory_space<semaphore_mem>>) src(%dma_wait3A_114 : memref<20096xf32, #tpu.memory_space<hbm>>) dst(%arg10 : memref<20096xf32, #tpu.memory_space<vmem>>)
      tpu.yield
    }) : () -> ()
    %barrier3A = arith.constant 0 : index
    tpu.barrier barrier_id(%barrier3A)
    %dma_start3A = arith.constant 0 : i32
    %dma_start3A_5 = arith.constant 0 : i32
    %dma_start3A_6 = arith.constant 0 : i32
    %dma_start3A_7 = tpu.memref_slice %arg11[%dma_start3A, %dma_start3A_5, %dma_start3A_6] : memref<3x128x64xf32, #tpu.memory_space<vmem>> -> memref<1x128x64xf32, #tpu.memory_space<vmem>>
    %dma_start3A_8 = tpu.memref_squeeze %dma_start3A_7 : memref<1x128x64xf32, #tpu.memory_space<vmem>> -> memref<128x64xf32, #tpu.memory_space<vmem>>
    %dma_start3A_9 = arith.constant 0 : i32
    %dma_start3A_10 = tpu.memref_slice %arg8[%dma_start3A_9] : memref<20096xi32, #tpu.memory_space<vmem>> -> memref<128xi32, #tpu.memory_space<vmem>>
    %dma_start3A_11 = arith.constant 0 : i32
    %dma_start3A_12 = arith.constant 0 : i32
    %dma_start3A_13 = tpu.memref_slice %arg2[%arg0, %dma_start3A_11, %dma_start3A_12] : memref<2x10000x64xf32, #tpu.memory_space<hbm>> -> memref<1x10000x64xf32, #tpu.memory_space<hbm>>
    %dma_start3A_14 = tpu.memref_squeeze %dma_start3A_13 : memref<1x10000x64xf32, #tpu.memory_space<hbm>> -> memref<10000x64xf32, #tpu.memory_space<hbm>>
    %dma_start3A_15 = arith.constant 0 : i32
    %dma_start3A_16 = arith.constant 0 : i32
    %dma_start3A_17 = tpu.memref_slice %dma_start3A_14[%dma_start3A_15, %dma_start3A_16] : memref<10000x64xf32, #tpu.memory_space<hbm>> -> memref<10000x64xf32, #tpu.memory_space<hbm>>
    tpu.enqueue_indirect_dma source(%dma_start3A_17 : memref<10000x64xf32, #tpu.memory_space<hbm>>) target(%dma_start3A_8 : memref<128x64xf32, #tpu.memory_space<vmem>>) offsets(%dma_start3A_10 : memref<128xi32, #tpu.memory_space<vmem>>) semaphore(%arg13 : memref<!tpu.dma_semaphore, #tpu.memory_space<semaphore_mem>>)
    %scan3A = arith.constant 0 : i32
    %scan3A_18 = arith.constant 0 : i32
    %scan3A_19 = arith.constant 52 : i32
    %scan3A_20 = arith.addi %scan3A_18, %scan3A_19 : i32
    %scan3A_21 = arith.constant 1 : i32
    scf.for %scan3A_103 = %scan3A_18 to %scan3A_20 step %scan3A_21  : i32 {
      %mul3A_104 = arith.constant 3 : i32
      %mul3A_105 = arith.muli %mul3A_104, %scan3A_103 : i32
      %add3A = arith.constant 0 : i32
      %add3A_106 = arith.addi %mul3A_105, %add3A : i32
      %ge3A = arith.constant 2 : i32
      %ge3A_107 = arith.cmpi sge, %add3A_106, %ge3A : i32
      %convert_element_type3A_108 = arith.extui %ge3A_107 : i1 to i32
      %cond3A_109 = arith.constant 0 : i32
      %cond3A_110 = arith.cmpi ne, %convert_element_type3A_108, %cond3A_109 : i32
      scf.if %cond3A_110 {
        %sub3A = arith.constant 2 : i32
        %sub3A_248 = arith.subi %add3A_106, %sub3A : i32
        %add3A_249 = arith.constant 1 : i32
        %add3A_250 = arith.addi %add3A_106, %add3A_249 : i32
        %jit3A = arith.constant 3 : i32
        %eq3A_251 = arith.constant 0 : i32
        %eq3A_252 = arith.cmpi eq, %jit3A, %eq3A_251 : i32
        %jit3A_253 = arith.constant 1 : i32
        %select_n3A = arith.select %eq3A_252, %jit3A_253, %jit3A : i32
        %rem3A = arith.remsi %add3A_250, %select_n3A : i32
        %ne3A = arith.constant 0 : i32
        %ne3A_254 = arith.cmpi ne, %rem3A, %ne3A : i32
        %lt3A_255 = arith.constant 0 : i32
        %lt3A_256 = arith.cmpi slt, %rem3A, %lt3A_255 : i32
        %lt3A_257 = arith.constant 0 : i32
        %lt3A_258 = arith.cmpi slt, %select_n3A, %lt3A_257 : i32
        %ne3A_259 = arith.xori %lt3A_256, %lt3A_258 : i1
        %and3A = arith.andi %ne3A_259, %ne3A_254 : i1
        %add3A_260 = arith.addi %rem3A, %select_n3A : i32
        %select_n3A_261 = arith.select %and3A, %add3A_260, %rem3A : i32
        %dma_wait3A_262 = arith.constant 0 : i32
        %dma_wait3A_263 = arith.constant 0 : i32
        %dma_wait3A_264 = tpu.memref_slice %arg11[%select_n3A_261, %dma_wait3A_262, %dma_wait3A_263] : memref<3x128x64xf32, #tpu.memory_space<vmem>> -> memref<1x128x64xf32, #tpu.memory_space<vmem>>
        %dma_wait3A_265 = tpu.memref_squeeze %dma_wait3A_264 : memref<1x128x64xf32, #tpu.memory_space<vmem>> -> memref<128x64xf32, #tpu.memory_space<vmem>>
        %dma_wait3A_266 = arith.constant 0 : i32
        %dma_wait3A_267 = tpu.memref_slice %arg9[%sub3A_248, %dma_wait3A_266] : memref<157x128xi32, #tpu.memory_space<vmem>> -> memref<1x128xi32, #tpu.memory_space<vmem>>
        %dma_wait3A_268 = tpu.memref_squeeze %dma_wait3A_267 : memref<1x128xi32, #tpu.memory_space<vmem>> -> memref<128xi32, #tpu.memory_space<vmem>>
        %dma_wait3A_269 = arith.constant 0 : i32
        %dma_wait3A_270 = arith.constant 0 : i32
        %dma_wait3A_271 = tpu.memref_slice %arg12[%dma_wait3A_269, %dma_wait3A_270] : memref<10000x64xf32, #tpu.memory_space<vmem_shared>> -> memref<10000x64xf32, #tpu.memory_space<vmem_shared>>
        tpu.wait_indirect_dma semaphore(%arg14 : memref<!tpu.dma_semaphore, #tpu.memory_space<semaphore_mem>>) src(%dma_wait3A_265 : memref<128x64xf32, #tpu.memory_space<vmem>>) dst(%dma_wait3A_271 : memref<10000x64xf32, #tpu.memory_space<vmem_shared>>)
      } else {
      }
      %add3A_111 = arith.constant 1 : i32
      %add3A_112 = arith.addi %add3A_106, %add3A_111 : i32
      %lt3A = arith.constant 157 : i32
      %lt3A_113 = arith.cmpi slt, %add3A_112, %lt3A : i32
      %convert_element_type3A_114 = arith.extui %lt3A_113 : i1 to i32
      %cond3A_115 = arith.constant 0 : i32
      %cond3A_116 = arith.cmpi ne, %convert_element_type3A_114, %cond3A_115 : i32
      scf.if %cond3A_116 {
        %add3A_248 = arith.constant 1 : i32
        %add3A_249 = arith.addi %add3A_106, %add3A_248 : i32
        %add3A_250 = arith.constant 1 : i32
        %add3A_251 = arith.addi %add3A_106, %add3A_250 : i32
        %jit3A = arith.constant 3 : i32
        %eq3A_252 = arith.constant 0 : i32
        %eq3A_253 = arith.cmpi eq, %jit3A, %eq3A_252 : i32
        %jit3A_254 = arith.constant 1 : i32
        %select_n3A = arith.select %eq3A_253, %jit3A_254, %jit3A : i32
        %rem3A = arith.remsi %add3A_251, %select_n3A : i32
        %ne3A = arith.constant 0 : i32
        %ne3A_255 = arith.cmpi ne, %rem3A, %ne3A : i32
        %lt3A_256 = arith.constant 0 : i32
        %lt3A_257 = arith.cmpi slt, %rem3A, %lt3A_256 : i32
        %lt3A_258 = arith.constant 0 : i32
        %lt3A_259 = arith.cmpi slt, %select_n3A, %lt3A_258 : i32
        %ne3A_260 = arith.xori %lt3A_257, %lt3A_259 : i1
        %and3A = arith.andi %ne3A_260, %ne3A_255 : i1
        %add3A_261 = arith.addi %rem3A, %select_n3A : i32
        %select_n3A_262 = arith.select %and3A, %add3A_261, %rem3A : i32
        %mul3A_263 = arith.constant 128 : i32
        %mul3A_264 = arith.muli %add3A_249, %mul3A_263 : i32
        %dma_start3A_265 = arith.constant 0 : i32
        %dma_start3A_266 = arith.constant 0 : i32
        %dma_start3A_267 = tpu.memref_slice %arg11[%select_n3A_262, %dma_start3A_265, %dma_start3A_266] : memref<3x128x64xf32, #tpu.memory_space<vmem>> -> memref<1x128x64xf32, #tpu.memory_space<vmem>>
        %dma_start3A_268 = tpu.memref_squeeze %dma_start3A_267 : memref<1x128x64xf32, #tpu.memory_space<vmem>> -> memref<128x64xf32, #tpu.memory_space<vmem>>
        %dma_start3A_269 = tpu.memref_slice %arg8[%mul3A_264] : memref<20096xi32, #tpu.memory_space<vmem>> -> memref<128xi32, #tpu.memory_space<vmem>>
        %dma_start3A_270 = arith.constant 0 : i32
        %dma_start3A_271 = arith.constant 0 : i32
        %dma_start3A_272 = tpu.memref_slice %arg2[%arg0, %dma_start3A_270, %dma_start3A_271] : memref<2x10000x64xf32, #tpu.memory_space<hbm>> -> memref<1x10000x64xf32, #tpu.memory_space<hbm>>
        %dma_start3A_273 = tpu.memref_squeeze %dma_start3A_272 : memref<1x10000x64xf32, #tpu.memory_space<hbm>> -> memref<10000x64xf32, #tpu.memory_space<hbm>>
        %dma_start3A_274 = arith.constant 0 : i32
        %dma_start3A_275 = arith.constant 0 : i32
        %dma_start3A_276 = tpu.memref_slice %dma_start3A_273[%dma_start3A_274, %dma_start3A_275] : memref<10000x64xf32, #tpu.memory_space<hbm>> -> memref<10000x64xf32, #tpu.memory_space<hbm>>
        tpu.enqueue_indirect_dma source(%dma_start3A_276 : memref<10000x64xf32, #tpu.memory_space<hbm>>) target(%dma_start3A_268 : memref<128x64xf32, #tpu.memory_space<vmem>>) offsets(%dma_start3A_269 : memref<128xi32, #tpu.memory_space<vmem>>) semaphore(%arg13 : memref<!tpu.dma_semaphore, #tpu.memory_space<semaphore_mem>>)
      } else {
      }
      %mul3A_117 = arith.constant 128 : i32
      %mul3A_118 = arith.muli %add3A_106, %mul3A_117 : i32
      %dma_wait3A_119 = arith.constant 0 : i32
      %dma_wait3A_120 = arith.constant 0 : i32
      %dma_wait3A_121 = arith.constant 0 : i32
      %dma_wait3A_122 = tpu.memref_slice %arg11[%dma_wait3A_119, %dma_wait3A_120, %dma_wait3A_121] : memref<3x128x64xf32, #tpu.memory_space<vmem>> -> memref<1x128x64xf32, #tpu.memory_space<vmem>>
      %dma_wait3A_123 = tpu.memref_squeeze %dma_wait3A_122 : memref<1x128x64xf32, #tpu.memory_space<vmem>> -> memref<128x64xf32, #tpu.memory_space<vmem>>
      %dma_wait3A_124 = tpu.memref_slice %arg8[%mul3A_118] : memref<20096xi32, #tpu.memory_space<vmem>> -> memref<128xi32, #tpu.memory_space<vmem>>
      %dma_wait3A_125 = arith.constant 0 : i32
      %dma_wait3A_126 = arith.constant 0 : i32
      %dma_wait3A_127 = tpu.memref_slice %arg2[%arg0, %dma_wait3A_125, %dma_wait3A_126] : memref<2x10000x64xf32, #tpu.memory_space<hbm>> -> memref<1x10000x64xf32, #tpu.memory_space<hbm>>
      %dma_wait3A_128 = tpu.memref_squeeze %dma_wait3A_127 : memref<1x10000x64xf32, #tpu.memory_space<hbm>> -> memref<10000x64xf32, #tpu.memory_space<hbm>>
      %dma_wait3A_129 = arith.constant 0 : i32
      %dma_wait3A_130 = arith.constant 0 : i32
      %dma_wait3A_131 = tpu.memref_slice %dma_wait3A_128[%dma_wait3A_129, %dma_wait3A_130] : memref<10000x64xf32, #tpu.memory_space<hbm>> -> memref<10000x64xf32, #tpu.memory_space<hbm>>
      tpu.wait_indirect_dma semaphore(%arg13 : memref<!tpu.dma_semaphore, #tpu.memory_space<semaphore_mem>>) src(%dma_wait3A_131 : memref<10000x64xf32, #tpu.memory_space<hbm>>) dst(%dma_wait3A_123 : memref<128x64xf32, #tpu.memory_space<vmem>>)
      %scan3A_132 = arith.constant 0 : i32
      %scan3A_133 = arith.constant 0 : i32
      %scan3A_134 = arith.constant 0 : i32
      %scan3A_135 = arith.constant 128 : i32
      %scan3A_136 = arith.addi %scan3A_134, %scan3A_135 : i32
      %scan3A_137 = arith.constant 8 : i32
      scf.for %scan3A_248 = %scan3A_134 to %scan3A_136 step %scan3A_137  : i32 {
        %mul3A_249 = arith.constant 128 : i32
        %mul3A_250 = arith.muli %add3A_106, %mul3A_249 : i32
        %jit3A = arith.constant 16 : i32
        %div3A = arith.divsi %scan3A_248, %jit3A : i32
        %sign3A = arith.constant 0 : i32
        %sign3A_251 = arith.cmpi sgt, %scan3A_248, %sign3A : i32
        %sign3A_252 = arith.extui %sign3A_251 : i1 to i32
        %sign3A_253 = arith.constant 0 : i32
        %sign3A_254 = arith.cmpi slt, %scan3A_248, %sign3A_253 : i32
        %sign3A_255 = arith.extui %sign3A_254 : i1 to i32
        %sign3A_256 = arith.subi %sign3A_252, %sign3A_255 : i32
        %sign3A_257 = arith.constant 0 : i32
        %sign3A_258 = arith.cmpi sgt, %jit3A, %sign3A_257 : i32
        %sign3A_259 = arith.extui %sign3A_258 : i1 to i32
        %sign3A_260 = arith.constant 0 : i32
        %sign3A_261 = arith.cmpi slt, %jit3A, %sign3A_260 : i32
        %sign3A_262 = arith.extui %sign3A_261 : i1 to i32
        %sign3A_263 = arith.subi %sign3A_259, %sign3A_262 : i32
        %ne3A = arith.cmpi ne, %sign3A_256, %sign3A_263 : i32
        %rem3A = arith.remsi %scan3A_248, %jit3A : i32
        %ne3A_264 = arith.constant 0 : i32
        %ne3A_265 = arith.cmpi ne, %rem3A, %ne3A_264 : i32
        %and3A = arith.andi %ne3A, %ne3A_265 : i1
        %sub3A = arith.constant 1 : i32
        %sub3A_266 = arith.subi %div3A, %sub3A : i32
        %select_n3A = arith.select %and3A, %sub3A_266, %div3A : i32
        %mul3A_267 = arith.constant 16 : i32
        %mul3A_268 = arith.muli %select_n3A, %mul3A_267 : i32
        %add3A_269 = arith.addi %mul3A_250, %mul3A_268 : i32
        %get3A = arith.index_cast %add3A_269 : i32 to index
        %get3A_270 = tpu.vector_load %arg10[%get3A] {strides = array<i32>} : memref<20096xf32, #tpu.memory_space<vmem>>, vector<16xf32>,
        %get3A_271 = vector.shape_cast %get3A_270 : vector<16xf32> to vector<16xf32>
        %jit3A_272 = arith.constant 16 : i32
        %eq3A_273 = arith.constant 0 : i32
        %eq3A_274 = arith.cmpi eq, %jit3A_272, %eq3A_273 : i32
        %jit3A_275 = arith.constant 1 : i32
        %select_n3A_276 = arith.select %eq3A_274, %jit3A_275, %jit3A_272 : i32
        %rem3A_277 = arith.remsi %scan3A_248, %select_n3A_276 : i32
        %ne3A_278 = arith.constant 0 : i32
        %ne3A_279 = arith.cmpi ne, %rem3A_277, %ne3A_278 : i32
        %lt3A_280 = arith.constant 0 : i32
        %lt3A_281 = arith.cmpi slt, %rem3A_277, %lt3A_280 : i32
        %lt3A_282 = arith.constant 0 : i32
        %lt3A_283 = arith.cmpi slt, %select_n3A_276, %lt3A_282 : i32
        %ne3A_284 = arith.xori %lt3A_281, %lt3A_283 : i1
        %and3A_285 = arith.andi %ne3A_284, %ne3A_279 : i1
        %add3A_286 = arith.addi %rem3A_277, %select_n3A_276 : i32
        %select_n3A_287 = arith.select %and3A_285, %add3A_286, %rem3A_277 : i32
        %broadcast_in_dim3A = vector.broadcast %select_n3A_287 : i32 to vector<16xi32>
        %lt3A_288 = arith.constant 0 : i32
        %lt3A_289 = vector.broadcast %lt3A_288 : i32 to vector<16xi32>
        %lt3A_290 = arith.cmpi slt, %broadcast_in_dim3A, %lt3A_289 : vector<16xi32>
        %add3A_291 = arith.constant 16 : i32
        %add3A_292 = vector.broadcast %add3A_291 : i32 to vector<16xi32>
        %add3A_293 = arith.addi %broadcast_in_dim3A, %add3A_292 : vector<16xi32>
        %select_n3A_294 = arith.select %lt3A_290, %add3A_293, %broadcast_in_dim3A : vector<16xi1>, vector<16xi32>
        %broadcast_in_dim3A_295 = vector.shape_cast %select_n3A_294 : vector<16xi32> to vector<16x1xi32>
        %gather3A = vector.shape_cast %broadcast_in_dim3A_295 : vector<16x1xi32> to vector<16xi32>
        %gather3A_296 = tpu.dynamic_gather %get3A_271[%gather3A] in [0] : vector<16xf32>, vector<16xi32> -> vector<16xf32>
        %get3A_297 = arith.constant 0 : i32
        %get3A_298 = arith.constant 0 : i32
        %get3A_299 = tpu.memref_slice %arg11[%scan3A_133, %get3A_297, %get3A_298] : memref<3x128x64xf32, #tpu.memory_space<vmem>> -> memref<1x128x64xf32, #tpu.memory_space<vmem>>
        %get3A_300 = tpu.memref_squeeze %get3A_299 : memref<1x128x64xf32, #tpu.memory_space<vmem>> -> memref<128x64xf32, #tpu.memory_space<vmem>>
        %get3A_301 = arith.index_cast %scan3A_248 : i32 to index
        %get3A_302 = arith.constant 0 : index
        %get3A_303 = tpu.vector_load %get3A_300[%get3A_301, %get3A_302] {strides = array<i32>} : memref<128x64xf32, #tpu.memory_space<vmem>>, vector<1x16xf32>,
        %get3A_304 = vector.shape_cast %get3A_303 : vector<1x16xf32> to vector<16xf32>
        %mul3A_305 = arith.mulf %get3A_304, %gather3A_296 : vector<16xf32>
        %swap3A = arith.constant 0 : i32
        %swap3A_306 = arith.constant 0 : i32
        %swap3A_307 = tpu.memref_slice %arg11[%scan3A_133, %swap3A, %swap3A_306] : memref<3x128x64xf32, #tpu.memory_space<vmem>> -> memref<1x128x64xf32, #tpu.memory_space<vmem>>
        %swap3A_308 = tpu.memref_squeeze %swap3A_307 : memref<1x128x64xf32, #tpu.memory_space<vmem>> -> memref<128x64xf32, #tpu.memory_space<vmem>>
        %swap3A_309 = arith.index_cast %scan3A_248 : i32 to index
        %swap3A_310 = arith.constant 0 : index
        %swap3A_311 = tpu.vector_load %swap3A_308[%swap3A_309, %swap3A_310] {strides = array<i32>} : memref<128x64xf32, #tpu.memory_space<vmem>>, vector<1x16xf32>,
        %swap3A_312 = vector.shape_cast %swap3A_311 : vector<1x16xf32> to vector<16xf32>
        %swap3A_313 = vector.shape_cast %mul3A_305 : vector<16xf32> to vector<1x16xf32>
        tpu.vector_store %swap3A_308[%swap3A_309, %swap3A_310], %swap3A_313 {strides = array<i32>} : memref<128x64xf32, #tpu.memory_space<vmem>>, vector<1x16xf32>,
        %get3A_314 = arith.constant 0 : i32
        %get3A_315 = arith.constant 0 : i32
        %get3A_316 = tpu.memref_slice %arg11[%scan3A_133, %get3A_314, %get3A_315] : memref<3x128x64xf32, #tpu.memory_space<vmem>> -> memref<1x128x64xf32, #tpu.memory_space<vmem>>
        %get3A_317 = tpu.memref_squeeze %get3A_316 : memref<1x128x64xf32, #tpu.memory_space<vmem>> -> memref<128x64xf32, #tpu.memory_space<vmem>>
        %get3A_318 = arith.index_cast %scan3A_248 : i32 to index
        %get3A_319 = arith.constant 16 : index
        %get3A_320 = tpu.vector_load %get3A_317[%get3A_318, %get3A_319] {strides = array<i32>} : memref<128x64xf32, #tpu.memory_space<vmem>>, vector<1x16xf32>,
        %get3A_321 = vector.shape_cast %get3A_320 : vector<1x16xf32> to vector<16xf32>
        %mul3A_322 = arith.mulf %get3A_321, %gather3A_296 : vector<16xf32>
        %swap3A_323 = arith.constant 0 : i32
        %swap3A_324 = arith.constant 0 : i32
        %swap3A_325 = tpu.memref_slice %arg11[%scan3A_133, %swap3A_323, %swap3A_324] : memref<3x128x64xf32, #tpu.memory_space<vmem>> -> memref<1x128x64xf32, #tpu.memory_space<vmem>>
        %swap3A_326 = tpu.memref_squeeze %swap3A_325 : memref<1x128x64xf32, #tpu.memory_space<vmem>> -> memref<128x64xf32, #tpu.memory_space<vmem>>
        %swap3A_327 = arith.index_cast %scan3A_248 : i32 to index
        %swap3A_328 = arith.constant 16 : index
        %swap3A_329 = tpu.vector_load %swap3A_326[%swap3A_327, %swap3A_328] {strides = array<i32>} : memref<128x64xf32, #tpu.memory_space<vmem>>, vector<1x16xf32>,
        %swap3A_330 = vector.shape_cast %swap3A_329 : vector<1x16xf32> to vector<16xf32>
        %swap3A_331 = vector.shape_cast %mul3A_322 : vector<16xf32> to vector<1x16xf32>
        tpu.vector_store %swap3A_326[%swap3A_327, %swap3A_328], %swap3A_331 {strides = array<i32>} : memref<128x64xf32, #tpu.memory_space<vmem>>, vector<1x16xf32>,
        %get3A_332 = arith.constant 0 : i32
        %get3A_333 = arith.constant 0 : i32
        %get3A_334 = tpu.memref_slice %arg11[%scan3A_133, %get3A_332, %get3A_333] : memref<3x128x64xf32, #tpu.memory_space<vmem>> -> memref<1x128x64xf32, #tpu.memory_space<vmem>>
        %get3A_335 = tpu.memref_squeeze %get3A_334 : memref<1x128x64xf32, #tpu.memory_space<vmem>> -> memref<128x64xf32, #tpu.memory_space<vmem>>
        %get3A_336 = arith.index_cast %scan3A_248 : i32 to index
        %get3A_337 = arith.constant 32 : index
        %get3A_338 = tpu.vector_load %get3A_335[%get3A_336, %get3A_337] {strides = array<i32>} : memref<128x64xf32, #tpu.memory_space<vmem>>, vector<1x16xf32>,
        %get3A_339 = vector.shape_cast %get3A_338 : vector<1x16xf32> to vector<16xf32>
        %mul3A_340 = arith.mulf %get3A_339, %gather3A_296 : vector<16xf32>
        %swap3A_341 = arith.constant 0 : i32
        %swap3A_342 = arith.constant 0 : i32
        %swap3A_343 = tpu.memref_slice %arg11[%scan3A_133, %swap3A_341, %swap3A_342] : memref<3x128x64xf32, #tpu.memory_space<vmem>> -> memref<1x128x64xf32, #tpu.memory_space<vmem>>
        %swap3A_344 = tpu.memref_squeeze %swap3A_343 : memref<1x128x64xf32, #tpu.memory_space<vmem>> -> memref<128x64xf32, #tpu.memory_space<vmem>>
        %swap3A_345 = arith.index_cast %scan3A_248 : i32 to index
        %swap3A_346 = arith.constant 32 : index
        %swap3A_347 = tpu.vector_load %swap3A_344[%swap3A_345, %swap3A_346] {strides = array<i32>} : memref<128x64xf32, #tpu.memory_space<vmem>>, vector<1x16xf32>,
        %swap3A_348 = vector.shape_cast %swap3A_347 : vector<1x16xf32> to vector<16xf32>
        %swap3A_349 = vector.shape_cast %mul3A_340 : vector<16xf32> to vector<1x16xf32>
        tpu.vector_store %swap3A_344[%swap3A_345, %swap3A_346], %swap3A_349 {strides = array<i32>} : memref<128x64xf32, #tpu.memory_space<vmem>>, vector<1x16xf32>,
        %get3A_350 = arith.constant 0 : i32
        %get3A_351 = arith.constant 0 : i32
        %get3A_352 = tpu.memref_slice %arg11[%scan3A_133, %get3A_350, %get3A_351] : memref<3x128x64xf32, #tpu.memory_space<vmem>> -> memref<1x128x64xf32, #tpu.memory_space<vmem>>
        %get3A_353 = tpu.memref_squeeze %get3A_352 : memref<1x128x64xf32, #tpu.memory_space<vmem>> -> memref<128x64xf32, #tpu.memory_space<vmem>>
        %get3A_354 = arith.index_cast %scan3A_248 : i32 to index
        %get3A_355 = arith.constant 48 : index
        %get3A_356 = tpu.vector_load %get3A_353[%get3A_354, %get3A_355] {strides = array<i32>} : memref<128x64xf32, #tpu.memory_space<vmem>>, vector<1x16xf32>,
        %get3A_357 = vector.shape_cast %get3A_356 : vector<1x16xf32> to vector<16xf32>
        %mul3A_358 = arith.mulf %get3A_357, %gather3A_296 : vector<16xf32>
        %swap3A_359 = arith.constant 0 : i32
        %swap3A_360 = arith.constant 0 : i32
        %swap3A_361 = tpu.memref_slice %arg11[%scan3A_133, %swap3A_359, %swap3A_360] : memref<3x128x64xf32, #tpu.memory_space<vmem>> -> memref<1x128x64xf32, #tpu.memory_space<vmem>>
        %swap3A_362 = tpu.memref_squeeze %swap3A_361 : memref<1x128x64xf32, #tpu.memory_space<vmem>> -> memref<128x64xf32, #tpu.memory_space<vmem>>
        %swap3A_363 = arith.index_cast %scan3A_248 : i32 to index
        %swap3A_364 = arith.constant 48 : index
        %swap3A_365 = tpu.vector_load %swap3A_362[%swap3A_363, %swap3A_364] {strides = array<i32>} : memref<128x64xf32, #tpu.memory_space<vmem>>, vector<1x16xf32>,
        %swap3A_366 = vector.shape_cast %swap3A_365 : vector<1x16xf32> to vector<16xf32>
        %swap3A_367 = vector.shape_cast %mul3A_358 : vector<16xf32> to vector<1x16xf32>
        tpu.vector_store %swap3A_362[%swap3A_363, %swap3A_364], %swap3A_367 {strides = array<i32>} : memref<128x64xf32, #tpu.memory_space<vmem>>, vector<1x16xf32>,
        %scan3A_368 = arith.constant 1 : i32
        %scan3A_369 = arith.addi %scan3A_248, %scan3A_368 : i32
        %mul3A_370 = arith.constant 128 : i32
        %mul3A_371 = arith.muli %add3A_106, %mul3A_370 : i32
        %jit3A_372 = arith.constant 16 : i32
        %div3A_373 = arith.divsi %scan3A_369, %jit3A_372 : i32
        %sign3A_374 = arith.constant 0 : i32
        %sign3A_375 = arith.cmpi sgt, %scan3A_369, %sign3A_374 : i32
        %sign3A_376 = arith.extui %sign3A_375 : i1 to i32
        %sign3A_377 = arith.constant 0 : i32
        %sign3A_378 = arith.cmpi slt, %scan3A_369, %sign3A_377 : i32
        %sign3A_379 = arith.extui %sign3A_378 : i1 to i32
        %sign3A_380 = arith.subi %sign3A_376, %sign3A_379 : i32
        %sign3A_381 = arith.constant 0 : i32
        %sign3A_382 = arith.cmpi sgt, %jit3A_372, %sign3A_381 : i32
        %sign3A_383 = arith.extui %sign3A_382 : i1 to i32
        %sign3A_384 = arith.constant 0 : i32
        %sign3A_385 = arith.cmpi slt, %jit3A_372, %sign3A_384 : i32
        %sign3A_386 = arith.extui %sign3A_385 : i1 to i32
        %sign3A_387 = arith.subi %sign3A_383, %sign3A_386 : i32
        %ne3A_388 = arith.cmpi ne, %sign3A_380, %sign3A_387 : i32
        %rem3A_389 = arith.remsi %scan3A_369, %jit3A_372 : i32
        %ne3A_390 = arith.constant 0 : i32
        %ne3A_391 = arith.cmpi ne, %rem3A_389, %ne3A_390 : i32
        %and3A_392 = arith.andi %ne3A_388, %ne3A_391 : i1
        %sub3A_393 = arith.constant 1 : i32
        %sub3A_394 = arith.subi %div3A_373, %sub3A_393 : i32
        %select_n3A_395 = arith.select %and3A_392, %sub3A_394, %div3A_373 : i32
        %mul3A_396 = arith.constant 16 : i32
        %mul3A_397 = arith.muli %select_n3A_395, %mul3A_396 : i32
        %add3A_398 = arith.addi %mul3A_371, %mul3A_397 : i32
        %get3A_399 = arith.index_cast %add3A_398 : i32 to index
        %get3A_400 = tpu.vector_load %arg10[%get3A_399] {strides = array<i32>} : memref<20096xf32, #tpu.memory_space<vmem>>, vector<16xf32>,
        %get3A_401 = vector.shape_cast %get3A_400 : vector<16xf32> to vector<16xf32>
        %jit3A_402 = arith.constant 16 : i32
        %eq3A_403 = arith.constant 0 : i32
        %eq3A_404 = arith.cmpi eq, %jit3A_402, %eq3A_403 : i32
        %jit3A_405 = arith.constant 1 : i32
        %select_n3A_406 = arith.select %eq3A_404, %jit3A_405, %jit3A_402 : i32
        %rem3A_407 = arith.remsi %scan3A_369, %select_n3A_406 : i32
        %ne3A_408 = arith.constant 0 : i32
        %ne3A_409 = arith.cmpi ne, %rem3A_407, %ne3A_408 : i32
        %lt3A_410 = arith.constant 0 : i32
        %lt3A_411 = arith.cmpi slt, %rem3A_407, %lt3A_410 : i32
        %lt3A_412 = arith.constant 0 : i32
        %lt3A_413 = arith.cmpi slt, %select_n3A_406, %lt3A_412 : i32
        %ne3A_414 = arith.xori %lt3A_411, %lt3A_413 : i1
        %and3A_415 = arith.andi %ne3A_414, %ne3A_409 : i1
        %add3A_416 = arith.addi %rem3A_407, %select_n3A_406 : i32
        %select_n3A_417 = arith.select %and3A_415, %add3A_416, %rem3A_407 : i32
        %broadcast_in_dim3A_418 = vector.broadcast %select_n3A_417 : i32 to vector<16xi32>
        %lt3A_419 = arith.constant 0 : i32
        %lt3A_420 = vector.broadcast %lt3A_419 : i32 to vector<16xi32>
        %lt3A_421 = arith.cmpi slt, %broadcast_in_dim3A_418, %lt3A_420 : vector<16xi32>
        %add3A_422 = arith.constant 16 : i32
        %add3A_423 = vector.broadcast %add3A_422 : i32 to vector<16xi32>
        %add3A_424 = arith.addi %broadcast_in_dim3A_418, %add3A_423 : vector<16xi32>
        %select_n3A_425 = arith.select %lt3A_421, %add3A_424, %broadcast_in_dim3A_418 : vector<16xi1>, vector<16xi32>
        %broadcast_in_dim3A_426 = vector.shape_cast %select_n3A_425 : vector<16xi32> to vector<16x1xi32>
        %gather3A_427 = vector.shape_cast %broadcast_in_dim3A_426 : vector<16x1xi32> to vector<16xi32>
        %gather3A_428 = tpu.dynamic_gather %get3A_401[%gather3A_427] in [0] : vector<16xf32>, vector<16xi32> -> vector<16xf32>
        %get3A_429 = arith.constant 0 : i32
        %get3A_430 = arith.constant 0 : i32
        %get3A_431 = tpu.memref_slice %arg11[%scan3A_133, %get3A_429, %get3A_430] : memref<3x128x64xf32, #tpu.memory_space<vmem>> -> memref<1x128x64xf32, #tpu.memory_space<vmem>>
        %get3A_432 = tpu.memref_squeeze %get3A_431 : memref<1x128x64xf32, #tpu.memory_space<vmem>> -> memref<128x64xf32, #tpu.memory_space<vmem>>
        %get3A_433 = arith.index_cast %scan3A_369 : i32 to index
        %get3A_434 = arith.constant 0 : index
        %get3A_435 = tpu.vector_load %get3A_432[%get3A_433, %get3A_434] {strides = array<i32>} : memref<128x64xf32, #tpu.memory_space<vmem>>, vector<1x16xf32>,
        %get3A_436 = vector.shape_cast %get3A_435 : vector<1x16xf32> to vector<16xf32>
        %mul3A_437 = arith.mulf %get3A_436, %gather3A_428 : vector<16xf32>
        %swap3A_438 = arith.constant 0 : i32
        %swap3A_439 = arith.constant 0 : i32
        %swap3A_440 = tpu.memref_slice %arg11[%scan3A_133, %swap3A_438, %swap3A_439] : memref<3x128x64xf32, #tpu.memory_space<vmem>> -> memref<1x128x64xf32, #tpu.memory_space<vmem>>
        %swap3A_441 = tpu.memref_squeeze %swap3A_440 : memref<1x128x64xf32, #tpu.memory_space<vmem>> -> memref<128x64xf32, #tpu.memory_space<vmem>>
        %swap3A_442 = arith.index_cast %scan3A_369 : i32 to index
        %swap3A_443 = arith.constant 0 : index
        %swap3A_444 = tpu.vector_load %swap3A_441[%swap3A_442, %swap3A_443] {strides = array<i32>} : memref<128x64xf32, #tpu.memory_space<vmem>>, vector<1x16xf32>,
        %swap3A_445 = vector.shape_cast %swap3A_444 : vector<1x16xf32> to vector<16xf32>
        %swap3A_446 = vector.shape_cast %mul3A_437 : vector<16xf32> to vector<1x16xf32>
        tpu.vector_store %swap3A_441[%swap3A_442, %swap3A_443], %swap3A_446 {strides = array<i32>} : memref<128x64xf32, #tpu.memory_space<vmem>>, vector<1x16xf32>,
        %get3A_447 = arith.constant 0 : i32
        %get3A_448 = arith.constant 0 : i32
        %get3A_449 = tpu.memref_slice %arg11[%scan3A_133, %get3A_447, %get3A_448] : memref<3x128x64xf32, #tpu.memory_space<vmem>> -> memref<1x128x64xf32, #tpu.memory_space<vmem>>
        %get3A_450 = tpu.memref_squeeze %get3A_449 : memref<1x128x64xf32, #tpu.memory_space<vmem>> -> memref<128x64xf32, #tpu.memory_space<vmem>>
        %get3A_451 = arith.index_cast %scan3A_369 : i32 to index
        %get3A_452 = arith.constant 16 : index
        %get3A_453 = tpu.vector_load %get3A_450[%get3A_451, %get3A_452] {strides = array<i32>} : memref<128x64xf32, #tpu.memory_space<vmem>>, vector<1x16xf32>,
        %get3A_454 = vector.shape_cast %get3A_453 : vector<1x16xf32> to vector<16xf32>
        %mul3A_455 = arith.mulf %get3A_454, %gather3A_428 : vector<16xf32>
        %swap3A_456 = arith.constant 0 : i32
        %swap3A_457 = arith.constant 0 : i32
        %swap3A_458 = tpu.memref_slice %arg11[%scan3A_133, %swap3A_456, %swap3A_457] : memref<3x128x64xf32, #tpu.memory_space<vmem>> -> memref<1x128x64xf32, #tpu.memory_space<vmem>>
        %swap3A_459 = tpu.memref_squeeze %swap3A_458 : memref<1x128x64xf32, #tpu.memory_space<vmem>> -> memref<128x64xf32, #tpu.memory_space<vmem>>
        %swap3A_460 = arith.index_cast %scan3A_369 : i32 to index
        %swap3A_461 = arith.constant 16 : index
        %swap3A_462 = tpu.vector_load %swap3A_459[%swap3A_460, %swap3A_461] {strides = array<i32>} : memref<128x64xf32, #tpu.memory_space<vmem>>, vector<1x16xf32>,
        %swap3A_463 = vector.shape_cast %swap3A_462 : vector<1x16xf32> to vector<16xf32>
        %swap3A_464 = vector.shape_cast %mul3A_455 : vector<16xf32> to vector<1x16xf32>
        tpu.vector_store %swap3A_459[%swap3A_460, %swap3A_461], %swap3A_464 {strides = array<i32>} : memref<128x64xf32, #tpu.memory_space<vmem>>, vector<1x16xf32>,
        %get3A_465 = arith.constant 0 : i32
        %get3A_466 = arith.constant 0 : i32
        %get3A_467 = tpu.memref_slice %arg11[%scan3A_133, %get3A_465, %get3A_466] : memref<3x128x64xf32, #tpu.memory_space<vmem>> -> memref<1x128x64xf32, #tpu.memory_space<vmem>>
        %get3A_468 = tpu.memref_squeeze %get3A_467 : memref<1x128x64xf32, #tpu.memory_space<vmem>> -> memref<128x64xf32, #tpu.memory_space<vmem>>
        %get3A_469 = arith.index_cast %scan3A_369 : i32 to index
        %get3A_470 = arith.constant 32 : index
        %get3A_471 = tpu.vector_load %get3A_468[%get3A_469, %get3A_470] {strides = array<i32>} : memref<128x64xf32, #tpu.memory_space<vmem>>, vector<1x16xf32>,
        %get3A_472 = vector.shape_cast %get3A_471 : vector<1x16xf32> to vector<16xf32>
        %mul3A_473 = arith.mulf %get3A_472, %gather3A_428 : vector<16xf32>
        %swap3A_474 = arith.constant 0 : i32
        %swap3A_475 = arith.constant 0 : i32
        %swap3A_476 = tpu.memref_slice %arg11[%scan3A_133, %swap3A_474, %swap3A_475] : memref<3x128x64xf32, #tpu.memory_space<vmem>> -> memref<1x128x64xf32, #tpu.memory_space<vmem>>
        %swap3A_477 = tpu.memref_squeeze %swap3A_476 : memref<1x128x64xf32, #tpu.memory_space<vmem>> -> memref<128x64xf32, #tpu.memory_space<vmem>>
        %swap3A_478 = arith.index_cast %scan3A_369 : i32 to index
        %swap3A_479 = arith.constant 32 : index
        %swap3A_480 = tpu.vector_load %swap3A_477[%swap3A_478, %swap3A_479] {strides = array<i32>} : memref<128x64xf32, #tpu.memory_space<vmem>>, vector<1x16xf32>,
        %swap3A_481 = vector.shape_cast %swap3A_480 : vector<1x16xf32> to vector<16xf32>
        %swap3A_482 = vector.shape_cast %mul3A_473 : vector<16xf32> to vector<1x16xf32>
        tpu.vector_store %swap3A_477[%swap3A_478, %swap3A_479], %swap3A_482 {strides = array<i32>} : memref<128x64xf32, #tpu.memory_space<vmem>>, vector<1x16xf32>,
        %get3A_483 = arith.constant 0 : i32
        %get3A_484 = arith.constant 0 : i32
        %get3A_485 = tpu.memref_slice %arg11[%scan3A_133, %get3A_483, %get3A_484] : memref<3x128x64xf32, #tpu.memory_space<vmem>> -> memref<1x128x64xf32, #tpu.memory_space<vmem>>
        %get3A_486 = tpu.memref_squeeze %get3A_485 : memref<1x128x64xf32, #tpu.memory_space<vmem>> -> memref<128x64xf32, #tpu.memory_space<vmem>>
        %get3A_487 = arith.index_cast %scan3A_369 : i32 to index
        %get3A_488 = arith.constant 48 : index
        %get3A_489 = tpu.vector_load %get3A_486[%get3A_487, %get3A_488] {strides = array<i32>} : memref<128x64xf32, #tpu.memory_space<vmem>>, vector<1x16xf32>,
        %get3A_490 = vector.shape_cast %get3A_489 : vector<1x16xf32> to vector<16xf32>
        %mul3A_491 = arith.mulf %get3A_490, %gather3A_428 : vector<16xf32>
        %swap3A_492 = arith.constant 0 : i32
        %swap3A_493 = arith.constant 0 : i32
        %swap3A_494 = tpu.memref_slice %arg11[%scan3A_133, %swap3A_492, %swap3A_493] : memref<3x128x64xf32, #tpu.memory_space<vmem>> -> memref<1x128x64xf32, #tpu.memory_space<vmem>>
        %swap3A_495 = tpu.memref_squeeze %swap3A_494 : memref<1x128x64xf32, #tpu.memory_space<vmem>> -> memref<128x64xf32, #tpu.memory_space<vmem>>
        %swap3A_496 = arith.index_cast %scan3A_369 : i32 to index
        %swap3A_497 = arith.constant 48 : index
        %swap3A_498 = tpu.vector_load %swap3A_495[%swap3A_496, %swap3A_497] {strides = array<i32>} : memref<128x64xf32, #tpu.memory_space<vmem>>, vector<1x16xf32>,
        %swap3A_499 = vector.shape_cast %swap3A_498 : vector<1x16xf32> to vector<16xf32>
        %swap3A_500 = vector.shape_cast %mul3A_491 : vector<16xf32> to vector<1x16xf32>
        tpu.vector_store %swap3A_495[%swap3A_496, %swap3A_497], %swap3A_500 {strides = array<i32>} : memref<128x64xf32, #tpu.memory_space<vmem>>, vector<1x16xf32>,
        %scan3A_501 = arith.constant 2 : i32
        %scan3A_502 = arith.addi %scan3A_248, %scan3A_501 : i32
        %mul3A_503 = arith.constant 128 : i32
        %mul3A_504 = arith.muli %add3A_106, %mul3A_503 : i32
        %jit3A_505 = arith.constant 16 : i32
        %div3A_506 = arith.divsi %scan3A_502, %jit3A_505 : i32
        %sign3A_507 = arith.constant 0 : i32
        %sign3A_508 = arith.cmpi sgt, %scan3A_502, %sign3A_507 : i32
        %sign3A_509 = arith.extui %sign3A_508 : i1 to i32
        %sign3A_510 = arith.constant 0 : i32
        %sign3A_511 = arith.cmpi slt, %scan3A_502, %sign3A_510 : i32
        %sign3A_512 = arith.extui %sign3A_511 : i1 to i32
        %sign3A_513 = arith.subi %sign3A_509, %sign3A_512 : i32
        %sign3A_514 = arith.constant 0 : i32
        %sign3A_515 = arith.cmpi sgt, %jit3A_505, %sign3A_514 : i32
        %sign3A_516 = arith.extui %sign3A_515 : i1 to i32
        %sign3A_517 = arith.constant 0 : i32
        %sign3A_518 = arith.cmpi slt, %jit3A_505, %sign3A_517 : i32
        %sign3A_519 = arith.extui %sign3A_518 : i1 to i32
        %sign3A_520 = arith.subi %sign3A_516, %sign3A_519 : i32
        %ne3A_521 = arith.cmpi ne, %sign3A_513, %sign3A_520 : i32
        %rem3A_522 = arith.remsi %scan3A_502, %jit3A_505 : i32
        %ne3A_523 = arith.constant 0 : i32
        %ne3A_524 = arith.cmpi ne, %rem3A_522, %ne3A_523 : i32
        %and3A_525 = arith.andi %ne3A_521, %ne3A_524 : i1
        %sub3A_526 = arith.constant 1 : i32
        %sub3A_527 = arith.subi %div3A_506, %sub3A_526 : i32
        %select_n3A_528 = arith.select %and3A_525, %sub3A_527, %div3A_506 : i32
        %mul3A_529 = arith.constant 16 : i32
        %mul3A_530 = arith.muli %select_n3A_528, %mul3A_529 : i32
        %add3A_531 = arith.addi %mul3A_504, %mul3A_530 : i32
        %get3A_532 = arith.index_cast %add3A_531 : i32 to index
        %get3A_533 = tpu.vector_load %arg10[%get3A_532] {strides = array<i32>} : memref<20096xf32, #tpu.memory_space<vmem>>, vector<16xf32>,
        %get3A_534 = vector.shape_cast %get3A_533 : vector<16xf32> to vector<16xf32>
        %jit3A_535 = arith.constant 16 : i32
        %eq3A_536 = arith.constant 0 : i32
        %eq3A_537 = arith.cmpi eq, %jit3A_535, %eq3A_536 : i32
        %jit3A_538 = arith.constant 1 : i32
        %select_n3A_539 = arith.select %eq3A_537, %jit3A_538, %jit3A_535 : i32
        %rem3A_540 = arith.remsi %scan3A_502, %select_n3A_539 : i32
        %ne3A_541 = arith.constant 0 : i32
        %ne3A_542 = arith.cmpi ne, %rem3A_540, %ne3A_541 : i32
        %lt3A_543 = arith.constant 0 : i32
        %lt3A_544 = arith.cmpi slt, %rem3A_540, %lt3A_543 : i32
        %lt3A_545 = arith.constant 0 : i32
        %lt3A_546 = arith.cmpi slt, %select_n3A_539, %lt3A_545 : i32
        %ne3A_547 = arith.xori %lt3A_544, %lt3A_546 : i1
        %and3A_548 = arith.andi %ne3A_547, %ne3A_542 : i1
        %add3A_549 = arith.addi %rem3A_540, %select_n3A_539 : i32
        %select_n3A_550 = arith.select %and3A_548, %add3A_549, %rem3A_540 : i32
        %broadcast_in_dim3A_551 = vector.broadcast %select_n3A_550 : i32 to vector<16xi32>
        %lt3A_552 = arith.constant 0 : i32
        %lt3A_553 = vector.broadcast %lt3A_552 : i32 to vector<16xi32>
        %lt3A_554 = arith.cmpi slt, %broadcast_in_dim3A_551, %lt3A_553 : vector<16xi32>
        %add3A_555 = arith.constant 16 : i32
        %add3A_556 = vector.broadcast %add3A_555 : i32 to vector<16xi32>
        %add3A_557 = arith.addi %broadcast_in_dim3A_551, %add3A_556 : vector<16xi32>
        %select_n3A_558 = arith.select %lt3A_554, %add3A_557, %broadcast_in_dim3A_551 : vector<16xi1>, vector<16xi32>
        %broadcast_in_dim3A_559 = vector.shape_cast %select_n3A_558 : vector<16xi32> to vector<16x1xi32>
        %gather3A_560 = vector.shape_cast %broadcast_in_dim3A_559 : vector<16x1xi32> to vector<16xi32>
        %gather3A_561 = tpu.dynamic_gather %get3A_534[%gather3A_560] in [0] : vector<16xf32>, vector<16xi32> -> vector<16xf32>
        %get3A_562 = arith.constant 0 : i32
        %get3A_563 = arith.constant 0 : i32
        %get3A_564 = tpu.memref_slice %arg11[%scan3A_133, %get3A_562, %get3A_563] : memref<3x128x64xf32, #tpu.memory_space<vmem>> -> memref<1x128x64xf32, #tpu.memory_space<vmem>>
        %get3A_565 = tpu.memref_squeeze %get3A_564 : memref<1x128x64xf32, #tpu.memory_space<vmem>> -> memref<128x64xf32, #tpu.memory_space<vmem>>
        %get3A_566 = arith.index_cast %scan3A_502 : i32 to index
        %get3A_567 = arith.constant 0 : index
        %get3A_568 = tpu.vector_load %get3A_565[%get3A_566, %get3A_567] {strides = array<i32>} : memref<128x64xf32, #tpu.memory_space<vmem>>, vector<1x16xf32>,
        %get3A_569 = vector.shape_cast %get3A_568 : vector<1x16xf32> to vector<16xf32>
        %mul3A_570 = arith.mulf %get3A_569, %gather3A_561 : vector<16xf32>
        %swap3A_571 = arith.constant 0 : i32
        %swap3A_572 = arith.constant 0 : i32
        %swap3A_573 = tpu.memref_slice %arg11[%scan3A_133, %swap3A_571, %swap3A_572] : memref<3x128x64xf32, #tpu.memory_space<vmem>> -> memref<1x128x64xf32, #tpu.memory_space<vmem>>
        %swap3A_574 = tpu.memref_squeeze %swap3A_573 : memref<1x128x64xf32, #tpu.memory_space<vmem>> -> memref<128x64xf32, #tpu.memory_space<vmem>>
        %swap3A_575 = arith.index_cast %scan3A_502 : i32 to index
        %swap3A_576 = arith.constant 0 : index
        %swap3A_577 = tpu.vector_load %swap3A_574[%swap3A_575, %swap3A_576] {strides = array<i32>} : memref<128x64xf32, #tpu.memory_space<vmem>>, vector<1x16xf32>,
        %swap3A_578 = vector.shape_cast %swap3A_577 : vector<1x16xf32> to vector<16xf32>
        %swap3A_579 = vector.shape_cast %mul3A_570 : vector<16xf32> to vector<1x16xf32>
        tpu.vector_store %swap3A_574[%swap3A_575, %swap3A_576], %swap3A_579 {strides = array<i32>} : memref<128x64xf32, #tpu.memory_space<vmem>>, vector<1x16xf32>,
        %get3A_580 = arith.constant 0 : i32
        %get3A_581 = arith.constant 0 : i32
        %get3A_582 = tpu.memref_slice %arg11[%scan3A_133, %get3A_580, %get3A_581] : memref<3x128x64xf32, #tpu.memory_space<vmem>> -> memref<1x128x64xf32, #tpu.memory_space<vmem>>
        %get3A_583 = tpu.memref_squeeze %get3A_582 : memref<1x128x64xf32, #tpu.memory_space<vmem>> -> memref<128x64xf32, #tpu.memory_space<vmem>>
        %get3A_584 = arith.index_cast %scan3A_502 : i32 to index
        %get3A_585 = arith.constant 16 : index
        %get3A_586 = tpu.vector_load %get3A_583[%get3A_584, %get3A_585] {strides = array<i32>} : memref<128x64xf32, #tpu.memory_space<vmem>>, vector<1x16xf32>,
        %get3A_587 = vector.shape_cast %get3A_586 : vector<1x16xf32> to vector<16xf32>
        %mul3A_588 = arith.mulf %get3A_587, %gather3A_561 : vector<16xf32>
        %swap3A_589 = arith.constant 0 : i32
        %swap3A_590 = arith.constant 0 : i32
        %swap3A_591 = tpu.memref_slice %arg11[%scan3A_133, %swap3A_589, %swap3A_590] : memref<3x128x64xf32, #tpu.memory_space<vmem>> -> memref<1x128x64xf32, #tpu.memory_space<vmem>>
        %swap3A_592 = tpu.memref_squeeze %swap3A_591 : memref<1x128x64xf32, #tpu.memory_space<vmem>> -> memref<128x64xf32, #tpu.memory_space<vmem>>
        %swap3A_593 = arith.index_cast %scan3A_502 : i32 to index
        %swap3A_594 = arith.constant 16 : index
        %swap3A_595 = tpu.vector_load %swap3A_592[%swap3A_593, %swap3A_594] {strides = array<i32>} : memref<128x64xf32, #tpu.memory_space<vmem>>, vector<1x16xf32>,
        %swap3A_596 = vector.shape_cast %swap3A_595 : vector<1x16xf32> to vector<16xf32>
        %swap3A_597 = vector.shape_cast %mul3A_588 : vector<16xf32> to vector<1x16xf32>
        tpu.vector_store %swap3A_592[%swap3A_593, %swap3A_594], %swap3A_597 {strides = array<i32>} : memref<128x64xf32, #tpu.memory_space<vmem>>, vector<1x16xf32>,
        %get3A_598 = arith.constant 0 : i32
        %get3A_599 = arith.constant 0 : i32
        %get3A_600 = tpu.memref_slice %arg11[%scan3A_133, %get3A_598, %get3A_599] : memref<3x128x64xf32, #tpu.memory_space<vmem>> -> memref<1x128x64xf32, #tpu.memory_space<vmem>>
        %get3A_601 = tpu.memref_squeeze %get3A_600 : memref<1x128x64xf32, #tpu.memory_space<vmem>> -> memref<128x64xf32, #tpu.memory_space<vmem>>
        %get3A_602 = arith.index_cast %scan3A_502 : i32 to index
        %get3A_603 = arith.constant 32 : index
        %get3A_604 = tpu.vector_load %get3A_601[%get3A_602, %get3A_603] {strides = array<i32>} : memref<128x64xf32, #tpu.memory_space<vmem>>, vector<1x16xf32>,
        %get3A_605 = vector.shape_cast %get3A_604 : vector<1x16xf32> to vector<16xf32>
        %mul3A_606 = arith.mulf %get3A_605, %gather3A_561 : vector<16xf32>
        %swap3A_607 = arith.constant 0 : i32
        %swap3A_608 = arith.constant 0 : i32
        %swap3A_609 = tpu.memref_slice %arg11[%scan3A_133, %swap3A_607, %swap3A_608] : memref<3x128x64xf32, #tpu.memory_space<vmem>> -> memref<1x128x64xf32, #tpu.memory_space<vmem>>
        %swap3A_610 = tpu.memref_squeeze %swap3A_609 : memref<1x128x64xf32, #tpu.memory_space<vmem>> -> memref<128x64xf32, #tpu.memory_space<vmem>>
        %swap3A_611 = arith.index_cast %scan3A_502 : i32 to index
        %swap3A_612 = arith.constant 32 : index
        %swap3A_613 = tpu.vector_load %swap3A_610[%swap3A_611, %swap3A_612] {strides = array<i32>} : memref<128x64xf32, #tpu.memory_space<vmem>>, vector<1x16xf32>,
        %swap3A_614 = vector.shape_cast %swap3A_613 : vector<1x16xf32> to vector<16xf32>
        %swap3A_615 = vector.shape_cast %mul3A_606 : vector<16xf32> to vector<1x16xf32>
        tpu.vector_store %swap3A_610[%swap3A_611, %swap3A_612], %swap3A_615 {strides = array<i32>} : memref<128x64xf32, #tpu.memory_space<vmem>>, vector<1x16xf32>,
        %get3A_616 = arith.constant 0 : i32
        %get3A_617 = arith.constant 0 : i32
        %get3A_618 = tpu.memref_slice %arg11[%scan3A_133, %get3A_616, %get3A_617] : memref<3x128x64xf32, #tpu.memory_space<vmem>> -> memref<1x128x64xf32, #tpu.memory_space<vmem>>
        %get3A_619 = tpu.memref_squeeze %get3A_618 : memref<1x128x64xf32, #tpu.memory_space<vmem>> -> memref<128x64xf32, #tpu.memory_space<vmem>>
        %get3A_620 = arith.index_cast %scan3A_502 : i32 to index
        %get3A_621 = arith.constant 48 : index
        %get3A_622 = tpu.vector_load %get3A_619[%get3A_620, %get3A_621] {strides = array<i32>} : memref<128x64xf32, #tpu.memory_space<vmem>>, vector<1x16xf32>,
        %get3A_623 = vector.shape_cast %get3A_622 : vector<1x16xf32> to vector<16xf32>
        %mul3A_624 = arith.mulf %get3A_623, %gather3A_561 : vector<16xf32>
        %swap3A_625 = arith.constant 0 : i32
        %swap3A_626 = arith.constant 0 : i32
        %swap3A_627 = tpu.memref_slice %arg11[%scan3A_133, %swap3A_625, %swap3A_626] : memref<3x128x64xf32, #tpu.memory_space<vmem>> -> memref<1x128x64xf32, #tpu.memory_space<vmem>>
        %swap3A_628 = tpu.memref_squeeze %swap3A_627 : memref<1x128x64xf32, #tpu.memory_space<vmem>> -> memref<128x64xf32, #tpu.memory_space<vmem>>
        %swap3A_629 = arith.index_cast %scan3A_502 : i32 to index
        %swap3A_630 = arith.constant 48 : index
        %swap3A_631 = tpu.vector_load %swap3A_628[%swap3A_629, %swap3A_630] {strides = array<i32>} : memref<128x64xf32, #tpu.memory_space<vmem>>, vector<1x16xf32>,
        %swap3A_632 = vector.shape_cast %swap3A_631 : vector<1x16xf32> to vector<16xf32>
        %swap3A_633 = vector.shape_cast %mul3A_624 : vector<16xf32> to vector<1x16xf32>
        tpu.vector_store %swap3A_628[%swap3A_629, %swap3A_630], %swap3A_633 {strides = array<i32>} : memref<128x64xf32, #tpu.memory_space<vmem>>, vector<1x16xf32>,
        %scan3A_634 = arith.constant 3 : i32
        %scan3A_635 = arith.addi %scan3A_248, %scan3A_634 : i32
        %mul3A_636 = arith.constant 128 : i32
        %mul3A_637 = arith.muli %add3A_106, %mul3A_636 : i32
        %jit3A_638 = arith.constant 16 : i32
        %div3A_639 = arith.divsi %scan3A_635, %jit3A_638 : i32
        %sign3A_640 = arith.constant 0 : i32
        %sign3A_641 = arith.cmpi sgt, %scan3A_635, %sign3A_640 : i32
        %sign3A_642 = arith.extui %sign3A_641 : i1 to i32
        %sign3A_643 = arith.constant 0 : i32
        %sign3A_644 = arith.cmpi slt, %scan3A_635, %sign3A_643 : i32
        %sign3A_645 = arith.extui %sign3A_644 : i1 to i32
        %sign3A_646 = arith.subi %sign3A_642, %sign3A_645 : i32
        %sign3A_647 = arith.constant 0 : i32
        %sign3A_648 = arith.cmpi sgt, %jit3A_638, %sign3A_647 : i32
        %sign3A_649 = arith.extui %sign3A_648 : i1 to i32
        %sign3A_650 = arith.constant 0 : i32
        %sign3A_651 = arith.cmpi slt, %jit3A_638, %sign3A_650 : i32
        %sign3A_652 = arith.extui %sign3A_651 : i1 to i32
        %sign3A_653 = arith.subi %sign3A_649, %sign3A_652 : i32
        %ne3A_654 = arith.cmpi ne, %sign3A_646, %sign3A_653 : i32
        %rem3A_655 = arith.remsi %scan3A_635, %jit3A_638 : i32
        %ne3A_656 = arith.constant 0 : i32
        %ne3A_657 = arith.cmpi ne, %rem3A_655, %ne3A_656 : i32
        %and3A_658 = arith.andi %ne3A_654, %ne3A_657 : i1
        %sub3A_659 = arith.constant 1 : i32
        %sub3A_660 = arith.subi %div3A_639, %sub3A_659 : i32
        %select_n3A_661 = arith.select %and3A_658, %sub3A_660, %div3A_639 : i32
        %mul3A_662 = arith.constant 16 : i32
        %mul3A_663 = arith.muli %select_n3A_661, %mul3A_662 : i32
        %add3A_664 = arith.addi %mul3A_637, %mul3A_663 : i32
        %get3A_665 = arith.index_cast %add3A_664 : i32 to index
        %get3A_666 = tpu.vector_load %arg10[%get3A_665] {strides = array<i32>} : memref<20096xf32, #tpu.memory_space<vmem>>, vector<16xf32>,
        %get3A_667 = vector.shape_cast %get3A_666 : vector<16xf32> to vector<16xf32>
        %jit3A_668 = arith.constant 16 : i32
        %eq3A_669 = arith.constant 0 : i32
        %eq3A_670 = arith.cmpi eq, %jit3A_668, %eq3A_669 : i32
        %jit3A_671 = arith.constant 1 : i32
        %select_n3A_672 = arith.select %eq3A_670, %jit3A_671, %jit3A_668 : i32
        %rem3A_673 = arith.remsi %scan3A_635, %select_n3A_672 : i32
        %ne3A_674 = arith.constant 0 : i32
        %ne3A_675 = arith.cmpi ne, %rem3A_673, %ne3A_674 : i32
        %lt3A_676 = arith.constant 0 : i32
        %lt3A_677 = arith.cmpi slt, %rem3A_673, %lt3A_676 : i32
        %lt3A_678 = arith.constant 0 : i32
        %lt3A_679 = arith.cmpi slt, %select_n3A_672, %lt3A_678 : i32
        %ne3A_680 = arith.xori %lt3A_677, %lt3A_679 : i1
        %and3A_681 = arith.andi %ne3A_680, %ne3A_675 : i1
        %add3A_682 = arith.addi %rem3A_673, %select_n3A_672 : i32
        %select_n3A_683 = arith.select %and3A_681, %add3A_682, %rem3A_673 : i32
        %broadcast_in_dim3A_684 = vector.broadcast %select_n3A_683 : i32 to vector<16xi32>
        %lt3A_685 = arith.constant 0 : i32
        %lt3A_686 = vector.broadcast %lt3A_685 : i32 to vector<16xi32>
        %lt3A_687 = arith.cmpi slt, %broadcast_in_dim3A_684, %lt3A_686 : vector<16xi32>
        %add3A_688 = arith.constant 16 : i32
        %add3A_689 = vector.broadcast %add3A_688 : i32 to vector<16xi32>
        %add3A_690 = arith.addi %broadcast_in_dim3A_684, %add3A_689 : vector<16xi32>
        %select_n3A_691 = arith.select %lt3A_687, %add3A_690, %broadcast_in_dim3A_684 : vector<16xi1>, vector<16xi32>
        %broadcast_in_dim3A_692 = vector.shape_cast %select_n3A_691 : vector<16xi32> to vector<16x1xi32>
        %gather3A_693 = vector.shape_cast %broadcast_in_dim3A_692 : vector<16x1xi32> to vector<16xi32>
        %gather3A_694 = tpu.dynamic_gather %get3A_667[%gather3A_693] in [0] : vector<16xf32>, vector<16xi32> -> vector<16xf32>
        %get3A_695 = arith.constant 0 : i32
        %get3A_696 = arith.constant 0 : i32
        %get3A_697 = tpu.memref_slice %arg11[%scan3A_133, %get3A_695, %get3A_696] : memref<3x128x64xf32, #tpu.memory_space<vmem>> -> memref<1x128x64xf32, #tpu.memory_space<vmem>>
        %get3A_698 = tpu.memref_squeeze %get3A_697 : memref<1x128x64xf32, #tpu.memory_space<vmem>> -> memref<128x64xf32, #tpu.memory_space<vmem>>
        %get3A_699 = arith.index_cast %scan3A_635 : i32 to index
        %get3A_700 = arith.constant 0 : index
        %get3A_701 = tpu.vector_load %get3A_698[%get3A_699, %get3A_700] {strides = array<i32>} : memref<128x64xf32, #tpu.memory_space<vmem>>, vector<1x16xf32>,
        %get3A_702 = vector.shape_cast %get3A_701 : vector<1x16xf32> to vector<16xf32>
        %mul3A_703 = arith.mulf %get3A_702, %gather3A_694 : vector<16xf32>
        %swap3A_704 = arith.constant 0 : i32
        %swap3A_705 = arith.constant 0 : i32
        %swap3A_706 = tpu.memref_slice %arg11[%scan3A_133, %swap3A_704, %swap3A_705] : memref<3x128x64xf32, #tpu.memory_space<vmem>> -> memref<1x128x64xf32, #tpu.memory_space<vmem>>
        %swap3A_707 = tpu.memref_squeeze %swap3A_706 : memref<1x128x64xf32, #tpu.memory_space<vmem>> -> memref<128x64xf32, #tpu.memory_space<vmem>>
        %swap3A_708 = arith.index_cast %scan3A_635 : i32 to index
        %swap3A_709 = arith.constant 0 : index
        %swap3A_710 = tpu.vector_load %swap3A_707[%swap3A_708, %swap3A_709] {strides = array<i32>} : memref<128x64xf32, #tpu.memory_space<vmem>>, vector<1x16xf32>,
        %swap3A_711 = vector.shape_cast %swap3A_710 : vector<1x16xf32> to vector<16xf32>
        %swap3A_712 = vector.shape_cast %mul3A_703 : vector<16xf32> to vector<1x16xf32>
        tpu.vector_store %swap3A_707[%swap3A_708, %swap3A_709], %swap3A_712 {strides = array<i32>} : memref<128x64xf32, #tpu.memory_space<vmem>>, vector<1x16xf32>,
        %get3A_713 = arith.constant 0 : i32
        %get3A_714 = arith.constant 0 : i32
        %get3A_715 = tpu.memref_slice %arg11[%scan3A_133, %get3A_713, %get3A_714] : memref<3x128x64xf32, #tpu.memory_space<vmem>> -> memref<1x128x64xf32, #tpu.memory_space<vmem>>
        %get3A_716 = tpu.memref_squeeze %get3A_715 : memref<1x128x64xf32, #tpu.memory_space<vmem>> -> memref<128x64xf32, #tpu.memory_space<vmem>>
        %get3A_717 = arith.index_cast %scan3A_635 : i32 to index
        %get3A_718 = arith.constant 16 : index
        %get3A_719 = tpu.vector_load %get3A_716[%get3A_717, %get3A_718] {strides = array<i32>} : memref<128x64xf32, #tpu.memory_space<vmem>>, vector<1x16xf32>,
        %get3A_720 = vector.shape_cast %get3A_719 : vector<1x16xf32> to vector<16xf32>
        %mul3A_721 = arith.mulf %get3A_720, %gather3A_694 : vector<16xf32>
        %swap3A_722 = arith.constant 0 : i32
        %swap3A_723 = arith.constant 0 : i32
        %swap3A_724 = tpu.memref_slice %arg11[%scan3A_133, %swap3A_722, %swap3A_723] : memref<3x128x64xf32, #tpu.memory_space<vmem>> -> memref<1x128x64xf32, #tpu.memory_space<vmem>>
        %swap3A_725 = tpu.memref_squeeze %swap3A_724 : memref<1x128x64xf32, #tpu.memory_space<vmem>> -> memref<128x64xf32, #tpu.memory_space<vmem>>
        %swap3A_726 = arith.index_cast %scan3A_635 : i32 to index
        %swap3A_727 = arith.constant 16 : index
        %swap3A_728 = tpu.vector_load %swap3A_725[%swap3A_726, %swap3A_727] {strides = array<i32>} : memref<128x64xf32, #tpu.memory_space<vmem>>, vector<1x16xf32>,
        %swap3A_729 = vector.shape_cast %swap3A_728 : vector<1x16xf32> to vector<16xf32>
        %swap3A_730 = vector.shape_cast %mul3A_721 : vector<16xf32> to vector<1x16xf32>
        tpu.vector_store %swap3A_725[%swap3A_726, %swap3A_727], %swap3A_730 {strides = array<i32>} : memref<128x64xf32, #tpu.memory_space<vmem>>, vector<1x16xf32>,
        %get3A_731 = arith.constant 0 : i32
        %get3A_732 = arith.constant 0 : i32
        %get3A_733 = tpu.memref_slice %arg11[%scan3A_133, %get3A_731, %get3A_732] : memref<3x128x64xf32, #tpu.memory_space<vmem>> -> memref<1x128x64xf32, #tpu.memory_space<vmem>>
        %get3A_734 = tpu.memref_squeeze %get3A_733 : memref<1x128x64xf32, #tpu.memory_space<vmem>> -> memref<128x64xf32, #tpu.memory_space<vmem>>
        %get3A_735 = arith.index_cast %scan3A_635 : i32 to index
        %get3A_736 = arith.constant 32 : index
        %get3A_737 = tpu.vector_load %get3A_734[%get3A_735, %get3A_736] {strides = array<i32>} : memref<128x64xf32, #tpu.memory_space<vmem>>, vector<1x16xf32>,
        %get3A_738 = vector.shape_cast %get3A_737 : vector<1x16xf32> to vector<16xf32>
        %mul3A_739 = arith.mulf %get3A_738, %gather3A_694 : vector<16xf32>
        %swap3A_740 = arith.constant 0 : i32
        %swap3A_741 = arith.constant 0 : i32
        %swap3A_742 = tpu.memref_slice %arg11[%scan3A_133, %swap3A_740, %swap3A_741] : memref<3x128x64xf32, #tpu.memory_space<vmem>> -> memref<1x128x64xf32, #tpu.memory_space<vmem>>
        %swap3A_743 = tpu.memref_squeeze %swap3A_742 : memref<1x128x64xf32, #tpu.memory_space<vmem>> -> memref<128x64xf32, #tpu.memory_space<vmem>>
        %swap3A_744 = arith.index_cast %scan3A_635 : i32 to index
        %swap3A_745 = arith.constant 32 : index
        %swap3A_746 = tpu.vector_load %swap3A_743[%swap3A_744, %swap3A_745] {strides = array<i32>} : memref<128x64xf32, #tpu.memory_space<vmem>>, vector<1x16xf32>,
        %swap3A_747 = vector.shape_cast %swap3A_746 : vector<1x16xf32> to vector<16xf32>
        %swap3A_748 = vector.shape_cast %mul3A_739 : vector<16xf32> to vector<1x16xf32>
        tpu.vector_store %swap3A_743[%swap3A_744, %swap3A_745], %swap3A_748 {strides = array<i32>} : memref<128x64xf32, #tpu.memory_space<vmem>>, vector<1x16xf32>,
        %get3A_749 = arith.constant 0 : i32
        %get3A_750 = arith.constant 0 : i32
        %get3A_751 = tpu.memref_slice %arg11[%scan3A_133, %get3A_749, %get3A_750] : memref<3x128x64xf32, #tpu.memory_space<vmem>> -> memref<1x128x64xf32, #tpu.memory_space<vmem>>
        %get3A_752 = tpu.memref_squeeze %get3A_751 : memref<1x128x64xf32, #tpu.memory_space<vmem>> -> memref<128x64xf32, #tpu.memory_space<vmem>>
        %get3A_753 = arith.index_cast %scan3A_635 : i32 to index
        %get3A_754 = arith.constant 48 : index
        %get3A_755 = tpu.vector_load %get3A_752[%get3A_753, %get3A_754] {strides = array<i32>} : memref<128x64xf32, #tpu.memory_space<vmem>>, vector<1x16xf32>,
        %get3A_756 = vector.shape_cast %get3A_755 : vector<1x16xf32> to vector<16xf32>
        %mul3A_757 = arith.mulf %get3A_756, %gather3A_694 : vector<16xf32>
        %swap3A_758 = arith.constant 0 : i32
        %swap3A_759 = arith.constant 0 : i32
        %swap3A_760 = tpu.memref_slice %arg11[%scan3A_133, %swap3A_758, %swap3A_759] : memref<3x128x64xf32, #tpu.memory_space<vmem>> -> memref<1x128x64xf32, #tpu.memory_space<vmem>>
        %swap3A_761 = tpu.memref_squeeze %swap3A_760 : memref<1x128x64xf32, #tpu.memory_space<vmem>> -> memref<128x64xf32, #tpu.memory_space<vmem>>
        %swap3A_762 = arith.index_cast %scan3A_635 : i32 to index
        %swap3A_763 = arith.constant 48 : index
        %swap3A_764 = tpu.vector_load %swap3A_761[%swap3A_762, %swap3A_763] {strides = array<i32>} : memref<128x64xf32, #tpu.memory_space<vmem>>, vector<1x16xf32>,
        %swap3A_765 = vector.shape_cast %swap3A_764 : vector<1x16xf32> to vector<16xf32>
        %swap3A_766 = vector.shape_cast %mul3A_757 : vector<16xf32> to vector<1x16xf32>
        tpu.vector_store %swap3A_761[%swap3A_762, %swap3A_763], %swap3A_766 {strides = array<i32>} : memref<128x64xf32, #tpu.memory_space<vmem>>, vector<1x16xf32>,
        %scan3A_767 = arith.constant 4 : i32
        %scan3A_768 = arith.addi %scan3A_248, %scan3A_767 : i32
        %mul3A_769 = arith.constant 128 : i32
        %mul3A_770 = arith.muli %add3A_106, %mul3A_769 : i32
        %jit3A_771 = arith.constant 16 : i32
        %div3A_772 = arith.divsi %scan3A_768, %jit3A_771 : i32
        %sign3A_773 = arith.constant 0 : i32
        %sign3A_774 = arith.cmpi sgt, %scan3A_768, %sign3A_773 : i32
        %sign3A_775 = arith.extui %sign3A_774 : i1 to i32
        %sign3A_776 = arith.constant 0 : i32
        %sign3A_777 = arith.cmpi slt, %scan3A_768, %sign3A_776 : i32
        %sign3A_778 = arith.extui %sign3A_777 : i1 to i32
        %sign3A_779 = arith.subi %sign3A_775, %sign3A_778 : i32
        %sign3A_780 = arith.constant 0 : i32
        %sign3A_781 = arith.cmpi sgt, %jit3A_771, %sign3A_780 : i32
        %sign3A_782 = arith.extui %sign3A_781 : i1 to i32
        %sign3A_783 = arith.constant 0 : i32
        %sign3A_784 = arith.cmpi slt, %jit3A_771, %sign3A_783 : i32
        %sign3A_785 = arith.extui %sign3A_784 : i1 to i32
        %sign3A_786 = arith.subi %sign3A_782, %sign3A_785 : i32
        %ne3A_787 = arith.cmpi ne, %sign3A_779, %sign3A_786 : i32
        %rem3A_788 = arith.remsi %scan3A_768, %jit3A_771 : i32
        %ne3A_789 = arith.constant 0 : i32
        %ne3A_790 = arith.cmpi ne, %rem3A_788, %ne3A_789 : i32
        %and3A_791 = arith.andi %ne3A_787, %ne3A_790 : i1
        %sub3A_792 = arith.constant 1 : i32
        %sub3A_793 = arith.subi %div3A_772, %sub3A_792 : i32
        %select_n3A_794 = arith.select %and3A_791, %sub3A_793, %div3A_772 : i32
        %mul3A_795 = arith.constant 16 : i32
        %mul3A_796 = arith.muli %select_n3A_794, %mul3A_795 : i32
        %add3A_797 = arith.addi %mul3A_770, %mul3A_796 : i32
        %get3A_798 = arith.index_cast %add3A_797 : i32 to index
        %get3A_799 = tpu.vector_load %arg10[%get3A_798] {strides = array<i32>} : memref<20096xf32, #tpu.memory_space<vmem>>, vector<16xf32>,
        %get3A_800 = vector.shape_cast %get3A_799 : vector<16xf32> to vector<16xf32>
        %jit3A_801 = arith.constant 16 : i32
        %eq3A_802 = arith.constant 0 : i32
        %eq3A_803 = arith.cmpi eq, %jit3A_801, %eq3A_802 : i32
        %jit3A_804 = arith.constant 1 : i32
        %select_n3A_805 = arith.select %eq3A_803, %jit3A_804, %jit3A_801 : i32
        %rem3A_806 = arith.remsi %scan3A_768, %select_n3A_805 : i32
        %ne3A_807 = arith.constant 0 : i32
        %ne3A_808 = arith.cmpi ne, %rem3A_806, %ne3A_807 : i32
        %lt3A_809 = arith.constant 0 : i32
        %lt3A_810 = arith.cmpi slt, %rem3A_806, %lt3A_809 : i32
        %lt3A_811 = arith.constant 0 : i32
        %lt3A_812 = arith.cmpi slt, %select_n3A_805, %lt3A_811 : i32
        %ne3A_813 = arith.xori %lt3A_810, %lt3A_812 : i1
        %and3A_814 = arith.andi %ne3A_813, %ne3A_808 : i1
        %add3A_815 = arith.addi %rem3A_806, %select_n3A_805 : i32
        %select_n3A_816 = arith.select %and3A_814, %add3A_815, %rem3A_806 : i32
        %broadcast_in_dim3A_817 = vector.broadcast %select_n3A_816 : i32 to vector<16xi32>
        %lt3A_818 = arith.constant 0 : i32
        %lt3A_819 = vector.broadcast %lt3A_818 : i32 to vector<16xi32>
        %lt3A_820 = arith.cmpi slt, %broadcast_in_dim3A_817, %lt3A_819 : vector<16xi32>
        %add3A_821 = arith.constant 16 : i32
        %add3A_822 = vector.broadcast %add3A_821 : i32 to vector<16xi32>
        %add3A_823 = arith.addi %broadcast_in_dim3A_817, %add3A_822 : vector<16xi32>
        %select_n3A_824 = arith.select %lt3A_820, %add3A_823, %broadcast_in_dim3A_817 : vector<16xi1>, vector<16xi32>
        %broadcast_in_dim3A_825 = vector.shape_cast %select_n3A_824 : vector<16xi32> to vector<16x1xi32>
        %gather3A_826 = vector.shape_cast %broadcast_in_dim3A_825 : vector<16x1xi32> to vector<16xi32>
        %gather3A_827 = tpu.dynamic_gather %get3A_800[%gather3A_826] in [0] : vector<16xf32>, vector<16xi32> -> vector<16xf32>
        %get3A_828 = arith.constant 0 : i32
        %get3A_829 = arith.constant 0 : i32
        %get3A_830 = tpu.memref_slice %arg11[%scan3A_133, %get3A_828, %get3A_829] : memref<3x128x64xf32, #tpu.memory_space<vmem>> -> memref<1x128x64xf32, #tpu.memory_space<vmem>>
        %get3A_831 = tpu.memref_squeeze %get3A_830 : memref<1x128x64xf32, #tpu.memory_space<vmem>> -> memref<128x64xf32, #tpu.memory_space<vmem>>
        %get3A_832 = arith.index_cast %scan3A_768 : i32 to index
        %get3A_833 = arith.constant 0 : index
        %get3A_834 = tpu.vector_load %get3A_831[%get3A_832, %get3A_833] {strides = array<i32>} : memref<128x64xf32, #tpu.memory_space<vmem>>, vector<1x16xf32>,
        %get3A_835 = vector.shape_cast %get3A_834 : vector<1x16xf32> to vector<16xf32>
        %mul3A_836 = arith.mulf %get3A_835, %gather3A_827 : vector<16xf32>
        %swap3A_837 = arith.constant 0 : i32
        %swap3A_838 = arith.constant 0 : i32
        %swap3A_839 = tpu.memref_slice %arg11[%scan3A_133, %swap3A_837, %swap3A_838] : memref<3x128x64xf32, #tpu.memory_space<vmem>> -> memref<1x128x64xf32, #tpu.memory_space<vmem>>
        %swap3A_840 = tpu.memref_squeeze %swap3A_839 : memref<1x128x64xf32, #tpu.memory_space<vmem>> -> memref<128x64xf32, #tpu.memory_space<vmem>>
        %swap3A_841 = arith.index_cast %scan3A_768 : i32 to index
        %swap3A_842 = arith.constant 0 : index
        %swap3A_843 = tpu.vector_load %swap3A_840[%swap3A_841, %swap3A_842] {strides = array<i32>} : memref<128x64xf32, #tpu.memory_space<vmem>>, vector<1x16xf32>,
        %swap3A_844 = vector.shape_cast %swap3A_843 : vector<1x16xf32> to vector<16xf32>
        %swap3A_845 = vector.shape_cast %mul3A_836 : vector<16xf32> to vector<1x16xf32>
        tpu.vector_store %swap3A_840[%swap3A_841, %swap3A_842], %swap3A_845 {strides = array<i32>} : memref<128x64xf32, #tpu.memory_space<vmem>>, vector<1x16xf32>,
        %get3A_846 = arith.constant 0 : i32
        %get3A_847 = arith.constant 0 : i32
        %get3A_848 = tpu.memref_slice %arg11[%scan3A_133, %get3A_846, %get3A_847] : memref<3x128x64xf32, #tpu.memory_space<vmem>> -> memref<1x128x64xf32, #tpu.memory_space<vmem>>
        %get3A_849 = tpu.memref_squeeze %get3A_848 : memref<1x128x64xf32, #tpu.memory_space<vmem>> -> memref<128x64xf32, #tpu.memory_space<vmem>>
        %get3A_850 = arith.index_cast %scan3A_768 : i32 to index
        %get3A_851 = arith.constant 16 : index
        %get3A_852 = tpu.vector_load %get3A_849[%get3A_850, %get3A_851] {strides = array<i32>} : memref<128x64xf32, #tpu.memory_space<vmem>>, vector<1x16xf32>,
        %get3A_853 = vector.shape_cast %get3A_852 : vector<1x16xf32> to vector<16xf32>
        %mul3A_854 = arith.mulf %get3A_853, %gather3A_827 : vector<16xf32>
        %swap3A_855 = arith.constant 0 : i32
        %swap3A_856 = arith.constant 0 : i32
        %swap3A_857 = tpu.memref_slice %arg11[%scan3A_133, %swap3A_855, %swap3A_856] : memref<3x128x64xf32, #tpu.memory_space<vmem>> -> memref<1x128x64xf32, #tpu.memory_space<vmem>>
        %swap3A_858 = tpu.memref_squeeze %swap3A_857 : memref<1x128x64xf32, #tpu.memory_space<vmem>> -> memref<128x64xf32, #tpu.memory_space<vmem>>
        %swap3A_859 = arith.index_cast %scan3A_768 : i32 to index
        %swap3A_860 = arith.constant 16 : index
        %swap3A_861 = tpu.vector_load %swap3A_858[%swap3A_859, %swap3A_860] {strides = array<i32>} : memref<128x64xf32, #tpu.memory_space<vmem>>, vector<1x16xf32>,
        %swap3A_862 = vector.shape_cast %swap3A_861 : vector<1x16xf32> to vector<16xf32>
        %swap3A_863 = vector.shape_cast %mul3A_854 : vector<16xf32> to vector<1x16xf32>
        tpu.vector_store %swap3A_858[%swap3A_859, %swap3A_860], %swap3A_863 {strides = array<i32>} : memref<128x64xf32, #tpu.memory_space<vmem>>, vector<1x16xf32>,
        %get3A_864 = arith.constant 0 : i32
        %get3A_865 = arith.constant 0 : i32
        %get3A_866 = tpu.memref_slice %arg11[%scan3A_133, %get3A_864, %get3A_865] : memref<3x128x64xf32, #tpu.memory_space<vmem>> -> memref<1x128x64xf32, #tpu.memory_space<vmem>>
        %get3A_867 = tpu.memref_squeeze %get3A_866 : memref<1x128x64xf32, #tpu.memory_space<vmem>> -> memref<128x64xf32, #tpu.memory_space<vmem>>
        %get3A_868 = arith.index_cast %scan3A_768 : i32 to index
        %get3A_869 = arith.constant 32 : index
        %get3A_870 = tpu.vector_load %get3A_867[%get3A_868, %get3A_869] {strides = array<i32>} : memref<128x64xf32, #tpu.memory_space<vmem>>, vector<1x16xf32>,
        %get3A_871 = vector.shape_cast %get3A_870 : vector<1x16xf32> to vector<16xf32>
        %mul3A_872 = arith.mulf %get3A_871, %gather3A_827 : vector<16xf32>
        %swap3A_873 = arith.constant 0 : i32
        %swap3A_874 = arith.constant 0 : i32
        %swap3A_875 = tpu.memref_slice %arg11[%scan3A_133, %swap3A_873, %swap3A_874] : memref<3x128x64xf32, #tpu.memory_space<vmem>> -> memref<1x128x64xf32, #tpu.memory_space<vmem>>
        %swap3A_876 = tpu.memref_squeeze %swap3A_875 : memref<1x128x64xf32, #tpu.memory_space<vmem>> -> memref<128x64xf32, #tpu.memory_space<vmem>>
        %swap3A_877 = arith.index_cast %scan3A_768 : i32 to index
        %swap3A_878 = arith.constant 32 : index
        %swap3A_879 = tpu.vector_load %swap3A_876[%swap3A_877, %swap3A_878] {strides = array<i32>} : memref<128x64xf32, #tpu.memory_space<vmem>>, vector<1x16xf32>,
        %swap3A_880 = vector.shape_cast %swap3A_879 : vector<1x16xf32> to vector<16xf32>
        %swap3A_881 = vector.shape_cast %mul3A_872 : vector<16xf32> to vector<1x16xf32>
        tpu.vector_store %swap3A_876[%swap3A_877, %swap3A_878], %swap3A_881 {strides = array<i32>} : memref<128x64xf32, #tpu.memory_space<vmem>>, vector<1x16xf32>,
        %get3A_882 = arith.constant 0 : i32
        %get3A_883 = arith.constant 0 : i32
        %get3A_884 = tpu.memref_slice %arg11[%scan3A_133, %get3A_882, %get3A_883] : memref<3x128x64xf32, #tpu.memory_space<vmem>> -> memref<1x128x64xf32, #tpu.memory_space<vmem>>
        %get3A_885 = tpu.memref_squeeze %get3A_884 : memref<1x128x64xf32, #tpu.memory_space<vmem>> -> memref<128x64xf32, #tpu.memory_space<vmem>>
        %get3A_886 = arith.index_cast %scan3A_768 : i32 to index
        %get3A_887 = arith.constant 48 : index
        %get3A_888 = tpu.vector_load %get3A_885[%get3A_886, %get3A_887] {strides = array<i32>} : memref<128x64xf32, #tpu.memory_space<vmem>>, vector<1x16xf32>,
        %get3A_889 = vector.shape_cast %get3A_888 : vector<1x16xf32> to vector<16xf32>
        %mul3A_890 = arith.mulf %get3A_889, %gather3A_827 : vector<16xf32>
        %swap3A_891 = arith.constant 0 : i32
        %swap3A_892 = arith.constant 0 : i32
        %swap3A_893 = tpu.memref_slice %arg11[%scan3A_133, %swap3A_891, %swap3A_892] : memref<3x128x64xf32, #tpu.memory_space<vmem>> -> memref<1x128x64xf32, #tpu.memory_space<vmem>>
        %swap3A_894 = tpu.memref_squeeze %swap3A_893 : memref<1x128x64xf32, #tpu.memory_space<vmem>> -> memref<128x64xf32, #tpu.memory_space<vmem>>
        %swap3A_895 = arith.index_cast %scan3A_768 : i32 to index
        %swap3A_896 = arith.constant 48 : index
        %swap3A_897 = tpu.vector_load %swap3A_894[%swap3A_895, %swap3A_896] {strides = array<i32>} : memref<128x64xf32, #tpu.memory_space<vmem>>, vector<1x16xf32>,
        %swap3A_898 = vector.shape_cast %swap3A_897 : vector<1x16xf32> to vector<16xf32>
        %swap3A_899 = vector.shape_cast %mul3A_890 : vector<16xf32> to vector<1x16xf32>
        tpu.vector_store %swap3A_894[%swap3A_895, %swap3A_896], %swap3A_899 {strides = array<i32>} : memref<128x64xf32, #tpu.memory_space<vmem>>, vector<1x16xf32>,
        %scan3A_900 = arith.constant 5 : i32
        %scan3A_901 = arith.addi %scan3A_248, %scan3A_900 : i32
        %mul3A_902 = arith.constant 128 : i32
        %mul3A_903 = arith.muli %add3A_106, %mul3A_902 : i32
        %jit3A_904 = arith.constant 16 : i32
        %div3A_905 = arith.divsi %scan3A_901, %jit3A_904 : i32
        %sign3A_906 = arith.constant 0 : i32
        %sign3A_907 = arith.cmpi sgt, %scan3A_901, %sign3A_906 : i32
        %sign3A_908 = arith.extui %sign3A_907 : i1 to i32
        %sign3A_909 = arith.constant 0 : i32
        %sign3A_910 = arith.cmpi slt, %scan3A_901, %sign3A_909 : i32
        %sign3A_911 = arith.extui %sign3A_910 : i1 to i32
        %sign3A_912 = arith.subi %sign3A_908, %sign3A_911 : i32
        %sign3A_913 = arith.constant 0 : i32
        %sign3A_914 = arith.cmpi sgt, %jit3A_904, %sign3A_913 : i32
        %sign3A_915 = arith.extui %sign3A_914 : i1 to i32
        %sign3A_916 = arith.constant 0 : i32
        %sign3A_917 = arith.cmpi slt, %jit3A_904, %sign3A_916 : i32
        %sign3A_918 = arith.extui %sign3A_917 : i1 to i32
        %sign3A_919 = arith.subi %sign3A_915, %sign3A_918 : i32
        %ne3A_920 = arith.cmpi ne, %sign3A_912, %sign3A_919 : i32
        %rem3A_921 = arith.remsi %scan3A_901, %jit3A_904 : i32
        %ne3A_922 = arith.constant 0 : i32
        %ne3A_923 = arith.cmpi ne, %rem3A_921, %ne3A_922 : i32
        %and3A_924 = arith.andi %ne3A_920, %ne3A_923 : i1
        %sub3A_925 = arith.constant 1 : i32
        %sub3A_926 = arith.subi %div3A_905, %sub3A_925 : i32
        %select_n3A_927 = arith.select %and3A_924, %sub3A_926, %div3A_905 : i32
        %mul3A_928 = arith.constant 16 : i32
        %mul3A_929 = arith.muli %select_n3A_927, %mul3A_928 : i32
        %add3A_930 = arith.addi %mul3A_903, %mul3A_929 : i32
        %get3A_931 = arith.index_cast %add3A_930 : i32 to index
        %get3A_932 = tpu.vector_load %arg10[%get3A_931] {strides = array<i32>} : memref<20096xf32, #tpu.memory_space<vmem>>, vector<16xf32>,
        %get3A_933 = vector.shape_cast %get3A_932 : vector<16xf32> to vector<16xf32>
        %jit3A_934 = arith.constant 16 : i32
        %eq3A_935 = arith.constant 0 : i32
        %eq3A_936 = arith.cmpi eq, %jit3A_934, %eq3A_935 : i32
        %jit3A_937 = arith.constant 1 : i32
        %select_n3A_938 = arith.select %eq3A_936, %jit3A_937, %jit3A_934 : i32
        %rem3A_939 = arith.remsi %scan3A_901, %select_n3A_938 : i32
        %ne3A_940 = arith.constant 0 : i32
        %ne3A_941 = arith.cmpi ne, %rem3A_939, %ne3A_940 : i32
        %lt3A_942 = arith.constant 0 : i32
        %lt3A_943 = arith.cmpi slt, %rem3A_939, %lt3A_942 : i32
        %lt3A_944 = arith.constant 0 : i32
        %lt3A_945 = arith.cmpi slt, %select_n3A_938, %lt3A_944 : i32
        %ne3A_946 = arith.xori %lt3A_943, %lt3A_945 : i1
        %and3A_947 = arith.andi %ne3A_946, %ne3A_941 : i1
        %add3A_948 = arith.addi %rem3A_939, %select_n3A_938 : i32
        %select_n3A_949 = arith.select %and3A_947, %add3A_948, %rem3A_939 : i32
        %broadcast_in_dim3A_950 = vector.broadcast %select_n3A_949 : i32 to vector<16xi32>
        %lt3A_951 = arith.constant 0 : i32
        %lt3A_952 = vector.broadcast %lt3A_951 : i32 to vector<16xi32>
        %lt3A_953 = arith.cmpi slt, %broadcast_in_dim3A_950, %lt3A_952 : vector<16xi32>
        %add3A_954 = arith.constant 16 : i32
        %add3A_955 = vector.broadcast %add3A_954 : i32 to vector<16xi32>
        %add3A_956 = arith.addi %broadcast_in_dim3A_950, %add3A_955 : vector<16xi32>
        %select_n3A_957 = arith.select %lt3A_953, %add3A_956, %broadcast_in_dim3A_950 : vector<16xi1>, vector<16xi32>
        %broadcast_in_dim3A_958 = vector.shape_cast %select_n3A_957 : vector<16xi32> to vector<16x1xi32>
        %gather3A_959 = vector.shape_cast %broadcast_in_dim3A_958 : vector<16x1xi32> to vector<16xi32>
        %gather3A_960 = tpu.dynamic_gather %get3A_933[%gather3A_959] in [0] : vector<16xf32>, vector<16xi32> -> vector<16xf32>
        %get3A_961 = arith.constant 0 : i32
        %get3A_962 = arith.constant 0 : i32
        %get3A_963 = tpu.memref_slice %arg11[%scan3A_133, %get3A_961, %get3A_962] : memref<3x128x64xf32, #tpu.memory_space<vmem>> -> memref<1x128x64xf32, #tpu.memory_space<vmem>>
        %get3A_964 = tpu.memref_squeeze %get3A_963 : memref<1x128x64xf32, #tpu.memory_space<vmem>> -> memref<128x64xf32, #tpu.memory_space<vmem>>
        %get3A_965 = arith.index_cast %scan3A_901 : i32 to index
        %get3A_966 = arith.constant 0 : index
        %get3A_967 = tpu.vector_load %get3A_964[%get3A_965, %get3A_966] {strides = array<i32>} : memref<128x64xf32, #tpu.memory_space<vmem>>, vector<1x16xf32>,
        %get3A_968 = vector.shape_cast %get3A_967 : vector<1x16xf32> to vector<16xf32>
        %mul3A_969 = arith.mulf %get3A_968, %gather3A_960 : vector<16xf32>
        %swap3A_970 = arith.constant 0 : i32
        %swap3A_971 = arith.constant 0 : i32
        %swap3A_972 = tpu.memref_slice %arg11[%scan3A_133, %swap3A_970, %swap3A_971] : memref<3x128x64xf32, #tpu.memory_space<vmem>> -> memref<1x128x64xf32, #tpu.memory_space<vmem>>
        %swap3A_973 = tpu.memref_squeeze %swap3A_972 : memref<1x128x64xf32, #tpu.memory_space<vmem>> -> memref<128x64xf32, #tpu.memory_space<vmem>>
        %swap3A_974 = arith.index_cast %scan3A_901 : i32 to index
        %swap3A_975 = arith.constant 0 : index
        %swap3A_976 = tpu.vector_load %swap3A_973[%swap3A_974, %swap3A_975] {strides = array<i32>} : memref<128x64xf32, #tpu.memory_space<vmem>>, vector<1x16xf32>,
        %swap3A_977 = vector.shape_cast %swap3A_976 : vector<1x16xf32> to vector<16xf32>
        %swap3A_978 = vector.shape_cast %mul3A_969 : vector<16xf32> to vector<1x16xf32>
        tpu.vector_store %swap3A_973[%swap3A_974, %swap3A_975], %swap3A_978 {strides = array<i32>} : memref<128x64xf32, #tpu.memory_space<vmem>>, vector<1x16xf32>,
        %get3A_979 = arith.constant 0 : i32
        %get3A_980 = arith.constant 0 : i32
        %get3A_981 = tpu.memref_slice %arg11[%scan3A_133, %get3A_979, %get3A_980] : memref<3x128x64xf32, #tpu.memory_space<vmem>> -> memref<1x128x64xf32, #tpu.memory_space<vmem>>
        %get3A_982 = tpu.memref_squeeze %get3A_981 : memref<1x128x64xf32, #tpu.memory_space<vmem>> -> memref<128x64xf32, #tpu.memory_space<vmem>>
        %get3A_983 = arith.index_cast %scan3A_901 : i32 to index
        %get3A_984 = arith.constant 16 : index
        %get3A_985 = tpu.vector_load %get3A_982[%get3A_983, %get3A_984] {strides = array<i32>} : memref<128x64xf32, #tpu.memory_space<vmem>>, vector<1x16xf32>,
        %get3A_986 = vector.shape_cast %get3A_985 : vector<1x16xf32> to vector<16xf32>
        %mul3A_987 = arith.mulf %get3A_986, %gather3A_960 : vector<16xf32>
        %swap3A_988 = arith.constant 0 : i32
        %swap3A_989 = arith.constant 0 : i32
        %swap3A_990 = tpu.memref_slice %arg11[%scan3A_133, %swap3A_988, %swap3A_989] : memref<3x128x64xf32, #tpu.memory_space<vmem>> -> memref<1x128x64xf32, #tpu.memory_space<vmem>>
        %swap3A_991 = tpu.memref_squeeze %swap3A_990 : memref<1x128x64xf32, #tpu.memory_space<vmem>> -> memref<128x64xf32, #tpu.memory_space<vmem>>
        %swap3A_992 = arith.index_cast %scan3A_901 : i32 to index
        %swap3A_993 = arith.constant 16 : index
        %swap3A_994 = tpu.vector_load %swap3A_991[%swap3A_992, %swap3A_993] {strides = array<i32>} : memref<128x64xf32, #tpu.memory_space<vmem>>, vector<1x16xf32>,
        %swap3A_995 = vector.shape_cast %swap3A_994 : vector<1x16xf32> to vector<16xf32>
        %swap3A_996 = vector.shape_cast %mul3A_987 : vector<16xf32> to vector<1x16xf32>
        tpu.vector_store %swap3A_991[%swap3A_992, %swap3A_993], %swap3A_996 {strides = array<i32>} : memref<128x64xf32, #tpu.memory_space<vmem>>, vector<1x16xf32>,
        %get3A_997 = arith.constant 0 : i32
        %get3A_998 = arith.constant 0 : i32
        %get3A_999 = tpu.memref_slice %arg11[%scan3A_133, %get3A_997, %get3A_998] : memref<3x128x64xf32, #tpu.memory_space<vmem>> -> memref<1x128x64xf32, #tpu.memory_space<vmem>>
        %get3A_1000 = tpu.memref_squeeze %get3A_999 : memref<1x128x64xf32, #tpu.memory_space<vmem>> -> memref<128x64xf32, #tpu.memory_space<vmem>>
        %get3A_1001 = arith.index_cast %scan3A_901 : i32 to index
        %get3A_1002 = arith.constant 32 : index
        %get3A_1003 = tpu.vector_load %get3A_1000[%get3A_1001, %get3A_1002] {strides = array<i32>} : memref<128x64xf32, #tpu.memory_space<vmem>>, vector<1x16xf32>,
        %get3A_1004 = vector.shape_cast %get3A_1003 : vector<1x16xf32> to vector<16xf32>
        %mul3A_1005 = arith.mulf %get3A_1004, %gather3A_960 : vector<16xf32>
        %swap3A_1006 = arith.constant 0 : i32
        %swap3A_1007 = arith.constant 0 : i32
        %swap3A_1008 = tpu.memref_slice %arg11[%scan3A_133, %swap3A_1006, %swap3A_1007] : memref<3x128x64xf32, #tpu.memory_space<vmem>> -> memref<1x128x64xf32, #tpu.memory_space<vmem>>
        %swap3A_1009 = tpu.memref_squeeze %swap3A_1008 : memref<1x128x64xf32, #tpu.memory_space<vmem>> -> memref<128x64xf32, #tpu.memory_space<vmem>>
        %swap3A_1010 = arith.index_cast %scan3A_901 : i32 to index
        %swap3A_1011 = arith.constant 32 : index
        %swap3A_1012 = tpu.vector_load %swap3A_1009[%swap3A_1010, %swap3A_1011] {strides = array<i32>} : memref<128x64xf32, #tpu.memory_space<vmem>>, vector<1x16xf32>,
        %swap3A_1013 = vector.shape_cast %swap3A_1012 : vector<1x16xf32> to vector<16xf32>
        %swap3A_1014 = vector.shape_cast %mul3A_1005 : vector<16xf32> to vector<1x16xf32>
        tpu.vector_store %swap3A_1009[%swap3A_1010, %swap3A_1011], %swap3A_1014 {strides = array<i32>} : memref<128x64xf32, #tpu.memory_space<vmem>>, vector<1x16xf32>,
        %get3A_1015 = arith.constant 0 : i32
        %get3A_1016 = arith.constant 0 : i32
        %get3A_1017 = tpu.memref_slice %arg11[%scan3A_133, %get3A_1015, %get3A_1016] : memref<3x128x64xf32, #tpu.memory_space<vmem>> -> memref<1x128x64xf32, #tpu.memory_space<vmem>>
        %get3A_1018 = tpu.memref_squeeze %get3A_1017 : memref<1x128x64xf32, #tpu.memory_space<vmem>> -> memref<128x64xf32, #tpu.memory_space<vmem>>
        %get3A_1019 = arith.index_cast %scan3A_901 : i32 to index
        %get3A_1020 = arith.constant 48 : index
        %get3A_1021 = tpu.vector_load %get3A_1018[%get3A_1019, %get3A_1020] {strides = array<i32>} : memref<128x64xf32, #tpu.memory_space<vmem>>, vector<1x16xf32>,
        %get3A_1022 = vector.shape_cast %get3A_1021 : vector<1x16xf32> to vector<16xf32>
        %mul3A_1023 = arith.mulf %get3A_1022, %gather3A_960 : vector<16xf32>
        %swap3A_1024 = arith.constant 0 : i32
        %swap3A_1025 = arith.constant 0 : i32
        %swap3A_1026 = tpu.memref_slice %arg11[%scan3A_133, %swap3A_1024, %swap3A_1025] : memref<3x128x64xf32, #tpu.memory_space<vmem>> -> memref<1x128x64xf32, #tpu.memory_space<vmem>>
        %swap3A_1027 = tpu.memref_squeeze %swap3A_1026 : memref<1x128x64xf32, #tpu.memory_space<vmem>> -> memref<128x64xf32, #tpu.memory_space<vmem>>
        %swap3A_1028 = arith.index_cast %scan3A_901 : i32 to index
        %swap3A_1029 = arith.constant 48 : index
        %swap3A_1030 = tpu.vector_load %swap3A_1027[%swap3A_1028, %swap3A_1029] {strides = array<i32>} : memref<128x64xf32, #tpu.memory_space<vmem>>, vector<1x16xf32>,
        %swap3A_1031 = vector.shape_cast %swap3A_1030 : vector<1x16xf32> to vector<16xf32>
        %swap3A_1032 = vector.shape_cast %mul3A_1023 : vector<16xf32> to vector<1x16xf32>
        tpu.vector_store %swap3A_1027[%swap3A_1028, %swap3A_1029], %swap3A_1032 {strides = array<i32>} : memref<128x64xf32, #tpu.memory_space<vmem>>, vector<1x16xf32>,
        %scan3A_1033 = arith.constant 6 : i32
        %scan3A_1034 = arith.addi %scan3A_248, %scan3A_1033 : i32
        %mul3A_1035 = arith.constant 128 : i32
        %mul3A_1036 = arith.muli %add3A_106, %mul3A_1035 : i32
        %jit3A_1037 = arith.constant 16 : i32
        %div3A_1038 = arith.divsi %scan3A_1034, %jit3A_1037 : i32
        %sign3A_1039 = arith.constant 0 : i32
        %sign3A_1040 = arith.cmpi sgt, %scan3A_1034, %sign3A_1039 : i32
        %sign3A_1041 = arith.extui %sign3A_1040 : i1 to i32
        %sign3A_1042 = arith.constant 0 : i32
        %sign3A_1043 = arith.cmpi slt, %scan3A_1034, %sign3A_1042 : i32
        %sign3A_1044 = arith.extui %sign3A_1043 : i1 to i32
        %sign3A_1045 = arith.subi %sign3A_1041, %sign3A_1044 : i32
        %sign3A_1046 = arith.constant 0 : i32
        %sign3A_1047 = arith.cmpi sgt, %jit3A_1037, %sign3A_1046 : i32
        %sign3A_1048 = arith.extui %sign3A_1047 : i1 to i32
        %sign3A_1049 = arith.constant 0 : i32
        %sign3A_1050 = arith.cmpi slt, %jit3A_1037, %sign3A_1049 : i32
        %sign3A_1051 = arith.extui %sign3A_1050 : i1 to i32
        %sign3A_1052 = arith.subi %sign3A_1048, %sign3A_1051 : i32
        %ne3A_1053 = arith.cmpi ne, %sign3A_1045, %sign3A_1052 : i32
        %rem3A_1054 = arith.remsi %scan3A_1034, %jit3A_1037 : i32
        %ne3A_1055 = arith.constant 0 : i32
        %ne3A_1056 = arith.cmpi ne, %rem3A_1054, %ne3A_1055 : i32
        %and3A_1057 = arith.andi %ne3A_1053, %ne3A_1056 : i1
        %sub3A_1058 = arith.constant 1 : i32
        %sub3A_1059 = arith.subi %div3A_1038, %sub3A_1058 : i32
        %select_n3A_1060 = arith.select %and3A_1057, %sub3A_1059, %div3A_1038 : i32
        %mul3A_1061 = arith.constant 16 : i32
        %mul3A_1062 = arith.muli %select_n3A_1060, %mul3A_1061 : i32
        %add3A_1063 = arith.addi %mul3A_1036, %mul3A_1062 : i32
        %get3A_1064 = arith.index_cast %add3A_1063 : i32 to index
        %get3A_1065 = tpu.vector_load %arg10[%get3A_1064] {strides = array<i32>} : memref<20096xf32, #tpu.memory_space<vmem>>, vector<16xf32>,
        %get3A_1066 = vector.shape_cast %get3A_1065 : vector<16xf32> to vector<16xf32>
        %jit3A_1067 = arith.constant 16 : i32
        %eq3A_1068 = arith.constant 0 : i32
        %eq3A_1069 = arith.cmpi eq, %jit3A_1067, %eq3A_1068 : i32
        %jit3A_1070 = arith.constant 1 : i32
        %select_n3A_1071 = arith.select %eq3A_1069, %jit3A_1070, %jit3A_1067 : i32
        %rem3A_1072 = arith.remsi %scan3A_1034, %select_n3A_1071 : i32
        %ne3A_1073 = arith.constant 0 : i32
        %ne3A_1074 = arith.cmpi ne, %rem3A_1072, %ne3A_1073 : i32
        %lt3A_1075 = arith.constant 0 : i32
        %lt3A_1076 = arith.cmpi slt, %rem3A_1072, %lt3A_1075 : i32
        %lt3A_1077 = arith.constant 0 : i32
        %lt3A_1078 = arith.cmpi slt, %select_n3A_1071, %lt3A_1077 : i32
        %ne3A_1079 = arith.xori %lt3A_1076, %lt3A_1078 : i1
        %and3A_1080 = arith.andi %ne3A_1079, %ne3A_1074 : i1
        %add3A_1081 = arith.addi %rem3A_1072, %select_n3A_1071 : i32
        %select_n3A_1082 = arith.select %and3A_1080, %add3A_1081, %rem3A_1072 : i32
        %broadcast_in_dim3A_1083 = vector.broadcast %select_n3A_1082 : i32 to vector<16xi32>
        %lt3A_1084 = arith.constant 0 : i32
        %lt3A_1085 = vector.broadcast %lt3A_1084 : i32 to vector<16xi32>
        %lt3A_1086 = arith.cmpi slt, %broadcast_in_dim3A_1083, %lt3A_1085 : vector<16xi32>
        %add3A_1087 = arith.constant 16 : i32
        %add3A_1088 = vector.broadcast %add3A_1087 : i32 to vector<16xi32>
        %add3A_1089 = arith.addi %broadcast_in_dim3A_1083, %add3A_1088 : vector<16xi32>
        %select_n3A_1090 = arith.select %lt3A_1086, %add3A_1089, %broadcast_in_dim3A_1083 : vector<16xi1>, vector<16xi32>
        %broadcast_in_dim3A_1091 = vector.shape_cast %select_n3A_1090 : vector<16xi32> to vector<16x1xi32>
        %gather3A_1092 = vector.shape_cast %broadcast_in_dim3A_1091 : vector<16x1xi32> to vector<16xi32>
        %gather3A_1093 = tpu.dynamic_gather %get3A_1066[%gather3A_1092] in [0] : vector<16xf32>, vector<16xi32> -> vector<16xf32>
        %get3A_1094 = arith.constant 0 : i32
        %get3A_1095 = arith.constant 0 : i32
        %get3A_1096 = tpu.memref_slice %arg11[%scan3A_133, %get3A_1094, %get3A_1095] : memref<3x128x64xf32, #tpu.memory_space<vmem>> -> memref<1x128x64xf32, #tpu.memory_space<vmem>>
        %get3A_1097 = tpu.memref_squeeze %get3A_1096 : memref<1x128x64xf32, #tpu.memory_space<vmem>> -> memref<128x64xf32, #tpu.memory_space<vmem>>
        %get3A_1098 = arith.index_cast %scan3A_1034 : i32 to index
        %get3A_1099 = arith.constant 0 : index
        %get3A_1100 = tpu.vector_load %get3A_1097[%get3A_1098, %get3A_1099] {strides = array<i32>} : memref<128x64xf32, #tpu.memory_space<vmem>>, vector<1x16xf32>,
        %get3A_1101 = vector.shape_cast %get3A_1100 : vector<1x16xf32> to vector<16xf32>
        %mul3A_1102 = arith.mulf %get3A_1101, %gather3A_1093 : vector<16xf32>
        %swap3A_1103 = arith.constant 0 : i32
        %swap3A_1104 = arith.constant 0 : i32
        %swap3A_1105 = tpu.memref_slice %arg11[%scan3A_133, %swap3A_1103, %swap3A_1104] : memref<3x128x64xf32, #tpu.memory_space<vmem>> -> memref<1x128x64xf32, #tpu.memory_space<vmem>>
        %swap3A_1106 = tpu.memref_squeeze %swap3A_1105 : memref<1x128x64xf32, #tpu.memory_space<vmem>> -> memref<128x64xf32, #tpu.memory_space<vmem>>
        %swap3A_1107 = arith.index_cast %scan3A_1034 : i32 to index
        %swap3A_1108 = arith.constant 0 : index
        %swap3A_1109 = tpu.vector_load %swap3A_1106[%swap3A_1107, %swap3A_1108] {strides = array<i32>} : memref<128x64xf32, #tpu.memory_space<vmem>>, vector<1x16xf32>,
        %swap3A_1110 = vector.shape_cast %swap3A_1109 : vector<1x16xf32> to vector<16xf32>
        %swap3A_1111 = vector.shape_cast %mul3A_1102 : vector<16xf32> to vector<1x16xf32>
        tpu.vector_store %swap3A_1106[%swap3A_1107, %swap3A_1108], %swap3A_1111 {strides = array<i32>} : memref<128x64xf32, #tpu.memory_space<vmem>>, vector<1x16xf32>,
        %get3A_1112 = arith.constant 0 : i32
        %get3A_1113 = arith.constant 0 : i32
        %get3A_1114 = tpu.memref_slice %arg11[%scan3A_133, %get3A_1112, %get3A_1113] : memref<3x128x64xf32, #tpu.memory_space<vmem>> -> memref<1x128x64xf32, #tpu.memory_space<vmem>>
        %get3A_1115 = tpu.memref_squeeze %get3A_1114 : memref<1x128x64xf32, #tpu.memory_space<vmem>> -> memref<128x64xf32, #tpu.memory_space<vmem>>
        %get3A_1116 = arith.index_cast %scan3A_1034 : i32 to index
        %get3A_1117 = arith.constant 16 : index
        %get3A_1118 = tpu.vector_load %get3A_1115[%get3A_1116, %get3A_1117] {strides = array<i32>} : memref<128x64xf32, #tpu.memory_space<vmem>>, vector<1x16xf32>,
        %get3A_1119 = vector.shape_cast %get3A_1118 : vector<1x16xf32> to vector<16xf32>
        %mul3A_1120 = arith.mulf %get3A_1119, %gather3A_1093 : vector<16xf32>
        %swap3A_1121 = arith.constant 0 : i32
        %swap3A_1122 = arith.constant 0 : i32
        %swap3A_1123 = tpu.memref_slice %arg11[%scan3A_133, %swap3A_1121, %swap3A_1122] : memref<3x128x64xf32, #tpu.memory_space<vmem>> -> memref<1x128x64xf32, #tpu.memory_space<vmem>>
        %swap3A_1124 = tpu.memref_squeeze %swap3A_1123 : memref<1x128x64xf32, #tpu.memory_space<vmem>> -> memref<128x64xf32, #tpu.memory_space<vmem>>
        %swap3A_1125 = arith.index_cast %scan3A_1034 : i32 to index
        %swap3A_1126 = arith.constant 16 : index
        %swap3A_1127 = tpu.vector_load %swap3A_1124[%swap3A_1125, %swap3A_1126] {strides = array<i32>} : memref<128x64xf32, #tpu.memory_space<vmem>>, vector<1x16xf32>,
        %swap3A_1128 = vector.shape_cast %swap3A_1127 : vector<1x16xf32> to vector<16xf32>
        %swap3A_1129 = vector.shape_cast %mul3A_1120 : vector<16xf32> to vector<1x16xf32>
        tpu.vector_store %swap3A_1124[%swap3A_1125, %swap3A_1126], %swap3A_1129 {strides = array<i32>} : memref<128x64xf32, #tpu.memory_space<vmem>>, vector<1x16xf32>,
        %get3A_1130 = arith.constant 0 : i32
        %get3A_1131 = arith.constant 0 : i32
        %get3A_1132 = tpu.memref_slice %arg11[%scan3A_133, %get3A_1130, %get3A_1131] : memref<3x128x64xf32, #tpu.memory_space<vmem>> -> memref<1x128x64xf32, #tpu.memory_space<vmem>>
        %get3A_1133 = tpu.memref_squeeze %get3A_1132 : memref<1x128x64xf32, #tpu.memory_space<vmem>> -> memref<128x64xf32, #tpu.memory_space<vmem>>
        %get3A_1134 = arith.index_cast %scan3A_1034 : i32 to index
        %get3A_1135 = arith.constant 32 : index
        %get3A_1136 = tpu.vector_load %get3A_1133[%get3A_1134, %get3A_1135] {strides = array<i32>} : memref<128x64xf32, #tpu.memory_space<vmem>>, vector<1x16xf32>,
        %get3A_1137 = vector.shape_cast %get3A_1136 : vector<1x16xf32> to vector<16xf32>
        %mul3A_1138 = arith.mulf %get3A_1137, %gather3A_1093 : vector<16xf32>
        %swap3A_1139 = arith.constant 0 : i32
        %swap3A_1140 = arith.constant 0 : i32
        %swap3A_1141 = tpu.memref_slice %arg11[%scan3A_133, %swap3A_1139, %swap3A_1140] : memref<3x128x64xf32, #tpu.memory_space<vmem>> -> memref<1x128x64xf32, #tpu.memory_space<vmem>>
        %swap3A_1142 = tpu.memref_squeeze %swap3A_1141 : memref<1x128x64xf32, #tpu.memory_space<vmem>> -> memref<128x64xf32, #tpu.memory_space<vmem>>
        %swap3A_1143 = arith.index_cast %scan3A_1034 : i32 to index
        %swap3A_1144 = arith.constant 32 : index
        %swap3A_1145 = tpu.vector_load %swap3A_1142[%swap3A_1143, %swap3A_1144] {strides = array<i32>} : memref<128x64xf32, #tpu.memory_space<vmem>>, vector<1x16xf32>,
        %swap3A_1146 = vector.shape_cast %swap3A_1145 : vector<1x16xf32> to vector<16xf32>
        %swap3A_1147 = vector.shape_cast %mul3A_1138 : vector<16xf32> to vector<1x16xf32>
        tpu.vector_store %swap3A_1142[%swap3A_1143, %swap3A_1144], %swap3A_1147 {strides = array<i32>} : memref<128x64xf32, #tpu.memory_space<vmem>>, vector<1x16xf32>,
        %get3A_1148 = arith.constant 0 : i32
        %get3A_1149 = arith.constant 0 : i32
        %get3A_1150 = tpu.memref_slice %arg11[%scan3A_133, %get3A_1148, %get3A_1149] : memref<3x128x64xf32, #tpu.memory_space<vmem>> -> memref<1x128x64xf32, #tpu.memory_space<vmem>>
        %get3A_1151 = tpu.memref_squeeze %get3A_1150 : memref<1x128x64xf32, #tpu.memory_space<vmem>> -> memref<128x64xf32, #tpu.memory_space<vmem>>
        %get3A_1152 = arith.index_cast %scan3A_1034 : i32 to index
        %get3A_1153 = arith.constant 48 : index
        %get3A_1154 = tpu.vector_load %get3A_1151[%get3A_1152, %get3A_1153] {strides = array<i32>} : memref<128x64xf32, #tpu.memory_space<vmem>>, vector<1x16xf32>,
        %get3A_1155 = vector.shape_cast %get3A_1154 : vector<1x16xf32> to vector<16xf32>
        %mul3A_1156 = arith.mulf %get3A_1155, %gather3A_1093 : vector<16xf32>
        %swap3A_1157 = arith.constant 0 : i32
        %swap3A_1158 = arith.constant 0 : i32
        %swap3A_1159 = tpu.memref_slice %arg11[%scan3A_133, %swap3A_1157, %swap3A_1158] : memref<3x128x64xf32, #tpu.memory_space<vmem>> -> memref<1x128x64xf32, #tpu.memory_space<vmem>>
        %swap3A_1160 = tpu.memref_squeeze %swap3A_1159 : memref<1x128x64xf32, #tpu.memory_space<vmem>> -> memref<128x64xf32, #tpu.memory_space<vmem>>
        %swap3A_1161 = arith.index_cast %scan3A_1034 : i32 to index
        %swap3A_1162 = arith.constant 48 : index
        %swap3A_1163 = tpu.vector_load %swap3A_1160[%swap3A_1161, %swap3A_1162] {strides = array<i32>} : memref<128x64xf32, #tpu.memory_space<vmem>>, vector<1x16xf32>,
        %swap3A_1164 = vector.shape_cast %swap3A_1163 : vector<1x16xf32> to vector<16xf32>
        %swap3A_1165 = vector.shape_cast %mul3A_1156 : vector<16xf32> to vector<1x16xf32>
        tpu.vector_store %swap3A_1160[%swap3A_1161, %swap3A_1162], %swap3A_1165 {strides = array<i32>} : memref<128x64xf32, #tpu.memory_space<vmem>>, vector<1x16xf32>,
        %scan3A_1166 = arith.constant 7 : i32
        %scan3A_1167 = arith.addi %scan3A_248, %scan3A_1166 : i32
        %mul3A_1168 = arith.constant 128 : i32
        %mul3A_1169 = arith.muli %add3A_106, %mul3A_1168 : i32
        %jit3A_1170 = arith.constant 16 : i32
        %div3A_1171 = arith.divsi %scan3A_1167, %jit3A_1170 : i32
        %sign3A_1172 = arith.constant 0 : i32
        %sign3A_1173 = arith.cmpi sgt, %scan3A_1167, %sign3A_1172 : i32
        %sign3A_1174 = arith.extui %sign3A_1173 : i1 to i32
        %sign3A_1175 = arith.constant 0 : i32
        %sign3A_1176 = arith.cmpi slt, %scan3A_1167, %sign3A_1175 : i32
        %sign3A_1177 = arith.extui %sign3A_1176 : i1 to i32
        %sign3A_1178 = arith.subi %sign3A_1174, %sign3A_1177 : i32
        %sign3A_1179 = arith.constant 0 : i32
        %sign3A_1180 = arith.cmpi sgt, %jit3A_1170, %sign3A_1179 : i32
        %sign3A_1181 = arith.extui %sign3A_1180 : i1 to i32
        %sign3A_1182 = arith.constant 0 : i32
        %sign3A_1183 = arith.cmpi slt, %jit3A_1170, %sign3A_1182 : i32
        %sign3A_1184 = arith.extui %sign3A_1183 : i1 to i32
        %sign3A_1185 = arith.subi %sign3A_1181, %sign3A_1184 : i32
        %ne3A_1186 = arith.cmpi ne, %sign3A_1178, %sign3A_1185 : i32
        %rem3A_1187 = arith.remsi %scan3A_1167, %jit3A_1170 : i32
        %ne3A_1188 = arith.constant 0 : i32
        %ne3A_1189 = arith.cmpi ne, %rem3A_1187, %ne3A_1188 : i32
        %and3A_1190 = arith.andi %ne3A_1186, %ne3A_1189 : i1
        %sub3A_1191 = arith.constant 1 : i32
        %sub3A_1192 = arith.subi %div3A_1171, %sub3A_1191 : i32
        %select_n3A_1193 = arith.select %and3A_1190, %sub3A_1192, %div3A_1171 : i32
        %mul3A_1194 = arith.constant 16 : i32
        %mul3A_1195 = arith.muli %select_n3A_1193, %mul3A_1194 : i32
        %add3A_1196 = arith.addi %mul3A_1169, %mul3A_1195 : i32
        %get3A_1197 = arith.index_cast %add3A_1196 : i32 to index
        %get3A_1198 = tpu.vector_load %arg10[%get3A_1197] {strides = array<i32>} : memref<20096xf32, #tpu.memory_space<vmem>>, vector<16xf32>,
        %get3A_1199 = vector.shape_cast %get3A_1198 : vector<16xf32> to vector<16xf32>
        %jit3A_1200 = arith.constant 16 : i32
        %eq3A_1201 = arith.constant 0 : i32
        %eq3A_1202 = arith.cmpi eq, %jit3A_1200, %eq3A_1201 : i32
        %jit3A_1203 = arith.constant 1 : i32
        %select_n3A_1204 = arith.select %eq3A_1202, %jit3A_1203, %jit3A_1200 : i32
        %rem3A_1205 = arith.remsi %scan3A_1167, %select_n3A_1204 : i32
        %ne3A_1206 = arith.constant 0 : i32
        %ne3A_1207 = arith.cmpi ne, %rem3A_1205, %ne3A_1206 : i32
        %lt3A_1208 = arith.constant 0 : i32
        %lt3A_1209 = arith.cmpi slt, %rem3A_1205, %lt3A_1208 : i32
        %lt3A_1210 = arith.constant 0 : i32
        %lt3A_1211 = arith.cmpi slt, %select_n3A_1204, %lt3A_1210 : i32
        %ne3A_1212 = arith.xori %lt3A_1209, %lt3A_1211 : i1
        %and3A_1213 = arith.andi %ne3A_1212, %ne3A_1207 : i1
        %add3A_1214 = arith.addi %rem3A_1205, %select_n3A_1204 : i32
        %select_n3A_1215 = arith.select %and3A_1213, %add3A_1214, %rem3A_1205 : i32
        %broadcast_in_dim3A_1216 = vector.broadcast %select_n3A_1215 : i32 to vector<16xi32>
        %lt3A_1217 = arith.constant 0 : i32
        %lt3A_1218 = vector.broadcast %lt3A_1217 : i32 to vector<16xi32>
        %lt3A_1219 = arith.cmpi slt, %broadcast_in_dim3A_1216, %lt3A_1218 : vector<16xi32>
        %add3A_1220 = arith.constant 16 : i32
        %add3A_1221 = vector.broadcast %add3A_1220 : i32 to vector<16xi32>
        %add3A_1222 = arith.addi %broadcast_in_dim3A_1216, %add3A_1221 : vector<16xi32>
        %select_n3A_1223 = arith.select %lt3A_1219, %add3A_1222, %broadcast_in_dim3A_1216 : vector<16xi1>, vector<16xi32>
        %broadcast_in_dim3A_1224 = vector.shape_cast %select_n3A_1223 : vector<16xi32> to vector<16x1xi32>
        %gather3A_1225 = vector.shape_cast %broadcast_in_dim3A_1224 : vector<16x1xi32> to vector<16xi32>
        %gather3A_1226 = tpu.dynamic_gather %get3A_1199[%gather3A_1225] in [0] : vector<16xf32>, vector<16xi32> -> vector<16xf32>
        %get3A_1227 = arith.constant 0 : i32
        %get3A_1228 = arith.constant 0 : i32
        %get3A_1229 = tpu.memref_slice %arg11[%scan3A_133, %get3A_1227, %get3A_1228] : memref<3x128x64xf32, #tpu.memory_space<vmem>> -> memref<1x128x64xf32, #tpu.memory_space<vmem>>
        %get3A_1230 = tpu.memref_squeeze %get3A_1229 : memref<1x128x64xf32, #tpu.memory_space<vmem>> -> memref<128x64xf32, #tpu.memory_space<vmem>>
        %get3A_1231 = arith.index_cast %scan3A_1167 : i32 to index
        %get3A_1232 = arith.constant 0 : index
        %get3A_1233 = tpu.vector_load %get3A_1230[%get3A_1231, %get3A_1232] {strides = array<i32>} : memref<128x64xf32, #tpu.memory_space<vmem>>, vector<1x16xf32>,
        %get3A_1234 = vector.shape_cast %get3A_1233 : vector<1x16xf32> to vector<16xf32>
        %mul3A_1235 = arith.mulf %get3A_1234, %gather3A_1226 : vector<16xf32>
        %swap3A_1236 = arith.constant 0 : i32
        %swap3A_1237 = arith.constant 0 : i32
        %swap3A_1238 = tpu.memref_slice %arg11[%scan3A_133, %swap3A_1236, %swap3A_1237] : memref<3x128x64xf32, #tpu.memory_space<vmem>> -> memref<1x128x64xf32, #tpu.memory_space<vmem>>
        %swap3A_1239 = tpu.memref_squeeze %swap3A_1238 : memref<1x128x64xf32, #tpu.memory_space<vmem>> -> memref<128x64xf32, #tpu.memory_space<vmem>>
        %swap3A_1240 = arith.index_cast %scan3A_1167 : i32 to index
        %swap3A_1241 = arith.constant 0 : index
        %swap3A_1242 = tpu.vector_load %swap3A_1239[%swap3A_1240, %swap3A_1241] {strides = array<i32>} : memref<128x64xf32, #tpu.memory_space<vmem>>, vector<1x16xf32>,
        %swap3A_1243 = vector.shape_cast %swap3A_1242 : vector<1x16xf32> to vector<16xf32>
        %swap3A_1244 = vector.shape_cast %mul3A_1235 : vector<16xf32> to vector<1x16xf32>
        tpu.vector_store %swap3A_1239[%swap3A_1240, %swap3A_1241], %swap3A_1244 {strides = array<i32>} : memref<128x64xf32, #tpu.memory_space<vmem>>, vector<1x16xf32>,
        %get3A_1245 = arith.constant 0 : i32
        %get3A_1246 = arith.constant 0 : i32
        %get3A_1247 = tpu.memref_slice %arg11[%scan3A_133, %get3A_1245, %get3A_1246] : memref<3x128x64xf32, #tpu.memory_space<vmem>> -> memref<1x128x64xf32, #tpu.memory_space<vmem>>
        %get3A_1248 = tpu.memref_squeeze %get3A_1247 : memref<1x128x64xf32, #tpu.memory_space<vmem>> -> memref<128x64xf32, #tpu.memory_space<vmem>>
        %get3A_1249 = arith.index_cast %scan3A_1167 : i32 to index
        %get3A_1250 = arith.constant 16 : index
        %get3A_1251 = tpu.vector_load %get3A_1248[%get3A_1249, %get3A_1250] {strides = array<i32>} : memref<128x64xf32, #tpu.memory_space<vmem>>, vector<1x16xf32>,
        %get3A_1252 = vector.shape_cast %get3A_1251 : vector<1x16xf32> to vector<16xf32>
        %mul3A_1253 = arith.mulf %get3A_1252, %gather3A_1226 : vector<16xf32>
        %swap3A_1254 = arith.constant 0 : i32
        %swap3A_1255 = arith.constant 0 : i32
        %swap3A_1256 = tpu.memref_slice %arg11[%scan3A_133, %swap3A_1254, %swap3A_1255] : memref<3x128x64xf32, #tpu.memory_space<vmem>> -> memref<1x128x64xf32, #tpu.memory_space<vmem>>
        %swap3A_1257 = tpu.memref_squeeze %swap3A_1256 : memref<1x128x64xf32, #tpu.memory_space<vmem>> -> memref<128x64xf32, #tpu.memory_space<vmem>>
        %swap3A_1258 = arith.index_cast %scan3A_1167 : i32 to index
        %swap3A_1259 = arith.constant 16 : index
        %swap3A_1260 = tpu.vector_load %swap3A_1257[%swap3A_1258, %swap3A_1259] {strides = array<i32>} : memref<128x64xf32, #tpu.memory_space<vmem>>, vector<1x16xf32>,
        %swap3A_1261 = vector.shape_cast %swap3A_1260 : vector<1x16xf32> to vector<16xf32>
        %swap3A_1262 = vector.shape_cast %mul3A_1253 : vector<16xf32> to vector<1x16xf32>
        tpu.vector_store %swap3A_1257[%swap3A_1258, %swap3A_1259], %swap3A_1262 {strides = array<i32>} : memref<128x64xf32, #tpu.memory_space<vmem>>, vector<1x16xf32>,
        %get3A_1263 = arith.constant 0 : i32
        %get3A_1264 = arith.constant 0 : i32
        %get3A_1265 = tpu.memref_slice %arg11[%scan3A_133, %get3A_1263, %get3A_1264] : memref<3x128x64xf32, #tpu.memory_space<vmem>> -> memref<1x128x64xf32, #tpu.memory_space<vmem>>
        %get3A_1266 = tpu.memref_squeeze %get3A_1265 : memref<1x128x64xf32, #tpu.memory_space<vmem>> -> memref<128x64xf32, #tpu.memory_space<vmem>>
        %get3A_1267 = arith.index_cast %scan3A_1167 : i32 to index
        %get3A_1268 = arith.constant 32 : index
        %get3A_1269 = tpu.vector_load %get3A_1266[%get3A_1267, %get3A_1268] {strides = array<i32>} : memref<128x64xf32, #tpu.memory_space<vmem>>, vector<1x16xf32>,
        %get3A_1270 = vector.shape_cast %get3A_1269 : vector<1x16xf32> to vector<16xf32>
        %mul3A_1271 = arith.mulf %get3A_1270, %gather3A_1226 : vector<16xf32>
        %swap3A_1272 = arith.constant 0 : i32
        %swap3A_1273 = arith.constant 0 : i32
        %swap3A_1274 = tpu.memref_slice %arg11[%scan3A_133, %swap3A_1272, %swap3A_1273] : memref<3x128x64xf32, #tpu.memory_space<vmem>> -> memref<1x128x64xf32, #tpu.memory_space<vmem>>
        %swap3A_1275 = tpu.memref_squeeze %swap3A_1274 : memref<1x128x64xf32, #tpu.memory_space<vmem>> -> memref<128x64xf32, #tpu.memory_space<vmem>>
        %swap3A_1276 = arith.index_cast %scan3A_1167 : i32 to index
        %swap3A_1277 = arith.constant 32 : index
        %swap3A_1278 = tpu.vector_load %swap3A_1275[%swap3A_1276, %swap3A_1277] {strides = array<i32>} : memref<128x64xf32, #tpu.memory_space<vmem>>, vector<1x16xf32>,
        %swap3A_1279 = vector.shape_cast %swap3A_1278 : vector<1x16xf32> to vector<16xf32>
        %swap3A_1280 = vector.shape_cast %mul3A_1271 : vector<16xf32> to vector<1x16xf32>
        tpu.vector_store %swap3A_1275[%swap3A_1276, %swap3A_1277], %swap3A_1280 {strides = array<i32>} : memref<128x64xf32, #tpu.memory_space<vmem>>, vector<1x16xf32>,
        %get3A_1281 = arith.constant 0 : i32
        %get3A_1282 = arith.constant 0 : i32
        %get3A_1283 = tpu.memref_slice %arg11[%scan3A_133, %get3A_1281, %get3A_1282] : memref<3x128x64xf32, #tpu.memory_space<vmem>> -> memref<1x128x64xf32, #tpu.memory_space<vmem>>
        %get3A_1284 = tpu.memref_squeeze %get3A_1283 : memref<1x128x64xf32, #tpu.memory_space<vmem>> -> memref<128x64xf32, #tpu.memory_space<vmem>>
        %get3A_1285 = arith.index_cast %scan3A_1167 : i32 to index
        %get3A_1286 = arith.constant 48 : index
        %get3A_1287 = tpu.vector_load %get3A_1284[%get3A_1285, %get3A_1286] {strides = array<i32>} : memref<128x64xf32, #tpu.memory_space<vmem>>, vector<1x16xf32>,
        %get3A_1288 = vector.shape_cast %get3A_1287 : vector<1x16xf32> to vector<16xf32>
        %mul3A_1289 = arith.mulf %get3A_1288, %gather3A_1226 : vector<16xf32>
        %swap3A_1290 = arith.constant 0 : i32
        %swap3A_1291 = arith.constant 0 : i32
        %swap3A_1292 = tpu.memref_slice %arg11[%scan3A_133, %swap3A_1290, %swap3A_1291] : memref<3x128x64xf32, #tpu.memory_space<vmem>> -> memref<1x128x64xf32, #tpu.memory_space<vmem>>
        %swap3A_1293 = tpu.memref_squeeze %swap3A_1292 : memref<1x128x64xf32, #tpu.memory_space<vmem>> -> memref<128x64xf32, #tpu.memory_space<vmem>>
        %swap3A_1294 = arith.index_cast %scan3A_1167 : i32 to index
        %swap3A_1295 = arith.constant 48 : index
        %swap3A_1296 = tpu.vector_load %swap3A_1293[%swap3A_1294, %swap3A_1295] {strides = array<i32>} : memref<128x64xf32, #tpu.memory_space<vmem>>, vector<1x16xf32>,
        %swap3A_1297 = vector.shape_cast %swap3A_1296 : vector<1x16xf32> to vector<16xf32>
        %swap3A_1298 = vector.shape_cast %mul3A_1289 : vector<16xf32> to vector<1x16xf32>
        tpu.vector_store %swap3A_1293[%swap3A_1294, %swap3A_1295], %swap3A_1298 {strides = array<i32>} : memref<128x64xf32, #tpu.memory_space<vmem>>, vector<1x16xf32>,
      }
      %scan3A_138 = arith.constant 128 : i32
      %dma_start3A_139 = arith.constant 0 : i32
      %dma_start3A_140 = arith.constant 0 : i32
      %dma_start3A_141 = arith.constant 0 : i32
      %dma_start3A_142 = tpu.memref_slice %arg11[%dma_start3A_139, %dma_start3A_140, %dma_start3A_141] : memref<3x128x64xf32, #tpu.memory_space<vmem>> -> memref<1x128x64xf32, #tpu.memory_space<vmem>>
      %dma_start3A_143 = tpu.memref_squeeze %dma_start3A_142 : memref<1x128x64xf32, #tpu.memory_space<vmem>> -> memref<128x64xf32, #tpu.memory_space<vmem>>
      %dma_start3A_144 = arith.constant 0 : i32
      %dma_start3A_145 = tpu.memref_slice %arg9[%add3A_106, %dma_start3A_144] : memref<157x128xi32, #tpu.memory_space<vmem>> -> memref<1x128xi32, #tpu.memory_space<vmem>>
      %dma_start3A_146 = tpu.memref_squeeze %dma_start3A_145 : memref<1x128xi32, #tpu.memory_space<vmem>> -> memref<128xi32, #tpu.memory_space<vmem>>
      %dma_start3A_147 = arith.constant 0 : i32
      %dma_start3A_148 = arith.constant 0 : i32
      %dma_start3A_149 = tpu.memref_slice %arg12[%dma_start3A_147, %dma_start3A_148] : memref<10000x64xf32, #tpu.memory_space<vmem_shared>> -> memref<10000x64xf32, #tpu.memory_space<vmem_shared>>
      tpu.enqueue_indirect_dma source(%dma_start3A_143 : memref<128x64xf32, #tpu.memory_space<vmem>>) target(%dma_start3A_149 : memref<10000x64xf32, #tpu.memory_space<vmem_shared>>) offsets(%dma_start3A_146 : memref<128xi32, #tpu.memory_space<vmem>>) semaphore(%arg14 : memref<!tpu.dma_semaphore, #tpu.memory_space<semaphore_mem>>) {add = true}
      %mul3A_150 = arith.constant 3 : i32
      %mul3A_151 = arith.muli %mul3A_150, %scan3A_103 : i32
      %add3A_152 = arith.constant 1 : i32
      %add3A_153 = arith.addi %mul3A_151, %add3A_152 : i32
      %ge3A_154 = arith.constant 2 : i32
      %ge3A_155 = arith.cmpi sge, %add3A_153, %ge3A_154 : i32
      %convert_element_type3A_156 = arith.extui %ge3A_155 : i1 to i32
      %cond3A_157 = arith.constant 0 : i32
      %cond3A_158 = arith.cmpi ne, %convert_element_type3A_156, %cond3A_157 : i32
      scf.if %cond3A_158 {
        %sub3A = arith.constant 2 : i32
        %sub3A_248 = arith.subi %add3A_153, %sub3A : i32
        %add3A_249 = arith.constant 1 : i32
        %add3A_250 = arith.addi %add3A_153, %add3A_249 : i32
        %jit3A = arith.constant 3 : i32
        %eq3A_251 = arith.constant 0 : i32
        %eq3A_252 = arith.cmpi eq, %jit3A, %eq3A_251 : i32
        %jit3A_253 = arith.constant 1 : i32
        %select_n3A = arith.select %eq3A_252, %jit3A_253, %jit3A : i32
        %rem3A = arith.remsi %add3A_250, %select_n3A : i32
        %ne3A = arith.constant 0 : i32
        %ne3A_254 = arith.cmpi ne, %rem3A, %ne3A : i32
        %lt3A_255 = arith.constant 0 : i32
        %lt3A_256 = arith.cmpi slt, %rem3A, %lt3A_255 : i32
        %lt3A_257 = arith.constant 0 : i32
        %lt3A_258 = arith.cmpi slt, %select_n3A, %lt3A_257 : i32
        %ne3A_259 = arith.xori %lt3A_256, %lt3A_258 : i1
        %and3A = arith.andi %ne3A_259, %ne3A_254 : i1
        %add3A_260 = arith.addi %rem3A, %select_n3A : i32
        %select_n3A_261 = arith.select %and3A, %add3A_260, %rem3A : i32
        %dma_wait3A_262 = arith.constant 0 : i32
        %dma_wait3A_263 = arith.constant 0 : i32
        %dma_wait3A_264 = tpu.memref_slice %arg11[%select_n3A_261, %dma_wait3A_262, %dma_wait3A_263] : memref<3x128x64xf32, #tpu.memory_space<vmem>> -> memref<1x128x64xf32, #tpu.memory_space<vmem>>
        %dma_wait3A_265 = tpu.memref_squeeze %dma_wait3A_264 : memref<1x128x64xf32, #tpu.memory_space<vmem>> -> memref<128x64xf32, #tpu.memory_space<vmem>>
        %dma_wait3A_266 = arith.constant 0 : i32
        %dma_wait3A_267 = tpu.memref_slice %arg9[%sub3A_248, %dma_wait3A_266] : memref<157x128xi32, #tpu.memory_space<vmem>> -> memref<1x128xi32, #tpu.memory_space<vmem>>
        %dma_wait3A_268 = tpu.memref_squeeze %dma_wait3A_267 : memref<1x128xi32, #tpu.memory_space<vmem>> -> memref<128xi32, #tpu.memory_space<vmem>>
        %dma_wait3A_269 = arith.constant 0 : i32
        %dma_wait3A_270 = arith.constant 0 : i32
        %dma_wait3A_271 = tpu.memref_slice %arg12[%dma_wait3A_269, %dma_wait3A_270] : memref<10000x64xf32, #tpu.memory_space<vmem_shared>> -> memref<10000x64xf32, #tpu.memory_space<vmem_shared>>
        tpu.wait_indirect_dma semaphore(%arg14 : memref<!tpu.dma_semaphore, #tpu.memory_space<semaphore_mem>>) src(%dma_wait3A_265 : memref<128x64xf32, #tpu.memory_space<vmem>>) dst(%dma_wait3A_271 : memref<10000x64xf32, #tpu.memory_space<vmem_shared>>)
      } else {
      }
      %add3A_159 = arith.constant 1 : i32
      %add3A_160 = arith.addi %add3A_153, %add3A_159 : i32
      %lt3A_161 = arith.constant 157 : i32
      %lt3A_162 = arith.cmpi slt, %add3A_160, %lt3A_161 : i32
      %convert_element_type3A_163 = arith.extui %lt3A_162 : i1 to i32
      %cond3A_164 = arith.constant 0 : i32
      %cond3A_165 = arith.cmpi ne, %convert_element_type3A_163, %cond3A_164 : i32
      scf.if %cond3A_165 {
        %add3A_248 = arith.constant 1 : i32
        %add3A_249 = arith.addi %add3A_153, %add3A_248 : i32
        %add3A_250 = arith.constant 1 : i32
        %add3A_251 = arith.addi %add3A_153, %add3A_250 : i32
        %jit3A = arith.constant 3 : i32
        %eq3A_252 = arith.constant 0 : i32
        %eq3A_253 = arith.cmpi eq, %jit3A, %eq3A_252 : i32
        %jit3A_254 = arith.constant 1 : i32
        %select_n3A = arith.select %eq3A_253, %jit3A_254, %jit3A : i32
        %rem3A = arith.remsi %add3A_251, %select_n3A : i32
        %ne3A = arith.constant 0 : i32
        %ne3A_255 = arith.cmpi ne, %rem3A, %ne3A : i32
        %lt3A_256 = arith.constant 0 : i32
        %lt3A_257 = arith.cmpi slt, %rem3A, %lt3A_256 : i32
        %lt3A_258 = arith.constant 0 : i32
        %lt3A_259 = arith.cmpi slt, %select_n3A, %lt3A_258 : i32
        %ne3A_260 = arith.xori %lt3A_257, %lt3A_259 : i1
        %and3A = arith.andi %ne3A_260, %ne3A_255 : i1
        %add3A_261 = arith.addi %rem3A, %select_n3A : i32
        %select_n3A_262 = arith.select %and3A, %add3A_261, %rem3A : i32
        %mul3A_263 = arith.constant 128 : i32
        %mul3A_264 = arith.muli %add3A_249, %mul3A_263 : i32
        %dma_start3A_265 = arith.constant 0 : i32
        %dma_start3A_266 = arith.constant 0 : i32
        %dma_start3A_267 = tpu.memref_slice %arg11[%select_n3A_262, %dma_start3A_265, %dma_start3A_266] : memref<3x128x64xf32, #tpu.memory_space<vmem>> -> memref<1x128x64xf32, #tpu.memory_space<vmem>>
        %dma_start3A_268 = tpu.memref_squeeze %dma_start3A_267 : memref<1x128x64xf32, #tpu.memory_space<vmem>> -> memref<128x64xf32, #tpu.memory_space<vmem>>
        %dma_start3A_269 = tpu.memref_slice %arg8[%mul3A_264] : memref<20096xi32, #tpu.memory_space<vmem>> -> memref<128xi32, #tpu.memory_space<vmem>>
        %dma_start3A_270 = arith.constant 0 : i32
        %dma_start3A_271 = arith.constant 0 : i32
        %dma_start3A_272 = tpu.memref_slice %arg2[%arg0, %dma_start3A_270, %dma_start3A_271] : memref<2x10000x64xf32, #tpu.memory_space<hbm>> -> memref<1x10000x64xf32, #tpu.memory_space<hbm>>
        %dma_start3A_273 = tpu.memref_squeeze %dma_start3A_272 : memref<1x10000x64xf32, #tpu.memory_space<hbm>> -> memref<10000x64xf32, #tpu.memory_space<hbm>>
        %dma_start3A_274 = arith.constant 0 : i32
        %dma_start3A_275 = arith.constant 0 : i32
        %dma_start3A_276 = tpu.memref_slice %dma_start3A_273[%dma_start3A_274, %dma_start3A_275] : memref<10000x64xf32, #tpu.memory_space<hbm>> -> memref<10000x64xf32, #tpu.memory_space<hbm>>
        tpu.enqueue_indirect_dma source(%dma_start3A_276 : memref<10000x64xf32, #tpu.memory_space<hbm>>) target(%dma_start3A_268 : memref<128x64xf32, #tpu.memory_space<vmem>>) offsets(%dma_start3A_269 : memref<128xi32, #tpu.memory_space<vmem>>) semaphore(%arg13 : memref<!tpu.dma_semaphore, #tpu.memory_space<semaphore_mem>>)
      } else {
      }
      %mul3A_166 = arith.constant 128 : i32
      %mul3A_167 = arith.muli %add3A_153, %mul3A_166 : i32
      %dma_wait3A_168 = arith.constant 1 : i32
      %dma_wait3A_169 = arith.constant 0 : i32
      %dma_wait3A_170 = arith.constant 0 : i32
      %dma_wait3A_171 = tpu.memref_slice %arg11[%dma_wait3A_168, %dma_wait3A_169, %dma_wait3A_170] : memref<3x128x64xf32, #tpu.memory_space<vmem>> -> memref<1x128x64xf32, #tpu.memory_space<vmem>>
      %dma_wait3A_172 = tpu.memref_squeeze %dma_wait3A_171 : memref<1x128x64xf32, #tpu.memory_space<vmem>> -> memref<128x64xf32, #tpu.memory_space<vmem>>
      %dma_wait3A_173 = tpu.memref_slice %arg8[%mul3A_167] : memref<20096xi32, #tpu.memory_space<vmem>> -> memref<128xi32, #tpu.memory_space<vmem>>
      %dma_wait3A_174 = arith.constant 0 : i32
      %dma_wait3A_175 = arith.constant 0 : i32
      %dma_wait3A_176 = tpu.memref_slice %arg2[%arg0, %dma_wait3A_174, %dma_wait3A_175] : memref<2x10000x64xf32, #tpu.memory_space<hbm>> -> memref<1x10000x64xf32, #tpu.memory_space<hbm>>
      %dma_wait3A_177 = tpu.memref_squeeze %dma_wait3A_176 : memref<1x10000x64xf32, #tpu.memory_space<hbm>> -> memref<10000x64xf32, #tpu.memory_space<hbm>>
      %dma_wait3A_178 = arith.constant 0 : i32
      %dma_wait3A_179 = arith.constant 0 : i32
      %dma_wait3A_180 = tpu.memref_slice %dma_wait3A_177[%dma_wait3A_178, %dma_wait3A_179] : memref<10000x64xf32, #tpu.memory_space<hbm>> -> memref<10000x64xf32, #tpu.memory_space<hbm>>
      tpu.wait_indirect_dma semaphore(%arg13 : memref<!tpu.dma_semaphore, #tpu.memory_space<semaphore_mem>>) src(%dma_wait3A_180 : memref<10000x64xf32, #tpu.memory_space<hbm>>) dst(%dma_wait3A_172 : memref<128x64xf32, #tpu.memory_space<vmem>>)
      %scan3A_181 = arith.constant 0 : i32
      %scan3A_182 = arith.constant 1 : i32
      %scan3A_183 = arith.constant 0 : i32
      %scan3A_184 = arith.constant 128 : i32
      %scan3A_185 = arith.addi %scan3A_183, %scan3A_184 : i32
      %scan3A_186 = arith.constant 8 : i32
      scf.for %scan3A_248 = %scan3A_183 to %scan3A_185 step %scan3A_186  : i32 {
        %mul3A_249 = arith.constant 128 : i32
        %mul3A_250 = arith.muli %add3A_153, %mul3A_249 : i32
        %jit3A = arith.constant 16 : i32
        %div3A = arith.divsi %scan3A_248, %jit3A : i32
        %sign3A = arith.constant 0 : i32
        %sign3A_251 = arith.cmpi sgt, %scan3A_248, %sign3A : i32
        %sign3A_252 = arith.extui %sign3A_251 : i1 to i32
        %sign3A_253 = arith.constant 0 : i32
        %sign3A_254 = arith.cmpi slt, %scan3A_248, %sign3A_253 : i32
        %sign3A_255 = arith.extui %sign3A_254 : i1 to i32
        %sign3A_256 = arith.subi %sign3A_252, %sign3A_255 : i32
        %sign3A_257 = arith.constant 0 : i32
        %sign3A_258 = arith.cmpi sgt, %jit3A, %sign3A_257 : i32
        %sign3A_259 = arith.extui %sign3A_258 : i1 to i32
        %sign3A_260 = arith.constant 0 : i32
        %sign3A_261 = arith.cmpi slt, %jit3A, %sign3A_260 : i32
        %sign3A_262 = arith.extui %sign3A_261 : i1 to i32
        %sign3A_263 = arith.subi %sign3A_259, %sign3A_262 : i32
        %ne3A = arith.cmpi ne, %sign3A_256, %sign3A_263 : i32
        %rem3A = arith.remsi %scan3A_248, %jit3A : i32
        %ne3A_264 = arith.constant 0 : i32
        %ne3A_265 = arith.cmpi ne, %rem3A, %ne3A_264 : i32
        %and3A = arith.andi %ne3A, %ne3A_265 : i1
        %sub3A = arith.constant 1 : i32
        %sub3A_266 = arith.subi %div3A, %sub3A : i32
        %select_n3A = arith.select %and3A, %sub3A_266, %div3A : i32
        %mul3A_267 = arith.constant 16 : i32
        %mul3A_268 = arith.muli %select_n3A, %mul3A_267 : i32
        %add3A_269 = arith.addi %mul3A_250, %mul3A_268 : i32
        %get3A = arith.index_cast %add3A_269 : i32 to index
        %get3A_270 = tpu.vector_load %arg10[%get3A] {strides = array<i32>} : memref<20096xf32, #tpu.memory_space<vmem>>, vector<16xf32>,
        %get3A_271 = vector.shape_cast %get3A_270 : vector<16xf32> to vector<16xf32>
        %jit3A_272 = arith.constant 16 : i32
        %eq3A_273 = arith.constant 0 : i32
        %eq3A_274 = arith.cmpi eq, %jit3A_272, %eq3A_273 : i32
        %jit3A_275 = arith.constant 1 : i32
        %select_n3A_276 = arith.select %eq3A_274, %jit3A_275, %jit3A_272 : i32
        %rem3A_277 = arith.remsi %scan3A_248, %select_n3A_276 : i32
        %ne3A_278 = arith.constant 0 : i32
        %ne3A_279 = arith.cmpi ne, %rem3A_277, %ne3A_278 : i32
        %lt3A_280 = arith.constant 0 : i32
        %lt3A_281 = arith.cmpi slt, %rem3A_277, %lt3A_280 : i32
        %lt3A_282 = arith.constant 0 : i32
        %lt3A_283 = arith.cmpi slt, %select_n3A_276, %lt3A_282 : i32
        %ne3A_284 = arith.xori %lt3A_281, %lt3A_283 : i1
        %and3A_285 = arith.andi %ne3A_284, %ne3A_279 : i1
        %add3A_286 = arith.addi %rem3A_277, %select_n3A_276 : i32
        %select_n3A_287 = arith.select %and3A_285, %add3A_286, %rem3A_277 : i32
        %broadcast_in_dim3A = vector.broadcast %select_n3A_287 : i32 to vector<16xi32>
        %lt3A_288 = arith.constant 0 : i32
        %lt3A_289 = vector.broadcast %lt3A_288 : i32 to vector<16xi32>
        %lt3A_290 = arith.cmpi slt, %broadcast_in_dim3A, %lt3A_289 : vector<16xi32>
        %add3A_291 = arith.constant 16 : i32
        %add3A_292 = vector.broadcast %add3A_291 : i32 to vector<16xi32>
        %add3A_293 = arith.addi %broadcast_in_dim3A, %add3A_292 : vector<16xi32>
        %select_n3A_294 = arith.select %lt3A_290, %add3A_293, %broadcast_in_dim3A : vector<16xi1>, vector<16xi32>
        %broadcast_in_dim3A_295 = vector.shape_cast %select_n3A_294 : vector<16xi32> to vector<16x1xi32>
        %gather3A = vector.shape_cast %broadcast_in_dim3A_295 : vector<16x1xi32> to vector<16xi32>
        %gather3A_296 = tpu.dynamic_gather %get3A_271[%gather3A] in [0] : vector<16xf32>, vector<16xi32> -> vector<16xf32>
        %get3A_297 = arith.constant 0 : i32
        %get3A_298 = arith.constant 0 : i32
        %get3A_299 = tpu.memref_slice %arg11[%scan3A_182, %get3A_297, %get3A_298] : memref<3x128x64xf32, #tpu.memory_space<vmem>> -> memref<1x128x64xf32, #tpu.memory_space<vmem>>
        %get3A_300 = tpu.memref_squeeze %get3A_299 : memref<1x128x64xf32, #tpu.memory_space<vmem>> -> memref<128x64xf32, #tpu.memory_space<vmem>>
        %get3A_301 = arith.index_cast %scan3A_248 : i32 to index
        %get3A_302 = arith.constant 0 : index
        %get3A_303 = tpu.vector_load %get3A_300[%get3A_301, %get3A_302] {strides = array<i32>} : memref<128x64xf32, #tpu.memory_space<vmem>>, vector<1x16xf32>,
        %get3A_304 = vector.shape_cast %get3A_303 : vector<1x16xf32> to vector<16xf32>
        %mul3A_305 = arith.mulf %get3A_304, %gather3A_296 : vector<16xf32>
        %swap3A = arith.constant 0 : i32
        %swap3A_306 = arith.constant 0 : i32
        %swap3A_307 = tpu.memref_slice %arg11[%scan3A_182, %swap3A, %swap3A_306] : memref<3x128x64xf32, #tpu.memory_space<vmem>> -> memref<1x128x64xf32, #tpu.memory_space<vmem>>
        %swap3A_308 = tpu.memref_squeeze %swap3A_307 : memref<1x128x64xf32, #tpu.memory_space<vmem>> -> memref<128x64xf32, #tpu.memory_space<vmem>>
        %swap3A_309 = arith.index_cast %scan3A_248 : i32 to index
        %swap3A_310 = arith.constant 0 : index
        %swap3A_311 = tpu.vector_load %swap3A_308[%swap3A_309, %swap3A_310] {strides = array<i32>} : memref<128x64xf32, #tpu.memory_space<vmem>>, vector<1x16xf32>,
        %swap3A_312 = vector.shape_cast %swap3A_311 : vector<1x16xf32> to vector<16xf32>
        %swap3A_313 = vector.shape_cast %mul3A_305 : vector<16xf32> to vector<1x16xf32>
        tpu.vector_store %swap3A_308[%swap3A_309, %swap3A_310], %swap3A_313 {strides = array<i32>} : memref<128x64xf32, #tpu.memory_space<vmem>>, vector<1x16xf32>,
        %get3A_314 = arith.constant 0 : i32
        %get3A_315 = arith.constant 0 : i32
        %get3A_316 = tpu.memref_slice %arg11[%scan3A_182, %get3A_314, %get3A_315] : memref<3x128x64xf32, #tpu.memory_space<vmem>> -> memref<1x128x64xf32, #tpu.memory_space<vmem>>
        %get3A_317 = tpu.memref_squeeze %get3A_316 : memref<1x128x64xf32, #tpu.memory_space<vmem>> -> memref<128x64xf32, #tpu.memory_space<vmem>>
        %get3A_318 = arith.index_cast %scan3A_248 : i32 to index
        %get3A_319 = arith.constant 16 : index
        %get3A_320 = tpu.vector_load %get3A_317[%get3A_318, %get3A_319] {strides = array<i32>} : memref<128x64xf32, #tpu.memory_space<vmem>>, vector<1x16xf32>,
        %get3A_321 = vector.shape_cast %get3A_320 : vector<1x16xf32> to vector<16xf32>
        %mul3A_322 = arith.mulf %get3A_321, %gather3A_296 : vector<16xf32>
        %swap3A_323 = arith.constant 0 : i32
        %swap3A_324 = arith.constant 0 : i32
        %swap3A_325 = tpu.memref_slice %arg11[%scan3A_182, %swap3A_323, %swap3A_324] : memref<3x128x64xf32, #tpu.memory_space<vmem>> -> memref<1x128x64xf32, #tpu.memory_space<vmem>>
        %swap3A_326 = tpu.memref_squeeze %swap3A_325 : memref<1x128x64xf32, #tpu.memory_space<vmem>> -> memref<128x64xf32, #tpu.memory_space<vmem>>
        %swap3A_327 = arith.index_cast %scan3A_248 : i32 to index
        %swap3A_328 = arith.constant 16 : index
        %swap3A_329 = tpu.vector_load %swap3A_326[%swap3A_327, %swap3A_328] {strides = array<i32>} : memref<128x64xf32, #tpu.memory_space<vmem>>, vector<1x16xf32>,
        %swap3A_330 = vector.shape_cast %swap3A_329 : vector<1x16xf32> to vector<16xf32>
        %swap3A_331 = vector.shape_cast %mul3A_322 : vector<16xf32> to vector<1x16xf32>
        tpu.vector_store %swap3A_326[%swap3A_327, %swap3A_328], %swap3A_331 {strides = array<i32>} : memref<128x64xf32, #tpu.memory_space<vmem>>, vector<1x16xf32>,
        %get3A_332 = arith.constant 0 : i32
        %get3A_333 = arith.constant 0 : i32
        %get3A_334 = tpu.memref_slice %arg11[%scan3A_182, %get3A_332, %get3A_333] : memref<3x128x64xf32, #tpu.memory_space<vmem>> -> memref<1x128x64xf32, #tpu.memory_space<vmem>>
        %get3A_335 = tpu.memref_squeeze %get3A_334 : memref<1x128x64xf32, #tpu.memory_space<vmem>> -> memref<128x64xf32, #tpu.memory_space<vmem>>
        %get3A_336 = arith.index_cast %scan3A_248 : i32 to index
        %get3A_337 = arith.constant 32 : index
        %get3A_338 = tpu.vector_load %get3A_335[%get3A_336, %get3A_337] {strides = array<i32>} : memref<128x64xf32, #tpu.memory_space<vmem>>, vector<1x16xf32>,
        %get3A_339 = vector.shape_cast %get3A_338 : vector<1x16xf32> to vector<16xf32>
        %mul3A_340 = arith.mulf %get3A_339, %gather3A_296 : vector<16xf32>
        %swap3A_341 = arith.constant 0 : i32
        %swap3A_342 = arith.constant 0 : i32
        %swap3A_343 = tpu.memref_slice %arg11[%scan3A_182, %swap3A_341, %swap3A_342] : memref<3x128x64xf32, #tpu.memory_space<vmem>> -> memref<1x128x64xf32, #tpu.memory_space<vmem>>
        %swap3A_344 = tpu.memref_squeeze %swap3A_343 : memref<1x128x64xf32, #tpu.memory_space<vmem>> -> memref<128x64xf32, #tpu.memory_space<vmem>>
        %swap3A_345 = arith.index_cast %scan3A_248 : i32 to index
        %swap3A_346 = arith.constant 32 : index
        %swap3A_347 = tpu.vector_load %swap3A_344[%swap3A_345, %swap3A_346] {strides = array<i32>} : memref<128x64xf32, #tpu.memory_space<vmem>>, vector<1x16xf32>,
        %swap3A_348 = vector.shape_cast %swap3A_347 : vector<1x16xf32> to vector<16xf32>
        %swap3A_349 = vector.shape_cast %mul3A_340 : vector<16xf32> to vector<1x16xf32>
        tpu.vector_store %swap3A_344[%swap3A_345, %swap3A_346], %swap3A_349 {strides = array<i32>} : memref<128x64xf32, #tpu.memory_space<vmem>>, vector<1x16xf32>,
        %get3A_350 = arith.constant 0 : i32
        %get3A_351 = arith.constant 0 : i32
        %get3A_352 = tpu.memref_slice %arg11[%scan3A_182, %get3A_350, %get3A_351] : memref<3x128x64xf32, #tpu.memory_space<vmem>> -> memref<1x128x64xf32, #tpu.memory_space<vmem>>
        %get3A_353 = tpu.memref_squeeze %get3A_352 : memref<1x128x64xf32, #tpu.memory_space<vmem>> -> memref<128x64xf32, #tpu.memory_space<vmem>>
        %get3A_354 = arith.index_cast %scan3A_248 : i32 to index
        %get3A_355 = arith.constant 48 : index
        %get3A_356 = tpu.vector_load %get3A_353[%get3A_354, %get3A_355] {strides = array<i32>} : memref<128x64xf32, #tpu.memory_space<vmem>>, vector<1x16xf32>,
        %get3A_357 = vector.shape_cast %get3A_356 : vector<1x16xf32> to vector<16xf32>
        %mul3A_358 = arith.mulf %get3A_357, %gather3A_296 : vector<16xf32>
        %swap3A_359 = arith.constant 0 : i32
        %swap3A_360 = arith.constant 0 : i32
        %swap3A_361 = tpu.memref_slice %arg11[%scan3A_182, %swap3A_359, %swap3A_360] : memref<3x128x64xf32, #tpu.memory_space<vmem>> -> memref<1x128x64xf32, #tpu.memory_space<vmem>>
        %swap3A_362 = tpu.memref_squeeze %swap3A_361 : memref<1x128x64xf32, #tpu.memory_space<vmem>> -> memref<128x64xf32, #tpu.memory_space<vmem>>
        %swap3A_363 = arith.index_cast %scan3A_248 : i32 to index
        %swap3A_364 = arith.constant 48 : index
        %swap3A_365 = tpu.vector_load %swap3A_362[%swap3A_363, %swap3A_364] {strides = array<i32>} : memref<128x64xf32, #tpu.memory_space<vmem>>, vector<1x16xf32>,
        %swap3A_366 = vector.shape_cast %swap3A_365 : vector<1x16xf32> to vector<16xf32>
        %swap3A_367 = vector.shape_cast %mul3A_358 : vector<16xf32> to vector<1x16xf32>
        tpu.vector_store %swap3A_362[%swap3A_363, %swap3A_364], %swap3A_367 {strides = array<i32>} : memref<128x64xf32, #tpu.memory_space<vmem>>, vector<1x16xf32>,
        %scan3A_368 = arith.constant 1 : i32
        %scan3A_369 = arith.addi %scan3A_248, %scan3A_368 : i32
        %mul3A_370 = arith.constant 128 : i32
        %mul3A_371 = arith.muli %add3A_153, %mul3A_370 : i32
        %jit3A_372 = arith.constant 16 : i32
        %div3A_373 = arith.divsi %scan3A_369, %jit3A_372 : i32
        %sign3A_374 = arith.constant 0 : i32
        %sign3A_375 = arith.cmpi sgt, %scan3A_369, %sign3A_374 : i32
        %sign3A_376 = arith.extui %sign3A_375 : i1 to i32
        %sign3A_377 = arith.constant 0 : i32
        %sign3A_378 = arith.cmpi slt, %scan3A_369, %sign3A_377 : i32
        %sign3A_379 = arith.extui %sign3A_378 : i1 to i32
        %sign3A_380 = arith.subi %sign3A_376, %sign3A_379 : i32
        %sign3A_381 = arith.constant 0 : i32
        %sign3A_382 = arith.cmpi sgt, %jit3A_372, %sign3A_381 : i32
        %sign3A_383 = arith.extui %sign3A_382 : i1 to i32
        %sign3A_384 = arith.constant 0 : i32
        %sign3A_385 = arith.cmpi slt, %jit3A_372, %sign3A_384 : i32
        %sign3A_386 = arith.extui %sign3A_385 : i1 to i32
        %sign3A_387 = arith.subi %sign3A_383, %sign3A_386 : i32
        %ne3A_388 = arith.cmpi ne, %sign3A_380, %sign3A_387 : i32
        %rem3A_389 = arith.remsi %scan3A_369, %jit3A_372 : i32
        %ne3A_390 = arith.constant 0 : i32
        %ne3A_391 = arith.cmpi ne, %rem3A_389, %ne3A_390 : i32
        %and3A_392 = arith.andi %ne3A_388, %ne3A_391 : i1
        %sub3A_393 = arith.constant 1 : i32
        %sub3A_394 = arith.subi %div3A_373, %sub3A_393 : i32
        %select_n3A_395 = arith.select %and3A_392, %sub3A_394, %div3A_373 : i32
        %mul3A_396 = arith.constant 16 : i32
        %mul3A_397 = arith.muli %select_n3A_395, %mul3A_396 : i32
        %add3A_398 = arith.addi %mul3A_371, %mul3A_397 : i32
        %get3A_399 = arith.index_cast %add3A_398 : i32 to index
        %get3A_400 = tpu.vector_load %arg10[%get3A_399] {strides = array<i32>} : memref<20096xf32, #tpu.memory_space<vmem>>, vector<16xf32>,
        %get3A_401 = vector.shape_cast %get3A_400 : vector<16xf32> to vector<16xf32>
        %jit3A_402 = arith.constant 16 : i32
        %eq3A_403 = arith.constant 0 : i32
        %eq3A_404 = arith.cmpi eq, %jit3A_402, %eq3A_403 : i32
        %jit3A_405 = arith.constant 1 : i32
        %select_n3A_406 = arith.select %eq3A_404, %jit3A_405, %jit3A_402 : i32
        %rem3A_407 = arith.remsi %scan3A_369, %select_n3A_406 : i32
        %ne3A_408 = arith.constant 0 : i32
        %ne3A_409 = arith.cmpi ne, %rem3A_407, %ne3A_408 : i32
        %lt3A_410 = arith.constant 0 : i32
        %lt3A_411 = arith.cmpi slt, %rem3A_407, %lt3A_410 : i32
        %lt3A_412 = arith.constant 0 : i32
        %lt3A_413 = arith.cmpi slt, %select_n3A_406, %lt3A_412 : i32
        %ne3A_414 = arith.xori %lt3A_411, %lt3A_413 : i1
        %and3A_415 = arith.andi %ne3A_414, %ne3A_409 : i1
        %add3A_416 = arith.addi %rem3A_407, %select_n3A_406 : i32
        %select_n3A_417 = arith.select %and3A_415, %add3A_416, %rem3A_407 : i32
        %broadcast_in_dim3A_418 = vector.broadcast %select_n3A_417 : i32 to vector<16xi32>
        %lt3A_419 = arith.constant 0 : i32
        %lt3A_420 = vector.broadcast %lt3A_419 : i32 to vector<16xi32>
        %lt3A_421 = arith.cmpi slt, %broadcast_in_dim3A_418, %lt3A_420 : vector<16xi32>
        %add3A_422 = arith.constant 16 : i32
        %add3A_423 = vector.broadcast %add3A_422 : i32 to vector<16xi32>
        %add3A_424 = arith.addi %broadcast_in_dim3A_418, %add3A_423 : vector<16xi32>
        %select_n3A_425 = arith.select %lt3A_421, %add3A_424, %broadcast_in_dim3A_418 : vector<16xi1>, vector<16xi32>
        %broadcast_in_dim3A_426 = vector.shape_cast %select_n3A_425 : vector<16xi32> to vector<16x1xi32>
        %gather3A_427 = vector.shape_cast %broadcast_in_dim3A_426 : vector<16x1xi32> to vector<16xi32>
        %gather3A_428 = tpu.dynamic_gather %get3A_401[%gather3A_427] in [0] : vector<16xf32>, vector<16xi32> -> vector<16xf32>
        %get3A_429 = arith.constant 0 : i32
        %get3A_430 = arith.constant 0 : i32
        %get3A_431 = tpu.memref_slice %arg11[%scan3A_182, %get3A_429, %get3A_430] : memref<3x128x64xf32, #tpu.memory_space<vmem>> -> memref<1x128x64xf32, #tpu.memory_space<vmem>>
        %get3A_432 = tpu.memref_squeeze %get3A_431 : memref<1x128x64xf32, #tpu.memory_space<vmem>> -> memref<128x64xf32, #tpu.memory_space<vmem>>
        %get3A_433 = arith.index_cast %scan3A_369 : i32 to index
        %get3A_434 = arith.constant 0 : index
        %get3A_435 = tpu.vector_load %get3A_432[%get3A_433, %get3A_434] {strides = array<i32>} : memref<128x64xf32, #tpu.memory_space<vmem>>, vector<1x16xf32>,
        %get3A_436 = vector.shape_cast %get3A_435 : vector<1x16xf32> to vector<16xf32>
        %mul3A_437 = arith.mulf %get3A_436, %gather3A_428 : vector<16xf32>
        %swap3A_438 = arith.constant 0 : i32
        %swap3A_439 = arith.constant 0 : i32
        %swap3A_440 = tpu.memref_slice %arg11[%scan3A_182, %swap3A_438, %swap3A_439] : memref<3x128x64xf32, #tpu.memory_space<vmem>> -> memref<1x128x64xf32, #tpu.memory_space<vmem>>
        %swap3A_441 = tpu.memref_squeeze %swap3A_440 : memref<1x128x64xf32, #tpu.memory_space<vmem>> -> memref<128x64xf32, #tpu.memory_space<vmem>>
        %swap3A_442 = arith.index_cast %scan3A_369 : i32 to index
        %swap3A_443 = arith.constant 0 : index
        %swap3A_444 = tpu.vector_load %swap3A_441[%swap3A_442, %swap3A_443] {strides = array<i32>} : memref<128x64xf32, #tpu.memory_space<vmem>>, vector<1x16xf32>,
        %swap3A_445 = vector.shape_cast %swap3A_444 : vector<1x16xf32> to vector<16xf32>
        %swap3A_446 = vector.shape_cast %mul3A_437 : vector<16xf32> to vector<1x16xf32>
        tpu.vector_store %swap3A_441[%swap3A_442, %swap3A_443], %swap3A_446 {strides = array<i32>} : memref<128x64xf32, #tpu.memory_space<vmem>>, vector<1x16xf32>,
        %get3A_447 = arith.constant 0 : i32
        %get3A_448 = arith.constant 0 : i32
        %get3A_449 = tpu.memref_slice %arg11[%scan3A_182, %get3A_447, %get3A_448] : memref<3x128x64xf32, #tpu.memory_space<vmem>> -> memref<1x128x64xf32, #tpu.memory_space<vmem>>
        %get3A_450 = tpu.memref_squeeze %get3A_449 : memref<1x128x64xf32, #tpu.memory_space<vmem>> -> memref<128x64xf32, #tpu.memory_space<vmem>>
        %get3A_451 = arith.index_cast %scan3A_369 : i32 to index
        %get3A_452 = arith.constant 16 : index
        %get3A_453 = tpu.vector_load %get3A_450[%get3A_451, %get3A_452] {strides = array<i32>} : memref<128x64xf32, #tpu.memory_space<vmem>>, vector<1x16xf32>,
        %get3A_454 = vector.shape_cast %get3A_453 : vector<1x16xf32> to vector<16xf32>
        %mul3A_455 = arith.mulf %get3A_454, %gather3A_428 : vector<16xf32>
        %swap3A_456 = arith.constant 0 : i32
        %swap3A_457 = arith.constant 0 : i32
        %swap3A_458 = tpu.memref_slice %arg11[%scan3A_182, %swap3A_456, %swap3A_457] : memref<3x128x64xf32, #tpu.memory_space<vmem>> -> memref<1x128x64xf32, #tpu.memory_space<vmem>>
        %swap3A_459 = tpu.memref_squeeze %swap3A_458 : memref<1x128x64xf32, #tpu.memory_space<vmem>> -> memref<128x64xf32, #tpu.memory_space<vmem>>
        %swap3A_460 = arith.index_cast %scan3A_369 : i32 to index
        %swap3A_461 = arith.constant 16 : index
        %swap3A_462 = tpu.vector_load %swap3A_459[%swap3A_460, %swap3A_461] {strides = array<i32>} : memref<128x64xf32, #tpu.memory_space<vmem>>, vector<1x16xf32>,
        %swap3A_463 = vector.shape_cast %swap3A_462 : vector<1x16xf32> to vector<16xf32>
        %swap3A_464 = vector.shape_cast %mul3A_455 : vector<16xf32> to vector<1x16xf32>
        tpu.vector_store %swap3A_459[%swap3A_460, %swap3A_461], %swap3A_464 {strides = array<i32>} : memref<128x64xf32, #tpu.memory_space<vmem>>, vector<1x16xf32>,
        %get3A_465 = arith.constant 0 : i32
        %get3A_466 = arith.constant 0 : i32
        %get3A_467 = tpu.memref_slice %arg11[%scan3A_182, %get3A_465, %get3A_466] : memref<3x128x64xf32, #tpu.memory_space<vmem>> -> memref<1x128x64xf32, #tpu.memory_space<vmem>>
        %get3A_468 = tpu.memref_squeeze %get3A_467 : memref<1x128x64xf32, #tpu.memory_space<vmem>> -> memref<128x64xf32, #tpu.memory_space<vmem>>
        %get3A_469 = arith.index_cast %scan3A_369 : i32 to index
        %get3A_470 = arith.constant 32 : index
        %get3A_471 = tpu.vector_load %get3A_468[%get3A_469, %get3A_470] {strides = array<i32>} : memref<128x64xf32, #tpu.memory_space<vmem>>, vector<1x16xf32>,
        %get3A_472 = vector.shape_cast %get3A_471 : vector<1x16xf32> to vector<16xf32>
        %mul3A_473 = arith.mulf %get3A_472, %gather3A_428 : vector<16xf32>
        %swap3A_474 = arith.constant 0 : i32
        %swap3A_475 = arith.constant 0 : i32
        %swap3A_476 = tpu.memref_slice %arg11[%scan3A_182, %swap3A_474, %swap3A_475] : memref<3x128x64xf32, #tpu.memory_space<vmem>> -> memref<1x128x64xf32, #tpu.memory_space<vmem>>
        %swap3A_477 = tpu.memref_squeeze %swap3A_476 : memref<1x128x64xf32, #tpu.memory_space<vmem>> -> memref<128x64xf32, #tpu.memory_space<vmem>>
        %swap3A_478 = arith.index_cast %scan3A_369 : i32 to index
        %swap3A_479 = arith.constant 32 : index
        %swap3A_480 = tpu.vector_load %swap3A_477[%swap3A_478, %swap3A_479] {strides = array<i32>} : memref<128x64xf32, #tpu.memory_space<vmem>>, vector<1x16xf32>,
        %swap3A_481 = vector.shape_cast %swap3A_480 : vector<1x16xf32> to vector<16xf32>
        %swap3A_482 = vector.shape_cast %mul3A_473 : vector<16xf32> to vector<1x16xf32>
        tpu.vector_store %swap3A_477[%swap3A_478, %swap3A_479], %swap3A_482 {strides = array<i32>} : memref<128x64xf32, #tpu.memory_space<vmem>>, vector<1x16xf32>,
        %get3A_483 = arith.constant 0 : i32
        %get3A_484 = arith.constant 0 : i32
        %get3A_485 = tpu.memref_slice %arg11[%scan3A_182, %get3A_483, %get3A_484] : memref<3x128x64xf32, #tpu.memory_space<vmem>> -> memref<1x128x64xf32, #tpu.memory_space<vmem>>
        %get3A_486 = tpu.memref_squeeze %get3A_485 : memref<1x128x64xf32, #tpu.memory_space<vmem>> -> memref<128x64xf32, #tpu.memory_space<vmem>>
        %get3A_487 = arith.index_cast %scan3A_369 : i32 to index
        %get3A_488 = arith.constant 48 : index
        %get3A_489 = tpu.vector_load %get3A_486[%get3A_487, %get3A_488] {strides = array<i32>} : memref<128x64xf32, #tpu.memory_space<vmem>>, vector<1x16xf32>,
        %get3A_490 = vector.shape_cast %get3A_489 : vector<1x16xf32> to vector<16xf32>
        %mul3A_491 = arith.mulf %get3A_490, %gather3A_428 : vector<16xf32>
        %swap3A_492 = arith.constant 0 : i32
        %swap3A_493 = arith.constant 0 : i32
        %swap3A_494 = tpu.memref_slice %arg11[%scan3A_182, %swap3A_492, %swap3A_493] : memref<3x128x64xf32, #tpu.memory_space<vmem>> -> memref<1x128x64xf32, #tpu.memory_space<vmem>>
        %swap3A_495 = tpu.memref_squeeze %swap3A_494 : memref<1x128x64xf32, #tpu.memory_space<vmem>> -> memref<128x64xf32, #tpu.memory_space<vmem>>
        %swap3A_496 = arith.index_cast %scan3A_369 : i32 to index
        %swap3A_497 = arith.constant 48 : index
        %swap3A_498 = tpu.vector_load %swap3A_495[%swap3A_496, %swap3A_497] {strides = array<i32>} : memref<128x64xf32, #tpu.memory_space<vmem>>, vector<1x16xf32>,
        %swap3A_499 = vector.shape_cast %swap3A_498 : vector<1x16xf32> to vector<16xf32>
        %swap3A_500 = vector.shape_cast %mul3A_491 : vector<16xf32> to vector<1x16xf32>
        tpu.vector_store %swap3A_495[%swap3A_496, %swap3A_497], %swap3A_500 {strides = array<i32>} : memref<128x64xf32, #tpu.memory_space<vmem>>, vector<1x16xf32>,
        %scan3A_501 = arith.constant 2 : i32
        %scan3A_502 = arith.addi %scan3A_248, %scan3A_501 : i32
        %mul3A_503 = arith.constant 128 : i32
        %mul3A_504 = arith.muli %add3A_153, %mul3A_503 : i32
        %jit3A_505 = arith.constant 16 : i32
        %div3A_506 = arith.divsi %scan3A_502, %jit3A_505 : i32
        %sign3A_507 = arith.constant 0 : i32
        %sign3A_508 = arith.cmpi sgt, %scan3A_502, %sign3A_507 : i32
        %sign3A_509 = arith.extui %sign3A_508 : i1 to i32
        %sign3A_510 = arith.constant 0 : i32
        %sign3A_511 = arith.cmpi slt, %scan3A_502, %sign3A_510 : i32
        %sign3A_512 = arith.extui %sign3A_511 : i1 to i32
        %sign3A_513 = arith.subi %sign3A_509, %sign3A_512 : i32
        %sign3A_514 = arith.constant 0 : i32
        %sign3A_515 = arith.cmpi sgt, %jit3A_505, %sign3A_514 : i32
        %sign3A_516 = arith.extui %sign3A_515 : i1 to i32
        %sign3A_517 = arith.constant 0 : i32
        %sign3A_518 = arith.cmpi slt, %jit3A_505, %sign3A_517 : i32
        %sign3A_519 = arith.extui %sign3A_518 : i1 to i32
        %sign3A_520 = arith.subi %sign3A_516, %sign3A_519 : i32
        %ne3A_521 = arith.cmpi ne, %sign3A_513, %sign3A_520 : i32
        %rem3A_522 = arith.remsi %scan3A_502, %jit3A_505 : i32
        %ne3A_523 = arith.constant 0 : i32
        %ne3A_524 = arith.cmpi ne, %rem3A_522, %ne3A_523 : i32
        %and3A_525 = arith.andi %ne3A_521, %ne3A_524 : i1
        %sub3A_526 = arith.constant 1 : i32
        %sub3A_527 = arith.subi %div3A_506, %sub3A_526 : i32
        %select_n3A_528 = arith.select %and3A_525, %sub3A_527, %div3A_506 : i32
        %mul3A_529 = arith.constant 16 : i32
        %mul3A_530 = arith.muli %select_n3A_528, %mul3A_529 : i32
        %add3A_531 = arith.addi %mul3A_504, %mul3A_530 : i32
        %get3A_532 = arith.index_cast %add3A_531 : i32 to index
        %get3A_533 = tpu.vector_load %arg10[%get3A_532] {strides = array<i32>} : memref<20096xf32, #tpu.memory_space<vmem>>, vector<16xf32>,
        %get3A_534 = vector.shape_cast %get3A_533 : vector<16xf32> to vector<16xf32>
        %jit3A_535 = arith.constant 16 : i32
        %eq3A_536 = arith.constant 0 : i32
        %eq3A_537 = arith.cmpi eq, %jit3A_535, %eq3A_536 : i32
        %jit3A_538 = arith.constant 1 : i32
        %select_n3A_539 = arith.select %eq3A_537, %jit3A_538, %jit3A_535 : i32
        %rem3A_540 = arith.remsi %scan3A_502, %select_n3A_539 : i32
        %ne3A_541 = arith.constant 0 : i32
        %ne3A_542 = arith.cmpi ne, %rem3A_540, %ne3A_541 : i32
        %lt3A_543 = arith.constant 0 : i32
        %lt3A_544 = arith.cmpi slt, %rem3A_540, %lt3A_543 : i32
        %lt3A_545 = arith.constant 0 : i32
        %lt3A_546 = arith.cmpi slt, %select_n3A_539, %lt3A_545 : i32
        %ne3A_547 = arith.xori %lt3A_544, %lt3A_546 : i1
        %and3A_548 = arith.andi %ne3A_547, %ne3A_542 : i1
        %add3A_549 = arith.addi %rem3A_540, %select_n3A_539 : i32
        %select_n3A_550 = arith.select %and3A_548, %add3A_549, %rem3A_540 : i32
        %broadcast_in_dim3A_551 = vector.broadcast %select_n3A_550 : i32 to vector<16xi32>
        %lt3A_552 = arith.constant 0 : i32
        %lt3A_553 = vector.broadcast %lt3A_552 : i32 to vector<16xi32>
        %lt3A_554 = arith.cmpi slt, %broadcast_in_dim3A_551, %lt3A_553 : vector<16xi32>
        %add3A_555 = arith.constant 16 : i32
        %add3A_556 = vector.broadcast %add3A_555 : i32 to vector<16xi32>
        %add3A_557 = arith.addi %broadcast_in_dim3A_551, %add3A_556 : vector<16xi32>
        %select_n3A_558 = arith.select %lt3A_554, %add3A_557, %broadcast_in_dim3A_551 : vector<16xi1>, vector<16xi32>
        %broadcast_in_dim3A_559 = vector.shape_cast %select_n3A_558 : vector<16xi32> to vector<16x1xi32>
        %gather3A_560 = vector.shape_cast %broadcast_in_dim3A_559 : vector<16x1xi32> to vector<16xi32>
        %gather3A_561 = tpu.dynamic_gather %get3A_534[%gather3A_560] in [0] : vector<16xf32>, vector<16xi32> -> vector<16xf32>
        %get3A_562 = arith.constant 0 : i32
        %get3A_563 = arith.constant 0 : i32
        %get3A_564 = tpu.memref_slice %arg11[%scan3A_182, %get3A_562, %get3A_563] : memref<3x128x64xf32, #tpu.memory_space<vmem>> -> memref<1x128x64xf32, #tpu.memory_space<vmem>>
        %get3A_565 = tpu.memref_squeeze %get3A_564 : memref<1x128x64xf32, #tpu.memory_space<vmem>> -> memref<128x64xf32, #tpu.memory_space<vmem>>
        %get3A_566 = arith.index_cast %scan3A_502 : i32 to index
        %get3A_567 = arith.constant 0 : index
        %get3A_568 = tpu.vector_load %get3A_565[%get3A_566, %get3A_567] {strides = array<i32>} : memref<128x64xf32, #tpu.memory_space<vmem>>, vector<1x16xf32>,
        %get3A_569 = vector.shape_cast %get3A_568 : vector<1x16xf32> to vector<16xf32>
        %mul3A_570 = arith.mulf %get3A_569, %gather3A_561 : vector<16xf32>
        %swap3A_571 = arith.constant 0 : i32
        %swap3A_572 = arith.constant 0 : i32
        %swap3A_573 = tpu.memref_slice %arg11[%scan3A_182, %swap3A_571, %swap3A_572] : memref<3x128x64xf32, #tpu.memory_space<vmem>> -> memref<1x128x64xf32, #tpu.memory_space<vmem>>
        %swap3A_574 = tpu.memref_squeeze %swap3A_573 : memref<1x128x64xf32, #tpu.memory_space<vmem>> -> memref<128x64xf32, #tpu.memory_space<vmem>>
        %swap3A_575 = arith.index_cast %scan3A_502 : i32 to index
        %swap3A_576 = arith.constant 0 : index
        %swap3A_577 = tpu.vector_load %swap3A_574[%swap3A_575, %swap3A_576] {strides = array<i32>} : memref<128x64xf32, #tpu.memory_space<vmem>>, vector<1x16xf32>,
        %swap3A_578 = vector.shape_cast %swap3A_577 : vector<1x16xf32> to vector<16xf32>
        %swap3A_579 = vector.shape_cast %mul3A_570 : vector<16xf32> to vector<1x16xf32>
        tpu.vector_store %swap3A_574[%swap3A_575, %swap3A_576], %swap3A_579 {strides = array<i32>} : memref<128x64xf32, #tpu.memory_space<vmem>>, vector<1x16xf32>,
        %get3A_580 = arith.constant 0 : i32
        %get3A_581 = arith.constant 0 : i32
        %get3A_582 = tpu.memref_slice %arg11[%scan3A_182, %get3A_580, %get3A_581] : memref<3x128x64xf32, #tpu.memory_space<vmem>> -> memref<1x128x64xf32, #tpu.memory_space<vmem>>
        %get3A_583 = tpu.memref_squeeze %get3A_582 : memref<1x128x64xf32, #tpu.memory_space<vmem>> -> memref<128x64xf32, #tpu.memory_space<vmem>>
        %get3A_584 = arith.index_cast %scan3A_502 : i32 to index
        %get3A_585 = arith.constant 16 : index
        %get3A_586 = tpu.vector_load %get3A_583[%get3A_584, %get3A_585] {strides = array<i32>} : memref<128x64xf32, #tpu.memory_space<vmem>>, vector<1x16xf32>,
        %get3A_587 = vector.shape_cast %get3A_586 : vector<1x16xf32> to vector<16xf32>
        %mul3A_588 = arith.mulf %get3A_587, %gather3A_561 : vector<16xf32>
        %swap3A_589 = arith.constant 0 : i32
        %swap3A_590 = arith.constant 0 : i32
        %swap3A_591 = tpu.memref_slice %arg11[%scan3A_182, %swap3A_589, %swap3A_590] : memref<3x128x64xf32, #tpu.memory_space<vmem>> -> memref<1x128x64xf32, #tpu.memory_space<vmem>>
        %swap3A_592 = tpu.memref_squeeze %swap3A_591 : memref<1x128x64xf32, #tpu.memory_space<vmem>> -> memref<128x64xf32, #tpu.memory_space<vmem>>
        %swap3A_593 = arith.index_cast %scan3A_502 : i32 to index
        %swap3A_594 = arith.constant 16 : index
        %swap3A_595 = tpu.vector_load %swap3A_592[%swap3A_593, %swap3A_594] {strides = array<i32>} : memref<128x64xf32, #tpu.memory_space<vmem>>, vector<1x16xf32>,
        %swap3A_596 = vector.shape_cast %swap3A_595 : vector<1x16xf32> to vector<16xf32>
        %swap3A_597 = vector.shape_cast %mul3A_588 : vector<16xf32> to vector<1x16xf32>
        tpu.vector_store %swap3A_592[%swap3A_593, %swap3A_594], %swap3A_597 {strides = array<i32>} : memref<128x64xf32, #tpu.memory_space<vmem>>, vector<1x16xf32>,
        %get3A_598 = arith.constant 0 : i32
        %get3A_599 = arith.constant 0 : i32
        %get3A_600 = tpu.memref_slice %arg11[%scan3A_182, %get3A_598, %get3A_599] : memref<3x128x64xf32, #tpu.memory_space<vmem>> -> memref<1x128x64xf32, #tpu.memory_space<vmem>>
        %get3A_601 = tpu.memref_squeeze %get3A_600 : memref<1x128x64xf32, #tpu.memory_space<vmem>> -> memref<128x64xf32, #tpu.memory_space<vmem>>
        %get3A_602 = arith.index_cast %scan3A_502 : i32 to index
        %get3A_603 = arith.constant 32 : index
        %get3A_604 = tpu.vector_load %get3A_601[%get3A_602, %get3A_603] {strides = array<i32>} : memref<128x64xf32, #tpu.memory_space<vmem>>, vector<1x16xf32>,
        %get3A_605 = vector.shape_cast %get3A_604 : vector<1x16xf32> to vector<16xf32>
        %mul3A_606 = arith.mulf %get3A_605, %gather3A_561 : vector<16xf32>
        %swap3A_607 = arith.constant 0 : i32
        %swap3A_608 = arith.constant 0 : i32
        %swap3A_609 = tpu.memref_slice %arg11[%scan3A_182, %swap3A_607, %swap3A_608] : memref<3x128x64xf32, #tpu.memory_space<vmem>> -> memref<1x128x64xf32, #tpu.memory_space<vmem>>
        %swap3A_610 = tpu.memref_squeeze %swap3A_609 : memref<1x128x64xf32, #tpu.memory_space<vmem>> -> memref<128x64xf32, #tpu.memory_space<vmem>>
        %swap3A_611 = arith.index_cast %scan3A_502 : i32 to index
        %swap3A_612 = arith.constant 32 : index
        %swap3A_613 = tpu.vector_load %swap3A_610[%swap3A_611, %swap3A_612] {strides = array<i32>} : memref<128x64xf32, #tpu.memory_space<vmem>>, vector<1x16xf32>,
        %swap3A_614 = vector.shape_cast %swap3A_613 : vector<1x16xf32> to vector<16xf32>
        %swap3A_615 = vector.shape_cast %mul3A_606 : vector<16xf32> to vector<1x16xf32>
        tpu.vector_store %swap3A_610[%swap3A_611, %swap3A_612], %swap3A_615 {strides = array<i32>} : memref<128x64xf32, #tpu.memory_space<vmem>>, vector<1x16xf32>,
        %get3A_616 = arith.constant 0 : i32
        %get3A_617 = arith.constant 0 : i32
        %get3A_618 = tpu.memref_slice %arg11[%scan3A_182, %get3A_616, %get3A_617] : memref<3x128x64xf32, #tpu.memory_space<vmem>> -> memref<1x128x64xf32, #tpu.memory_space<vmem>>
        %get3A_619 = tpu.memref_squeeze %get3A_618 : memref<1x128x64xf32, #tpu.memory_space<vmem>> -> memref<128x64xf32, #tpu.memory_space<vmem>>
        %get3A_620 = arith.index_cast %scan3A_502 : i32 to index
        %get3A_621 = arith.constant 48 : index
        %get3A_622 = tpu.vector_load %get3A_619[%get3A_620, %get3A_621] {strides = array<i32>} : memref<128x64xf32, #tpu.memory_space<vmem>>, vector<1x16xf32>,
        %get3A_623 = vector.shape_cast %get3A_622 : vector<1x16xf32> to vector<16xf32>
        %mul3A_624 = arith.mulf %get3A_623, %gather3A_561 : vector<16xf32>
        %swap3A_625 = arith.constant 0 : i32
        %swap3A_626 = arith.constant 0 : i32
        %swap3A_627 = tpu.memref_slice %arg11[%scan3A_182, %swap3A_625, %swap3A_626] : memref<3x128x64xf32, #tpu.memory_space<vmem>> -> memref<1x128x64xf32, #tpu.memory_space<vmem>>
        %swap3A_628 = tpu.memref_squeeze %swap3A_627 : memref<1x128x64xf32, #tpu.memory_space<vmem>> -> memref<128x64xf32, #tpu.memory_space<vmem>>
        %swap3A_629 = arith.index_cast %scan3A_502 : i32 to index
        %swap3A_630 = arith.constant 48 : index
        %swap3A_631 = tpu.vector_load %swap3A_628[%swap3A_629, %swap3A_630] {strides = array<i32>} : memref<128x64xf32, #tpu.memory_space<vmem>>, vector<1x16xf32>,
        %swap3A_632 = vector.shape_cast %swap3A_631 : vector<1x16xf32> to vector<16xf32>
        %swap3A_633 = vector.shape_cast %mul3A_624 : vector<16xf32> to vector<1x16xf32>
        tpu.vector_store %swap3A_628[%swap3A_629, %swap3A_630], %swap3A_633 {strides = array<i32>} : memref<128x64xf32, #tpu.memory_space<vmem>>, vector<1x16xf32>,
        %scan3A_634 = arith.constant 3 : i32
        %scan3A_635 = arith.addi %scan3A_248, %scan3A_634 : i32
        %mul3A_636 = arith.constant 128 : i32
        %mul3A_637 = arith.muli %add3A_153, %mul3A_636 : i32
        %jit3A_638 = arith.constant 16 : i32
        %div3A_639 = arith.divsi %scan3A_635, %jit3A_638 : i32
        %sign3A_640 = arith.constant 0 : i32
        %sign3A_641 = arith.cmpi sgt, %scan3A_635, %sign3A_640 : i32
        %sign3A_642 = arith.extui %sign3A_641 : i1 to i32
        %sign3A_643 = arith.constant 0 : i32
        %sign3A_644 = arith.cmpi slt, %scan3A_635, %sign3A_643 : i32
        %sign3A_645 = arith.extui %sign3A_644 : i1 to i32
        %sign3A_646 = arith.subi %sign3A_642, %sign3A_645 : i32
        %sign3A_647 = arith.constant 0 : i32
        %sign3A_648 = arith.cmpi sgt, %jit3A_638, %sign3A_647 : i32
        %sign3A_649 = arith.extui %sign3A_648 : i1 to i32
        %sign3A_650 = arith.constant 0 : i32
        %sign3A_651 = arith.cmpi slt, %jit3A_638, %sign3A_650 : i32
        %sign3A_652 = arith.extui %sign3A_651 : i1 to i32
        %sign3A_653 = arith.subi %sign3A_649, %sign3A_652 : i32
        %ne3A_654 = arith.cmpi ne, %sign3A_646, %sign3A_653 : i32
        %rem3A_655 = arith.remsi %scan3A_635, %jit3A_638 : i32
        %ne3A_656 = arith.constant 0 : i32
        %ne3A_657 = arith.cmpi ne, %rem3A_655, %ne3A_656 : i32
        %and3A_658 = arith.andi %ne3A_654, %ne3A_657 : i1
        %sub3A_659 = arith.constant 1 : i32
        %sub3A_660 = arith.subi %div3A_639, %sub3A_659 : i32
        %select_n3A_661 = arith.select %and3A_658, %sub3A_660, %div3A_639 : i32
        %mul3A_662 = arith.constant 16 : i32
        %mul3A_663 = arith.muli %select_n3A_661, %mul3A_662 : i32
        %add3A_664 = arith.addi %mul3A_637, %mul3A_663 : i32
        %get3A_665 = arith.index_cast %add3A_664 : i32 to index
        %get3A_666 = tpu.vector_load %arg10[%get3A_665] {strides = array<i32>} : memref<20096xf32, #tpu.memory_space<vmem>>, vector<16xf32>,
        %get3A_667 = vector.shape_cast %get3A_666 : vector<16xf32> to vector<16xf32>
        %jit3A_668 = arith.constant 16 : i32
        %eq3A_669 = arith.constant 0 : i32
        %eq3A_670 = arith.cmpi eq, %jit3A_668, %eq3A_669 : i32
        %jit3A_671 = arith.constant 1 : i32
        %select_n3A_672 = arith.select %eq3A_670, %jit3A_671, %jit3A_668 : i32
        %rem3A_673 = arith.remsi %scan3A_635, %select_n3A_672 : i32
        %ne3A_674 = arith.constant 0 : i32
        %ne3A_675 = arith.cmpi ne, %rem3A_673, %ne3A_674 : i32
        %lt3A_676 = arith.constant 0 : i32
        %lt3A_677 = arith.cmpi slt, %rem3A_673, %lt3A_676 : i32
        %lt3A_678 = arith.constant 0 : i32
        %lt3A_679 = arith.cmpi slt, %select_n3A_672, %lt3A_678 : i32
        %ne3A_680 = arith.xori %lt3A_677, %lt3A_679 : i1
        %and3A_681 = arith.andi %ne3A_680, %ne3A_675 : i1
        %add3A_682 = arith.addi %rem3A_673, %select_n3A_672 : i32
        %select_n3A_683 = arith.select %and3A_681, %add3A_682, %rem3A_673 : i32
        %broadcast_in_dim3A_684 = vector.broadcast %select_n3A_683 : i32 to vector<16xi32>
        %lt3A_685 = arith.constant 0 : i32
        %lt3A_686 = vector.broadcast %lt3A_685 : i32 to vector<16xi32>
        %lt3A_687 = arith.cmpi slt, %broadcast_in_dim3A_684, %lt3A_686 : vector<16xi32>
        %add3A_688 = arith.constant 16 : i32
        %add3A_689 = vector.broadcast %add3A_688 : i32 to vector<16xi32>
        %add3A_690 = arith.addi %broadcast_in_dim3A_684, %add3A_689 : vector<16xi32>
        %select_n3A_691 = arith.select %lt3A_687, %add3A_690, %broadcast_in_dim3A_684 : vector<16xi1>, vector<16xi32>
        %broadcast_in_dim3A_692 = vector.shape_cast %select_n3A_691 : vector<16xi32> to vector<16x1xi32>
        %gather3A_693 = vector.shape_cast %broadcast_in_dim3A_692 : vector<16x1xi32> to vector<16xi32>
        %gather3A_694 = tpu.dynamic_gather %get3A_667[%gather3A_693] in [0] : vector<16xf32>, vector<16xi32> -> vector<16xf32>
        %get3A_695 = arith.constant 0 : i32
        %get3A_696 = arith.constant 0 : i32
        %get3A_697 = tpu.memref_slice %arg11[%scan3A_182, %get3A_695, %get3A_696] : memref<3x128x64xf32, #tpu.memory_space<vmem>> -> memref<1x128x64xf32, #tpu.memory_space<vmem>>
        %get3A_698 = tpu.memref_squeeze %get3A_697 : memref<1x128x64xf32, #tpu.memory_space<vmem>> -> memref<128x64xf32, #tpu.memory_space<vmem>>
        %get3A_699 = arith.index_cast %scan3A_635 : i32 to index
        %get3A_700 = arith.constant 0 : index
        %get3A_701 = tpu.vector_load %get3A_698[%get3A_699, %get3A_700] {strides = array<i32>} : memref<128x64xf32, #tpu.memory_space<vmem>>, vector<1x16xf32>,
        %get3A_702 = vector.shape_cast %get3A_701 : vector<1x16xf32> to vector<16xf32>
        %mul3A_703 = arith.mulf %get3A_702, %gather3A_694 : vector<16xf32>
        %swap3A_704 = arith.constant 0 : i32
        %swap3A_705 = arith.constant 0 : i32
        %swap3A_706 = tpu.memref_slice %arg11[%scan3A_182, %swap3A_704, %swap3A_705] : memref<3x128x64xf32, #tpu.memory_space<vmem>> -> memref<1x128x64xf32, #tpu.memory_space<vmem>>
        %swap3A_707 = tpu.memref_squeeze %swap3A_706 : memref<1x128x64xf32, #tpu.memory_space<vmem>> -> memref<128x64xf32, #tpu.memory_space<vmem>>
        %swap3A_708 = arith.index_cast %scan3A_635 : i32 to index
        %swap3A_709 = arith.constant 0 : index
        %swap3A_710 = tpu.vector_load %swap3A_707[%swap3A_708, %swap3A_709] {strides = array<i32>} : memref<128x64xf32, #tpu.memory_space<vmem>>, vector<1x16xf32>,
        %swap3A_711 = vector.shape_cast %swap3A_710 : vector<1x16xf32> to vector<16xf32>
        %swap3A_712 = vector.shape_cast %mul3A_703 : vector<16xf32> to vector<1x16xf32>
        tpu.vector_store %swap3A_707[%swap3A_708, %swap3A_709], %swap3A_712 {strides = array<i32>} : memref<128x64xf32, #tpu.memory_space<vmem>>, vector<1x16xf32>,
        %get3A_713 = arith.constant 0 : i32
        %get3A_714 = arith.constant 0 : i32
        %get3A_715 = tpu.memref_slice %arg11[%scan3A_182, %get3A_713, %get3A_714] : memref<3x128x64xf32, #tpu.memory_space<vmem>> -> memref<1x128x64xf32, #tpu.memory_space<vmem>>
        %get3A_716 = tpu.memref_squeeze %get3A_715 : memref<1x128x64xf32, #tpu.memory_space<vmem>> -> memref<128x64xf32, #tpu.memory_space<vmem>>
        %get3A_717 = arith.index_cast %scan3A_635 : i32 to index
        %get3A_718 = arith.constant 16 : index
        %get3A_719 = tpu.vector_load %get3A_716[%get3A_717, %get3A_718] {strides = array<i32>} : memref<128x64xf32, #tpu.memory_space<vmem>>, vector<1x16xf32>,
        %get3A_720 = vector.shape_cast %get3A_719 : vector<1x16xf32> to vector<16xf32>
        %mul3A_721 = arith.mulf %get3A_720, %gather3A_694 : vector<16xf32>
        %swap3A_722 = arith.constant 0 : i32
        %swap3A_723 = arith.constant 0 : i32
        %swap3A_724 = tpu.memref_slice %arg11[%scan3A_182, %swap3A_722, %swap3A_723] : memref<3x128x64xf32, #tpu.memory_space<vmem>> -> memref<1x128x64xf32, #tpu.memory_space<vmem>>
        %swap3A_725 = tpu.memref_squeeze %swap3A_724 : memref<1x128x64xf32, #tpu.memory_space<vmem>> -> memref<128x64xf32, #tpu.memory_space<vmem>>
        %swap3A_726 = arith.index_cast %scan3A_635 : i32 to index
        %swap3A_727 = arith.constant 16 : index
        %swap3A_728 = tpu.vector_load %swap3A_725[%swap3A_726, %swap3A_727] {strides = array<i32>} : memref<128x64xf32, #tpu.memory_space<vmem>>, vector<1x16xf32>,
        %swap3A_729 = vector.shape_cast %swap3A_728 : vector<1x16xf32> to vector<16xf32>
        %swap3A_730 = vector.shape_cast %mul3A_721 : vector<16xf32> to vector<1x16xf32>
        tpu.vector_store %swap3A_725[%swap3A_726, %swap3A_727], %swap3A_730 {strides = array<i32>} : memref<128x64xf32, #tpu.memory_space<vmem>>, vector<1x16xf32>,
        %get3A_731 = arith.constant 0 : i32
        %get3A_732 = arith.constant 0 : i32
        %get3A_733 = tpu.memref_slice %arg11[%scan3A_182, %get3A_731, %get3A_732] : memref<3x128x64xf32, #tpu.memory_space<vmem>> -> memref<1x128x64xf32, #tpu.memory_space<vmem>>
        %get3A_734 = tpu.memref_squeeze %get3A_733 : memref<1x128x64xf32, #tpu.memory_space<vmem>> -> memref<128x64xf32, #tpu.memory_space<vmem>>
        %get3A_735 = arith.index_cast %scan3A_635 : i32 to index
        %get3A_736 = arith.constant 32 : index
        %get3A_737 = tpu.vector_load %get3A_734[%get3A_735, %get3A_736] {strides = array<i32>} : memref<128x64xf32, #tpu.memory_space<vmem>>, vector<1x16xf32>,
        %get3A_738 = vector.shape_cast %get3A_737 : vector<1x16xf32> to vector<16xf32>
        %mul3A_739 = arith.mulf %get3A_738, %gather3A_694 : vector<16xf32>
        %swap3A_740 = arith.constant 0 : i32
        %swap3A_741 = arith.constant 0 : i32
        %swap3A_742 = tpu.memref_slice %arg11[%scan3A_182, %swap3A_740, %swap3A_741] : memref<3x128x64xf32, #tpu.memory_space<vmem>> -> memref<1x128x64xf32, #tpu.memory_space<vmem>>
        %swap3A_743 = tpu.memref_squeeze %swap3A_742 : memref<1x128x64xf32, #tpu.memory_space<vmem>> -> memref<128x64xf32, #tpu.memory_space<vmem>>
        %swap3A_744 = arith.index_cast %scan3A_635 : i32 to index
        %swap3A_745 = arith.constant 32 : index
        %swap3A_746 = tpu.vector_load %swap3A_743[%swap3A_744, %swap3A_745] {strides = array<i32>} : memref<128x64xf32, #tpu.memory_space<vmem>>, vector<1x16xf32>,
        %swap3A_747 = vector.shape_cast %swap3A_746 : vector<1x16xf32> to vector<16xf32>
        %swap3A_748 = vector.shape_cast %mul3A_739 : vector<16xf32> to vector<1x16xf32>
        tpu.vector_store %swap3A_743[%swap3A_744, %swap3A_745], %swap3A_748 {strides = array<i32>} : memref<128x64xf32, #tpu.memory_space<vmem>>, vector<1x16xf32>,
        %get3A_749 = arith.constant 0 : i32
        %get3A_750 = arith.constant 0 : i32
        %get3A_751 = tpu.memref_slice %arg11[%scan3A_182, %get3A_749, %get3A_750] : memref<3x128x64xf32, #tpu.memory_space<vmem>> -> memref<1x128x64xf32, #tpu.memory_space<vmem>>
        %get3A_752 = tpu.memref_squeeze %get3A_751 : memref<1x128x64xf32, #tpu.memory_space<vmem>> -> memref<128x64xf32, #tpu.memory_space<vmem>>
        %get3A_753 = arith.index_cast %scan3A_635 : i32 to index
        %get3A_754 = arith.constant 48 : index
        %get3A_755 = tpu.vector_load %get3A_752[%get3A_753, %get3A_754] {strides = array<i32>} : memref<128x64xf32, #tpu.memory_space<vmem>>, vector<1x16xf32>,
        %get3A_756 = vector.shape_cast %get3A_755 : vector<1x16xf32> to vector<16xf32>
        %mul3A_757 = arith.mulf %get3A_756, %gather3A_694 : vector<16xf32>
        %swap3A_758 = arith.constant 0 : i32
        %swap3A_759 = arith.constant 0 : i32
        %swap3A_760 = tpu.memref_slice %arg11[%scan3A_182, %swap3A_758, %swap3A_759] : memref<3x128x64xf32, #tpu.memory_space<vmem>> -> memref<1x128x64xf32, #tpu.memory_space<vmem>>
        %swap3A_761 = tpu.memref_squeeze %swap3A_760 : memref<1x128x64xf32, #tpu.memory_space<vmem>> -> memref<128x64xf32, #tpu.memory_space<vmem>>
        %swap3A_762 = arith.index_cast %scan3A_635 : i32 to index
        %swap3A_763 = arith.constant 48 : index
        %swap3A_764 = tpu.vector_load %swap3A_761[%swap3A_762, %swap3A_763] {strides = array<i32>} : memref<128x64xf32, #tpu.memory_space<vmem>>, vector<1x16xf32>,
        %swap3A_765 = vector.shape_cast %swap3A_764 : vector<1x16xf32> to vector<16xf32>
        %swap3A_766 = vector.shape_cast %mul3A_757 : vector<16xf32> to vector<1x16xf32>
        tpu.vector_store %swap3A_761[%swap3A_762, %swap3A_763], %swap3A_766 {strides = array<i32>} : memref<128x64xf32, #tpu.memory_space<vmem>>, vector<1x16xf32>,
        %scan3A_767 = arith.constant 4 : i32
        %scan3A_768 = arith.addi %scan3A_248, %scan3A_767 : i32
        %mul3A_769 = arith.constant 128 : i32
        %mul3A_770 = arith.muli %add3A_153, %mul3A_769 : i32
        %jit3A_771 = arith.constant 16 : i32
        %div3A_772 = arith.divsi %scan3A_768, %jit3A_771 : i32
        %sign3A_773 = arith.constant 0 : i32
        %sign3A_774 = arith.cmpi sgt, %scan3A_768, %sign3A_773 : i32
        %sign3A_775 = arith.extui %sign3A_774 : i1 to i32
        %sign3A_776 = arith.constant 0 : i32
        %sign3A_777 = arith.cmpi slt, %scan3A_768, %sign3A_776 : i32
        %sign3A_778 = arith.extui %sign3A_777 : i1 to i32
        %sign3A_779 = arith.subi %sign3A_775, %sign3A_778 : i32
        %sign3A_780 = arith.constant 0 : i32
        %sign3A_781 = arith.cmpi sgt, %jit3A_771, %sign3A_780 : i32
        %sign3A_782 = arith.extui %sign3A_781 : i1 to i32
        %sign3A_783 = arith.constant 0 : i32
        %sign3A_784 = arith.cmpi slt, %jit3A_771, %sign3A_783 : i32
        %sign3A_785 = arith.extui %sign3A_784 : i1 to i32
        %sign3A_786 = arith.subi %sign3A_782, %sign3A_785 : i32
        %ne3A_787 = arith.cmpi ne, %sign3A_779, %sign3A_786 : i32
        %rem3A_788 = arith.remsi %scan3A_768, %jit3A_771 : i32
        %ne3A_789 = arith.constant 0 : i32
        %ne3A_790 = arith.cmpi ne, %rem3A_788, %ne3A_789 : i32
        %and3A_791 = arith.andi %ne3A_787, %ne3A_790 : i1
        %sub3A_792 = arith.constant 1 : i32
        %sub3A_793 = arith.subi %div3A_772, %sub3A_792 : i32
        %select_n3A_794 = arith.select %and3A_791, %sub3A_793, %div3A_772 : i32
        %mul3A_795 = arith.constant 16 : i32
        %mul3A_796 = arith.muli %select_n3A_794, %mul3A_795 : i32
        %add3A_797 = arith.addi %mul3A_770, %mul3A_796 : i32
        %get3A_798 = arith.index_cast %add3A_797 : i32 to index
        %get3A_799 = tpu.vector_load %arg10[%get3A_798] {strides = array<i32>} : memref<20096xf32, #tpu.memory_space<vmem>>, vector<16xf32>,
        %get3A_800 = vector.shape_cast %get3A_799 : vector<16xf32> to vector<16xf32>
        %jit3A_801 = arith.constant 16 : i32
        %eq3A_802 = arith.constant 0 : i32
        %eq3A_803 = arith.cmpi eq, %jit3A_801, %eq3A_802 : i32
        %jit3A_804 = arith.constant 1 : i32
        %select_n3A_805 = arith.select %eq3A_803, %jit3A_804, %jit3A_801 : i32
        %rem3A_806 = arith.remsi %scan3A_768, %select_n3A_805 : i32
        %ne3A_807 = arith.constant 0 : i32
        %ne3A_808 = arith.cmpi ne, %rem3A_806, %ne3A_807 : i32
        %lt3A_809 = arith.constant 0 : i32
        %lt3A_810 = arith.cmpi slt, %rem3A_806, %lt3A_809 : i32
        %lt3A_811 = arith.constant 0 : i32
        %lt3A_812 = arith.cmpi slt, %select_n3A_805, %lt3A_811 : i32
        %ne3A_813 = arith.xori %lt3A_810, %lt3A_812 : i1
        %and3A_814 = arith.andi %ne3A_813, %ne3A_808 : i1
        %add3A_815 = arith.addi %rem3A_806, %select_n3A_805 : i32
        %select_n3A_816 = arith.select %and3A_814, %add3A_815, %rem3A_806 : i32
        %broadcast_in_dim3A_817 = vector.broadcast %select_n3A_816 : i32 to vector<16xi32>
        %lt3A_818 = arith.constant 0 : i32
        %lt3A_819 = vector.broadcast %lt3A_818 : i32 to vector<16xi32>
        %lt3A_820 = arith.cmpi slt, %broadcast_in_dim3A_817, %lt3A_819 : vector<16xi32>
        %add3A_821 = arith.constant 16 : i32
        %add3A_822 = vector.broadcast %add3A_821 : i32 to vector<16xi32>
        %add3A_823 = arith.addi %broadcast_in_dim3A_817, %add3A_822 : vector<16xi32>
        %select_n3A_824 = arith.select %lt3A_820, %add3A_823, %broadcast_in_dim3A_817 : vector<16xi1>, vector<16xi32>
        %broadcast_in_dim3A_825 = vector.shape_cast %select_n3A_824 : vector<16xi32> to vector<16x1xi32>
        %gather3A_826 = vector.shape_cast %broadcast_in_dim3A_825 : vector<16x1xi32> to vector<16xi32>
        %gather3A_827 = tpu.dynamic_gather %get3A_800[%gather3A_826] in [0] : vector<16xf32>, vector<16xi32> -> vector<16xf32>
        %get3A_828 = arith.constant 0 : i32
        %get3A_829 = arith.constant 0 : i32
        %get3A_830 = tpu.memref_slice %arg11[%scan3A_182, %get3A_828, %get3A_829] : memref<3x128x64xf32, #tpu.memory_space<vmem>> -> memref<1x128x64xf32, #tpu.memory_space<vmem>>
        %get3A_831 = tpu.memref_squeeze %get3A_830 : memref<1x128x64xf32, #tpu.memory_space<vmem>> -> memref<128x64xf32, #tpu.memory_space<vmem>>
        %get3A_832 = arith.index_cast %scan3A_768 : i32 to index
        %get3A_833 = arith.constant 0 : index
        %get3A_834 = tpu.vector_load %get3A_831[%get3A_832, %get3A_833] {strides = array<i32>} : memref<128x64xf32, #tpu.memory_space<vmem>>, vector<1x16xf32>,
        %get3A_835 = vector.shape_cast %get3A_834 : vector<1x16xf32> to vector<16xf32>
        %mul3A_836 = arith.mulf %get3A_835, %gather3A_827 : vector<16xf32>
        %swap3A_837 = arith.constant 0 : i32
        %swap3A_838 = arith.constant 0 : i32
        %swap3A_839 = tpu.memref_slice %arg11[%scan3A_182, %swap3A_837, %swap3A_838] : memref<3x128x64xf32, #tpu.memory_space<vmem>> -> memref<1x128x64xf32, #tpu.memory_space<vmem>>
        %swap3A_840 = tpu.memref_squeeze %swap3A_839 : memref<1x128x64xf32, #tpu.memory_space<vmem>> -> memref<128x64xf32, #tpu.memory_space<vmem>>
        %swap3A_841 = arith.index_cast %scan3A_768 : i32 to index
        %swap3A_842 = arith.constant 0 : index
        %swap3A_843 = tpu.vector_load %swap3A_840[%swap3A_841, %swap3A_842] {strides = array<i32>} : memref<128x64xf32, #tpu.memory_space<vmem>>, vector<1x16xf32>,
        %swap3A_844 = vector.shape_cast %swap3A_843 : vector<1x16xf32> to vector<16xf32>
        %swap3A_845 = vector.shape_cast %mul3A_836 : vector<16xf32> to vector<1x16xf32>
        tpu.vector_store %swap3A_840[%swap3A_841, %swap3A_842], %swap3A_845 {strides = array<i32>} : memref<128x64xf32, #tpu.memory_space<vmem>>, vector<1x16xf32>,
        %get3A_846 = arith.constant 0 : i32
        %get3A_847 = arith.constant 0 : i32
        %get3A_848 = tpu.memref_slice %arg11[%scan3A_182, %get3A_846, %get3A_847] : memref<3x128x64xf32, #tpu.memory_space<vmem>> -> memref<1x128x64xf32, #tpu.memory_space<vmem>>
        %get3A_849 = tpu.memref_squeeze %get3A_848 : memref<1x128x64xf32, #tpu.memory_space<vmem>> -> memref<128x64xf32, #tpu.memory_space<vmem>>
        %get3A_850 = arith.index_cast %scan3A_768 : i32 to index
        %get3A_851 = arith.constant 16 : index
        %get3A_852 = tpu.vector_load %get3A_849[%get3A_850, %get3A_851] {strides = array<i32>} : memref<128x64xf32, #tpu.memory_space<vmem>>, vector<1x16xf32>,
        %get3A_853 = vector.shape_cast %get3A_852 : vector<1x16xf32> to vector<16xf32>
        %mul3A_854 = arith.mulf %get3A_853, %gather3A_827 : vector<16xf32>
        %swap3A_855 = arith.constant 0 : i32
        %swap3A_856 = arith.constant 0 : i32
        %swap3A_857 = tpu.memref_slice %arg11[%scan3A_182, %swap3A_855, %swap3A_856] : memref<3x128x64xf32, #tpu.memory_space<vmem>> -> memref<1x128x64xf32, #tpu.memory_space<vmem>>
        %swap3A_858 = tpu.memref_squeeze %swap3A_857 : memref<1x128x64xf32, #tpu.memory_space<vmem>> -> memref<128x64xf32, #tpu.memory_space<vmem>>
        %swap3A_859 = arith.index_cast %scan3A_768 : i32 to index
        %swap3A_860 = arith.constant 16 : index
        %swap3A_861 = tpu.vector_load %swap3A_858[%swap3A_859, %swap3A_860] {strides = array<i32>} : memref<128x64xf32, #tpu.memory_space<vmem>>, vector<1x16xf32>,
        %swap3A_862 = vector.shape_cast %swap3A_861 : vector<1x16xf32> to vector<16xf32>
        %swap3A_863 = vector.shape_cast %mul3A_854 : vector<16xf32> to vector<1x16xf32>
        tpu.vector_store %swap3A_858[%swap3A_859, %swap3A_860], %swap3A_863 {strides = array<i32>} : memref<128x64xf32, #tpu.memory_space<vmem>>, vector<1x16xf32>,
        %get3A_864 = arith.constant 0 : i32
        %get3A_865 = arith.constant 0 : i32
        %get3A_866 = tpu.memref_slice %arg11[%scan3A_182, %get3A_864, %get3A_865] : memref<3x128x64xf32, #tpu.memory_space<vmem>> -> memref<1x128x64xf32, #tpu.memory_space<vmem>>
        %get3A_867 = tpu.memref_squeeze %get3A_866 : memref<1x128x64xf32, #tpu.memory_space<vmem>> -> memref<128x64xf32, #tpu.memory_space<vmem>>
        %get3A_868 = arith.index_cast %scan3A_768 : i32 to index
        %get3A_869 = arith.constant 32 : index
        %get3A_870 = tpu.vector_load %get3A_867[%get3A_868, %get3A_869] {strides = array<i32>} : memref<128x64xf32, #tpu.memory_space<vmem>>, vector<1x16xf32>,
        %get3A_871 = vector.shape_cast %get3A_870 : vector<1x16xf32> to vector<16xf32>
        %mul3A_872 = arith.mulf %get3A_871, %gather3A_827 : vector<16xf32>
        %swap3A_873 = arith.constant 0 : i32
        %swap3A_874 = arith.constant 0 : i32
        %swap3A_875 = tpu.memref_slice %arg11[%scan3A_182, %swap3A_873, %swap3A_874] : memref<3x128x64xf32, #tpu.memory_space<vmem>> -> memref<1x128x64xf32, #tpu.memory_space<vmem>>
        %swap3A_876 = tpu.memref_squeeze %swap3A_875 : memref<1x128x64xf32, #tpu.memory_space<vmem>> -> memref<128x64xf32, #tpu.memory_space<vmem>>
        %swap3A_877 = arith.index_cast %scan3A_768 : i32 to index
        %swap3A_878 = arith.constant 32 : index
        %swap3A_879 = tpu.vector_load %swap3A_876[%swap3A_877, %swap3A_878] {strides = array<i32>} : memref<128x64xf32, #tpu.memory_space<vmem>>, vector<1x16xf32>,
        %swap3A_880 = vector.shape_cast %swap3A_879 : vector<1x16xf32> to vector<16xf32>
        %swap3A_881 = vector.shape_cast %mul3A_872 : vector<16xf32> to vector<1x16xf32>
        tpu.vector_store %swap3A_876[%swap3A_877, %swap3A_878], %swap3A_881 {strides = array<i32>} : memref<128x64xf32, #tpu.memory_space<vmem>>, vector<1x16xf32>,
        %get3A_882 = arith.constant 0 : i32
        %get3A_883 = arith.constant 0 : i32
        %get3A_884 = tpu.memref_slice %arg11[%scan3A_182, %get3A_882, %get3A_883] : memref<3x128x64xf32, #tpu.memory_space<vmem>> -> memref<1x128x64xf32, #tpu.memory_space<vmem>>
        %get3A_885 = tpu.memref_squeeze %get3A_884 : memref<1x128x64xf32, #tpu.memory_space<vmem>> -> memref<128x64xf32, #tpu.memory_space<vmem>>
        %get3A_886 = arith.index_cast %scan3A_768 : i32 to index
        %get3A_887 = arith.constant 48 : index
        %get3A_888 = tpu.vector_load %get3A_885[%get3A_886, %get3A_887] {strides = array<i32>} : memref<128x64xf32, #tpu.memory_space<vmem>>, vector<1x16xf32>,
        %get3A_889 = vector.shape_cast %get3A_888 : vector<1x16xf32> to vector<16xf32>
        %mul3A_890 = arith.mulf %get3A_889, %gather3A_827 : vector<16xf32>
        %swap3A_891 = arith.constant 0 : i32
        %swap3A_892 = arith.constant 0 : i32
        %swap3A_893 = tpu.memref_slice %arg11[%scan3A_182, %swap3A_891, %swap3A_892] : memref<3x128x64xf32, #tpu.memory_space<vmem>> -> memref<1x128x64xf32, #tpu.memory_space<vmem>>
        %swap3A_894 = tpu.memref_squeeze %swap3A_893 : memref<1x128x64xf32, #tpu.memory_space<vmem>> -> memref<128x64xf32, #tpu.memory_space<vmem>>
        %swap3A_895 = arith.index_cast %scan3A_768 : i32 to index
        %swap3A_896 = arith.constant 48 : index
        %swap3A_897 = tpu.vector_load %swap3A_894[%swap3A_895, %swap3A_896] {strides = array<i32>} : memref<128x64xf32, #tpu.memory_space<vmem>>, vector<1x16xf32>,
        %swap3A_898 = vector.shape_cast %swap3A_897 : vector<1x16xf32> to vector<16xf32>
        %swap3A_899 = vector.shape_cast %mul3A_890 : vector<16xf32> to vector<1x16xf32>
        tpu.vector_store %swap3A_894[%swap3A_895, %swap3A_896], %swap3A_899 {strides = array<i32>} : memref<128x64xf32, #tpu.memory_space<vmem>>, vector<1x16xf32>,
        %scan3A_900 = arith.constant 5 : i32
        %scan3A_901 = arith.addi %scan3A_248, %scan3A_900 : i32
        %mul3A_902 = arith.constant 128 : i32
        %mul3A_903 = arith.muli %add3A_153, %mul3A_902 : i32
        %jit3A_904 = arith.constant 16 : i32
        %div3A_905 = arith.divsi %scan3A_901, %jit3A_904 : i32
        %sign3A_906 = arith.constant 0 : i32
        %sign3A_907 = arith.cmpi sgt, %scan3A_901, %sign3A_906 : i32
        %sign3A_908 = arith.extui %sign3A_907 : i1 to i32
        %sign3A_909 = arith.constant 0 : i32
        %sign3A_910 = arith.cmpi slt, %scan3A_901, %sign3A_909 : i32
        %sign3A_911 = arith.extui %sign3A_910 : i1 to i32
        %sign3A_912 = arith.subi %sign3A_908, %sign3A_911 : i32
        %sign3A_913 = arith.constant 0 : i32
        %sign3A_914 = arith.cmpi sgt, %jit3A_904, %sign3A_913 : i32
        %sign3A_915 = arith.extui %sign3A_914 : i1 to i32
        %sign3A_916 = arith.constant 0 : i32
        %sign3A_917 = arith.cmpi slt, %jit3A_904, %sign3A_916 : i32
        %sign3A_918 = arith.extui %sign3A_917 : i1 to i32
        %sign3A_919 = arith.subi %sign3A_915, %sign3A_918 : i32
        %ne3A_920 = arith.cmpi ne, %sign3A_912, %sign3A_919 : i32
        %rem3A_921 = arith.remsi %scan3A_901, %jit3A_904 : i32
        %ne3A_922 = arith.constant 0 : i32
        %ne3A_923 = arith.cmpi ne, %rem3A_921, %ne3A_922 : i32
        %and3A_924 = arith.andi %ne3A_920, %ne3A_923 : i1
        %sub3A_925 = arith.constant 1 : i32
        %sub3A_926 = arith.subi %div3A_905, %sub3A_925 : i32
        %select_n3A_927 = arith.select %and3A_924, %sub3A_926, %div3A_905 : i32
        %mul3A_928 = arith.constant 16 : i32
        %mul3A_929 = arith.muli %select_n3A_927, %mul3A_928 : i32
        %add3A_930 = arith.addi %mul3A_903, %mul3A_929 : i32
        %get3A_931 = arith.index_cast %add3A_930 : i32 to index
        %get3A_932 = tpu.vector_load %arg10[%get3A_931] {strides = array<i32>} : memref<20096xf32, #tpu.memory_space<vmem>>, vector<16xf32>,
        %get3A_933 = vector.shape_cast %get3A_932 : vector<16xf32> to vector<16xf32>
        %jit3A_934 = arith.constant 16 : i32
        %eq3A_935 = arith.constant 0 : i32
        %eq3A_936 = arith.cmpi eq, %jit3A_934, %eq3A_935 : i32
        %jit3A_937 = arith.constant 1 : i32
        %select_n3A_938 = arith.select %eq3A_936, %jit3A_937, %jit3A_934 : i32
        %rem3A_939 = arith.remsi %scan3A_901, %select_n3A_938 : i32
        %ne3A_940 = arith.constant 0 : i32
        %ne3A_941 = arith.cmpi ne, %rem3A_939, %ne3A_940 : i32
        %lt3A_942 = arith.constant 0 : i32
        %lt3A_943 = arith.cmpi slt, %rem3A_939, %lt3A_942 : i32
        %lt3A_944 = arith.constant 0 : i32
        %lt3A_945 = arith.cmpi slt, %select_n3A_938, %lt3A_944 : i32
        %ne3A_946 = arith.xori %lt3A_943, %lt3A_945 : i1
        %and3A_947 = arith.andi %ne3A_946, %ne3A_941 : i1
        %add3A_948 = arith.addi %rem3A_939, %select_n3A_938 : i32
        %select_n3A_949 = arith.select %and3A_947, %add3A_948, %rem3A_939 : i32
        %broadcast_in_dim3A_950 = vector.broadcast %select_n3A_949 : i32 to vector<16xi32>
        %lt3A_951 = arith.constant 0 : i32
        %lt3A_952 = vector.broadcast %lt3A_951 : i32 to vector<16xi32>
        %lt3A_953 = arith.cmpi slt, %broadcast_in_dim3A_950, %lt3A_952 : vector<16xi32>
        %add3A_954 = arith.constant 16 : i32
        %add3A_955 = vector.broadcast %add3A_954 : i32 to vector<16xi32>
        %add3A_956 = arith.addi %broadcast_in_dim3A_950, %add3A_955 : vector<16xi32>
        %select_n3A_957 = arith.select %lt3A_953, %add3A_956, %broadcast_in_dim3A_950 : vector<16xi1>, vector<16xi32>
        %broadcast_in_dim3A_958 = vector.shape_cast %select_n3A_957 : vector<16xi32> to vector<16x1xi32>
        %gather3A_959 = vector.shape_cast %broadcast_in_dim3A_958 : vector<16x1xi32> to vector<16xi32>
        %gather3A_960 = tpu.dynamic_gather %get3A_933[%gather3A_959] in [0] : vector<16xf32>, vector<16xi32> -> vector<16xf32>
        %get3A_961 = arith.constant 0 : i32
        %get3A_962 = arith.constant 0 : i32
        %get3A_963 = tpu.memref_slice %arg11[%scan3A_182, %get3A_961, %get3A_962] : memref<3x128x64xf32, #tpu.memory_space<vmem>> -> memref<1x128x64xf32, #tpu.memory_space<vmem>>
        %get3A_964 = tpu.memref_squeeze %get3A_963 : memref<1x128x64xf32, #tpu.memory_space<vmem>> -> memref<128x64xf32, #tpu.memory_space<vmem>>
        %get3A_965 = arith.index_cast %scan3A_901 : i32 to index
        %get3A_966 = arith.constant 0 : index
        %get3A_967 = tpu.vector_load %get3A_964[%get3A_965, %get3A_966] {strides = array<i32>} : memref<128x64xf32, #tpu.memory_space<vmem>>, vector<1x16xf32>,
        %get3A_968 = vector.shape_cast %get3A_967 : vector<1x16xf32> to vector<16xf32>
        %mul3A_969 = arith.mulf %get3A_968, %gather3A_960 : vector<16xf32>
        %swap3A_970 = arith.constant 0 : i32
        %swap3A_971 = arith.constant 0 : i32
        %swap3A_972 = tpu.memref_slice %arg11[%scan3A_182, %swap3A_970, %swap3A_971] : memref<3x128x64xf32, #tpu.memory_space<vmem>> -> memref<1x128x64xf32, #tpu.memory_space<vmem>>
        %swap3A_973 = tpu.memref_squeeze %swap3A_972 : memref<1x128x64xf32, #tpu.memory_space<vmem>> -> memref<128x64xf32, #tpu.memory_space<vmem>>
        %swap3A_974 = arith.index_cast %scan3A_901 : i32 to index
        %swap3A_975 = arith.constant 0 : index
        %swap3A_976 = tpu.vector_load %swap3A_973[%swap3A_974, %swap3A_975] {strides = array<i32>} : memref<128x64xf32, #tpu.memory_space<vmem>>, vector<1x16xf32>,
        %swap3A_977 = vector.shape_cast %swap3A_976 : vector<1x16xf32> to vector<16xf32>
        %swap3A_978 = vector.shape_cast %mul3A_969 : vector<16xf32> to vector<1x16xf32>
        tpu.vector_store %swap3A_973[%swap3A_974, %swap3A_975], %swap3A_978 {strides = array<i32>} : memref<128x64xf32, #tpu.memory_space<vmem>>, vector<1x16xf32>,
        %get3A_979 = arith.constant 0 : i32
        %get3A_980 = arith.constant 0 : i32
        %get3A_981 = tpu.memref_slice %arg11[%scan3A_182, %get3A_979, %get3A_980] : memref<3x128x64xf32, #tpu.memory_space<vmem>> -> memref<1x128x64xf32, #tpu.memory_space<vmem>>
        %get3A_982 = tpu.memref_squeeze %get3A_981 : memref<1x128x64xf32, #tpu.memory_space<vmem>> -> memref<128x64xf32, #tpu.memory_space<vmem>>
        %get3A_983 = arith.index_cast %scan3A_901 : i32 to index
        %get3A_984 = arith.constant 16 : index
        %get3A_985 = tpu.vector_load %get3A_982[%get3A_983, %get3A_984] {strides = array<i32>} : memref<128x64xf32, #tpu.memory_space<vmem>>, vector<1x16xf32>,
        %get3A_986 = vector.shape_cast %get3A_985 : vector<1x16xf32> to vector<16xf32>
        %mul3A_987 = arith.mulf %get3A_986, %gather3A_960 : vector<16xf32>
        %swap3A_988 = arith.constant 0 : i32
        %swap3A_989 = arith.constant 0 : i32
        %swap3A_990 = tpu.memref_slice %arg11[%scan3A_182, %swap3A_988, %swap3A_989] : memref<3x128x64xf32, #tpu.memory_space<vmem>> -> memref<1x128x64xf32, #tpu.memory_space<vmem>>
        %swap3A_991 = tpu.memref_squeeze %swap3A_990 : memref<1x128x64xf32, #tpu.memory_space<vmem>> -> memref<128x64xf32, #tpu.memory_space<vmem>>
        %swap3A_992 = arith.index_cast %scan3A_901 : i32 to index
        %swap3A_993 = arith.constant 16 : index
        %swap3A_994 = tpu.vector_load %swap3A_991[%swap3A_992, %swap3A_993] {strides = array<i32>} : memref<128x64xf32, #tpu.memory_space<vmem>>, vector<1x16xf32>,
        %swap3A_995 = vector.shape_cast %swap3A_994 : vector<1x16xf32> to vector<16xf32>
        %swap3A_996 = vector.shape_cast %mul3A_987 : vector<16xf32> to vector<1x16xf32>
        tpu.vector_store %swap3A_991[%swap3A_992, %swap3A_993], %swap3A_996 {strides = array<i32>} : memref<128x64xf32, #tpu.memory_space<vmem>>, vector<1x16xf32>,
        %get3A_997 = arith.constant 0 : i32
        %get3A_998 = arith.constant 0 : i32
        %get3A_999 = tpu.memref_slice %arg11[%scan3A_182, %get3A_997, %get3A_998] : memref<3x128x64xf32, #tpu.memory_space<vmem>> -> memref<1x128x64xf32, #tpu.memory_space<vmem>>
        %get3A_1000 = tpu.memref_squeeze %get3A_999 : memref<1x128x64xf32, #tpu.memory_space<vmem>> -> memref<128x64xf32, #tpu.memory_space<vmem>>
        %get3A_1001 = arith.index_cast %scan3A_901 : i32 to index
        %get3A_1002 = arith.constant 32 : index
        %get3A_1003 = tpu.vector_load %get3A_1000[%get3A_1001, %get3A_1002] {strides = array<i32>} : memref<128x64xf32, #tpu.memory_space<vmem>>, vector<1x16xf32>,
        %get3A_1004 = vector.shape_cast %get3A_1003 : vector<1x16xf32> to vector<16xf32>
        %mul3A_1005 = arith.mulf %get3A_1004, %gather3A_960 : vector<16xf32>
        %swap3A_1006 = arith.constant 0 : i32
        %swap3A_1007 = arith.constant 0 : i32
        %swap3A_1008 = tpu.memref_slice %arg11[%scan3A_182, %swap3A_1006, %swap3A_1007] : memref<3x128x64xf32, #tpu.memory_space<vmem>> -> memref<1x128x64xf32, #tpu.memory_space<vmem>>
        %swap3A_1009 = tpu.memref_squeeze %swap3A_1008 : memref<1x128x64xf32, #tpu.memory_space<vmem>> -> memref<128x64xf32, #tpu.memory_space<vmem>>
        %swap3A_1010 = arith.index_cast %scan3A_901 : i32 to index
        %swap3A_1011 = arith.constant 32 : index
        %swap3A_1012 = tpu.vector_load %swap3A_1009[%swap3A_1010, %swap3A_1011] {strides = array<i32>} : memref<128x64xf32, #tpu.memory_space<vmem>>, vector<1x16xf32>,
        %swap3A_1013 = vector.shape_cast %swap3A_1012 : vector<1x16xf32> to vector<16xf32>
        %swap3A_1014 = vector.shape_cast %mul3A_1005 : vector<16xf32> to vector<1x16xf32>
        tpu.vector_store %swap3A_1009[%swap3A_1010, %swap3A_1011], %swap3A_1014 {strides = array<i32>} : memref<128x64xf32, #tpu.memory_space<vmem>>, vector<1x16xf32>,
        %get3A_1015 = arith.constant 0 : i32
        %get3A_1016 = arith.constant 0 : i32
        %get3A_1017 = tpu.memref_slice %arg11[%scan3A_182, %get3A_1015, %get3A_1016] : memref<3x128x64xf32, #tpu.memory_space<vmem>> -> memref<1x128x64xf32, #tpu.memory_space<vmem>>
        %get3A_1018 = tpu.memref_squeeze %get3A_1017 : memref<1x128x64xf32, #tpu.memory_space<vmem>> -> memref<128x64xf32, #tpu.memory_space<vmem>>
        %get3A_1019 = arith.index_cast %scan3A_901 : i32 to index
        %get3A_1020 = arith.constant 48 : index
        %get3A_1021 = tpu.vector_load %get3A_1018[%get3A_1019, %get3A_1020] {strides = array<i32>} : memref<128x64xf32, #tpu.memory_space<vmem>>, vector<1x16xf32>,
        %get3A_1022 = vector.shape_cast %get3A_1021 : vector<1x16xf32> to vector<16xf32>
        %mul3A_1023 = arith.mulf %get3A_1022, %gather3A_960 : vector<16xf32>
        %swap3A_1024 = arith.constant 0 : i32
        %swap3A_1025 = arith.constant 0 : i32
        %swap3A_1026 = tpu.memref_slice %arg11[%scan3A_182, %swap3A_1024, %swap3A_1025] : memref<3x128x64xf32, #tpu.memory_space<vmem>> -> memref<1x128x64xf32, #tpu.memory_space<vmem>>
        %swap3A_1027 = tpu.memref_squeeze %swap3A_1026 : memref<1x128x64xf32, #tpu.memory_space<vmem>> -> memref<128x64xf32, #tpu.memory_space<vmem>>
        %swap3A_1028 = arith.index_cast %scan3A_901 : i32 to index
        %swap3A_1029 = arith.constant 48 : index
        %swap3A_1030 = tpu.vector_load %swap3A_1027[%swap3A_1028, %swap3A_1029] {strides = array<i32>} : memref<128x64xf32, #tpu.memory_space<vmem>>, vector<1x16xf32>,
        %swap3A_1031 = vector.shape_cast %swap3A_1030 : vector<1x16xf32> to vector<16xf32>
        %swap3A_1032 = vector.shape_cast %mul3A_1023 : vector<16xf32> to vector<1x16xf32>
        tpu.vector_store %swap3A_1027[%swap3A_1028, %swap3A_1029], %swap3A_1032 {strides = array<i32>} : memref<128x64xf32, #tpu.memory_space<vmem>>, vector<1x16xf32>,
        %scan3A_1033 = arith.constant 6 : i32
        %scan3A_1034 = arith.addi %scan3A_248, %scan3A_1033 : i32
        %mul3A_1035 = arith.constant 128 : i32
        %mul3A_1036 = arith.muli %add3A_153, %mul3A_1035 : i32
        %jit3A_1037 = arith.constant 16 : i32
        %div3A_1038 = arith.divsi %scan3A_1034, %jit3A_1037 : i32
        %sign3A_1039 = arith.constant 0 : i32
        %sign3A_1040 = arith.cmpi sgt, %scan3A_1034, %sign3A_1039 : i32
        %sign3A_1041 = arith.extui %sign3A_1040 : i1 to i32
        %sign3A_1042 = arith.constant 0 : i32
        %sign3A_1043 = arith.cmpi slt, %scan3A_1034, %sign3A_1042 : i32
        %sign3A_1044 = arith.extui %sign3A_1043 : i1 to i32
        %sign3A_1045 = arith.subi %sign3A_1041, %sign3A_1044 : i32
        %sign3A_1046 = arith.constant 0 : i32
        %sign3A_1047 = arith.cmpi sgt, %jit3A_1037, %sign3A_1046 : i32
        %sign3A_1048 = arith.extui %sign3A_1047 : i1 to i32
        %sign3A_1049 = arith.constant 0 : i32
        %sign3A_1050 = arith.cmpi slt, %jit3A_1037, %sign3A_1049 : i32
        %sign3A_1051 = arith.extui %sign3A_1050 : i1 to i32
        %sign3A_1052 = arith.subi %sign3A_1048, %sign3A_1051 : i32
        %ne3A_1053 = arith.cmpi ne, %sign3A_1045, %sign3A_1052 : i32
        %rem3A_1054 = arith.remsi %scan3A_1034, %jit3A_1037 : i32
        %ne3A_1055 = arith.constant 0 : i32
        %ne3A_1056 = arith.cmpi ne, %rem3A_1054, %ne3A_1055 : i32
        %and3A_1057 = arith.andi %ne3A_1053, %ne3A_1056 : i1
        %sub3A_1058 = arith.constant 1 : i32
        %sub3A_1059 = arith.subi %div3A_1038, %sub3A_1058 : i32
        %select_n3A_1060 = arith.select %and3A_1057, %sub3A_1059, %div3A_1038 : i32
        %mul3A_1061 = arith.constant 16 : i32
        %mul3A_1062 = arith.muli %select_n3A_1060, %mul3A_1061 : i32
        %add3A_1063 = arith.addi %mul3A_1036, %mul3A_1062 : i32
        %get3A_1064 = arith.index_cast %add3A_1063 : i32 to index
        %get3A_1065 = tpu.vector_load %arg10[%get3A_1064] {strides = array<i32>} : memref<20096xf32, #tpu.memory_space<vmem>>, vector<16xf32>,
        %get3A_1066 = vector.shape_cast %get3A_1065 : vector<16xf32> to vector<16xf32>
        %jit3A_1067 = arith.constant 16 : i32
        %eq3A_1068 = arith.constant 0 : i32
        %eq3A_1069 = arith.cmpi eq, %jit3A_1067, %eq3A_1068 : i32
        %jit3A_1070 = arith.constant 1 : i32
        %select_n3A_1071 = arith.select %eq3A_1069, %jit3A_1070, %jit3A_1067 : i32
        %rem3A_1072 = arith.remsi %scan3A_1034, %select_n3A_1071 : i32
        %ne3A_1073 = arith.constant 0 : i32
        %ne3A_1074 = arith.cmpi ne, %rem3A_1072, %ne3A_1073 : i32
        %lt3A_1075 = arith.constant 0 : i32
        %lt3A_1076 = arith.cmpi slt, %rem3A_1072, %lt3A_1075 : i32
        %lt3A_1077 = arith.constant 0 : i32
        %lt3A_1078 = arith.cmpi slt, %select_n3A_1071, %lt3A_1077 : i32
        %ne3A_1079 = arith.xori %lt3A_1076, %lt3A_1078 : i1
        %and3A_1080 = arith.andi %ne3A_1079, %ne3A_1074 : i1
        %add3A_1081 = arith.addi %rem3A_1072, %select_n3A_1071 : i32
        %select_n3A_1082 = arith.select %and3A_1080, %add3A_1081, %rem3A_1072 : i32
        %broadcast_in_dim3A_1083 = vector.broadcast %select_n3A_1082 : i32 to vector<16xi32>
        %lt3A_1084 = arith.constant 0 : i32
        %lt3A_1085 = vector.broadcast %lt3A_1084 : i32 to vector<16xi32>
        %lt3A_1086 = arith.cmpi slt, %broadcast_in_dim3A_1083, %lt3A_1085 : vector<16xi32>
        %add3A_1087 = arith.constant 16 : i32
        %add3A_1088 = vector.broadcast %add3A_1087 : i32 to vector<16xi32>
        %add3A_1089 = arith.addi %broadcast_in_dim3A_1083, %add3A_1088 : vector<16xi32>
        %select_n3A_1090 = arith.select %lt3A_1086, %add3A_1089, %broadcast_in_dim3A_1083 : vector<16xi1>, vector<16xi32>
        %broadcast_in_dim3A_1091 = vector.shape_cast %select_n3A_1090 : vector<16xi32> to vector<16x1xi32>
        %gather3A_1092 = vector.shape_cast %broadcast_in_dim3A_1091 : vector<16x1xi32> to vector<16xi32>
        %gather3A_1093 = tpu.dynamic_gather %get3A_1066[%gather3A_1092] in [0] : vector<16xf32>, vector<16xi32> -> vector<16xf32>
        %get3A_1094 = arith.constant 0 : i32
        %get3A_1095 = arith.constant 0 : i32
        %get3A_1096 = tpu.memref_slice %arg11[%scan3A_182, %get3A_1094, %get3A_1095] : memref<3x128x64xf32, #tpu.memory_space<vmem>> -> memref<1x128x64xf32, #tpu.memory_space<vmem>>
        %get3A_1097 = tpu.memref_squeeze %get3A_1096 : memref<1x128x64xf32, #tpu.memory_space<vmem>> -> memref<128x64xf32, #tpu.memory_space<vmem>>
        %get3A_1098 = arith.index_cast %scan3A_1034 : i32 to index
        %get3A_1099 = arith.constant 0 : index
        %get3A_1100 = tpu.vector_load %get3A_1097[%get3A_1098, %get3A_1099] {strides = array<i32>} : memref<128x64xf32, #tpu.memory_space<vmem>>, vector<1x16xf32>,
        %get3A_1101 = vector.shape_cast %get3A_1100 : vector<1x16xf32> to vector<16xf32>
        %mul3A_1102 = arith.mulf %get3A_1101, %gather3A_1093 : vector<16xf32>
        %swap3A_1103 = arith.constant 0 : i32
        %swap3A_1104 = arith.constant 0 : i32
        %swap3A_1105 = tpu.memref_slice %arg11[%scan3A_182, %swap3A_1103, %swap3A_1104] : memref<3x128x64xf32, #tpu.memory_space<vmem>> -> memref<1x128x64xf32, #tpu.memory_space<vmem>>
        %swap3A_1106 = tpu.memref_squeeze %swap3A_1105 : memref<1x128x64xf32, #tpu.memory_space<vmem>> -> memref<128x64xf32, #tpu.memory_space<vmem>>
        %swap3A_1107 = arith.index_cast %scan3A_1034 : i32 to index
        %swap3A_1108 = arith.constant 0 : index
        %swap3A_1109 = tpu.vector_load %swap3A_1106[%swap3A_1107, %swap3A_1108] {strides = array<i32>} : memref<128x64xf32, #tpu.memory_space<vmem>>, vector<1x16xf32>,
        %swap3A_1110 = vector.shape_cast %swap3A_1109 : vector<1x16xf32> to vector<16xf32>
        %swap3A_1111 = vector.shape_cast %mul3A_1102 : vector<16xf32> to vector<1x16xf32>
        tpu.vector_store %swap3A_1106[%swap3A_1107, %swap3A_1108], %swap3A_1111 {strides = array<i32>} : memref<128x64xf32, #tpu.memory_space<vmem>>, vector<1x16xf32>,
        %get3A_1112 = arith.constant 0 : i32
        %get3A_1113 = arith.constant 0 : i32
        %get3A_1114 = tpu.memref_slice %arg11[%scan3A_182, %get3A_1112, %get3A_1113] : memref<3x128x64xf32, #tpu.memory_space<vmem>> -> memref<1x128x64xf32, #tpu.memory_space<vmem>>
        %get3A_1115 = tpu.memref_squeeze %get3A_1114 : memref<1x128x64xf32, #tpu.memory_space<vmem>> -> memref<128x64xf32, #tpu.memory_space<vmem>>
        %get3A_1116 = arith.index_cast %scan3A_1034 : i32 to index
        %get3A_1117 = arith.constant 16 : index
        %get3A_1118 = tpu.vector_load %get3A_1115[%get3A_1116, %get3A_1117] {strides = array<i32>} : memref<128x64xf32, #tpu.memory_space<vmem>>, vector<1x16xf32>,
        %get3A_1119 = vector.shape_cast %get3A_1118 : vector<1x16xf32> to vector<16xf32>
        %mul3A_1120 = arith.mulf %get3A_1119, %gather3A_1093 : vector<16xf32>
        %swap3A_1121 = arith.constant 0 : i32
        %swap3A_1122 = arith.constant 0 : i32
        %swap3A_1123 = tpu.memref_slice %arg11[%scan3A_182, %swap3A_1121, %swap3A_1122] : memref<3x128x64xf32, #tpu.memory_space<vmem>> -> memref<1x128x64xf32, #tpu.memory_space<vmem>>
        %swap3A_1124 = tpu.memref_squeeze %swap3A_1123 : memref<1x128x64xf32, #tpu.memory_space<vmem>> -> memref<128x64xf32, #tpu.memory_space<vmem>>
        %swap3A_1125 = arith.index_cast %scan3A_1034 : i32 to index
        %swap3A_1126 = arith.constant 16 : index
        %swap3A_1127 = tpu.vector_load %swap3A_1124[%swap3A_1125, %swap3A_1126] {strides = array<i32>} : memref<128x64xf32, #tpu.memory_space<vmem>>, vector<1x16xf32>,
        %swap3A_1128 = vector.shape_cast %swap3A_1127 : vector<1x16xf32> to vector<16xf32>
        %swap3A_1129 = vector.shape_cast %mul3A_1120 : vector<16xf32> to vector<1x16xf32>
        tpu.vector_store %swap3A_1124[%swap3A_1125, %swap3A_1126], %swap3A_1129 {strides = array<i32>} : memref<128x64xf32, #tpu.memory_space<vmem>>, vector<1x16xf32>,
        %get3A_1130 = arith.constant 0 : i32
        %get3A_1131 = arith.constant 0 : i32
        %get3A_1132 = tpu.memref_slice %arg11[%scan3A_182, %get3A_1130, %get3A_1131] : memref<3x128x64xf32, #tpu.memory_space<vmem>> -> memref<1x128x64xf32, #tpu.memory_space<vmem>>
        %get3A_1133 = tpu.memref_squeeze %get3A_1132 : memref<1x128x64xf32, #tpu.memory_space<vmem>> -> memref<128x64xf32, #tpu.memory_space<vmem>>
        %get3A_1134 = arith.index_cast %scan3A_1034 : i32 to index
        %get3A_1135 = arith.constant 32 : index
        %get3A_1136 = tpu.vector_load %get3A_1133[%get3A_1134, %get3A_1135] {strides = array<i32>} : memref<128x64xf32, #tpu.memory_space<vmem>>, vector<1x16xf32>,
        %get3A_1137 = vector.shape_cast %get3A_1136 : vector<1x16xf32> to vector<16xf32>
        %mul3A_1138 = arith.mulf %get3A_1137, %gather3A_1093 : vector<16xf32>
        %swap3A_1139 = arith.constant 0 : i32
        %swap3A_1140 = arith.constant 0 : i32
        %swap3A_1141 = tpu.memref_slice %arg11[%scan3A_182, %swap3A_1139, %swap3A_1140] : memref<3x128x64xf32, #tpu.memory_space<vmem>> -> memref<1x128x64xf32, #tpu.memory_space<vmem>>
        %swap3A_1142 = tpu.memref_squeeze %swap3A_1141 : memref<1x128x64xf32, #tpu.memory_space<vmem>> -> memref<128x64xf32, #tpu.memory_space<vmem>>
        %swap3A_1143 = arith.index_cast %scan3A_1034 : i32 to index
        %swap3A_1144 = arith.constant 32 : index
        %swap3A_1145 = tpu.vector_load %swap3A_1142[%swap3A_1143, %swap3A_1144] {strides = array<i32>} : memref<128x64xf32, #tpu.memory_space<vmem>>, vector<1x16xf32>,
        %swap3A_1146 = vector.shape_cast %swap3A_1145 : vector<1x16xf32> to vector<16xf32>
        %swap3A_1147 = vector.shape_cast %mul3A_1138 : vector<16xf32> to vector<1x16xf32>
        tpu.vector_store %swap3A_1142[%swap3A_1143, %swap3A_1144], %swap3A_1147 {strides = array<i32>} : memref<128x64xf32, #tpu.memory_space<vmem>>, vector<1x16xf32>,
        %get3A_1148 = arith.constant 0 : i32
        %get3A_1149 = arith.constant 0 : i32
        %get3A_1150 = tpu.memref_slice %arg11[%scan3A_182, %get3A_1148, %get3A_1149] : memref<3x128x64xf32, #tpu.memory_space<vmem>> -> memref<1x128x64xf32, #tpu.memory_space<vmem>>
        %get3A_1151 = tpu.memref_squeeze %get3A_1150 : memref<1x128x64xf32, #tpu.memory_space<vmem>> -> memref<128x64xf32, #tpu.memory_space<vmem>>
        %get3A_1152 = arith.index_cast %scan3A_1034 : i32 to index
        %get3A_1153 = arith.constant 48 : index
        %get3A_1154 = tpu.vector_load %get3A_1151[%get3A_1152, %get3A_1153] {strides = array<i32>} : memref<128x64xf32, #tpu.memory_space<vmem>>, vector<1x16xf32>,
        %get3A_1155 = vector.shape_cast %get3A_1154 : vector<1x16xf32> to vector<16xf32>
        %mul3A_1156 = arith.mulf %get3A_1155, %gather3A_1093 : vector<16xf32>
        %swap3A_1157 = arith.constant 0 : i32
        %swap3A_1158 = arith.constant 0 : i32
        %swap3A_1159 = tpu.memref_slice %arg11[%scan3A_182, %swap3A_1157, %swap3A_1158] : memref<3x128x64xf32, #tpu.memory_space<vmem>> -> memref<1x128x64xf32, #tpu.memory_space<vmem>>
        %swap3A_1160 = tpu.memref_squeeze %swap3A_1159 : memref<1x128x64xf32, #tpu.memory_space<vmem>> -> memref<128x64xf32, #tpu.memory_space<vmem>>
        %swap3A_1161 = arith.index_cast %scan3A_1034 : i32 to index
        %swap3A_1162 = arith.constant 48 : index
        %swap3A_1163 = tpu.vector_load %swap3A_1160[%swap3A_1161, %swap3A_1162] {strides = array<i32>} : memref<128x64xf32, #tpu.memory_space<vmem>>, vector<1x16xf32>,
        %swap3A_1164 = vector.shape_cast %swap3A_1163 : vector<1x16xf32> to vector<16xf32>
        %swap3A_1165 = vector.shape_cast %mul3A_1156 : vector<16xf32> to vector<1x16xf32>
        tpu.vector_store %swap3A_1160[%swap3A_1161, %swap3A_1162], %swap3A_1165 {strides = array<i32>} : memref<128x64xf32, #tpu.memory_space<vmem>>, vector<1x16xf32>,
        %scan3A_1166 = arith.constant 7 : i32
        %scan3A_1167 = arith.addi %scan3A_248, %scan3A_1166 : i32
        %mul3A_1168 = arith.constant 128 : i32
        %mul3A_1169 = arith.muli %add3A_153, %mul3A_1168 : i32
        %jit3A_1170 = arith.constant 16 : i32
        %div3A_1171 = arith.divsi %scan3A_1167, %jit3A_1170 : i32
        %sign3A_1172 = arith.constant 0 : i32
        %sign3A_1173 = arith.cmpi sgt, %scan3A_1167, %sign3A_1172 : i32
        %sign3A_1174 = arith.extui %sign3A_1173 : i1 to i32
        %sign3A_1175 = arith.constant 0 : i32
        %sign3A_1176 = arith.cmpi slt, %scan3A_1167, %sign3A_1175 : i32
        %sign3A_1177 = arith.extui %sign3A_1176 : i1 to i32
        %sign3A_1178 = arith.subi %sign3A_1174, %sign3A_1177 : i32
        %sign3A_1179 = arith.constant 0 : i32
        %sign3A_1180 = arith.cmpi sgt, %jit3A_1170, %sign3A_1179 : i32
        %sign3A_1181 = arith.extui %sign3A_1180 : i1 to i32
        %sign3A_1182 = arith.constant 0 : i32
        %sign3A_1183 = arith.cmpi slt, %jit3A_1170, %sign3A_1182 : i32
        %sign3A_1184 = arith.extui %sign3A_1183 : i1 to i32
        %sign3A_1185 = arith.subi %sign3A_1181, %sign3A_1184 : i32
        %ne3A_1186 = arith.cmpi ne, %sign3A_1178, %sign3A_1185 : i32
        %rem3A_1187 = arith.remsi %scan3A_1167, %jit3A_1170 : i32
        %ne3A_1188 = arith.constant 0 : i32
        %ne3A_1189 = arith.cmpi ne, %rem3A_1187, %ne3A_1188 : i32
        %and3A_1190 = arith.andi %ne3A_1186, %ne3A_1189 : i1
        %sub3A_1191 = arith.constant 1 : i32
        %sub3A_1192 = arith.subi %div3A_1171, %sub3A_1191 : i32
        %select_n3A_1193 = arith.select %and3A_1190, %sub3A_1192, %div3A_1171 : i32
        %mul3A_1194 = arith.constant 16 : i32
        %mul3A_1195 = arith.muli %select_n3A_1193, %mul3A_1194 : i32
        %add3A_1196 = arith.addi %mul3A_1169, %mul3A_1195 : i32
        %get3A_1197 = arith.index_cast %add3A_1196 : i32 to index
        %get3A_1198 = tpu.vector_load %arg10[%get3A_1197] {strides = array<i32>} : memref<20096xf32, #tpu.memory_space<vmem>>, vector<16xf32>,
        %get3A_1199 = vector.shape_cast %get3A_1198 : vector<16xf32> to vector<16xf32>
        %jit3A_1200 = arith.constant 16 : i32
        %eq3A_1201 = arith.constant 0 : i32
        %eq3A_1202 = arith.cmpi eq, %jit3A_1200, %eq3A_1201 : i32
        %jit3A_1203 = arith.constant 1 : i32
        %select_n3A_1204 = arith.select %eq3A_1202, %jit3A_1203, %jit3A_1200 : i32
        %rem3A_1205 = arith.remsi %scan3A_1167, %select_n3A_1204 : i32
        %ne3A_1206 = arith.constant 0 : i32
        %ne3A_1207 = arith.cmpi ne, %rem3A_1205, %ne3A_1206 : i32
        %lt3A_1208 = arith.constant 0 : i32
        %lt3A_1209 = arith.cmpi slt, %rem3A_1205, %lt3A_1208 : i32
        %lt3A_1210 = arith.constant 0 : i32
        %lt3A_1211 = arith.cmpi slt, %select_n3A_1204, %lt3A_1210 : i32
        %ne3A_1212 = arith.xori %lt3A_1209, %lt3A_1211 : i1
        %and3A_1213 = arith.andi %ne3A_1212, %ne3A_1207 : i1
        %add3A_1214 = arith.addi %rem3A_1205, %select_n3A_1204 : i32
        %select_n3A_1215 = arith.select %and3A_1213, %add3A_1214, %rem3A_1205 : i32
        %broadcast_in_dim3A_1216 = vector.broadcast %select_n3A_1215 : i32 to vector<16xi32>
        %lt3A_1217 = arith.constant 0 : i32
        %lt3A_1218 = vector.broadcast %lt3A_1217 : i32 to vector<16xi32>
        %lt3A_1219 = arith.cmpi slt, %broadcast_in_dim3A_1216, %lt3A_1218 : vector<16xi32>
        %add3A_1220 = arith.constant 16 : i32
        %add3A_1221 = vector.broadcast %add3A_1220 : i32 to vector<16xi32>
        %add3A_1222 = arith.addi %broadcast_in_dim3A_1216, %add3A_1221 : vector<16xi32>
        %select_n3A_1223 = arith.select %lt3A_1219, %add3A_1222, %broadcast_in_dim3A_1216 : vector<16xi1>, vector<16xi32>
        %broadcast_in_dim3A_1224 = vector.shape_cast %select_n3A_1223 : vector<16xi32> to vector<16x1xi32>
        %gather3A_1225 = vector.shape_cast %broadcast_in_dim3A_1224 : vector<16x1xi32> to vector<16xi32>
        %gather3A_1226 = tpu.dynamic_gather %get3A_1199[%gather3A_1225] in [0] : vector<16xf32>, vector<16xi32> -> vector<16xf32>
        %get3A_1227 = arith.constant 0 : i32
        %get3A_1228 = arith.constant 0 : i32
        %get3A_1229 = tpu.memref_slice %arg11[%scan3A_182, %get3A_1227, %get3A_1228] : memref<3x128x64xf32, #tpu.memory_space<vmem>> -> memref<1x128x64xf32, #tpu.memory_space<vmem>>
        %get3A_1230 = tpu.memref_squeeze %get3A_1229 : memref<1x128x64xf32, #tpu.memory_space<vmem>> -> memref<128x64xf32, #tpu.memory_space<vmem>>
        %get3A_1231 = arith.index_cast %scan3A_1167 : i32 to index
        %get3A_1232 = arith.constant 0 : index
        %get3A_1233 = tpu.vector_load %get3A_1230[%get3A_1231, %get3A_1232] {strides = array<i32>} : memref<128x64xf32, #tpu.memory_space<vmem>>, vector<1x16xf32>,
        %get3A_1234 = vector.shape_cast %get3A_1233 : vector<1x16xf32> to vector<16xf32>
        %mul3A_1235 = arith.mulf %get3A_1234, %gather3A_1226 : vector<16xf32>
        %swap3A_1236 = arith.constant 0 : i32
        %swap3A_1237 = arith.constant 0 : i32
        %swap3A_1238 = tpu.memref_slice %arg11[%scan3A_182, %swap3A_1236, %swap3A_1237] : memref<3x128x64xf32, #tpu.memory_space<vmem>> -> memref<1x128x64xf32, #tpu.memory_space<vmem>>
        %swap3A_1239 = tpu.memref_squeeze %swap3A_1238 : memref<1x128x64xf32, #tpu.memory_space<vmem>> -> memref<128x64xf32, #tpu.memory_space<vmem>>
        %swap3A_1240 = arith.index_cast %scan3A_1167 : i32 to index
        %swap3A_1241 = arith.constant 0 : index
        %swap3A_1242 = tpu.vector_load %swap3A_1239[%swap3A_1240, %swap3A_1241] {strides = array<i32>} : memref<128x64xf32, #tpu.memory_space<vmem>>, vector<1x16xf32>,
        %swap3A_1243 = vector.shape_cast %swap3A_1242 : vector<1x16xf32> to vector<16xf32>
        %swap3A_1244 = vector.shape_cast %mul3A_1235 : vector<16xf32> to vector<1x16xf32>
        tpu.vector_store %swap3A_1239[%swap3A_1240, %swap3A_1241], %swap3A_1244 {strides = array<i32>} : memref<128x64xf32, #tpu.memory_space<vmem>>, vector<1x16xf32>,
        %get3A_1245 = arith.constant 0 : i32
        %get3A_1246 = arith.constant 0 : i32
        %get3A_1247 = tpu.memref_slice %arg11[%scan3A_182, %get3A_1245, %get3A_1246] : memref<3x128x64xf32, #tpu.memory_space<vmem>> -> memref<1x128x64xf32, #tpu.memory_space<vmem>>
        %get3A_1248 = tpu.memref_squeeze %get3A_1247 : memref<1x128x64xf32, #tpu.memory_space<vmem>> -> memref<128x64xf32, #tpu.memory_space<vmem>>
        %get3A_1249 = arith.index_cast %scan3A_1167 : i32 to index
        %get3A_1250 = arith.constant 16 : index
        %get3A_1251 = tpu.vector_load %get3A_1248[%get3A_1249, %get3A_1250] {strides = array<i32>} : memref<128x64xf32, #tpu.memory_space<vmem>>, vector<1x16xf32>,
        %get3A_1252 = vector.shape_cast %get3A_1251 : vector<1x16xf32> to vector<16xf32>
        %mul3A_1253 = arith.mulf %get3A_1252, %gather3A_1226 : vector<16xf32>
        %swap3A_1254 = arith.constant 0 : i32
        %swap3A_1255 = arith.constant 0 : i32
        %swap3A_1256 = tpu.memref_slice %arg11[%scan3A_182, %swap3A_1254, %swap3A_1255] : memref<3x128x64xf32, #tpu.memory_space<vmem>> -> memref<1x128x64xf32, #tpu.memory_space<vmem>>
        %swap3A_1257 = tpu.memref_squeeze %swap3A_1256 : memref<1x128x64xf32, #tpu.memory_space<vmem>> -> memref<128x64xf32, #tpu.memory_space<vmem>>
        %swap3A_1258 = arith.index_cast %scan3A_1167 : i32 to index
        %swap3A_1259 = arith.constant 16 : index
        %swap3A_1260 = tpu.vector_load %swap3A_1257[%swap3A_1258, %swap3A_1259] {strides = array<i32>} : memref<128x64xf32, #tpu.memory_space<vmem>>, vector<1x16xf32>,
        %swap3A_1261 = vector.shape_cast %swap3A_1260 : vector<1x16xf32> to vector<16xf32>
        %swap3A_1262 = vector.shape_cast %mul3A_1253 : vector<16xf32> to vector<1x16xf32>
        tpu.vector_store %swap3A_1257[%swap3A_1258, %swap3A_1259], %swap3A_1262 {strides = array<i32>} : memref<128x64xf32, #tpu.memory_space<vmem>>, vector<1x16xf32>,
        %get3A_1263 = arith.constant 0 : i32
        %get3A_1264 = arith.constant 0 : i32
        %get3A_1265 = tpu.memref_slice %arg11[%scan3A_182, %get3A_1263, %get3A_1264] : memref<3x128x64xf32, #tpu.memory_space<vmem>> -> memref<1x128x64xf32, #tpu.memory_space<vmem>>
        %get3A_1266 = tpu.memref_squeeze %get3A_1265 : memref<1x128x64xf32, #tpu.memory_space<vmem>> -> memref<128x64xf32, #tpu.memory_space<vmem>>
        %get3A_1267 = arith.index_cast %scan3A_1167 : i32 to index
        %get3A_1268 = arith.constant 32 : index
        %get3A_1269 = tpu.vector_load %get3A_1266[%get3A_1267, %get3A_1268] {strides = array<i32>} : memref<128x64xf32, #tpu.memory_space<vmem>>, vector<1x16xf32>,
        %get3A_1270 = vector.shape_cast %get3A_1269 : vector<1x16xf32> to vector<16xf32>
        %mul3A_1271 = arith.mulf %get3A_1270, %gather3A_1226 : vector<16xf32>
        %swap3A_1272 = arith.constant 0 : i32
        %swap3A_1273 = arith.constant 0 : i32
        %swap3A_1274 = tpu.memref_slice %arg11[%scan3A_182, %swap3A_1272, %swap3A_1273] : memref<3x128x64xf32, #tpu.memory_space<vmem>> -> memref<1x128x64xf32, #tpu.memory_space<vmem>>
        %swap3A_1275 = tpu.memref_squeeze %swap3A_1274 : memref<1x128x64xf32, #tpu.memory_space<vmem>> -> memref<128x64xf32, #tpu.memory_space<vmem>>
        %swap3A_1276 = arith.index_cast %scan3A_1167 : i32 to index
        %swap3A_1277 = arith.constant 32 : index
        %swap3A_1278 = tpu.vector_load %swap3A_1275[%swap3A_1276, %swap3A_1277] {strides = array<i32>} : memref<128x64xf32, #tpu.memory_space<vmem>>, vector<1x16xf32>,
        %swap3A_1279 = vector.shape_cast %swap3A_1278 : vector<1x16xf32> to vector<16xf32>
        %swap3A_1280 = vector.shape_cast %mul3A_1271 : vector<16xf32> to vector<1x16xf32>
        tpu.vector_store %swap3A_1275[%swap3A_1276, %swap3A_1277], %swap3A_1280 {strides = array<i32>} : memref<128x64xf32, #tpu.memory_space<vmem>>, vector<1x16xf32>,
        %get3A_1281 = arith.constant 0 : i32
        %get3A_1282 = arith.constant 0 : i32
        %get3A_1283 = tpu.memref_slice %arg11[%scan3A_182, %get3A_1281, %get3A_1282] : memref<3x128x64xf32, #tpu.memory_space<vmem>> -> memref<1x128x64xf32, #tpu.memory_space<vmem>>
        %get3A_1284 = tpu.memref_squeeze %get3A_1283 : memref<1x128x64xf32, #tpu.memory_space<vmem>> -> memref<128x64xf32, #tpu.memory_space<vmem>>
        %get3A_1285 = arith.index_cast %scan3A_1167 : i32 to index
        %get3A_1286 = arith.constant 48 : index
        %get3A_1287 = tpu.vector_load %get3A_1284[%get3A_1285, %get3A_1286] {strides = array<i32>} : memref<128x64xf32, #tpu.memory_space<vmem>>, vector<1x16xf32>,
        %get3A_1288 = vector.shape_cast %get3A_1287 : vector<1x16xf32> to vector<16xf32>
        %mul3A_1289 = arith.mulf %get3A_1288, %gather3A_1226 : vector<16xf32>
        %swap3A_1290 = arith.constant 0 : i32
        %swap3A_1291 = arith.constant 0 : i32
        %swap3A_1292 = tpu.memref_slice %arg11[%scan3A_182, %swap3A_1290, %swap3A_1291] : memref<3x128x64xf32, #tpu.memory_space<vmem>> -> memref<1x128x64xf32, #tpu.memory_space<vmem>>
        %swap3A_1293 = tpu.memref_squeeze %swap3A_1292 : memref<1x128x64xf32, #tpu.memory_space<vmem>> -> memref<128x64xf32, #tpu.memory_space<vmem>>
        %swap3A_1294 = arith.index_cast %scan3A_1167 : i32 to index
        %swap3A_1295 = arith.constant 48 : index
        %swap3A_1296 = tpu.vector_load %swap3A_1293[%swap3A_1294, %swap3A_1295] {strides = array<i32>} : memref<128x64xf32, #tpu.memory_space<vmem>>, vector<1x16xf32>,
        %swap3A_1297 = vector.shape_cast %swap3A_1296 : vector<1x16xf32> to vector<16xf32>
        %swap3A_1298 = vector.shape_cast %mul3A_1289 : vector<16xf32> to vector<1x16xf32>
        tpu.vector_store %swap3A_1293[%swap3A_1294, %swap3A_1295], %swap3A_1298 {strides = array<i32>} : memref<128x64xf32, #tpu.memory_space<vmem>>, vector<1x16xf32>,
      }
      %scan3A_187 = arith.constant 128 : i32
      %dma_start3A_188 = arith.constant 1 : i32
      %dma_start3A_189 = arith.constant 0 : i32
      %dma_start3A_190 = arith.constant 0 : i32
      %dma_start3A_191 = tpu.memref_slice %arg11[%dma_start3A_188, %dma_start3A_189, %dma_start3A_190] : memref<3x128x64xf32, #tpu.memory_space<vmem>> -> memref<1x128x64xf32, #tpu.memory_space<vmem>>
      %dma_start3A_192 = tpu.memref_squeeze %dma_start3A_191 : memref<1x128x64xf32, #tpu.memory_space<vmem>> -> memref<128x64xf32, #tpu.memory_space<vmem>>
      %dma_start3A_193 = arith.constant 0 : i32
      %dma_start3A_194 = tpu.memref_slice %arg9[%add3A_153, %dma_start3A_193] : memref<157x128xi32, #tpu.memory_space<vmem>> -> memref<1x128xi32, #tpu.memory_space<vmem>>
      %dma_start3A_195 = tpu.memref_squeeze %dma_start3A_194 : memref<1x128xi32, #tpu.memory_space<vmem>> -> memref<128xi32, #tpu.memory_space<vmem>>
      %dma_start3A_196 = arith.constant 0 : i32
      %dma_start3A_197 = arith.constant 0 : i32
      %dma_start3A_198 = tpu.memref_slice %arg12[%dma_start3A_196, %dma_start3A_197] : memref<10000x64xf32, #tpu.memory_space<vmem_shared>> -> memref<10000x64xf32, #tpu.memory_space<vmem_shared>>
      tpu.enqueue_indirect_dma source(%dma_start3A_192 : memref<128x64xf32, #tpu.memory_space<vmem>>) target(%dma_start3A_198 : memref<10000x64xf32, #tpu.memory_space<vmem_shared>>) offsets(%dma_start3A_195 : memref<128xi32, #tpu.memory_space<vmem>>) semaphore(%arg14 : memref<!tpu.dma_semaphore, #tpu.memory_space<semaphore_mem>>) {add = true}
      %mul3A_199 = arith.constant 3 : i32
      %mul3A_200 = arith.muli %mul3A_199, %scan3A_103 : i32
      %add3A_201 = arith.constant 2 : i32
      %add3A_202 = arith.addi %mul3A_200, %add3A_201 : i32
      %ge3A_203 = arith.constant 2 : i32
      %ge3A_204 = arith.cmpi sge, %add3A_202, %ge3A_203 : i32
      %convert_element_type3A_205 = arith.extui %ge3A_204 : i1 to i32
      %cond3A_206 = arith.constant 0 : i32
      %cond3A_207 = arith.cmpi ne, %convert_element_type3A_205, %cond3A_206 : i32
      scf.if %cond3A_207 {
        %sub3A = arith.constant 2 : i32
        %sub3A_248 = arith.subi %add3A_202, %sub3A : i32
        %add3A_249 = arith.constant 1 : i32
        %add3A_250 = arith.addi %add3A_202, %add3A_249 : i32
        %jit3A = arith.constant 3 : i32
        %eq3A_251 = arith.constant 0 : i32
        %eq3A_252 = arith.cmpi eq, %jit3A, %eq3A_251 : i32
        %jit3A_253 = arith.constant 1 : i32
        %select_n3A = arith.select %eq3A_252, %jit3A_253, %jit3A : i32
        %rem3A = arith.remsi %add3A_250, %select_n3A : i32
        %ne3A = arith.constant 0 : i32
        %ne3A_254 = arith.cmpi ne, %rem3A, %ne3A : i32
        %lt3A_255 = arith.constant 0 : i32
        %lt3A_256 = arith.cmpi slt, %rem3A, %lt3A_255 : i32
        %lt3A_257 = arith.constant 0 : i32
        %lt3A_258 = arith.cmpi slt, %select_n3A, %lt3A_257 : i32
        %ne3A_259 = arith.xori %lt3A_256, %lt3A_258 : i1
        %and3A = arith.andi %ne3A_259, %ne3A_254 : i1
        %add3A_260 = arith.addi %rem3A, %select_n3A : i32
        %select_n3A_261 = arith.select %and3A, %add3A_260, %rem3A : i32
        %dma_wait3A_262 = arith.constant 0 : i32
        %dma_wait3A_263 = arith.constant 0 : i32
        %dma_wait3A_264 = tpu.memref_slice %arg11[%select_n3A_261, %dma_wait3A_262, %dma_wait3A_263] : memref<3x128x64xf32, #tpu.memory_space<vmem>> -> memref<1x128x64xf32, #tpu.memory_space<vmem>>
        %dma_wait3A_265 = tpu.memref_squeeze %dma_wait3A_264 : memref<1x128x64xf32, #tpu.memory_space<vmem>> -> memref<128x64xf32, #tpu.memory_space<vmem>>
        %dma_wait3A_266 = arith.constant 0 : i32
        %dma_wait3A_267 = tpu.memref_slice %arg9[%sub3A_248, %dma_wait3A_266] : memref<157x128xi32, #tpu.memory_space<vmem>> -> memref<1x128xi32, #tpu.memory_space<vmem>>
        %dma_wait3A_268 = tpu.memref_squeeze %dma_wait3A_267 : memref<1x128xi32, #tpu.memory_space<vmem>> -> memref<128xi32, #tpu.memory_space<vmem>>
        %dma_wait3A_269 = arith.constant 0 : i32
        %dma_wait3A_270 = arith.constant 0 : i32
        %dma_wait3A_271 = tpu.memref_slice %arg12[%dma_wait3A_269, %dma_wait3A_270] : memref<10000x64xf32, #tpu.memory_space<vmem_shared>> -> memref<10000x64xf32, #tpu.memory_space<vmem_shared>>
        tpu.wait_indirect_dma semaphore(%arg14 : memref<!tpu.dma_semaphore, #tpu.memory_space<semaphore_mem>>) src(%dma_wait3A_265 : memref<128x64xf32, #tpu.memory_space<vmem>>) dst(%dma_wait3A_271 : memref<10000x64xf32, #tpu.memory_space<vmem_shared>>)
      } else {
      }
      %add3A_208 = arith.constant 1 : i32
      %add3A_209 = arith.addi %add3A_202, %add3A_208 : i32
      %lt3A_210 = arith.constant 157 : i32
      %lt3A_211 = arith.cmpi slt, %add3A_209, %lt3A_210 : i32
      %convert_element_type3A_212 = arith.extui %lt3A_211 : i1 to i32
      %cond3A_213 = arith.constant 0 : i32
      %cond3A_214 = arith.cmpi ne, %convert_element_type3A_212, %cond3A_213 : i32
      scf.if %cond3A_214 {
        %add3A_248 = arith.constant 1 : i32
        %add3A_249 = arith.addi %add3A_202, %add3A_248 : i32
        %add3A_250 = arith.constant 1 : i32
        %add3A_251 = arith.addi %add3A_202, %add3A_250 : i32
        %jit3A = arith.constant 3 : i32
        %eq3A_252 = arith.constant 0 : i32
        %eq3A_253 = arith.cmpi eq, %jit3A, %eq3A_252 : i32
        %jit3A_254 = arith.constant 1 : i32
        %select_n3A = arith.select %eq3A_253, %jit3A_254, %jit3A : i32
        %rem3A = arith.remsi %add3A_251, %select_n3A : i32
        %ne3A = arith.constant 0 : i32
        %ne3A_255 = arith.cmpi ne, %rem3A, %ne3A : i32
        %lt3A_256 = arith.constant 0 : i32
        %lt3A_257 = arith.cmpi slt, %rem3A, %lt3A_256 : i32
        %lt3A_258 = arith.constant 0 : i32
        %lt3A_259 = arith.cmpi slt, %select_n3A, %lt3A_258 : i32
        %ne3A_260 = arith.xori %lt3A_257, %lt3A_259 : i1
        %and3A = arith.andi %ne3A_260, %ne3A_255 : i1
        %add3A_261 = arith.addi %rem3A, %select_n3A : i32
        %select_n3A_262 = arith.select %and3A, %add3A_261, %rem3A : i32
        %mul3A_263 = arith.constant 128 : i32
        %mul3A_264 = arith.muli %add3A_249, %mul3A_263 : i32
        %dma_start3A_265 = arith.constant 0 : i32
        %dma_start3A_266 = arith.constant 0 : i32
        %dma_start3A_267 = tpu.memref_slice %arg11[%select_n3A_262, %dma_start3A_265, %dma_start3A_266] : memref<3x128x64xf32, #tpu.memory_space<vmem>> -> memref<1x128x64xf32, #tpu.memory_space<vmem>>
        %dma_start3A_268 = tpu.memref_squeeze %dma_start3A_267 : memref<1x128x64xf32, #tpu.memory_space<vmem>> -> memref<128x64xf32, #tpu.memory_space<vmem>>
        %dma_start3A_269 = tpu.memref_slice %arg8[%mul3A_264] : memref<20096xi32, #tpu.memory_space<vmem>> -> memref<128xi32, #tpu.memory_space<vmem>>
        %dma_start3A_270 = arith.constant 0 : i32
        %dma_start3A_271 = arith.constant 0 : i32
        %dma_start3A_272 = tpu.memref_slice %arg2[%arg0, %dma_start3A_270, %dma_start3A_271] : memref<2x10000x64xf32, #tpu.memory_space<hbm>> -> memref<1x10000x64xf32, #tpu.memory_space<hbm>>
        %dma_start3A_273 = tpu.memref_squeeze %dma_start3A_272 : memref<1x10000x64xf32, #tpu.memory_space<hbm>> -> memref<10000x64xf32, #tpu.memory_space<hbm>>
        %dma_start3A_274 = arith.constant 0 : i32
        %dma_start3A_275 = arith.constant 0 : i32
        %dma_start3A_276 = tpu.memref_slice %dma_start3A_273[%dma_start3A_274, %dma_start3A_275] : memref<10000x64xf32, #tpu.memory_space<hbm>> -> memref<10000x64xf32, #tpu.memory_space<hbm>>
        tpu.enqueue_indirect_dma source(%dma_start3A_276 : memref<10000x64xf32, #tpu.memory_space<hbm>>) target(%dma_start3A_268 : memref<128x64xf32, #tpu.memory_space<vmem>>) offsets(%dma_start3A_269 : memref<128xi32, #tpu.memory_space<vmem>>) semaphore(%arg13 : memref<!tpu.dma_semaphore, #tpu.memory_space<semaphore_mem>>)
      } else {
      }
      %mul3A_215 = arith.constant 128 : i32
      %mul3A_216 = arith.muli %add3A_202, %mul3A_215 : i32
      %dma_wait3A_217 = arith.constant 2 : i32
      %dma_wait3A_218 = arith.constant 0 : i32
      %dma_wait3A_219 = arith.constant 0 : i32
      %dma_wait3A_220 = tpu.memref_slice %arg11[%dma_wait3A_217, %dma_wait3A_218, %dma_wait3A_219] : memref<3x128x64xf32, #tpu.memory_space<vmem>> -> memref<1x128x64xf32, #tpu.memory_space<vmem>>
      %dma_wait3A_221 = tpu.memref_squeeze %dma_wait3A_220 : memref<1x128x64xf32, #tpu.memory_space<vmem>> -> memref<128x64xf32, #tpu.memory_space<vmem>>
      %dma_wait3A_222 = tpu.memref_slice %arg8[%mul3A_216] : memref<20096xi32, #tpu.memory_space<vmem>> -> memref<128xi32, #tpu.memory_space<vmem>>
      %dma_wait3A_223 = arith.constant 0 : i32
      %dma_wait3A_224 = arith.constant 0 : i32
      %dma_wait3A_225 = tpu.memref_slice %arg2[%arg0, %dma_wait3A_223, %dma_wait3A_224] : memref<2x10000x64xf32, #tpu.memory_space<hbm>> -> memref<1x10000x64xf32, #tpu.memory_space<hbm>>
      %dma_wait3A_226 = tpu.memref_squeeze %dma_wait3A_225 : memref<1x10000x64xf32, #tpu.memory_space<hbm>> -> memref<10000x64xf32, #tpu.memory_space<hbm>>
      %dma_wait3A_227 = arith.constant 0 : i32
      %dma_wait3A_228 = arith.constant 0 : i32
      %dma_wait3A_229 = tpu.memref_slice %dma_wait3A_226[%dma_wait3A_227, %dma_wait3A_228] : memref<10000x64xf32, #tpu.memory_space<hbm>> -> memref<10000x64xf32, #tpu.memory_space<hbm>>
      tpu.wait_indirect_dma semaphore(%arg13 : memref<!tpu.dma_semaphore, #tpu.memory_space<semaphore_mem>>) src(%dma_wait3A_229 : memref<10000x64xf32, #tpu.memory_space<hbm>>) dst(%dma_wait3A_221 : memref<128x64xf32, #tpu.memory_space<vmem>>)
      %scan3A_230 = arith.constant 0 : i32
      %scan3A_231 = arith.constant 2 : i32
      %scan3A_232 = arith.constant 0 : i32
      %scan3A_233 = arith.constant 128 : i32
      %scan3A_234 = arith.addi %scan3A_232, %scan3A_233 : i32
      %scan3A_235 = arith.constant 8 : i32
      scf.for %scan3A_248 = %scan3A_232 to %scan3A_234 step %scan3A_235  : i32 {
        %mul3A_249 = arith.constant 128 : i32
        %mul3A_250 = arith.muli %add3A_202, %mul3A_249 : i32
        %jit3A = arith.constant 16 : i32
        %div3A = arith.divsi %scan3A_248, %jit3A : i32
        %sign3A = arith.constant 0 : i32
        %sign3A_251 = arith.cmpi sgt, %scan3A_248, %sign3A : i32
        %sign3A_252 = arith.extui %sign3A_251 : i1 to i32
        %sign3A_253 = arith.constant 0 : i32
        %sign3A_254 = arith.cmpi slt, %scan3A_248, %sign3A_253 : i32
        %sign3A_255 = arith.extui %sign3A_254 : i1 to i32
        %sign3A_256 = arith.subi %sign3A_252, %sign3A_255 : i32
        %sign3A_257 = arith.constant 0 : i32
        %sign3A_258 = arith.cmpi sgt, %jit3A, %sign3A_257 : i32
        %sign3A_259 = arith.extui %sign3A_258 : i1 to i32
        %sign3A_260 = arith.constant 0 : i32
        %sign3A_261 = arith.cmpi slt, %jit3A, %sign3A_260 : i32
        %sign3A_262 = arith.extui %sign3A_261 : i1 to i32
        %sign3A_263 = arith.subi %sign3A_259, %sign3A_262 : i32
        %ne3A = arith.cmpi ne, %sign3A_256, %sign3A_263 : i32
        %rem3A = arith.remsi %scan3A_248, %jit3A : i32
        %ne3A_264 = arith.constant 0 : i32
        %ne3A_265 = arith.cmpi ne, %rem3A, %ne3A_264 : i32
        %and3A = arith.andi %ne3A, %ne3A_265 : i1
        %sub3A = arith.constant 1 : i32
        %sub3A_266 = arith.subi %div3A, %sub3A : i32
        %select_n3A = arith.select %and3A, %sub3A_266, %div3A : i32
        %mul3A_267 = arith.constant 16 : i32
        %mul3A_268 = arith.muli %select_n3A, %mul3A_267 : i32
        %add3A_269 = arith.addi %mul3A_250, %mul3A_268 : i32
        %get3A = arith.index_cast %add3A_269 : i32 to index
        %get3A_270 = tpu.vector_load %arg10[%get3A] {strides = array<i32>} : memref<20096xf32, #tpu.memory_space<vmem>>, vector<16xf32>,
        %get3A_271 = vector.shape_cast %get3A_270 : vector<16xf32> to vector<16xf32>
        %jit3A_272 = arith.constant 16 : i32
        %eq3A_273 = arith.constant 0 : i32
        %eq3A_274 = arith.cmpi eq, %jit3A_272, %eq3A_273 : i32
        %jit3A_275 = arith.constant 1 : i32
        %select_n3A_276 = arith.select %eq3A_274, %jit3A_275, %jit3A_272 : i32
        %rem3A_277 = arith.remsi %scan3A_248, %select_n3A_276 : i32
        %ne3A_278 = arith.constant 0 : i32
        %ne3A_279 = arith.cmpi ne, %rem3A_277, %ne3A_278 : i32
        %lt3A_280 = arith.constant 0 : i32
        %lt3A_281 = arith.cmpi slt, %rem3A_277, %lt3A_280 : i32
        %lt3A_282 = arith.constant 0 : i32
        %lt3A_283 = arith.cmpi slt, %select_n3A_276, %lt3A_282 : i32
        %ne3A_284 = arith.xori %lt3A_281, %lt3A_283 : i1
        %and3A_285 = arith.andi %ne3A_284, %ne3A_279 : i1
        %add3A_286 = arith.addi %rem3A_277, %select_n3A_276 : i32
        %select_n3A_287 = arith.select %and3A_285, %add3A_286, %rem3A_277 : i32
        %broadcast_in_dim3A = vector.broadcast %select_n3A_287 : i32 to vector<16xi32>
        %lt3A_288 = arith.constant 0 : i32
        %lt3A_289 = vector.broadcast %lt3A_288 : i32 to vector<16xi32>
        %lt3A_290 = arith.cmpi slt, %broadcast_in_dim3A, %lt3A_289 : vector<16xi32>
        %add3A_291 = arith.constant 16 : i32
        %add3A_292 = vector.broadcast %add3A_291 : i32 to vector<16xi32>
        %add3A_293 = arith.addi %broadcast_in_dim3A, %add3A_292 : vector<16xi32>
        %select_n3A_294 = arith.select %lt3A_290, %add3A_293, %broadcast_in_dim3A : vector<16xi1>, vector<16xi32>
        %broadcast_in_dim3A_295 = vector.shape_cast %select_n3A_294 : vector<16xi32> to vector<16x1xi32>
        %gather3A = vector.shape_cast %broadcast_in_dim3A_295 : vector<16x1xi32> to vector<16xi32>
        %gather3A_296 = tpu.dynamic_gather %get3A_271[%gather3A] in [0] : vector<16xf32>, vector<16xi32> -> vector<16xf32>
        %get3A_297 = arith.constant 0 : i32
        %get3A_298 = arith.constant 0 : i32
        %get3A_299 = tpu.memref_slice %arg11[%scan3A_231, %get3A_297, %get3A_298] : memref<3x128x64xf32, #tpu.memory_space<vmem>> -> memref<1x128x64xf32, #tpu.memory_space<vmem>>
        %get3A_300 = tpu.memref_squeeze %get3A_299 : memref<1x128x64xf32, #tpu.memory_space<vmem>> -> memref<128x64xf32, #tpu.memory_space<vmem>>
        %get3A_301 = arith.index_cast %scan3A_248 : i32 to index
        %get3A_302 = arith.constant 0 : index
        %get3A_303 = tpu.vector_load %get3A_300[%get3A_301, %get3A_302] {strides = array<i32>} : memref<128x64xf32, #tpu.memory_space<vmem>>, vector<1x16xf32>,
        %get3A_304 = vector.shape_cast %get3A_303 : vector<1x16xf32> to vector<16xf32>
        %mul3A_305 = arith.mulf %get3A_304, %gather3A_296 : vector<16xf32>
        %swap3A = arith.constant 0 : i32
        %swap3A_306 = arith.constant 0 : i32
        %swap3A_307 = tpu.memref_slice %arg11[%scan3A_231, %swap3A, %swap3A_306] : memref<3x128x64xf32, #tpu.memory_space<vmem>> -> memref<1x128x64xf32, #tpu.memory_space<vmem>>
        %swap3A_308 = tpu.memref_squeeze %swap3A_307 : memref<1x128x64xf32, #tpu.memory_space<vmem>> -> memref<128x64xf32, #tpu.memory_space<vmem>>
        %swap3A_309 = arith.index_cast %scan3A_248 : i32 to index
        %swap3A_310 = arith.constant 0 : index
        %swap3A_311 = tpu.vector_load %swap3A_308[%swap3A_309, %swap3A_310] {strides = array<i32>} : memref<128x64xf32, #tpu.memory_space<vmem>>, vector<1x16xf32>,
        %swap3A_312 = vector.shape_cast %swap3A_311 : vector<1x16xf32> to vector<16xf32>
        %swap3A_313 = vector.shape_cast %mul3A_305 : vector<16xf32> to vector<1x16xf32>
        tpu.vector_store %swap3A_308[%swap3A_309, %swap3A_310], %swap3A_313 {strides = array<i32>} : memref<128x64xf32, #tpu.memory_space<vmem>>, vector<1x16xf32>,
        %get3A_314 = arith.constant 0 : i32
        %get3A_315 = arith.constant 0 : i32
        %get3A_316 = tpu.memref_slice %arg11[%scan3A_231, %get3A_314, %get3A_315] : memref<3x128x64xf32, #tpu.memory_space<vmem>> -> memref<1x128x64xf32, #tpu.memory_space<vmem>>
        %get3A_317 = tpu.memref_squeeze %get3A_316 : memref<1x128x64xf32, #tpu.memory_space<vmem>> -> memref<128x64xf32, #tpu.memory_space<vmem>>
        %get3A_318 = arith.index_cast %scan3A_248 : i32 to index
        %get3A_319 = arith.constant 16 : index
        %get3A_320 = tpu.vector_load %get3A_317[%get3A_318, %get3A_319] {strides = array<i32>} : memref<128x64xf32, #tpu.memory_space<vmem>>, vector<1x16xf32>,
        %get3A_321 = vector.shape_cast %get3A_320 : vector<1x16xf32> to vector<16xf32>
        %mul3A_322 = arith.mulf %get3A_321, %gather3A_296 : vector<16xf32>
        %swap3A_323 = arith.constant 0 : i32
        %swap3A_324 = arith.constant 0 : i32
        %swap3A_325 = tpu.memref_slice %arg11[%scan3A_231, %swap3A_323, %swap3A_324] : memref<3x128x64xf32, #tpu.memory_space<vmem>> -> memref<1x128x64xf32, #tpu.memory_space<vmem>>
        %swap3A_326 = tpu.memref_squeeze %swap3A_325 : memref<1x128x64xf32, #tpu.memory_space<vmem>> -> memref<128x64xf32, #tpu.memory_space<vmem>>
        %swap3A_327 = arith.index_cast %scan3A_248 : i32 to index
        %swap3A_328 = arith.constant 16 : index
        %swap3A_329 = tpu.vector_load %swap3A_326[%swap3A_327, %swap3A_328] {strides = array<i32>} : memref<128x64xf32, #tpu.memory_space<vmem>>, vector<1x16xf32>,
        %swap3A_330 = vector.shape_cast %swap3A_329 : vector<1x16xf32> to vector<16xf32>
        %swap3A_331 = vector.shape_cast %mul3A_322 : vector<16xf32> to vector<1x16xf32>
        tpu.vector_store %swap3A_326[%swap3A_327, %swap3A_328], %swap3A_331 {strides = array<i32>} : memref<128x64xf32, #tpu.memory_space<vmem>>, vector<1x16xf32>,
        %get3A_332 = arith.constant 0 : i32
        %get3A_333 = arith.constant 0 : i32
        %get3A_334 = tpu.memref_slice %arg11[%scan3A_231, %get3A_332, %get3A_333] : memref<3x128x64xf32, #tpu.memory_space<vmem>> -> memref<1x128x64xf32, #tpu.memory_space<vmem>>
        %get3A_335 = tpu.memref_squeeze %get3A_334 : memref<1x128x64xf32, #tpu.memory_space<vmem>> -> memref<128x64xf32, #tpu.memory_space<vmem>>
        %get3A_336 = arith.index_cast %scan3A_248 : i32 to index
        %get3A_337 = arith.constant 32 : index
        %get3A_338 = tpu.vector_load %get3A_335[%get3A_336, %get3A_337] {strides = array<i32>} : memref<128x64xf32, #tpu.memory_space<vmem>>, vector<1x16xf32>,
        %get3A_339 = vector.shape_cast %get3A_338 : vector<1x16xf32> to vector<16xf32>
        %mul3A_340 = arith.mulf %get3A_339, %gather3A_296 : vector<16xf32>
        %swap3A_341 = arith.constant 0 : i32
        %swap3A_342 = arith.constant 0 : i32
        %swap3A_343 = tpu.memref_slice %arg11[%scan3A_231, %swap3A_341, %swap3A_342] : memref<3x128x64xf32, #tpu.memory_space<vmem>> -> memref<1x128x64xf32, #tpu.memory_space<vmem>>
        %swap3A_344 = tpu.memref_squeeze %swap3A_343 : memref<1x128x64xf32, #tpu.memory_space<vmem>> -> memref<128x64xf32, #tpu.memory_space<vmem>>
        %swap3A_345 = arith.index_cast %scan3A_248 : i32 to index
        %swap3A_346 = arith.constant 32 : index
        %swap3A_347 = tpu.vector_load %swap3A_344[%swap3A_345, %swap3A_346] {strides = array<i32>} : memref<128x64xf32, #tpu.memory_space<vmem>>, vector<1x16xf32>,
        %swap3A_348 = vector.shape_cast %swap3A_347 : vector<1x16xf32> to vector<16xf32>
        %swap3A_349 = vector.shape_cast %mul3A_340 : vector<16xf32> to vector<1x16xf32>
        tpu.vector_store %swap3A_344[%swap3A_345, %swap3A_346], %swap3A_349 {strides = array<i32>} : memref<128x64xf32, #tpu.memory_space<vmem>>, vector<1x16xf32>,
        %get3A_350 = arith.constant 0 : i32
        %get3A_351 = arith.constant 0 : i32
        %get3A_352 = tpu.memref_slice %arg11[%scan3A_231, %get3A_350, %get3A_351] : memref<3x128x64xf32, #tpu.memory_space<vmem>> -> memref<1x128x64xf32, #tpu.memory_space<vmem>>
        %get3A_353 = tpu.memref_squeeze %get3A_352 : memref<1x128x64xf32, #tpu.memory_space<vmem>> -> memref<128x64xf32, #tpu.memory_space<vmem>>
        %get3A_354 = arith.index_cast %scan3A_248 : i32 to index
        %get3A_355 = arith.constant 48 : index
        %get3A_356 = tpu.vector_load %get3A_353[%get3A_354, %get3A_355] {strides = array<i32>} : memref<128x64xf32, #tpu.memory_space<vmem>>, vector<1x16xf32>,
        %get3A_357 = vector.shape_cast %get3A_356 : vector<1x16xf32> to vector<16xf32>
        %mul3A_358 = arith.mulf %get3A_357, %gather3A_296 : vector<16xf32>
        %swap3A_359 = arith.constant 0 : i32
        %swap3A_360 = arith.constant 0 : i32
        %swap3A_361 = tpu.memref_slice %arg11[%scan3A_231, %swap3A_359, %swap3A_360] : memref<3x128x64xf32, #tpu.memory_space<vmem>> -> memref<1x128x64xf32, #tpu.memory_space<vmem>>
        %swap3A_362 = tpu.memref_squeeze %swap3A_361 : memref<1x128x64xf32, #tpu.memory_space<vmem>> -> memref<128x64xf32, #tpu.memory_space<vmem>>
        %swap3A_363 = arith.index_cast %scan3A_248 : i32 to index
        %swap3A_364 = arith.constant 48 : index
        %swap3A_365 = tpu.vector_load %swap3A_362[%swap3A_363, %swap3A_364] {strides = array<i32>} : memref<128x64xf32, #tpu.memory_space<vmem>>, vector<1x16xf32>,
        %swap3A_366 = vector.shape_cast %swap3A_365 : vector<1x16xf32> to vector<16xf32>
        %swap3A_367 = vector.shape_cast %mul3A_358 : vector<16xf32> to vector<1x16xf32>
        tpu.vector_store %swap3A_362[%swap3A_363, %swap3A_364], %swap3A_367 {strides = array<i32>} : memref<128x64xf32, #tpu.memory_space<vmem>>, vector<1x16xf32>,
        %scan3A_368 = arith.constant 1 : i32
        %scan3A_369 = arith.addi %scan3A_248, %scan3A_368 : i32
        %mul3A_370 = arith.constant 128 : i32
        %mul3A_371 = arith.muli %add3A_202, %mul3A_370 : i32
        %jit3A_372 = arith.constant 16 : i32
        %div3A_373 = arith.divsi %scan3A_369, %jit3A_372 : i32
        %sign3A_374 = arith.constant 0 : i32
        %sign3A_375 = arith.cmpi sgt, %scan3A_369, %sign3A_374 : i32
        %sign3A_376 = arith.extui %sign3A_375 : i1 to i32
        %sign3A_377 = arith.constant 0 : i32
        %sign3A_378 = arith.cmpi slt, %scan3A_369, %sign3A_377 : i32
        %sign3A_379 = arith.extui %sign3A_378 : i1 to i32
        %sign3A_380 = arith.subi %sign3A_376, %sign3A_379 : i32
        %sign3A_381 = arith.constant 0 : i32
        %sign3A_382 = arith.cmpi sgt, %jit3A_372, %sign3A_381 : i32
        %sign3A_383 = arith.extui %sign3A_382 : i1 to i32
        %sign3A_384 = arith.constant 0 : i32
        %sign3A_385 = arith.cmpi slt, %jit3A_372, %sign3A_384 : i32
        %sign3A_386 = arith.extui %sign3A_385 : i1 to i32
        %sign3A_387 = arith.subi %sign3A_383, %sign3A_386 : i32
        %ne3A_388 = arith.cmpi ne, %sign3A_380, %sign3A_387 : i32
        %rem3A_389 = arith.remsi %scan3A_369, %jit3A_372 : i32
        %ne3A_390 = arith.constant 0 : i32
        %ne3A_391 = arith.cmpi ne, %rem3A_389, %ne3A_390 : i32
        %and3A_392 = arith.andi %ne3A_388, %ne3A_391 : i1
        %sub3A_393 = arith.constant 1 : i32
        %sub3A_394 = arith.subi %div3A_373, %sub3A_393 : i32
        %select_n3A_395 = arith.select %and3A_392, %sub3A_394, %div3A_373 : i32
        %mul3A_396 = arith.constant 16 : i32
        %mul3A_397 = arith.muli %select_n3A_395, %mul3A_396 : i32
        %add3A_398 = arith.addi %mul3A_371, %mul3A_397 : i32
        %get3A_399 = arith.index_cast %add3A_398 : i32 to index
        %get3A_400 = tpu.vector_load %arg10[%get3A_399] {strides = array<i32>} : memref<20096xf32, #tpu.memory_space<vmem>>, vector<16xf32>,
        %get3A_401 = vector.shape_cast %get3A_400 : vector<16xf32> to vector<16xf32>
        %jit3A_402 = arith.constant 16 : i32
        %eq3A_403 = arith.constant 0 : i32
        %eq3A_404 = arith.cmpi eq, %jit3A_402, %eq3A_403 : i32
        %jit3A_405 = arith.constant 1 : i32
        %select_n3A_406 = arith.select %eq3A_404, %jit3A_405, %jit3A_402 : i32
        %rem3A_407 = arith.remsi %scan3A_369, %select_n3A_406 : i32
        %ne3A_408 = arith.constant 0 : i32
        %ne3A_409 = arith.cmpi ne, %rem3A_407, %ne3A_408 : i32
        %lt3A_410 = arith.constant 0 : i32
        %lt3A_411 = arith.cmpi slt, %rem3A_407, %lt3A_410 : i32
        %lt3A_412 = arith.constant 0 : i32
        %lt3A_413 = arith.cmpi slt, %select_n3A_406, %lt3A_412 : i32
        %ne3A_414 = arith.xori %lt3A_411, %lt3A_413 : i1
        %and3A_415 = arith.andi %ne3A_414, %ne3A_409 : i1
        %add3A_416 = arith.addi %rem3A_407, %select_n3A_406 : i32
        %select_n3A_417 = arith.select %and3A_415, %add3A_416, %rem3A_407 : i32
        %broadcast_in_dim3A_418 = vector.broadcast %select_n3A_417 : i32 to vector<16xi32>
        %lt3A_419 = arith.constant 0 : i32
        %lt3A_420 = vector.broadcast %lt3A_419 : i32 to vector<16xi32>
        %lt3A_421 = arith.cmpi slt, %broadcast_in_dim3A_418, %lt3A_420 : vector<16xi32>
        %add3A_422 = arith.constant 16 : i32
        %add3A_423 = vector.broadcast %add3A_422 : i32 to vector<16xi32>
        %add3A_424 = arith.addi %broadcast_in_dim3A_418, %add3A_423 : vector<16xi32>
        %select_n3A_425 = arith.select %lt3A_421, %add3A_424, %broadcast_in_dim3A_418 : vector<16xi1>, vector<16xi32>
        %broadcast_in_dim3A_426 = vector.shape_cast %select_n3A_425 : vector<16xi32> to vector<16x1xi32>
        %gather3A_427 = vector.shape_cast %broadcast_in_dim3A_426 : vector<16x1xi32> to vector<16xi32>
        %gather3A_428 = tpu.dynamic_gather %get3A_401[%gather3A_427] in [0] : vector<16xf32>, vector<16xi32> -> vector<16xf32>
        %get3A_429 = arith.constant 0 : i32
        %get3A_430 = arith.constant 0 : i32
        %get3A_431 = tpu.memref_slice %arg11[%scan3A_231, %get3A_429, %get3A_430] : memref<3x128x64xf32, #tpu.memory_space<vmem>> -> memref<1x128x64xf32, #tpu.memory_space<vmem>>
        %get3A_432 = tpu.memref_squeeze %get3A_431 : memref<1x128x64xf32, #tpu.memory_space<vmem>> -> memref<128x64xf32, #tpu.memory_space<vmem>>
        %get3A_433 = arith.index_cast %scan3A_369 : i32 to index
        %get3A_434 = arith.constant 0 : index
        %get3A_435 = tpu.vector_load %get3A_432[%get3A_433, %get3A_434] {strides = array<i32>} : memref<128x64xf32, #tpu.memory_space<vmem>>, vector<1x16xf32>,
        %get3A_436 = vector.shape_cast %get3A_435 : vector<1x16xf32> to vector<16xf32>
        %mul3A_437 = arith.mulf %get3A_436, %gather3A_428 : vector<16xf32>
        %swap3A_438 = arith.constant 0 : i32
        %swap3A_439 = arith.constant 0 : i32
        %swap3A_440 = tpu.memref_slice %arg11[%scan3A_231, %swap3A_438, %swap3A_439] : memref<3x128x64xf32, #tpu.memory_space<vmem>> -> memref<1x128x64xf32, #tpu.memory_space<vmem>>
        %swap3A_441 = tpu.memref_squeeze %swap3A_440 : memref<1x128x64xf32, #tpu.memory_space<vmem>> -> memref<128x64xf32, #tpu.memory_space<vmem>>
        %swap3A_442 = arith.index_cast %scan3A_369 : i32 to index
        %swap3A_443 = arith.constant 0 : index
        %swap3A_444 = tpu.vector_load %swap3A_441[%swap3A_442, %swap3A_443] {strides = array<i32>} : memref<128x64xf32, #tpu.memory_space<vmem>>, vector<1x16xf32>,
        %swap3A_445 = vector.shape_cast %swap3A_444 : vector<1x16xf32> to vector<16xf32>
        %swap3A_446 = vector.shape_cast %mul3A_437 : vector<16xf32> to vector<1x16xf32>
        tpu.vector_store %swap3A_441[%swap3A_442, %swap3A_443], %swap3A_446 {strides = array<i32>} : memref<128x64xf32, #tpu.memory_space<vmem>>, vector<1x16xf32>,
        %get3A_447 = arith.constant 0 : i32
        %get3A_448 = arith.constant 0 : i32
        %get3A_449 = tpu.memref_slice %arg11[%scan3A_231, %get3A_447, %get3A_448] : memref<3x128x64xf32, #tpu.memory_space<vmem>> -> memref<1x128x64xf32, #tpu.memory_space<vmem>>
        %get3A_450 = tpu.memref_squeeze %get3A_449 : memref<1x128x64xf32, #tpu.memory_space<vmem>> -> memref<128x64xf32, #tpu.memory_space<vmem>>
        %get3A_451 = arith.index_cast %scan3A_369 : i32 to index
        %get3A_452 = arith.constant 16 : index
        %get3A_453 = tpu.vector_load %get3A_450[%get3A_451, %get3A_452] {strides = array<i32>} : memref<128x64xf32, #tpu.memory_space<vmem>>, vector<1x16xf32>,
        %get3A_454 = vector.shape_cast %get3A_453 : vector<1x16xf32> to vector<16xf32>
        %mul3A_455 = arith.mulf %get3A_454, %gather3A_428 : vector<16xf32>
        %swap3A_456 = arith.constant 0 : i32
        %swap3A_457 = arith.constant 0 : i32
        %swap3A_458 = tpu.memref_slice %arg11[%scan3A_231, %swap3A_456, %swap3A_457] : memref<3x128x64xf32, #tpu.memory_space<vmem>> -> memref<1x128x64xf32, #tpu.memory_space<vmem>>
        %swap3A_459 = tpu.memref_squeeze %swap3A_458 : memref<1x128x64xf32, #tpu.memory_space<vmem>> -> memref<128x64xf32, #tpu.memory_space<vmem>>
        %swap3A_460 = arith.index_cast %scan3A_369 : i32 to index
        %swap3A_461 = arith.constant 16 : index
        %swap3A_462 = tpu.vector_load %swap3A_459[%swap3A_460, %swap3A_461] {strides = array<i32>} : memref<128x64xf32, #tpu.memory_space<vmem>>, vector<1x16xf32>,
        %swap3A_463 = vector.shape_cast %swap3A_462 : vector<1x16xf32> to vector<16xf32>
        %swap3A_464 = vector.shape_cast %mul3A_455 : vector<16xf32> to vector<1x16xf32>
        tpu.vector_store %swap3A_459[%swap3A_460, %swap3A_461], %swap3A_464 {strides = array<i32>} : memref<128x64xf32, #tpu.memory_space<vmem>>, vector<1x16xf32>,
        %get3A_465 = arith.constant 0 : i32
        %get3A_466 = arith.constant 0 : i32
        %get3A_467 = tpu.memref_slice %arg11[%scan3A_231, %get3A_465, %get3A_466] : memref<3x128x64xf32, #tpu.memory_space<vmem>> -> memref<1x128x64xf32, #tpu.memory_space<vmem>>
        %get3A_468 = tpu.memref_squeeze %get3A_467 : memref<1x128x64xf32, #tpu.memory_space<vmem>> -> memref<128x64xf32, #tpu.memory_space<vmem>>
        %get3A_469 = arith.index_cast %scan3A_369 : i32 to index
        %get3A_470 = arith.constant 32 : index
        %get3A_471 = tpu.vector_load %get3A_468[%get3A_469, %get3A_470] {strides = array<i32>} : memref<128x64xf32, #tpu.memory_space<vmem>>, vector<1x16xf32>,
        %get3A_472 = vector.shape_cast %get3A_471 : vector<1x16xf32> to vector<16xf32>
        %mul3A_473 = arith.mulf %get3A_472, %gather3A_428 : vector<16xf32>
        %swap3A_474 = arith.constant 0 : i32
        %swap3A_475 = arith.constant 0 : i32
        %swap3A_476 = tpu.memref_slice %arg11[%scan3A_231, %swap3A_474, %swap3A_475] : memref<3x128x64xf32, #tpu.memory_space<vmem>> -> memref<1x128x64xf32, #tpu.memory_space<vmem>>
        %swap3A_477 = tpu.memref_squeeze %swap3A_476 : memref<1x128x64xf32, #tpu.memory_space<vmem>> -> memref<128x64xf32, #tpu.memory_space<vmem>>
        %swap3A_478 = arith.index_cast %scan3A_369 : i32 to index
        %swap3A_479 = arith.constant 32 : index
        %swap3A_480 = tpu.vector_load %swap3A_477[%swap3A_478, %swap3A_479] {strides = array<i32>} : memref<128x64xf32, #tpu.memory_space<vmem>>, vector<1x16xf32>,
        %swap3A_481 = vector.shape_cast %swap3A_480 : vector<1x16xf32> to vector<16xf32>
        %swap3A_482 = vector.shape_cast %mul3A_473 : vector<16xf32> to vector<1x16xf32>
        tpu.vector_store %swap3A_477[%swap3A_478, %swap3A_479], %swap3A_482 {strides = array<i32>} : memref<128x64xf32, #tpu.memory_space<vmem>>, vector<1x16xf32>,
        %get3A_483 = arith.constant 0 : i32
        %get3A_484 = arith.constant 0 : i32
        %get3A_485 = tpu.memref_slice %arg11[%scan3A_231, %get3A_483, %get3A_484] : memref<3x128x64xf32, #tpu.memory_space<vmem>> -> memref<1x128x64xf32, #tpu.memory_space<vmem>>
        %get3A_486 = tpu.memref_squeeze %get3A_485 : memref<1x128x64xf32, #tpu.memory_space<vmem>> -> memref<128x64xf32, #tpu.memory_space<vmem>>
        %get3A_487 = arith.index_cast %scan3A_369 : i32 to index
        %get3A_488 = arith.constant 48 : index
        %get3A_489 = tpu.vector_load %get3A_486[%get3A_487, %get3A_488] {strides = array<i32>} : memref<128x64xf32, #tpu.memory_space<vmem>>, vector<1x16xf32>,
        %get3A_490 = vector.shape_cast %get3A_489 : vector<1x16xf32> to vector<16xf32>
        %mul3A_491 = arith.mulf %get3A_490, %gather3A_428 : vector<16xf32>
        %swap3A_492 = arith.constant 0 : i32
        %swap3A_493 = arith.constant 0 : i32
        %swap3A_494 = tpu.memref_slice %arg11[%scan3A_231, %swap3A_492, %swap3A_493] : memref<3x128x64xf32, #tpu.memory_space<vmem>> -> memref<1x128x64xf32, #tpu.memory_space<vmem>>
        %swap3A_495 = tpu.memref_squeeze %swap3A_494 : memref<1x128x64xf32, #tpu.memory_space<vmem>> -> memref<128x64xf32, #tpu.memory_space<vmem>>
        %swap3A_496 = arith.index_cast %scan3A_369 : i32 to index
        %swap3A_497 = arith.constant 48 : index
        %swap3A_498 = tpu.vector_load %swap3A_495[%swap3A_496, %swap3A_497] {strides = array<i32>} : memref<128x64xf32, #tpu.memory_space<vmem>>, vector<1x16xf32>,
        %swap3A_499 = vector.shape_cast %swap3A_498 : vector<1x16xf32> to vector<16xf32>
        %swap3A_500 = vector.shape_cast %mul3A_491 : vector<16xf32> to vector<1x16xf32>
        tpu.vector_store %swap3A_495[%swap3A_496, %swap3A_497], %swap3A_500 {strides = array<i32>} : memref<128x64xf32, #tpu.memory_space<vmem>>, vector<1x16xf32>,
        %scan3A_501 = arith.constant 2 : i32
        %scan3A_502 = arith.addi %scan3A_248, %scan3A_501 : i32
        %mul3A_503 = arith.constant 128 : i32
        %mul3A_504 = arith.muli %add3A_202, %mul3A_503 : i32
        %jit3A_505 = arith.constant 16 : i32
        %div3A_506 = arith.divsi %scan3A_502, %jit3A_505 : i32
        %sign3A_507 = arith.constant 0 : i32
        %sign3A_508 = arith.cmpi sgt, %scan3A_502, %sign3A_507 : i32
        %sign3A_509 = arith.extui %sign3A_508 : i1 to i32
        %sign3A_510 = arith.constant 0 : i32
        %sign3A_511 = arith.cmpi slt, %scan3A_502, %sign3A_510 : i32
        %sign3A_512 = arith.extui %sign3A_511 : i1 to i32
        %sign3A_513 = arith.subi %sign3A_509, %sign3A_512 : i32
        %sign3A_514 = arith.constant 0 : i32
        %sign3A_515 = arith.cmpi sgt, %jit3A_505, %sign3A_514 : i32
        %sign3A_516 = arith.extui %sign3A_515 : i1 to i32
        %sign3A_517 = arith.constant 0 : i32
        %sign3A_518 = arith.cmpi slt, %jit3A_505, %sign3A_517 : i32
        %sign3A_519 = arith.extui %sign3A_518 : i1 to i32
        %sign3A_520 = arith.subi %sign3A_516, %sign3A_519 : i32
        %ne3A_521 = arith.cmpi ne, %sign3A_513, %sign3A_520 : i32
        %rem3A_522 = arith.remsi %scan3A_502, %jit3A_505 : i32
        %ne3A_523 = arith.constant 0 : i32
        %ne3A_524 = arith.cmpi ne, %rem3A_522, %ne3A_523 : i32
        %and3A_525 = arith.andi %ne3A_521, %ne3A_524 : i1
        %sub3A_526 = arith.constant 1 : i32
        %sub3A_527 = arith.subi %div3A_506, %sub3A_526 : i32
        %select_n3A_528 = arith.select %and3A_525, %sub3A_527, %div3A_506 : i32
        %mul3A_529 = arith.constant 16 : i32
        %mul3A_530 = arith.muli %select_n3A_528, %mul3A_529 : i32
        %add3A_531 = arith.addi %mul3A_504, %mul3A_530 : i32
        %get3A_532 = arith.index_cast %add3A_531 : i32 to index
        %get3A_533 = tpu.vector_load %arg10[%get3A_532] {strides = array<i32>} : memref<20096xf32, #tpu.memory_space<vmem>>, vector<16xf32>,
        %get3A_534 = vector.shape_cast %get3A_533 : vector<16xf32> to vector<16xf32>
        %jit3A_535 = arith.constant 16 : i32
        %eq3A_536 = arith.constant 0 : i32
        %eq3A_537 = arith.cmpi eq, %jit3A_535, %eq3A_536 : i32
        %jit3A_538 = arith.constant 1 : i32
        %select_n3A_539 = arith.select %eq3A_537, %jit3A_538, %jit3A_535 : i32
        %rem3A_540 = arith.remsi %scan3A_502, %select_n3A_539 : i32
        %ne3A_541 = arith.constant 0 : i32
        %ne3A_542 = arith.cmpi ne, %rem3A_540, %ne3A_541 : i32
        %lt3A_543 = arith.constant 0 : i32
        %lt3A_544 = arith.cmpi slt, %rem3A_540, %lt3A_543 : i32
        %lt3A_545 = arith.constant 0 : i32
        %lt3A_546 = arith.cmpi slt, %select_n3A_539, %lt3A_545 : i32
        %ne3A_547 = arith.xori %lt3A_544, %lt3A_546 : i1
        %and3A_548 = arith.andi %ne3A_547, %ne3A_542 : i1
        %add3A_549 = arith.addi %rem3A_540, %select_n3A_539 : i32
        %select_n3A_550 = arith.select %and3A_548, %add3A_549, %rem3A_540 : i32
        %broadcast_in_dim3A_551 = vector.broadcast %select_n3A_550 : i32 to vector<16xi32>
        %lt3A_552 = arith.constant 0 : i32
        %lt3A_553 = vector.broadcast %lt3A_552 : i32 to vector<16xi32>
        %lt3A_554 = arith.cmpi slt, %broadcast_in_dim3A_551, %lt3A_553 : vector<16xi32>
        %add3A_555 = arith.constant 16 : i32
        %add3A_556 = vector.broadcast %add3A_555 : i32 to vector<16xi32>
        %add3A_557 = arith.addi %broadcast_in_dim3A_551, %add3A_556 : vector<16xi32>
        %select_n3A_558 = arith.select %lt3A_554, %add3A_557, %broadcast_in_dim3A_551 : vector<16xi1>, vector<16xi32>
        %broadcast_in_dim3A_559 = vector.shape_cast %select_n3A_558 : vector<16xi32> to vector<16x1xi32>
        %gather3A_560 = vector.shape_cast %broadcast_in_dim3A_559 : vector<16x1xi32> to vector<16xi32>
        %gather3A_561 = tpu.dynamic_gather %get3A_534[%gather3A_560] in [0] : vector<16xf32>, vector<16xi32> -> vector<16xf32>
        %get3A_562 = arith.constant 0 : i32
        %get3A_563 = arith.constant 0 : i32
        %get3A_564 = tpu.memref_slice %arg11[%scan3A_231, %get3A_562, %get3A_563] : memref<3x128x64xf32, #tpu.memory_space<vmem>> -> memref<1x128x64xf32, #tpu.memory_space<vmem>>
        %get3A_565 = tpu.memref_squeeze %get3A_564 : memref<1x128x64xf32, #tpu.memory_space<vmem>> -> memref<128x64xf32, #tpu.memory_space<vmem>>
        %get3A_566 = arith.index_cast %scan3A_502 : i32 to index
        %get3A_567 = arith.constant 0 : index
        %get3A_568 = tpu.vector_load %get3A_565[%get3A_566, %get3A_567] {strides = array<i32>} : memref<128x64xf32, #tpu.memory_space<vmem>>, vector<1x16xf32>,
        %get3A_569 = vector.shape_cast %get3A_568 : vector<1x16xf32> to vector<16xf32>
        %mul3A_570 = arith.mulf %get3A_569, %gather3A_561 : vector<16xf32>
        %swap3A_571 = arith.constant 0 : i32
        %swap3A_572 = arith.constant 0 : i32
        %swap3A_573 = tpu.memref_slice %arg11[%scan3A_231, %swap3A_571, %swap3A_572] : memref<3x128x64xf32, #tpu.memory_space<vmem>> -> memref<1x128x64xf32, #tpu.memory_space<vmem>>
        %swap3A_574 = tpu.memref_squeeze %swap3A_573 : memref<1x128x64xf32, #tpu.memory_space<vmem>> -> memref<128x64xf32, #tpu.memory_space<vmem>>
        %swap3A_575 = arith.index_cast %scan3A_502 : i32 to index
        %swap3A_576 = arith.constant 0 : index
        %swap3A_577 = tpu.vector_load %swap3A_574[%swap3A_575, %swap3A_576] {strides = array<i32>} : memref<128x64xf32, #tpu.memory_space<vmem>>, vector<1x16xf32>,
        %swap3A_578 = vector.shape_cast %swap3A_577 : vector<1x16xf32> to vector<16xf32>
        %swap3A_579 = vector.shape_cast %mul3A_570 : vector<16xf32> to vector<1x16xf32>
        tpu.vector_store %swap3A_574[%swap3A_575, %swap3A_576], %swap3A_579 {strides = array<i32>} : memref<128x64xf32, #tpu.memory_space<vmem>>, vector<1x16xf32>,
        %get3A_580 = arith.constant 0 : i32
        %get3A_581 = arith.constant 0 : i32
        %get3A_582 = tpu.memref_slice %arg11[%scan3A_231, %get3A_580, %get3A_581] : memref<3x128x64xf32, #tpu.memory_space<vmem>> -> memref<1x128x64xf32, #tpu.memory_space<vmem>>
        %get3A_583 = tpu.memref_squeeze %get3A_582 : memref<1x128x64xf32, #tpu.memory_space<vmem>> -> memref<128x64xf32, #tpu.memory_space<vmem>>
        %get3A_584 = arith.index_cast %scan3A_502 : i32 to index
        %get3A_585 = arith.constant 16 : index
        %get3A_586 = tpu.vector_load %get3A_583[%get3A_584, %get3A_585] {strides = array<i32>} : memref<128x64xf32, #tpu.memory_space<vmem>>, vector<1x16xf32>,
        %get3A_587 = vector.shape_cast %get3A_586 : vector<1x16xf32> to vector<16xf32>
        %mul3A_588 = arith.mulf %get3A_587, %gather3A_561 : vector<16xf32>
        %swap3A_589 = arith.constant 0 : i32
        %swap3A_590 = arith.constant 0 : i32
        %swap3A_591 = tpu.memref_slice %arg11[%scan3A_231, %swap3A_589, %swap3A_590] : memref<3x128x64xf32, #tpu.memory_space<vmem>> -> memref<1x128x64xf32, #tpu.memory_space<vmem>>
        %swap3A_592 = tpu.memref_squeeze %swap3A_591 : memref<1x128x64xf32, #tpu.memory_space<vmem>> -> memref<128x64xf32, #tpu.memory_space<vmem>>
        %swap3A_593 = arith.index_cast %scan3A_502 : i32 to index
        %swap3A_594 = arith.constant 16 : index
        %swap3A_595 = tpu.vector_load %swap3A_592[%swap3A_593, %swap3A_594] {strides = array<i32>} : memref<128x64xf32, #tpu.memory_space<vmem>>, vector<1x16xf32>,
        %swap3A_596 = vector.shape_cast %swap3A_595 : vector<1x16xf32> to vector<16xf32>
        %swap3A_597 = vector.shape_cast %mul3A_588 : vector<16xf32> to vector<1x16xf32>
        tpu.vector_store %swap3A_592[%swap3A_593, %swap3A_594], %swap3A_597 {strides = array<i32>} : memref<128x64xf32, #tpu.memory_space<vmem>>, vector<1x16xf32>,
        %get3A_598 = arith.constant 0 : i32
        %get3A_599 = arith.constant 0 : i32
        %get3A_600 = tpu.memref_slice %arg11[%scan3A_231, %get3A_598, %get3A_599] : memref<3x128x64xf32, #tpu.memory_space<vmem>> -> memref<1x128x64xf32, #tpu.memory_space<vmem>>
        %get3A_601 = tpu.memref_squeeze %get3A_600 : memref<1x128x64xf32, #tpu.memory_space<vmem>> -> memref<128x64xf32, #tpu.memory_space<vmem>>
        %get3A_602 = arith.index_cast %scan3A_502 : i32 to index
        %get3A_603 = arith.constant 32 : index
        %get3A_604 = tpu.vector_load %get3A_601[%get3A_602, %get3A_603] {strides = array<i32>} : memref<128x64xf32, #tpu.memory_space<vmem>>, vector<1x16xf32>,
        %get3A_605 = vector.shape_cast %get3A_604 : vector<1x16xf32> to vector<16xf32>
        %mul3A_606 = arith.mulf %get3A_605, %gather3A_561 : vector<16xf32>
        %swap3A_607 = arith.constant 0 : i32
        %swap3A_608 = arith.constant 0 : i32
        %swap3A_609 = tpu.memref_slice %arg11[%scan3A_231, %swap3A_607, %swap3A_608] : memref<3x128x64xf32, #tpu.memory_space<vmem>> -> memref<1x128x64xf32, #tpu.memory_space<vmem>>
        %swap3A_610 = tpu.memref_squeeze %swap3A_609 : memref<1x128x64xf32, #tpu.memory_space<vmem>> -> memref<128x64xf32, #tpu.memory_space<vmem>>
        %swap3A_611 = arith.index_cast %scan3A_502 : i32 to index
        %swap3A_612 = arith.constant 32 : index
        %swap3A_613 = tpu.vector_load %swap3A_610[%swap3A_611, %swap3A_612] {strides = array<i32>} : memref<128x64xf32, #tpu.memory_space<vmem>>, vector<1x16xf32>,
        %swap3A_614 = vector.shape_cast %swap3A_613 : vector<1x16xf32> to vector<16xf32>
        %swap3A_615 = vector.shape_cast %mul3A_606 : vector<16xf32> to vector<1x16xf32>
        tpu.vector_store %swap3A_610[%swap3A_611, %swap3A_612], %swap3A_615 {strides = array<i32>} : memref<128x64xf32, #tpu.memory_space<vmem>>, vector<1x16xf32>,
        %get3A_616 = arith.constant 0 : i32
        %get3A_617 = arith.constant 0 : i32
        %get3A_618 = tpu.memref_slice %arg11[%scan3A_231, %get3A_616, %get3A_617] : memref<3x128x64xf32, #tpu.memory_space<vmem>> -> memref<1x128x64xf32, #tpu.memory_space<vmem>>
        %get3A_619 = tpu.memref_squeeze %get3A_618 : memref<1x128x64xf32, #tpu.memory_space<vmem>> -> memref<128x64xf32, #tpu.memory_space<vmem>>
        %get3A_620 = arith.index_cast %scan3A_502 : i32 to index
        %get3A_621 = arith.constant 48 : index
        %get3A_622 = tpu.vector_load %get3A_619[%get3A_620, %get3A_621] {strides = array<i32>} : memref<128x64xf32, #tpu.memory_space<vmem>>, vector<1x16xf32>,
        %get3A_623 = vector.shape_cast %get3A_622 : vector<1x16xf32> to vector<16xf32>
        %mul3A_624 = arith.mulf %get3A_623, %gather3A_561 : vector<16xf32>
        %swap3A_625 = arith.constant 0 : i32
        %swap3A_626 = arith.constant 0 : i32
        %swap3A_627 = tpu.memref_slice %arg11[%scan3A_231, %swap3A_625, %swap3A_626] : memref<3x128x64xf32, #tpu.memory_space<vmem>> -> memref<1x128x64xf32, #tpu.memory_space<vmem>>
        %swap3A_628 = tpu.memref_squeeze %swap3A_627 : memref<1x128x64xf32, #tpu.memory_space<vmem>> -> memref<128x64xf32, #tpu.memory_space<vmem>>
        %swap3A_629 = arith.index_cast %scan3A_502 : i32 to index
        %swap3A_630 = arith.constant 48 : index
        %swap3A_631 = tpu.vector_load %swap3A_628[%swap3A_629, %swap3A_630] {strides = array<i32>} : memref<128x64xf32, #tpu.memory_space<vmem>>, vector<1x16xf32>,
        %swap3A_632 = vector.shape_cast %swap3A_631 : vector<1x16xf32> to vector<16xf32>
        %swap3A_633 = vector.shape_cast %mul3A_624 : vector<16xf32> to vector<1x16xf32>
        tpu.vector_store %swap3A_628[%swap3A_629, %swap3A_630], %swap3A_633 {strides = array<i32>} : memref<128x64xf32, #tpu.memory_space<vmem>>, vector<1x16xf32>,
        %scan3A_634 = arith.constant 3 : i32
        %scan3A_635 = arith.addi %scan3A_248, %scan3A_634 : i32
        %mul3A_636 = arith.constant 128 : i32
        %mul3A_637 = arith.muli %add3A_202, %mul3A_636 : i32
        %jit3A_638 = arith.constant 16 : i32
        %div3A_639 = arith.divsi %scan3A_635, %jit3A_638 : i32
        %sign3A_640 = arith.constant 0 : i32
        %sign3A_641 = arith.cmpi sgt, %scan3A_635, %sign3A_640 : i32
        %sign3A_642 = arith.extui %sign3A_641 : i1 to i32
        %sign3A_643 = arith.constant 0 : i32
        %sign3A_644 = arith.cmpi slt, %scan3A_635, %sign3A_643 : i32
        %sign3A_645 = arith.extui %sign3A_644 : i1 to i32
        %sign3A_646 = arith.subi %sign3A_642, %sign3A_645 : i32
        %sign3A_647 = arith.constant 0 : i32
        %sign3A_648 = arith.cmpi sgt, %jit3A_638, %sign3A_647 : i32
        %sign3A_649 = arith.extui %sign3A_648 : i1 to i32
        %sign3A_650 = arith.constant 0 : i32
        %sign3A_651 = arith.cmpi slt, %jit3A_638, %sign3A_650 : i32
        %sign3A_652 = arith.extui %sign3A_651 : i1 to i32
        %sign3A_653 = arith.subi %sign3A_649, %sign3A_652 : i32
        %ne3A_654 = arith.cmpi ne, %sign3A_646, %sign3A_653 : i32
        %rem3A_655 = arith.remsi %scan3A_635, %jit3A_638 : i32
        %ne3A_656 = arith.constant 0 : i32
        %ne3A_657 = arith.cmpi ne, %rem3A_655, %ne3A_656 : i32
        %and3A_658 = arith.andi %ne3A_654, %ne3A_657 : i1
        %sub3A_659 = arith.constant 1 : i32
        %sub3A_660 = arith.subi %div3A_639, %sub3A_659 : i32
        %select_n3A_661 = arith.select %and3A_658, %sub3A_660, %div3A_639 : i32
        %mul3A_662 = arith.constant 16 : i32
        %mul3A_663 = arith.muli %select_n3A_661, %mul3A_662 : i32
        %add3A_664 = arith.addi %mul3A_637, %mul3A_663 : i32
        %get3A_665 = arith.index_cast %add3A_664 : i32 to index
        %get3A_666 = tpu.vector_load %arg10[%get3A_665] {strides = array<i32>} : memref<20096xf32, #tpu.memory_space<vmem>>, vector<16xf32>,
        %get3A_667 = vector.shape_cast %get3A_666 : vector<16xf32> to vector<16xf32>
        %jit3A_668 = arith.constant 16 : i32
        %eq3A_669 = arith.constant 0 : i32
        %eq3A_670 = arith.cmpi eq, %jit3A_668, %eq3A_669 : i32
        %jit3A_671 = arith.constant 1 : i32
        %select_n3A_672 = arith.select %eq3A_670, %jit3A_671, %jit3A_668 : i32
        %rem3A_673 = arith.remsi %scan3A_635, %select_n3A_672 : i32
        %ne3A_674 = arith.constant 0 : i32
        %ne3A_675 = arith.cmpi ne, %rem3A_673, %ne3A_674 : i32
        %lt3A_676 = arith.constant 0 : i32
        %lt3A_677 = arith.cmpi slt, %rem3A_673, %lt3A_676 : i32
        %lt3A_678 = arith.constant 0 : i32
        %lt3A_679 = arith.cmpi slt, %select_n3A_672, %lt3A_678 : i32
        %ne3A_680 = arith.xori %lt3A_677, %lt3A_679 : i1
        %and3A_681 = arith.andi %ne3A_680, %ne3A_675 : i1
        %add3A_682 = arith.addi %rem3A_673, %select_n3A_672 : i32
        %select_n3A_683 = arith.select %and3A_681, %add3A_682, %rem3A_673 : i32
        %broadcast_in_dim3A_684 = vector.broadcast %select_n3A_683 : i32 to vector<16xi32>
        %lt3A_685 = arith.constant 0 : i32
        %lt3A_686 = vector.broadcast %lt3A_685 : i32 to vector<16xi32>
        %lt3A_687 = arith.cmpi slt, %broadcast_in_dim3A_684, %lt3A_686 : vector<16xi32>
        %add3A_688 = arith.constant 16 : i32
        %add3A_689 = vector.broadcast %add3A_688 : i32 to vector<16xi32>
        %add3A_690 = arith.addi %broadcast_in_dim3A_684, %add3A_689 : vector<16xi32>
        %select_n3A_691 = arith.select %lt3A_687, %add3A_690, %broadcast_in_dim3A_684 : vector<16xi1>, vector<16xi32>
        %broadcast_in_dim3A_692 = vector.shape_cast %select_n3A_691 : vector<16xi32> to vector<16x1xi32>
        %gather3A_693 = vector.shape_cast %broadcast_in_dim3A_692 : vector<16x1xi32> to vector<16xi32>
        %gather3A_694 = tpu.dynamic_gather %get3A_667[%gather3A_693] in [0] : vector<16xf32>, vector<16xi32> -> vector<16xf32>
        %get3A_695 = arith.constant 0 : i32
        %get3A_696 = arith.constant 0 : i32
        %get3A_697 = tpu.memref_slice %arg11[%scan3A_231, %get3A_695, %get3A_696] : memref<3x128x64xf32, #tpu.memory_space<vmem>> -> memref<1x128x64xf32, #tpu.memory_space<vmem>>
        %get3A_698 = tpu.memref_squeeze %get3A_697 : memref<1x128x64xf32, #tpu.memory_space<vmem>> -> memref<128x64xf32, #tpu.memory_space<vmem>>
        %get3A_699 = arith.index_cast %scan3A_635 : i32 to index
        %get3A_700 = arith.constant 0 : index
        %get3A_701 = tpu.vector_load %get3A_698[%get3A_699, %get3A_700] {strides = array<i32>} : memref<128x64xf32, #tpu.memory_space<vmem>>, vector<1x16xf32>,
        %get3A_702 = vector.shape_cast %get3A_701 : vector<1x16xf32> to vector<16xf32>
        %mul3A_703 = arith.mulf %get3A_702, %gather3A_694 : vector<16xf32>
        %swap3A_704 = arith.constant 0 : i32
        %swap3A_705 = arith.constant 0 : i32
        %swap3A_706 = tpu.memref_slice %arg11[%scan3A_231, %swap3A_704, %swap3A_705] : memref<3x128x64xf32, #tpu.memory_space<vmem>> -> memref<1x128x64xf32, #tpu.memory_space<vmem>>
        %swap3A_707 = tpu.memref_squeeze %swap3A_706 : memref<1x128x64xf32, #tpu.memory_space<vmem>> -> memref<128x64xf32, #tpu.memory_space<vmem>>
        %swap3A_708 = arith.index_cast %scan3A_635 : i32 to index
        %swap3A_709 = arith.constant 0 : index
        %swap3A_710 = tpu.vector_load %swap3A_707[%swap3A_708, %swap3A_709] {strides = array<i32>} : memref<128x64xf32, #tpu.memory_space<vmem>>, vector<1x16xf32>,
        %swap3A_711 = vector.shape_cast %swap3A_710 : vector<1x16xf32> to vector<16xf32>
        %swap3A_712 = vector.shape_cast %mul3A_703 : vector<16xf32> to vector<1x16xf32>
        tpu.vector_store %swap3A_707[%swap3A_708, %swap3A_709], %swap3A_712 {strides = array<i32>} : memref<128x64xf32, #tpu.memory_space<vmem>>, vector<1x16xf32>,
        %get3A_713 = arith.constant 0 : i32
        %get3A_714 = arith.constant 0 : i32
        %get3A_715 = tpu.memref_slice %arg11[%scan3A_231, %get3A_713, %get3A_714] : memref<3x128x64xf32, #tpu.memory_space<vmem>> -> memref<1x128x64xf32, #tpu.memory_space<vmem>>
        %get3A_716 = tpu.memref_squeeze %get3A_715 : memref<1x128x64xf32, #tpu.memory_space<vmem>> -> memref<128x64xf32, #tpu.memory_space<vmem>>
        %get3A_717 = arith.index_cast %scan3A_635 : i32 to index
        %get3A_718 = arith.constant 16 : index
        %get3A_719 = tpu.vector_load %get3A_716[%get3A_717, %get3A_718] {strides = array<i32>} : memref<128x64xf32, #tpu.memory_space<vmem>>, vector<1x16xf32>,
        %get3A_720 = vector.shape_cast %get3A_719 : vector<1x16xf32> to vector<16xf32>
        %mul3A_721 = arith.mulf %get3A_720, %gather3A_694 : vector<16xf32>
        %swap3A_722 = arith.constant 0 : i32
        %swap3A_723 = arith.constant 0 : i32
        %swap3A_724 = tpu.memref_slice %arg11[%scan3A_231, %swap3A_722, %swap3A_723] : memref<3x128x64xf32, #tpu.memory_space<vmem>> -> memref<1x128x64xf32, #tpu.memory_space<vmem>>
        %swap3A_725 = tpu.memref_squeeze %swap3A_724 : memref<1x128x64xf32, #tpu.memory_space<vmem>> -> memref<128x64xf32, #tpu.memory_space<vmem>>
        %swap3A_726 = arith.index_cast %scan3A_635 : i32 to index
        %swap3A_727 = arith.constant 16 : index
        %swap3A_728 = tpu.vector_load %swap3A_725[%swap3A_726, %swap3A_727] {strides = array<i32>} : memref<128x64xf32, #tpu.memory_space<vmem>>, vector<1x16xf32>,
        %swap3A_729 = vector.shape_cast %swap3A_728 : vector<1x16xf32> to vector<16xf32>
        %swap3A_730 = vector.shape_cast %mul3A_721 : vector<16xf32> to vector<1x16xf32>
        tpu.vector_store %swap3A_725[%swap3A_726, %swap3A_727], %swap3A_730 {strides = array<i32>} : memref<128x64xf32, #tpu.memory_space<vmem>>, vector<1x16xf32>,
        %get3A_731 = arith.constant 0 : i32
        %get3A_732 = arith.constant 0 : i32
        %get3A_733 = tpu.memref_slice %arg11[%scan3A_231, %get3A_731, %get3A_732] : memref<3x128x64xf32, #tpu.memory_space<vmem>> -> memref<1x128x64xf32, #tpu.memory_space<vmem>>
        %get3A_734 = tpu.memref_squeeze %get3A_733 : memref<1x128x64xf32, #tpu.memory_space<vmem>> -> memref<128x64xf32, #tpu.memory_space<vmem>>
        %get3A_735 = arith.index_cast %scan3A_635 : i32 to index
        %get3A_736 = arith.constant 32 : index
        %get3A_737 = tpu.vector_load %get3A_734[%get3A_735, %get3A_736] {strides = array<i32>} : memref<128x64xf32, #tpu.memory_space<vmem>>, vector<1x16xf32>,
        %get3A_738 = vector.shape_cast %get3A_737 : vector<1x16xf32> to vector<16xf32>
        %mul3A_739 = arith.mulf %get3A_738, %gather3A_694 : vector<16xf32>
        %swap3A_740 = arith.constant 0 : i32
        %swap3A_741 = arith.constant 0 : i32
        %swap3A_742 = tpu.memref_slice %arg11[%scan3A_231, %swap3A_740, %swap3A_741] : memref<3x128x64xf32, #tpu.memory_space<vmem>> -> memref<1x128x64xf32, #tpu.memory_space<vmem>>
        %swap3A_743 = tpu.memref_squeeze %swap3A_742 : memref<1x128x64xf32, #tpu.memory_space<vmem>> -> memref<128x64xf32, #tpu.memory_space<vmem>>
        %swap3A_744 = arith.index_cast %scan3A_635 : i32 to index
        %swap3A_745 = arith.constant 32 : index
        %swap3A_746 = tpu.vector_load %swap3A_743[%swap3A_744, %swap3A_745] {strides = array<i32>} : memref<128x64xf32, #tpu.memory_space<vmem>>, vector<1x16xf32>,
        %swap3A_747 = vector.shape_cast %swap3A_746 : vector<1x16xf32> to vector<16xf32>
        %swap3A_748 = vector.shape_cast %mul3A_739 : vector<16xf32> to vector<1x16xf32>
        tpu.vector_store %swap3A_743[%swap3A_744, %swap3A_745], %swap3A_748 {strides = array<i32>} : memref<128x64xf32, #tpu.memory_space<vmem>>, vector<1x16xf32>,
        %get3A_749 = arith.constant 0 : i32
        %get3A_750 = arith.constant 0 : i32
        %get3A_751 = tpu.memref_slice %arg11[%scan3A_231, %get3A_749, %get3A_750] : memref<3x128x64xf32, #tpu.memory_space<vmem>> -> memref<1x128x64xf32, #tpu.memory_space<vmem>>
        %get3A_752 = tpu.memref_squeeze %get3A_751 : memref<1x128x64xf32, #tpu.memory_space<vmem>> -> memref<128x64xf32, #tpu.memory_space<vmem>>
        %get3A_753 = arith.index_cast %scan3A_635 : i32 to index
        %get3A_754 = arith.constant 48 : index
        %get3A_755 = tpu.vector_load %get3A_752[%get3A_753, %get3A_754] {strides = array<i32>} : memref<128x64xf32, #tpu.memory_space<vmem>>, vector<1x16xf32>,
        %get3A_756 = vector.shape_cast %get3A_755 : vector<1x16xf32> to vector<16xf32>
        %mul3A_757 = arith.mulf %get3A_756, %gather3A_694 : vector<16xf32>
        %swap3A_758 = arith.constant 0 : i32
        %swap3A_759 = arith.constant 0 : i32
        %swap3A_760 = tpu.memref_slice %arg11[%scan3A_231, %swap3A_758, %swap3A_759] : memref<3x128x64xf32, #tpu.memory_space<vmem>> -> memref<1x128x64xf32, #tpu.memory_space<vmem>>
        %swap3A_761 = tpu.memref_squeeze %swap3A_760 : memref<1x128x64xf32, #tpu.memory_space<vmem>> -> memref<128x64xf32, #tpu.memory_space<vmem>>
        %swap3A_762 = arith.index_cast %scan3A_635 : i32 to index
        %swap3A_763 = arith.constant 48 : index
        %swap3A_764 = tpu.vector_load %swap3A_761[%swap3A_762, %swap3A_763] {strides = array<i32>} : memref<128x64xf32, #tpu.memory_space<vmem>>, vector<1x16xf32>,
        %swap3A_765 = vector.shape_cast %swap3A_764 : vector<1x16xf32> to vector<16xf32>
        %swap3A_766 = vector.shape_cast %mul3A_757 : vector<16xf32> to vector<1x16xf32>
        tpu.vector_store %swap3A_761[%swap3A_762, %swap3A_763], %swap3A_766 {strides = array<i32>} : memref<128x64xf32, #tpu.memory_space<vmem>>, vector<1x16xf32>,
        %scan3A_767 = arith.constant 4 : i32
        %scan3A_768 = arith.addi %scan3A_248, %scan3A_767 : i32
        %mul3A_769 = arith.constant 128 : i32
        %mul3A_770 = arith.muli %add3A_202, %mul3A_769 : i32
        %jit3A_771 = arith.constant 16 : i32
        %div3A_772 = arith.divsi %scan3A_768, %jit3A_771 : i32
        %sign3A_773 = arith.constant 0 : i32
        %sign3A_774 = arith.cmpi sgt, %scan3A_768, %sign3A_773 : i32
        %sign3A_775 = arith.extui %sign3A_774 : i1 to i32
        %sign3A_776 = arith.constant 0 : i32
        %sign3A_777 = arith.cmpi slt, %scan3A_768, %sign3A_776 : i32
        %sign3A_778 = arith.extui %sign3A_777 : i1 to i32
        %sign3A_779 = arith.subi %sign3A_775, %sign3A_778 : i32
        %sign3A_780 = arith.constant 0 : i32
        %sign3A_781 = arith.cmpi sgt, %jit3A_771, %sign3A_780 : i32
        %sign3A_782 = arith.extui %sign3A_781 : i1 to i32
        %sign3A_783 = arith.constant 0 : i32
        %sign3A_784 = arith.cmpi slt, %jit3A_771, %sign3A_783 : i32
        %sign3A_785 = arith.extui %sign3A_784 : i1 to i32
        %sign3A_786 = arith.subi %sign3A_782, %sign3A_785 : i32
        %ne3A_787 = arith.cmpi ne, %sign3A_779, %sign3A_786 : i32
        %rem3A_788 = arith.remsi %scan3A_768, %jit3A_771 : i32
        %ne3A_789 = arith.constant 0 : i32
        %ne3A_790 = arith.cmpi ne, %rem3A_788, %ne3A_789 : i32
        %and3A_791 = arith.andi %ne3A_787, %ne3A_790 : i1
        %sub3A_792 = arith.constant 1 : i32
        %sub3A_793 = arith.subi %div3A_772, %sub3A_792 : i32
        %select_n3A_794 = arith.select %and3A_791, %sub3A_793, %div3A_772 : i32
        %mul3A_795 = arith.constant 16 : i32
        %mul3A_796 = arith.muli %select_n3A_794, %mul3A_795 : i32
        %add3A_797 = arith.addi %mul3A_770, %mul3A_796 : i32
        %get3A_798 = arith.index_cast %add3A_797 : i32 to index
        %get3A_799 = tpu.vector_load %arg10[%get3A_798] {strides = array<i32>} : memref<20096xf32, #tpu.memory_space<vmem>>, vector<16xf32>,
        %get3A_800 = vector.shape_cast %get3A_799 : vector<16xf32> to vector<16xf32>
        %jit3A_801 = arith.constant 16 : i32
        %eq3A_802 = arith.constant 0 : i32
        %eq3A_803 = arith.cmpi eq, %jit3A_801, %eq3A_802 : i32
        %jit3A_804 = arith.constant 1 : i32
        %select_n3A_805 = arith.select %eq3A_803, %jit3A_804, %jit3A_801 : i32
        %rem3A_806 = arith.remsi %scan3A_768, %select_n3A_805 : i32
        %ne3A_807 = arith.constant 0 : i32
        %ne3A_808 = arith.cmpi ne, %rem3A_806, %ne3A_807 : i32
        %lt3A_809 = arith.constant 0 : i32
        %lt3A_810 = arith.cmpi slt, %rem3A_806, %lt3A_809 : i32
        %lt3A_811 = arith.constant 0 : i32
        %lt3A_812 = arith.cmpi slt, %select_n3A_805, %lt3A_811 : i32
        %ne3A_813 = arith.xori %lt3A_810, %lt3A_812 : i1
        %and3A_814 = arith.andi %ne3A_813, %ne3A_808 : i1
        %add3A_815 = arith.addi %rem3A_806, %select_n3A_805 : i32
        %select_n3A_816 = arith.select %and3A_814, %add3A_815, %rem3A_806 : i32
        %broadcast_in_dim3A_817 = vector.broadcast %select_n3A_816 : i32 to vector<16xi32>
        %lt3A_818 = arith.constant 0 : i32
        %lt3A_819 = vector.broadcast %lt3A_818 : i32 to vector<16xi32>
        %lt3A_820 = arith.cmpi slt, %broadcast_in_dim3A_817, %lt3A_819 : vector<16xi32>
        %add3A_821 = arith.constant 16 : i32
        %add3A_822 = vector.broadcast %add3A_821 : i32 to vector<16xi32>
        %add3A_823 = arith.addi %broadcast_in_dim3A_817, %add3A_822 : vector<16xi32>
        %select_n3A_824 = arith.select %lt3A_820, %add3A_823, %broadcast_in_dim3A_817 : vector<16xi1>, vector<16xi32>
        %broadcast_in_dim3A_825 = vector.shape_cast %select_n3A_824 : vector<16xi32> to vector<16x1xi32>
        %gather3A_826 = vector.shape_cast %broadcast_in_dim3A_825 : vector<16x1xi32> to vector<16xi32>
        %gather3A_827 = tpu.dynamic_gather %get3A_800[%gather3A_826] in [0] : vector<16xf32>, vector<16xi32> -> vector<16xf32>
        %get3A_828 = arith.constant 0 : i32
        %get3A_829 = arith.constant 0 : i32
        %get3A_830 = tpu.memref_slice %arg11[%scan3A_231, %get3A_828, %get3A_829] : memref<3x128x64xf32, #tpu.memory_space<vmem>> -> memref<1x128x64xf32, #tpu.memory_space<vmem>>
        %get3A_831 = tpu.memref_squeeze %get3A_830 : memref<1x128x64xf32, #tpu.memory_space<vmem>> -> memref<128x64xf32, #tpu.memory_space<vmem>>
        %get3A_832 = arith.index_cast %scan3A_768 : i32 to index
        %get3A_833 = arith.constant 0 : index
        %get3A_834 = tpu.vector_load %get3A_831[%get3A_832, %get3A_833] {strides = array<i32>} : memref<128x64xf32, #tpu.memory_space<vmem>>, vector<1x16xf32>,
        %get3A_835 = vector.shape_cast %get3A_834 : vector<1x16xf32> to vector<16xf32>
        %mul3A_836 = arith.mulf %get3A_835, %gather3A_827 : vector<16xf32>
        %swap3A_837 = arith.constant 0 : i32
        %swap3A_838 = arith.constant 0 : i32
        %swap3A_839 = tpu.memref_slice %arg11[%scan3A_231, %swap3A_837, %swap3A_838] : memref<3x128x64xf32, #tpu.memory_space<vmem>> -> memref<1x128x64xf32, #tpu.memory_space<vmem>>
        %swap3A_840 = tpu.memref_squeeze %swap3A_839 : memref<1x128x64xf32, #tpu.memory_space<vmem>> -> memref<128x64xf32, #tpu.memory_space<vmem>>
        %swap3A_841 = arith.index_cast %scan3A_768 : i32 to index
        %swap3A_842 = arith.constant 0 : index
        %swap3A_843 = tpu.vector_load %swap3A_840[%swap3A_841, %swap3A_842] {strides = array<i32>} : memref<128x64xf32, #tpu.memory_space<vmem>>, vector<1x16xf32>,
        %swap3A_844 = vector.shape_cast %swap3A_843 : vector<1x16xf32> to vector<16xf32>
        %swap3A_845 = vector.shape_cast %mul3A_836 : vector<16xf32> to vector<1x16xf32>
        tpu.vector_store %swap3A_840[%swap3A_841, %swap3A_842], %swap3A_845 {strides = array<i32>} : memref<128x64xf32, #tpu.memory_space<vmem>>, vector<1x16xf32>,
        %get3A_846 = arith.constant 0 : i32
        %get3A_847 = arith.constant 0 : i32
        %get3A_848 = tpu.memref_slice %arg11[%scan3A_231, %get3A_846, %get3A_847] : memref<3x128x64xf32, #tpu.memory_space<vmem>> -> memref<1x128x64xf32, #tpu.memory_space<vmem>>
        %get3A_849 = tpu.memref_squeeze %get3A_848 : memref<1x128x64xf32, #tpu.memory_space<vmem>> -> memref<128x64xf32, #tpu.memory_space<vmem>>
        %get3A_850 = arith.index_cast %scan3A_768 : i32 to index
        %get3A_851 = arith.constant 16 : index
        %get3A_852 = tpu.vector_load %get3A_849[%get3A_850, %get3A_851] {strides = array<i32>} : memref<128x64xf32, #tpu.memory_space<vmem>>, vector<1x16xf32>,
        %get3A_853 = vector.shape_cast %get3A_852 : vector<1x16xf32> to vector<16xf32>
        %mul3A_854 = arith.mulf %get3A_853, %gather3A_827 : vector<16xf32>
        %swap3A_855 = arith.constant 0 : i32
        %swap3A_856 = arith.constant 0 : i32
        %swap3A_857 = tpu.memref_slice %arg11[%scan3A_231, %swap3A_855, %swap3A_856] : memref<3x128x64xf32, #tpu.memory_space<vmem>> -> memref<1x128x64xf32, #tpu.memory_space<vmem>>
        %swap3A_858 = tpu.memref_squeeze %swap3A_857 : memref<1x128x64xf32, #tpu.memory_space<vmem>> -> memref<128x64xf32, #tpu.memory_space<vmem>>
        %swap3A_859 = arith.index_cast %scan3A_768 : i32 to index
        %swap3A_860 = arith.constant 16 : index
        %swap3A_861 = tpu.vector_load %swap3A_858[%swap3A_859, %swap3A_860] {strides = array<i32>} : memref<128x64xf32, #tpu.memory_space<vmem>>, vector<1x16xf32>,
        %swap3A_862 = vector.shape_cast %swap3A_861 : vector<1x16xf32> to vector<16xf32>
        %swap3A_863 = vector.shape_cast %mul3A_854 : vector<16xf32> to vector<1x16xf32>
        tpu.vector_store %swap3A_858[%swap3A_859, %swap3A_860], %swap3A_863 {strides = array<i32>} : memref<128x64xf32, #tpu.memory_space<vmem>>, vector<1x16xf32>,
        %get3A_864 = arith.constant 0 : i32
        %get3A_865 = arith.constant 0 : i32
        %get3A_866 = tpu.memref_slice %arg11[%scan3A_231, %get3A_864, %get3A_865] : memref<3x128x64xf32, #tpu.memory_space<vmem>> -> memref<1x128x64xf32, #tpu.memory_space<vmem>>
        %get3A_867 = tpu.memref_squeeze %get3A_866 : memref<1x128x64xf32, #tpu.memory_space<vmem>> -> memref<128x64xf32, #tpu.memory_space<vmem>>
        %get3A_868 = arith.index_cast %scan3A_768 : i32 to index
        %get3A_869 = arith.constant 32 : index
        %get3A_870 = tpu.vector_load %get3A_867[%get3A_868, %get3A_869] {strides = array<i32>} : memref<128x64xf32, #tpu.memory_space<vmem>>, vector<1x16xf32>,
        %get3A_871 = vector.shape_cast %get3A_870 : vector<1x16xf32> to vector<16xf32>
        %mul3A_872 = arith.mulf %get3A_871, %gather3A_827 : vector<16xf32>
        %swap3A_873 = arith.constant 0 : i32
        %swap3A_874 = arith.constant 0 : i32
        %swap3A_875 = tpu.memref_slice %arg11[%scan3A_231, %swap3A_873, %swap3A_874] : memref<3x128x64xf32, #tpu.memory_space<vmem>> -> memref<1x128x64xf32, #tpu.memory_space<vmem>>
        %swap3A_876 = tpu.memref_squeeze %swap3A_875 : memref<1x128x64xf32, #tpu.memory_space<vmem>> -> memref<128x64xf32, #tpu.memory_space<vmem>>
        %swap3A_877 = arith.index_cast %scan3A_768 : i32 to index
        %swap3A_878 = arith.constant 32 : index
        %swap3A_879 = tpu.vector_load %swap3A_876[%swap3A_877, %swap3A_878] {strides = array<i32>} : memref<128x64xf32, #tpu.memory_space<vmem>>, vector<1x16xf32>,
        %swap3A_880 = vector.shape_cast %swap3A_879 : vector<1x16xf32> to vector<16xf32>
        %swap3A_881 = vector.shape_cast %mul3A_872 : vector<16xf32> to vector<1x16xf32>
        tpu.vector_store %swap3A_876[%swap3A_877, %swap3A_878], %swap3A_881 {strides = array<i32>} : memref<128x64xf32, #tpu.memory_space<vmem>>, vector<1x16xf32>,
        %get3A_882 = arith.constant 0 : i32
        %get3A_883 = arith.constant 0 : i32
        %get3A_884 = tpu.memref_slice %arg11[%scan3A_231, %get3A_882, %get3A_883] : memref<3x128x64xf32, #tpu.memory_space<vmem>> -> memref<1x128x64xf32, #tpu.memory_space<vmem>>
        %get3A_885 = tpu.memref_squeeze %get3A_884 : memref<1x128x64xf32, #tpu.memory_space<vmem>> -> memref<128x64xf32, #tpu.memory_space<vmem>>
        %get3A_886 = arith.index_cast %scan3A_768 : i32 to index
        %get3A_887 = arith.constant 48 : index
        %get3A_888 = tpu.vector_load %get3A_885[%get3A_886, %get3A_887] {strides = array<i32>} : memref<128x64xf32, #tpu.memory_space<vmem>>, vector<1x16xf32>,
        %get3A_889 = vector.shape_cast %get3A_888 : vector<1x16xf32> to vector<16xf32>
        %mul3A_890 = arith.mulf %get3A_889, %gather3A_827 : vector<16xf32>
        %swap3A_891 = arith.constant 0 : i32
        %swap3A_892 = arith.constant 0 : i32
        %swap3A_893 = tpu.memref_slice %arg11[%scan3A_231, %swap3A_891, %swap3A_892] : memref<3x128x64xf32, #tpu.memory_space<vmem>> -> memref<1x128x64xf32, #tpu.memory_space<vmem>>
        %swap3A_894 = tpu.memref_squeeze %swap3A_893 : memref<1x128x64xf32, #tpu.memory_space<vmem>> -> memref<128x64xf32, #tpu.memory_space<vmem>>
        %swap3A_895 = arith.index_cast %scan3A_768 : i32 to index
        %swap3A_896 = arith.constant 48 : index
        %swap3A_897 = tpu.vector_load %swap3A_894[%swap3A_895, %swap3A_896] {strides = array<i32>} : memref<128x64xf32, #tpu.memory_space<vmem>>, vector<1x16xf32>,
        %swap3A_898 = vector.shape_cast %swap3A_897 : vector<1x16xf32> to vector<16xf32>
        %swap3A_899 = vector.shape_cast %mul3A_890 : vector<16xf32> to vector<1x16xf32>
        tpu.vector_store %swap3A_894[%swap3A_895, %swap3A_896], %swap3A_899 {strides = array<i32>} : memref<128x64xf32, #tpu.memory_space<vmem>>, vector<1x16xf32>,
        %scan3A_900 = arith.constant 5 : i32
        %scan3A_901 = arith.addi %scan3A_248, %scan3A_900 : i32
        %mul3A_902 = arith.constant 128 : i32
        %mul3A_903 = arith.muli %add3A_202, %mul3A_902 : i32
        %jit3A_904 = arith.constant 16 : i32
        %div3A_905 = arith.divsi %scan3A_901, %jit3A_904 : i32
        %sign3A_906 = arith.constant 0 : i32
        %sign3A_907 = arith.cmpi sgt, %scan3A_901, %sign3A_906 : i32
        %sign3A_908 = arith.extui %sign3A_907 : i1 to i32
        %sign3A_909 = arith.constant 0 : i32
        %sign3A_910 = arith.cmpi slt, %scan3A_901, %sign3A_909 : i32
        %sign3A_911 = arith.extui %sign3A_910 : i1 to i32
        %sign3A_912 = arith.subi %sign3A_908, %sign3A_911 : i32
        %sign3A_913 = arith.constant 0 : i32
        %sign3A_914 = arith.cmpi sgt, %jit3A_904, %sign3A_913 : i32
        %sign3A_915 = arith.extui %sign3A_914 : i1 to i32
        %sign3A_916 = arith.constant 0 : i32
        %sign3A_917 = arith.cmpi slt, %jit3A_904, %sign3A_916 : i32
        %sign3A_918 = arith.extui %sign3A_917 : i1 to i32
        %sign3A_919 = arith.subi %sign3A_915, %sign3A_918 : i32
        %ne3A_920 = arith.cmpi ne, %sign3A_912, %sign3A_919 : i32
        %rem3A_921 = arith.remsi %scan3A_901, %jit3A_904 : i32
        %ne3A_922 = arith.constant 0 : i32
        %ne3A_923 = arith.cmpi ne, %rem3A_921, %ne3A_922 : i32
        %and3A_924 = arith.andi %ne3A_920, %ne3A_923 : i1
        %sub3A_925 = arith.constant 1 : i32
        %sub3A_926 = arith.subi %div3A_905, %sub3A_925 : i32
        %select_n3A_927 = arith.select %and3A_924, %sub3A_926, %div3A_905 : i32
        %mul3A_928 = arith.constant 16 : i32
        %mul3A_929 = arith.muli %select_n3A_927, %mul3A_928 : i32
        %add3A_930 = arith.addi %mul3A_903, %mul3A_929 : i32
        %get3A_931 = arith.index_cast %add3A_930 : i32 to index
        %get3A_932 = tpu.vector_load %arg10[%get3A_931] {strides = array<i32>} : memref<20096xf32, #tpu.memory_space<vmem>>, vector<16xf32>,
        %get3A_933 = vector.shape_cast %get3A_932 : vector<16xf32> to vector<16xf32>
        %jit3A_934 = arith.constant 16 : i32
        %eq3A_935 = arith.constant 0 : i32
        %eq3A_936 = arith.cmpi eq, %jit3A_934, %eq3A_935 : i32
        %jit3A_937 = arith.constant 1 : i32
        %select_n3A_938 = arith.select %eq3A_936, %jit3A_937, %jit3A_934 : i32
        %rem3A_939 = arith.remsi %scan3A_901, %select_n3A_938 : i32
        %ne3A_940 = arith.constant 0 : i32
        %ne3A_941 = arith.cmpi ne, %rem3A_939, %ne3A_940 : i32
        %lt3A_942 = arith.constant 0 : i32
        %lt3A_943 = arith.cmpi slt, %rem3A_939, %lt3A_942 : i32
        %lt3A_944 = arith.constant 0 : i32
        %lt3A_945 = arith.cmpi slt, %select_n3A_938, %lt3A_944 : i32
        %ne3A_946 = arith.xori %lt3A_943, %lt3A_945 : i1
        %and3A_947 = arith.andi %ne3A_946, %ne3A_941 : i1
        %add3A_948 = arith.addi %rem3A_939, %select_n3A_938 : i32
        %select_n3A_949 = arith.select %and3A_947, %add3A_948, %rem3A_939 : i32
        %broadcast_in_dim3A_950 = vector.broadcast %select_n3A_949 : i32 to vector<16xi32>
        %lt3A_951 = arith.constant 0 : i32
        %lt3A_952 = vector.broadcast %lt3A_951 : i32 to vector<16xi32>
        %lt3A_953 = arith.cmpi slt, %broadcast_in_dim3A_950, %lt3A_952 : vector<16xi32>
        %add3A_954 = arith.constant 16 : i32
        %add3A_955 = vector.broadcast %add3A_954 : i32 to vector<16xi32>
        %add3A_956 = arith.addi %broadcast_in_dim3A_950, %add3A_955 : vector<16xi32>
        %select_n3A_957 = arith.select %lt3A_953, %add3A_956, %broadcast_in_dim3A_950 : vector<16xi1>, vector<16xi32>
        %broadcast_in_dim3A_958 = vector.shape_cast %select_n3A_957 : vector<16xi32> to vector<16x1xi32>
        %gather3A_959 = vector.shape_cast %broadcast_in_dim3A_958 : vector<16x1xi32> to vector<16xi32>
        %gather3A_960 = tpu.dynamic_gather %get3A_933[%gather3A_959] in [0] : vector<16xf32>, vector<16xi32> -> vector<16xf32>
        %get3A_961 = arith.constant 0 : i32
        %get3A_962 = arith.constant 0 : i32
        %get3A_963 = tpu.memref_slice %arg11[%scan3A_231, %get3A_961, %get3A_962] : memref<3x128x64xf32, #tpu.memory_space<vmem>> -> memref<1x128x64xf32, #tpu.memory_space<vmem>>
        %get3A_964 = tpu.memref_squeeze %get3A_963 : memref<1x128x64xf32, #tpu.memory_space<vmem>> -> memref<128x64xf32, #tpu.memory_space<vmem>>
        %get3A_965 = arith.index_cast %scan3A_901 : i32 to index
        %get3A_966 = arith.constant 0 : index
        %get3A_967 = tpu.vector_load %get3A_964[%get3A_965, %get3A_966] {strides = array<i32>} : memref<128x64xf32, #tpu.memory_space<vmem>>, vector<1x16xf32>,
        %get3A_968 = vector.shape_cast %get3A_967 : vector<1x16xf32> to vector<16xf32>
        %mul3A_969 = arith.mulf %get3A_968, %gather3A_960 : vector<16xf32>
        %swap3A_970 = arith.constant 0 : i32
        %swap3A_971 = arith.constant 0 : i32
        %swap3A_972 = tpu.memref_slice %arg11[%scan3A_231, %swap3A_970, %swap3A_971] : memref<3x128x64xf32, #tpu.memory_space<vmem>> -> memref<1x128x64xf32, #tpu.memory_space<vmem>>
        %swap3A_973 = tpu.memref_squeeze %swap3A_972 : memref<1x128x64xf32, #tpu.memory_space<vmem>> -> memref<128x64xf32, #tpu.memory_space<vmem>>
        %swap3A_974 = arith.index_cast %scan3A_901 : i32 to index
        %swap3A_975 = arith.constant 0 : index
        %swap3A_976 = tpu.vector_load %swap3A_973[%swap3A_974, %swap3A_975] {strides = array<i32>} : memref<128x64xf32, #tpu.memory_space<vmem>>, vector<1x16xf32>,
        %swap3A_977 = vector.shape_cast %swap3A_976 : vector<1x16xf32> to vector<16xf32>
        %swap3A_978 = vector.shape_cast %mul3A_969 : vector<16xf32> to vector<1x16xf32>
        tpu.vector_store %swap3A_973[%swap3A_974, %swap3A_975], %swap3A_978 {strides = array<i32>} : memref<128x64xf32, #tpu.memory_space<vmem>>, vector<1x16xf32>,
        %get3A_979 = arith.constant 0 : i32
        %get3A_980 = arith.constant 0 : i32
        %get3A_981 = tpu.memref_slice %arg11[%scan3A_231, %get3A_979, %get3A_980] : memref<3x128x64xf32, #tpu.memory_space<vmem>> -> memref<1x128x64xf32, #tpu.memory_space<vmem>>
        %get3A_982 = tpu.memref_squeeze %get3A_981 : memref<1x128x64xf32, #tpu.memory_space<vmem>> -> memref<128x64xf32, #tpu.memory_space<vmem>>
        %get3A_983 = arith.index_cast %scan3A_901 : i32 to index
        %get3A_984 = arith.constant 16 : index
        %get3A_985 = tpu.vector_load %get3A_982[%get3A_983, %get3A_984] {strides = array<i32>} : memref<128x64xf32, #tpu.memory_space<vmem>>, vector<1x16xf32>,
        %get3A_986 = vector.shape_cast %get3A_985 : vector<1x16xf32> to vector<16xf32>
        %mul3A_987 = arith.mulf %get3A_986, %gather3A_960 : vector<16xf32>
        %swap3A_988 = arith.constant 0 : i32
        %swap3A_989 = arith.constant 0 : i32
        %swap3A_990 = tpu.memref_slice %arg11[%scan3A_231, %swap3A_988, %swap3A_989] : memref<3x128x64xf32, #tpu.memory_space<vmem>> -> memref<1x128x64xf32, #tpu.memory_space<vmem>>
        %swap3A_991 = tpu.memref_squeeze %swap3A_990 : memref<1x128x64xf32, #tpu.memory_space<vmem>> -> memref<128x64xf32, #tpu.memory_space<vmem>>
        %swap3A_992 = arith.index_cast %scan3A_901 : i32 to index
        %swap3A_993 = arith.constant 16 : index
        %swap3A_994 = tpu.vector_load %swap3A_991[%swap3A_992, %swap3A_993] {strides = array<i32>} : memref<128x64xf32, #tpu.memory_space<vmem>>, vector<1x16xf32>,
        %swap3A_995 = vector.shape_cast %swap3A_994 : vector<1x16xf32> to vector<16xf32>
        %swap3A_996 = vector.shape_cast %mul3A_987 : vector<16xf32> to vector<1x16xf32>
        tpu.vector_store %swap3A_991[%swap3A_992, %swap3A_993], %swap3A_996 {strides = array<i32>} : memref<128x64xf32, #tpu.memory_space<vmem>>, vector<1x16xf32>,
        %get3A_997 = arith.constant 0 : i32
        %get3A_998 = arith.constant 0 : i32
        %get3A_999 = tpu.memref_slice %arg11[%scan3A_231, %get3A_997, %get3A_998] : memref<3x128x64xf32, #tpu.memory_space<vmem>> -> memref<1x128x64xf32, #tpu.memory_space<vmem>>
        %get3A_1000 = tpu.memref_squeeze %get3A_999 : memref<1x128x64xf32, #tpu.memory_space<vmem>> -> memref<128x64xf32, #tpu.memory_space<vmem>>
        %get3A_1001 = arith.index_cast %scan3A_901 : i32 to index
        %get3A_1002 = arith.constant 32 : index
        %get3A_1003 = tpu.vector_load %get3A_1000[%get3A_1001, %get3A_1002] {strides = array<i32>} : memref<128x64xf32, #tpu.memory_space<vmem>>, vector<1x16xf32>,
        %get3A_1004 = vector.shape_cast %get3A_1003 : vector<1x16xf32> to vector<16xf32>
        %mul3A_1005 = arith.mulf %get3A_1004, %gather3A_960 : vector<16xf32>
        %swap3A_1006 = arith.constant 0 : i32
        %swap3A_1007 = arith.constant 0 : i32
        %swap3A_1008 = tpu.memref_slice %arg11[%scan3A_231, %swap3A_1006, %swap3A_1007] : memref<3x128x64xf32, #tpu.memory_space<vmem>> -> memref<1x128x64xf32, #tpu.memory_space<vmem>>
        %swap3A_1009 = tpu.memref_squeeze %swap3A_1008 : memref<1x128x64xf32, #tpu.memory_space<vmem>> -> memref<128x64xf32, #tpu.memory_space<vmem>>
        %swap3A_1010 = arith.index_cast %scan3A_901 : i32 to index
        %swap3A_1011 = arith.constant 32 : index
        %swap3A_1012 = tpu.vector_load %swap3A_1009[%swap3A_1010, %swap3A_1011] {strides = array<i32>} : memref<128x64xf32, #tpu.memory_space<vmem>>, vector<1x16xf32>,
        %swap3A_1013 = vector.shape_cast %swap3A_1012 : vector<1x16xf32> to vector<16xf32>
        %swap3A_1014 = vector.shape_cast %mul3A_1005 : vector<16xf32> to vector<1x16xf32>
        tpu.vector_store %swap3A_1009[%swap3A_1010, %swap3A_1011], %swap3A_1014 {strides = array<i32>} : memref<128x64xf32, #tpu.memory_space<vmem>>, vector<1x16xf32>,
        %get3A_1015 = arith.constant 0 : i32
        %get3A_1016 = arith.constant 0 : i32
        %get3A_1017 = tpu.memref_slice %arg11[%scan3A_231, %get3A_1015, %get3A_1016] : memref<3x128x64xf32, #tpu.memory_space<vmem>> -> memref<1x128x64xf32, #tpu.memory_space<vmem>>
        %get3A_1018 = tpu.memref_squeeze %get3A_1017 : memref<1x128x64xf32, #tpu.memory_space<vmem>> -> memref<128x64xf32, #tpu.memory_space<vmem>>
        %get3A_1019 = arith.index_cast %scan3A_901 : i32 to index
        %get3A_1020 = arith.constant 48 : index
        %get3A_1021 = tpu.vector_load %get3A_1018[%get3A_1019, %get3A_1020] {strides = array<i32>} : memref<128x64xf32, #tpu.memory_space<vmem>>, vector<1x16xf32>,
        %get3A_1022 = vector.shape_cast %get3A_1021 : vector<1x16xf32> to vector<16xf32>
        %mul3A_1023 = arith.mulf %get3A_1022, %gather3A_960 : vector<16xf32>
        %swap3A_1024 = arith.constant 0 : i32
        %swap3A_1025 = arith.constant 0 : i32
        %swap3A_1026 = tpu.memref_slice %arg11[%scan3A_231, %swap3A_1024, %swap3A_1025] : memref<3x128x64xf32, #tpu.memory_space<vmem>> -> memref<1x128x64xf32, #tpu.memory_space<vmem>>
        %swap3A_1027 = tpu.memref_squeeze %swap3A_1026 : memref<1x128x64xf32, #tpu.memory_space<vmem>> -> memref<128x64xf32, #tpu.memory_space<vmem>>
        %swap3A_1028 = arith.index_cast %scan3A_901 : i32 to index
        %swap3A_1029 = arith.constant 48 : index
        %swap3A_1030 = tpu.vector_load %swap3A_1027[%swap3A_1028, %swap3A_1029] {strides = array<i32>} : memref<128x64xf32, #tpu.memory_space<vmem>>, vector<1x16xf32>,
        %swap3A_1031 = vector.shape_cast %swap3A_1030 : vector<1x16xf32> to vector<16xf32>
        %swap3A_1032 = vector.shape_cast %mul3A_1023 : vector<16xf32> to vector<1x16xf32>
        tpu.vector_store %swap3A_1027[%swap3A_1028, %swap3A_1029], %swap3A_1032 {strides = array<i32>} : memref<128x64xf32, #tpu.memory_space<vmem>>, vector<1x16xf32>,
        %scan3A_1033 = arith.constant 6 : i32
        %scan3A_1034 = arith.addi %scan3A_248, %scan3A_1033 : i32
        %mul3A_1035 = arith.constant 128 : i32
        %mul3A_1036 = arith.muli %add3A_202, %mul3A_1035 : i32
        %jit3A_1037 = arith.constant 16 : i32
        %div3A_1038 = arith.divsi %scan3A_1034, %jit3A_1037 : i32
        %sign3A_1039 = arith.constant 0 : i32
        %sign3A_1040 = arith.cmpi sgt, %scan3A_1034, %sign3A_1039 : i32
        %sign3A_1041 = arith.extui %sign3A_1040 : i1 to i32
        %sign3A_1042 = arith.constant 0 : i32
        %sign3A_1043 = arith.cmpi slt, %scan3A_1034, %sign3A_1042 : i32
        %sign3A_1044 = arith.extui %sign3A_1043 : i1 to i32
        %sign3A_1045 = arith.subi %sign3A_1041, %sign3A_1044 : i32
        %sign3A_1046 = arith.constant 0 : i32
        %sign3A_1047 = arith.cmpi sgt, %jit3A_1037, %sign3A_1046 : i32
        %sign3A_1048 = arith.extui %sign3A_1047 : i1 to i32
        %sign3A_1049 = arith.constant 0 : i32
        %sign3A_1050 = arith.cmpi slt, %jit3A_1037, %sign3A_1049 : i32
        %sign3A_1051 = arith.extui %sign3A_1050 : i1 to i32
        %sign3A_1052 = arith.subi %sign3A_1048, %sign3A_1051 : i32
        %ne3A_1053 = arith.cmpi ne, %sign3A_1045, %sign3A_1052 : i32
        %rem3A_1054 = arith.remsi %scan3A_1034, %jit3A_1037 : i32
        %ne3A_1055 = arith.constant 0 : i32
        %ne3A_1056 = arith.cmpi ne, %rem3A_1054, %ne3A_1055 : i32
        %and3A_1057 = arith.andi %ne3A_1053, %ne3A_1056 : i1
        %sub3A_1058 = arith.constant 1 : i32
        %sub3A_1059 = arith.subi %div3A_1038, %sub3A_1058 : i32
        %select_n3A_1060 = arith.select %and3A_1057, %sub3A_1059, %div3A_1038 : i32
        %mul3A_1061 = arith.constant 16 : i32
        %mul3A_1062 = arith.muli %select_n3A_1060, %mul3A_1061 : i32
        %add3A_1063 = arith.addi %mul3A_1036, %mul3A_1062 : i32
        %get3A_1064 = arith.index_cast %add3A_1063 : i32 to index
        %get3A_1065 = tpu.vector_load %arg10[%get3A_1064] {strides = array<i32>} : memref<20096xf32, #tpu.memory_space<vmem>>, vector<16xf32>,
        %get3A_1066 = vector.shape_cast %get3A_1065 : vector<16xf32> to vector<16xf32>
        %jit3A_1067 = arith.constant 16 : i32
        %eq3A_1068 = arith.constant 0 : i32
        %eq3A_1069 = arith.cmpi eq, %jit3A_1067, %eq3A_1068 : i32
        %jit3A_1070 = arith.constant 1 : i32
        %select_n3A_1071 = arith.select %eq3A_1069, %jit3A_1070, %jit3A_1067 : i32
        %rem3A_1072 = arith.remsi %scan3A_1034, %select_n3A_1071 : i32
        %ne3A_1073 = arith.constant 0 : i32
        %ne3A_1074 = arith.cmpi ne, %rem3A_1072, %ne3A_1073 : i32
        %lt3A_1075 = arith.constant 0 : i32
        %lt3A_1076 = arith.cmpi slt, %rem3A_1072, %lt3A_1075 : i32
        %lt3A_1077 = arith.constant 0 : i32
        %lt3A_1078 = arith.cmpi slt, %select_n3A_1071, %lt3A_1077 : i32
        %ne3A_1079 = arith.xori %lt3A_1076, %lt3A_1078 : i1
        %and3A_1080 = arith.andi %ne3A_1079, %ne3A_1074 : i1
        %add3A_1081 = arith.addi %rem3A_1072, %select_n3A_1071 : i32
        %select_n3A_1082 = arith.select %and3A_1080, %add3A_1081, %rem3A_1072 : i32
        %broadcast_in_dim3A_1083 = vector.broadcast %select_n3A_1082 : i32 to vector<16xi32>
        %lt3A_1084 = arith.constant 0 : i32
        %lt3A_1085 = vector.broadcast %lt3A_1084 : i32 to vector<16xi32>
        %lt3A_1086 = arith.cmpi slt, %broadcast_in_dim3A_1083, %lt3A_1085 : vector<16xi32>
        %add3A_1087 = arith.constant 16 : i32
        %add3A_1088 = vector.broadcast %add3A_1087 : i32 to vector<16xi32>
        %add3A_1089 = arith.addi %broadcast_in_dim3A_1083, %add3A_1088 : vector<16xi32>
        %select_n3A_1090 = arith.select %lt3A_1086, %add3A_1089, %broadcast_in_dim3A_1083 : vector<16xi1>, vector<16xi32>
        %broadcast_in_dim3A_1091 = vector.shape_cast %select_n3A_1090 : vector<16xi32> to vector<16x1xi32>
        %gather3A_1092 = vector.shape_cast %broadcast_in_dim3A_1091 : vector<16x1xi32> to vector<16xi32>
        %gather3A_1093 = tpu.dynamic_gather %get3A_1066[%gather3A_1092] in [0] : vector<16xf32>, vector<16xi32> -> vector<16xf32>
        %get3A_1094 = arith.constant 0 : i32
        %get3A_1095 = arith.constant 0 : i32
        %get3A_1096 = tpu.memref_slice %arg11[%scan3A_231, %get3A_1094, %get3A_1095] : memref<3x128x64xf32, #tpu.memory_space<vmem>> -> memref<1x128x64xf32, #tpu.memory_space<vmem>>
        %get3A_1097 = tpu.memref_squeeze %get3A_1096 : memref<1x128x64xf32, #tpu.memory_space<vmem>> -> memref<128x64xf32, #tpu.memory_space<vmem>>
        %get3A_1098 = arith.index_cast %scan3A_1034 : i32 to index
        %get3A_1099 = arith.constant 0 : index
        %get3A_1100 = tpu.vector_load %get3A_1097[%get3A_1098, %get3A_1099] {strides = array<i32>} : memref<128x64xf32, #tpu.memory_space<vmem>>, vector<1x16xf32>,
        %get3A_1101 = vector.shape_cast %get3A_1100 : vector<1x16xf32> to vector<16xf32>
        %mul3A_1102 = arith.mulf %get3A_1101, %gather3A_1093 : vector<16xf32>
        %swap3A_1103 = arith.constant 0 : i32
        %swap3A_1104 = arith.constant 0 : i32
        %swap3A_1105 = tpu.memref_slice %arg11[%scan3A_231, %swap3A_1103, %swap3A_1104] : memref<3x128x64xf32, #tpu.memory_space<vmem>> -> memref<1x128x64xf32, #tpu.memory_space<vmem>>
        %swap3A_1106 = tpu.memref_squeeze %swap3A_1105 : memref<1x128x64xf32, #tpu.memory_space<vmem>> -> memref<128x64xf32, #tpu.memory_space<vmem>>
        %swap3A_1107 = arith.index_cast %scan3A_1034 : i32 to index
        %swap3A_1108 = arith.constant 0 : index
        %swap3A_1109 = tpu.vector_load %swap3A_1106[%swap3A_1107, %swap3A_1108] {strides = array<i32>} : memref<128x64xf32, #tpu.memory_space<vmem>>, vector<1x16xf32>,
        %swap3A_1110 = vector.shape_cast %swap3A_1109 : vector<1x16xf32> to vector<16xf32>
        %swap3A_1111 = vector.shape_cast %mul3A_1102 : vector<16xf32> to vector<1x16xf32>
        tpu.vector_store %swap3A_1106[%swap3A_1107, %swap3A_1108], %swap3A_1111 {strides = array<i32>} : memref<128x64xf32, #tpu.memory_space<vmem>>, vector<1x16xf32>,
        %get3A_1112 = arith.constant 0 : i32
        %get3A_1113 = arith.constant 0 : i32
        %get3A_1114 = tpu.memref_slice %arg11[%scan3A_231, %get3A_1112, %get3A_1113] : memref<3x128x64xf32, #tpu.memory_space<vmem>> -> memref<1x128x64xf32, #tpu.memory_space<vmem>>
        %get3A_1115 = tpu.memref_squeeze %get3A_1114 : memref<1x128x64xf32, #tpu.memory_space<vmem>> -> memref<128x64xf32, #tpu.memory_space<vmem>>
        %get3A_1116 = arith.index_cast %scan3A_1034 : i32 to index
        %get3A_1117 = arith.constant 16 : index
        %get3A_1118 = tpu.vector_load %get3A_1115[%get3A_1116, %get3A_1117] {strides = array<i32>} : memref<128x64xf32, #tpu.memory_space<vmem>>, vector<1x16xf32>,
        %get3A_1119 = vector.shape_cast %get3A_1118 : vector<1x16xf32> to vector<16xf32>
        %mul3A_1120 = arith.mulf %get3A_1119, %gather3A_1093 : vector<16xf32>
        %swap3A_1121 = arith.constant 0 : i32
        %swap3A_1122 = arith.constant 0 : i32
        %swap3A_1123 = tpu.memref_slice %arg11[%scan3A_231, %swap3A_1121, %swap3A_1122] : memref<3x128x64xf32, #tpu.memory_space<vmem>> -> memref<1x128x64xf32, #tpu.memory_space<vmem>>
        %swap3A_1124 = tpu.memref_squeeze %swap3A_1123 : memref<1x128x64xf32, #tpu.memory_space<vmem>> -> memref<128x64xf32, #tpu.memory_space<vmem>>
        %swap3A_1125 = arith.index_cast %scan3A_1034 : i32 to index
        %swap3A_1126 = arith.constant 16 : index
        %swap3A_1127 = tpu.vector_load %swap3A_1124[%swap3A_1125, %swap3A_1126] {strides = array<i32>} : memref<128x64xf32, #tpu.memory_space<vmem>>, vector<1x16xf32>,
        %swap3A_1128 = vector.shape_cast %swap3A_1127 : vector<1x16xf32> to vector<16xf32>
        %swap3A_1129 = vector.shape_cast %mul3A_1120 : vector<16xf32> to vector<1x16xf32>
        tpu.vector_store %swap3A_1124[%swap3A_1125, %swap3A_1126], %swap3A_1129 {strides = array<i32>} : memref<128x64xf32, #tpu.memory_space<vmem>>, vector<1x16xf32>,
        %get3A_1130 = arith.constant 0 : i32
        %get3A_1131 = arith.constant 0 : i32
        %get3A_1132 = tpu.memref_slice %arg11[%scan3A_231, %get3A_1130, %get3A_1131] : memref<3x128x64xf32, #tpu.memory_space<vmem>> -> memref<1x128x64xf32, #tpu.memory_space<vmem>>
        %get3A_1133 = tpu.memref_squeeze %get3A_1132 : memref<1x128x64xf32, #tpu.memory_space<vmem>> -> memref<128x64xf32, #tpu.memory_space<vmem>>
        %get3A_1134 = arith.index_cast %scan3A_1034 : i32 to index
        %get3A_1135 = arith.constant 32 : index
        %get3A_1136 = tpu.vector_load %get3A_1133[%get3A_1134, %get3A_1135] {strides = array<i32>} : memref<128x64xf32, #tpu.memory_space<vmem>>, vector<1x16xf32>,
        %get3A_1137 = vector.shape_cast %get3A_1136 : vector<1x16xf32> to vector<16xf32>
        %mul3A_1138 = arith.mulf %get3A_1137, %gather3A_1093 : vector<16xf32>
        %swap3A_1139 = arith.constant 0 : i32
        %swap3A_1140 = arith.constant 0 : i32
        %swap3A_1141 = tpu.memref_slice %arg11[%scan3A_231, %swap3A_1139, %swap3A_1140] : memref<3x128x64xf32, #tpu.memory_space<vmem>> -> memref<1x128x64xf32, #tpu.memory_space<vmem>>
        %swap3A_1142 = tpu.memref_squeeze %swap3A_1141 : memref<1x128x64xf32, #tpu.memory_space<vmem>> -> memref<128x64xf32, #tpu.memory_space<vmem>>
        %swap3A_1143 = arith.index_cast %scan3A_1034 : i32 to index
        %swap3A_1144 = arith.constant 32 : index
        %swap3A_1145 = tpu.vector_load %swap3A_1142[%swap3A_1143, %swap3A_1144] {strides = array<i32>} : memref<128x64xf32, #tpu.memory_space<vmem>>, vector<1x16xf32>,
        %swap3A_1146 = vector.shape_cast %swap3A_1145 : vector<1x16xf32> to vector<16xf32>
        %swap3A_1147 = vector.shape_cast %mul3A_1138 : vector<16xf32> to vector<1x16xf32>
        tpu.vector_store %swap3A_1142[%swap3A_1143, %swap3A_1144], %swap3A_1147 {strides = array<i32>} : memref<128x64xf32, #tpu.memory_space<vmem>>, vector<1x16xf32>,
        %get3A_1148 = arith.constant 0 : i32
        %get3A_1149 = arith.constant 0 : i32
        %get3A_1150 = tpu.memref_slice %arg11[%scan3A_231, %get3A_1148, %get3A_1149] : memref<3x128x64xf32, #tpu.memory_space<vmem>> -> memref<1x128x64xf32, #tpu.memory_space<vmem>>
        %get3A_1151 = tpu.memref_squeeze %get3A_1150 : memref<1x128x64xf32, #tpu.memory_space<vmem>> -> memref<128x64xf32, #tpu.memory_space<vmem>>
        %get3A_1152 = arith.index_cast %scan3A_1034 : i32 to index
        %get3A_1153 = arith.constant 48 : index
        %get3A_1154 = tpu.vector_load %get3A_1151[%get3A_1152, %get3A_1153] {strides = array<i32>} : memref<128x64xf32, #tpu.memory_space<vmem>>, vector<1x16xf32>,
        %get3A_1155 = vector.shape_cast %get3A_1154 : vector<1x16xf32> to vector<16xf32>
        %mul3A_1156 = arith.mulf %get3A_1155, %gather3A_1093 : vector<16xf32>
        %swap3A_1157 = arith.constant 0 : i32
        %swap3A_1158 = arith.constant 0 : i32
        %swap3A_1159 = tpu.memref_slice %arg11[%scan3A_231, %swap3A_1157, %swap3A_1158] : memref<3x128x64xf32, #tpu.memory_space<vmem>> -> memref<1x128x64xf32, #tpu.memory_space<vmem>>
        %swap3A_1160 = tpu.memref_squeeze %swap3A_1159 : memref<1x128x64xf32, #tpu.memory_space<vmem>> -> memref<128x64xf32, #tpu.memory_space<vmem>>
        %swap3A_1161 = arith.index_cast %scan3A_1034 : i32 to index
        %swap3A_1162 = arith.constant 48 : index
        %swap3A_1163 = tpu.vector_load %swap3A_1160[%swap3A_1161, %swap3A_1162] {strides = array<i32>} : memref<128x64xf32, #tpu.memory_space<vmem>>, vector<1x16xf32>,
        %swap3A_1164 = vector.shape_cast %swap3A_1163 : vector<1x16xf32> to vector<16xf32>
        %swap3A_1165 = vector.shape_cast %mul3A_1156 : vector<16xf32> to vector<1x16xf32>
        tpu.vector_store %swap3A_1160[%swap3A_1161, %swap3A_1162], %swap3A_1165 {strides = array<i32>} : memref<128x64xf32, #tpu.memory_space<vmem>>, vector<1x16xf32>,
        %scan3A_1166 = arith.constant 7 : i32
        %scan3A_1167 = arith.addi %scan3A_248, %scan3A_1166 : i32
        %mul3A_1168 = arith.constant 128 : i32
        %mul3A_1169 = arith.muli %add3A_202, %mul3A_1168 : i32
        %jit3A_1170 = arith.constant 16 : i32
        %div3A_1171 = arith.divsi %scan3A_1167, %jit3A_1170 : i32
        %sign3A_1172 = arith.constant 0 : i32
        %sign3A_1173 = arith.cmpi sgt, %scan3A_1167, %sign3A_1172 : i32
        %sign3A_1174 = arith.extui %sign3A_1173 : i1 to i32
        %sign3A_1175 = arith.constant 0 : i32
        %sign3A_1176 = arith.cmpi slt, %scan3A_1167, %sign3A_1175 : i32
        %sign3A_1177 = arith.extui %sign3A_1176 : i1 to i32
        %sign3A_1178 = arith.subi %sign3A_1174, %sign3A_1177 : i32
        %sign3A_1179 = arith.constant 0 : i32
        %sign3A_1180 = arith.cmpi sgt, %jit3A_1170, %sign3A_1179 : i32
        %sign3A_1181 = arith.extui %sign3A_1180 : i1 to i32
        %sign3A_1182 = arith.constant 0 : i32
        %sign3A_1183 = arith.cmpi slt, %jit3A_1170, %sign3A_1182 : i32
        %sign3A_1184 = arith.extui %sign3A_1183 : i1 to i32
        %sign3A_1185 = arith.subi %sign3A_1181, %sign3A_1184 : i32
        %ne3A_1186 = arith.cmpi ne, %sign3A_1178, %sign3A_1185 : i32
        %rem3A_1187 = arith.remsi %scan3A_1167, %jit3A_1170 : i32
        %ne3A_1188 = arith.constant 0 : i32
        %ne3A_1189 = arith.cmpi ne, %rem3A_1187, %ne3A_1188 : i32
        %and3A_1190 = arith.andi %ne3A_1186, %ne3A_1189 : i1
        %sub3A_1191 = arith.constant 1 : i32
        %sub3A_1192 = arith.subi %div3A_1171, %sub3A_1191 : i32
        %select_n3A_1193 = arith.select %and3A_1190, %sub3A_1192, %div3A_1171 : i32
        %mul3A_1194 = arith.constant 16 : i32
        %mul3A_1195 = arith.muli %select_n3A_1193, %mul3A_1194 : i32
        %add3A_1196 = arith.addi %mul3A_1169, %mul3A_1195 : i32
        %get3A_1197 = arith.index_cast %add3A_1196 : i32 to index
        %get3A_1198 = tpu.vector_load %arg10[%get3A_1197] {strides = array<i32>} : memref<20096xf32, #tpu.memory_space<vmem>>, vector<16xf32>,
        %get3A_1199 = vector.shape_cast %get3A_1198 : vector<16xf32> to vector<16xf32>
        %jit3A_1200 = arith.constant 16 : i32
        %eq3A_1201 = arith.constant 0 : i32
        %eq3A_1202 = arith.cmpi eq, %jit3A_1200, %eq3A_1201 : i32
        %jit3A_1203 = arith.constant 1 : i32
        %select_n3A_1204 = arith.select %eq3A_1202, %jit3A_1203, %jit3A_1200 : i32
        %rem3A_1205 = arith.remsi %scan3A_1167, %select_n3A_1204 : i32
        %ne3A_1206 = arith.constant 0 : i32
        %ne3A_1207 = arith.cmpi ne, %rem3A_1205, %ne3A_1206 : i32
        %lt3A_1208 = arith.constant 0 : i32
        %lt3A_1209 = arith.cmpi slt, %rem3A_1205, %lt3A_1208 : i32
        %lt3A_1210 = arith.constant 0 : i32
        %lt3A_1211 = arith.cmpi slt, %select_n3A_1204, %lt3A_1210 : i32
        %ne3A_1212 = arith.xori %lt3A_1209, %lt3A_1211 : i1
        %and3A_1213 = arith.andi %ne3A_1212, %ne3A_1207 : i1
        %add3A_1214 = arith.addi %rem3A_1205, %select_n3A_1204 : i32
        %select_n3A_1215 = arith.select %and3A_1213, %add3A_1214, %rem3A_1205 : i32
        %broadcast_in_dim3A_1216 = vector.broadcast %select_n3A_1215 : i32 to vector<16xi32>
        %lt3A_1217 = arith.constant 0 : i32
        %lt3A_1218 = vector.broadcast %lt3A_1217 : i32 to vector<16xi32>
        %lt3A_1219 = arith.cmpi slt, %broadcast_in_dim3A_1216, %lt3A_1218 : vector<16xi32>
        %add3A_1220 = arith.constant 16 : i32
        %add3A_1221 = vector.broadcast %add3A_1220 : i32 to vector<16xi32>
        %add3A_1222 = arith.addi %broadcast_in_dim3A_1216, %add3A_1221 : vector<16xi32>
        %select_n3A_1223 = arith.select %lt3A_1219, %add3A_1222, %broadcast_in_dim3A_1216 : vector<16xi1>, vector<16xi32>
        %broadcast_in_dim3A_1224 = vector.shape_cast %select_n3A_1223 : vector<16xi32> to vector<16x1xi32>
        %gather3A_1225 = vector.shape_cast %broadcast_in_dim3A_1224 : vector<16x1xi32> to vector<16xi32>
        %gather3A_1226 = tpu.dynamic_gather %get3A_1199[%gather3A_1225] in [0] : vector<16xf32>, vector<16xi32> -> vector<16xf32>
        %get3A_1227 = arith.constant 0 : i32
        %get3A_1228 = arith.constant 0 : i32
        %get3A_1229 = tpu.memref_slice %arg11[%scan3A_231, %get3A_1227, %get3A_1228] : memref<3x128x64xf32, #tpu.memory_space<vmem>> -> memref<1x128x64xf32, #tpu.memory_space<vmem>>
        %get3A_1230 = tpu.memref_squeeze %get3A_1229 : memref<1x128x64xf32, #tpu.memory_space<vmem>> -> memref<128x64xf32, #tpu.memory_space<vmem>>
        %get3A_1231 = arith.index_cast %scan3A_1167 : i32 to index
        %get3A_1232 = arith.constant 0 : index
        %get3A_1233 = tpu.vector_load %get3A_1230[%get3A_1231, %get3A_1232] {strides = array<i32>} : memref<128x64xf32, #tpu.memory_space<vmem>>, vector<1x16xf32>,
        %get3A_1234 = vector.shape_cast %get3A_1233 : vector<1x16xf32> to vector<16xf32>
        %mul3A_1235 = arith.mulf %get3A_1234, %gather3A_1226 : vector<16xf32>
        %swap3A_1236 = arith.constant 0 : i32
        %swap3A_1237 = arith.constant 0 : i32
        %swap3A_1238 = tpu.memref_slice %arg11[%scan3A_231, %swap3A_1236, %swap3A_1237] : memref<3x128x64xf32, #tpu.memory_space<vmem>> -> memref<1x128x64xf32, #tpu.memory_space<vmem>>
        %swap3A_1239 = tpu.memref_squeeze %swap3A_1238 : memref<1x128x64xf32, #tpu.memory_space<vmem>> -> memref<128x64xf32, #tpu.memory_space<vmem>>
        %swap3A_1240 = arith.index_cast %scan3A_1167 : i32 to index
        %swap3A_1241 = arith.constant 0 : index
        %swap3A_1242 = tpu.vector_load %swap3A_1239[%swap3A_1240, %swap3A_1241] {strides = array<i32>} : memref<128x64xf32, #tpu.memory_space<vmem>>, vector<1x16xf32>,
        %swap3A_1243 = vector.shape_cast %swap3A_1242 : vector<1x16xf32> to vector<16xf32>
        %swap3A_1244 = vector.shape_cast %mul3A_1235 : vector<16xf32> to vector<1x16xf32>
        tpu.vector_store %swap3A_1239[%swap3A_1240, %swap3A_1241], %swap3A_1244 {strides = array<i32>} : memref<128x64xf32, #tpu.memory_space<vmem>>, vector<1x16xf32>,
        %get3A_1245 = arith.constant 0 : i32
        %get3A_1246 = arith.constant 0 : i32
        %get3A_1247 = tpu.memref_slice %arg11[%scan3A_231, %get3A_1245, %get3A_1246] : memref<3x128x64xf32, #tpu.memory_space<vmem>> -> memref<1x128x64xf32, #tpu.memory_space<vmem>>
        %get3A_1248 = tpu.memref_squeeze %get3A_1247 : memref<1x128x64xf32, #tpu.memory_space<vmem>> -> memref<128x64xf32, #tpu.memory_space<vmem>>
        %get3A_1249 = arith.index_cast %scan3A_1167 : i32 to index
        %get3A_1250 = arith.constant 16 : index
        %get3A_1251 = tpu.vector_load %get3A_1248[%get3A_1249, %get3A_1250] {strides = array<i32>} : memref<128x64xf32, #tpu.memory_space<vmem>>, vector<1x16xf32>,
        %get3A_1252 = vector.shape_cast %get3A_1251 : vector<1x16xf32> to vector<16xf32>
        %mul3A_1253 = arith.mulf %get3A_1252, %gather3A_1226 : vector<16xf32>
        %swap3A_1254 = arith.constant 0 : i32
        %swap3A_1255 = arith.constant 0 : i32
        %swap3A_1256 = tpu.memref_slice %arg11[%scan3A_231, %swap3A_1254, %swap3A_1255] : memref<3x128x64xf32, #tpu.memory_space<vmem>> -> memref<1x128x64xf32, #tpu.memory_space<vmem>>
        %swap3A_1257 = tpu.memref_squeeze %swap3A_1256 : memref<1x128x64xf32, #tpu.memory_space<vmem>> -> memref<128x64xf32, #tpu.memory_space<vmem>>
        %swap3A_1258 = arith.index_cast %scan3A_1167 : i32 to index
        %swap3A_1259 = arith.constant 16 : index
        %swap3A_1260 = tpu.vector_load %swap3A_1257[%swap3A_1258, %swap3A_1259] {strides = array<i32>} : memref<128x64xf32, #tpu.memory_space<vmem>>, vector<1x16xf32>,
        %swap3A_1261 = vector.shape_cast %swap3A_1260 : vector<1x16xf32> to vector<16xf32>
        %swap3A_1262 = vector.shape_cast %mul3A_1253 : vector<16xf32> to vector<1x16xf32>
        tpu.vector_store %swap3A_1257[%swap3A_1258, %swap3A_1259], %swap3A_1262 {strides = array<i32>} : memref<128x64xf32, #tpu.memory_space<vmem>>, vector<1x16xf32>,
        %get3A_1263 = arith.constant 0 : i32
        %get3A_1264 = arith.constant 0 : i32
        %get3A_1265 = tpu.memref_slice %arg11[%scan3A_231, %get3A_1263, %get3A_1264] : memref<3x128x64xf32, #tpu.memory_space<vmem>> -> memref<1x128x64xf32, #tpu.memory_space<vmem>>
        %get3A_1266 = tpu.memref_squeeze %get3A_1265 : memref<1x128x64xf32, #tpu.memory_space<vmem>> -> memref<128x64xf32, #tpu.memory_space<vmem>>
        %get3A_1267 = arith.index_cast %scan3A_1167 : i32 to index
        %get3A_1268 = arith.constant 32 : index
        %get3A_1269 = tpu.vector_load %get3A_1266[%get3A_1267, %get3A_1268] {strides = array<i32>} : memref<128x64xf32, #tpu.memory_space<vmem>>, vector<1x16xf32>,
        %get3A_1270 = vector.shape_cast %get3A_1269 : vector<1x16xf32> to vector<16xf32>
        %mul3A_1271 = arith.mulf %get3A_1270, %gather3A_1226 : vector<16xf32>
        %swap3A_1272 = arith.constant 0 : i32
        %swap3A_1273 = arith.constant 0 : i32
        %swap3A_1274 = tpu.memref_slice %arg11[%scan3A_231, %swap3A_1272, %swap3A_1273] : memref<3x128x64xf32, #tpu.memory_space<vmem>> -> memref<1x128x64xf32, #tpu.memory_space<vmem>>
        %swap3A_1275 = tpu.memref_squeeze %swap3A_1274 : memref<1x128x64xf32, #tpu.memory_space<vmem>> -> memref<128x64xf32, #tpu.memory_space<vmem>>
        %swap3A_1276 = arith.index_cast %scan3A_1167 : i32 to index
        %swap3A_1277 = arith.constant 32 : index
        %swap3A_1278 = tpu.vector_load %swap3A_1275[%swap3A_1276, %swap3A_1277] {strides = array<i32>} : memref<128x64xf32, #tpu.memory_space<vmem>>, vector<1x16xf32>,
        %swap3A_1279 = vector.shape_cast %swap3A_1278 : vector<1x16xf32> to vector<16xf32>
        %swap3A_1280 = vector.shape_cast %mul3A_1271 : vector<16xf32> to vector<1x16xf32>
        tpu.vector_store %swap3A_1275[%swap3A_1276, %swap3A_1277], %swap3A_1280 {strides = array<i32>} : memref<128x64xf32, #tpu.memory_space<vmem>>, vector<1x16xf32>,
        %get3A_1281 = arith.constant 0 : i32
        %get3A_1282 = arith.constant 0 : i32
        %get3A_1283 = tpu.memref_slice %arg11[%scan3A_231, %get3A_1281, %get3A_1282] : memref<3x128x64xf32, #tpu.memory_space<vmem>> -> memref<1x128x64xf32, #tpu.memory_space<vmem>>
        %get3A_1284 = tpu.memref_squeeze %get3A_1283 : memref<1x128x64xf32, #tpu.memory_space<vmem>> -> memref<128x64xf32, #tpu.memory_space<vmem>>
        %get3A_1285 = arith.index_cast %scan3A_1167 : i32 to index
        %get3A_1286 = arith.constant 48 : index
        %get3A_1287 = tpu.vector_load %get3A_1284[%get3A_1285, %get3A_1286] {strides = array<i32>} : memref<128x64xf32, #tpu.memory_space<vmem>>, vector<1x16xf32>,
        %get3A_1288 = vector.shape_cast %get3A_1287 : vector<1x16xf32> to vector<16xf32>
        %mul3A_1289 = arith.mulf %get3A_1288, %gather3A_1226 : vector<16xf32>
        %swap3A_1290 = arith.constant 0 : i32
        %swap3A_1291 = arith.constant 0 : i32
        %swap3A_1292 = tpu.memref_slice %arg11[%scan3A_231, %swap3A_1290, %swap3A_1291] : memref<3x128x64xf32, #tpu.memory_space<vmem>> -> memref<1x128x64xf32, #tpu.memory_space<vmem>>
        %swap3A_1293 = tpu.memref_squeeze %swap3A_1292 : memref<1x128x64xf32, #tpu.memory_space<vmem>> -> memref<128x64xf32, #tpu.memory_space<vmem>>
        %swap3A_1294 = arith.index_cast %scan3A_1167 : i32 to index
        %swap3A_1295 = arith.constant 48 : index
        %swap3A_1296 = tpu.vector_load %swap3A_1293[%swap3A_1294, %swap3A_1295] {strides = array<i32>} : memref<128x64xf32, #tpu.memory_space<vmem>>, vector<1x16xf32>,
        %swap3A_1297 = vector.shape_cast %swap3A_1296 : vector<1x16xf32> to vector<16xf32>
        %swap3A_1298 = vector.shape_cast %mul3A_1289 : vector<16xf32> to vector<1x16xf32>
        tpu.vector_store %swap3A_1293[%swap3A_1294, %swap3A_1295], %swap3A_1298 {strides = array<i32>} : memref<128x64xf32, #tpu.memory_space<vmem>>, vector<1x16xf32>,
      }
      %scan3A_236 = arith.constant 128 : i32
      %dma_start3A_237 = arith.constant 2 : i32
      %dma_start3A_238 = arith.constant 0 : i32
      %dma_start3A_239 = arith.constant 0 : i32
      %dma_start3A_240 = tpu.memref_slice %arg11[%dma_start3A_237, %dma_start3A_238, %dma_start3A_239] : memref<3x128x64xf32, #tpu.memory_space<vmem>> -> memref<1x128x64xf32, #tpu.memory_space<vmem>>
      %dma_start3A_241 = tpu.memref_squeeze %dma_start3A_240 : memref<1x128x64xf32, #tpu.memory_space<vmem>> -> memref<128x64xf32, #tpu.memory_space<vmem>>
      %dma_start3A_242 = arith.constant 0 : i32
      %dma_start3A_243 = tpu.memref_slice %arg9[%add3A_202, %dma_start3A_242] : memref<157x128xi32, #tpu.memory_space<vmem>> -> memref<1x128xi32, #tpu.memory_space<vmem>>
      %dma_start3A_244 = tpu.memref_squeeze %dma_start3A_243 : memref<1x128xi32, #tpu.memory_space<vmem>> -> memref<128xi32, #tpu.memory_space<vmem>>
      %dma_start3A_245 = arith.constant 0 : i32
      %dma_start3A_246 = arith.constant 0 : i32
      %dma_start3A_247 = tpu.memref_slice %arg12[%dma_start3A_245, %dma_start3A_246] : memref<10000x64xf32, #tpu.memory_space<vmem_shared>> -> memref<10000x64xf32, #tpu.memory_space<vmem_shared>>
      tpu.enqueue_indirect_dma source(%dma_start3A_241 : memref<128x64xf32, #tpu.memory_space<vmem>>) target(%dma_start3A_247 : memref<10000x64xf32, #tpu.memory_space<vmem_shared>>) offsets(%dma_start3A_244 : memref<128xi32, #tpu.memory_space<vmem>>) semaphore(%arg14 : memref<!tpu.dma_semaphore, #tpu.memory_space<semaphore_mem>>) {add = true}
    }
    %scan3A_22 = arith.constant 52 : i32
    %dma_wait3A = arith.constant 1 : i32
    %dma_wait3A_23 = arith.constant 154 : i32
    %dma_wait3A_24 = arith.constant 0 : i32
    %dma_wait3A_25 = arith.constant 0 : i32
    %dma_wait3A_26 = tpu.memref_slice %arg11[%dma_wait3A, %dma_wait3A_24, %dma_wait3A_25] : memref<3x128x64xf32, #tpu.memory_space<vmem>> -> memref<1x128x64xf32, #tpu.memory_space<vmem>>
    %dma_wait3A_27 = tpu.memref_squeeze %dma_wait3A_26 : memref<1x128x64xf32, #tpu.memory_space<vmem>> -> memref<128x64xf32, #tpu.memory_space<vmem>>
    %dma_wait3A_28 = arith.constant 0 : i32
    %dma_wait3A_29 = tpu.memref_slice %arg9[%dma_wait3A_23, %dma_wait3A_28] : memref<157x128xi32, #tpu.memory_space<vmem>> -> memref<1x128xi32, #tpu.memory_space<vmem>>
    %dma_wait3A_30 = tpu.memref_squeeze %dma_wait3A_29 : memref<1x128xi32, #tpu.memory_space<vmem>> -> memref<128xi32, #tpu.memory_space<vmem>>
    %dma_wait3A_31 = arith.constant 0 : i32
    %dma_wait3A_32 = arith.constant 0 : i32
    %dma_wait3A_33 = tpu.memref_slice %arg12[%dma_wait3A_31, %dma_wait3A_32] : memref<10000x64xf32, #tpu.memory_space<vmem_shared>> -> memref<10000x64xf32, #tpu.memory_space<vmem_shared>>
    tpu.wait_indirect_dma semaphore(%arg14 : memref<!tpu.dma_semaphore, #tpu.memory_space<semaphore_mem>>) src(%dma_wait3A_27 : memref<128x64xf32, #tpu.memory_space<vmem>>) dst(%dma_wait3A_33 : memref<10000x64xf32, #tpu.memory_space<vmem_shared>>)
    %dma_wait3A_34 = arith.constant 0 : i32
    %dma_wait3A_35 = arith.constant 0 : i32
    %dma_wait3A_36 = arith.constant 0 : i32
    %dma_wait3A_37 = tpu.memref_slice %arg11[%dma_wait3A_34, %dma_wait3A_35, %dma_wait3A_36] : memref<3x128x64xf32, #tpu.memory_space<vmem>> -> memref<1x128x64xf32, #tpu.memory_space<vmem>>
    %dma_wait3A_38 = tpu.memref_squeeze %dma_wait3A_37 : memref<1x128x64xf32, #tpu.memory_space<vmem>> -> memref<128x64xf32, #tpu.memory_space<vmem>>
    %dma_wait3A_39 = arith.constant 19968 : i32
    %dma_wait3A_40 = tpu.memref_slice %arg8[%dma_wait3A_39] : memref<20096xi32, #tpu.memory_space<vmem>> -> memref<128xi32, #tpu.memory_space<vmem>>
    %dma_wait3A_41 = arith.constant 0 : i32
    %dma_wait3A_42 = arith.constant 0 : i32
    %dma_wait3A_43 = tpu.memref_slice %arg2[%arg0, %dma_wait3A_41, %dma_wait3A_42] : memref<2x10000x64xf32, #tpu.memory_space<hbm>> -> memref<1x10000x64xf32, #tpu.memory_space<hbm>>
    %dma_wait3A_44 = tpu.memref_squeeze %dma_wait3A_43 : memref<1x10000x64xf32, #tpu.memory_space<hbm>> -> memref<10000x64xf32, #tpu.memory_space<hbm>>
    %dma_wait3A_45 = arith.constant 0 : i32
    %dma_wait3A_46 = arith.constant 0 : i32
    %dma_wait3A_47 = tpu.memref_slice %dma_wait3A_44[%dma_wait3A_45, %dma_wait3A_46] : memref<10000x64xf32, #tpu.memory_space<hbm>> -> memref<10000x64xf32, #tpu.memory_space<hbm>>
    tpu.wait_indirect_dma semaphore(%arg13 : memref<!tpu.dma_semaphore, #tpu.memory_space<semaphore_mem>>) src(%dma_wait3A_47 : memref<10000x64xf32, #tpu.memory_space<hbm>>) dst(%dma_wait3A_38 : memref<128x64xf32, #tpu.memory_space<vmem>>)
    %scan3A_48 = arith.constant 0 : i32
    %scan3A_49 = arith.constant 0 : i32
    %scan3A_50 = arith.constant 0 : i32
    %scan3A_51 = arith.constant 128 : i32
    %scan3A_52 = arith.addi %scan3A_50, %scan3A_51 : i32
    %scan3A_53 = arith.constant 8 : i32
    scf.for %scan3A_103 = %scan3A_50 to %scan3A_52 step %scan3A_53  : i32 {
      %jit3A = arith.constant 16 : i32
      %div3A = arith.divsi %scan3A_103, %jit3A : i32
      %sign3A = arith.constant 0 : i32
      %sign3A_104 = arith.cmpi sgt, %scan3A_103, %sign3A : i32
      %sign3A_105 = arith.extui %sign3A_104 : i1 to i32
      %sign3A_106 = arith.constant 0 : i32
      %sign3A_107 = arith.cmpi slt, %scan3A_103, %sign3A_106 : i32
      %sign3A_108 = arith.extui %sign3A_107 : i1 to i32
      %sign3A_109 = arith.subi %sign3A_105, %sign3A_108 : i32
      %sign3A_110 = arith.constant 0 : i32
      %sign3A_111 = arith.cmpi sgt, %jit3A, %sign3A_110 : i32
      %sign3A_112 = arith.extui %sign3A_111 : i1 to i32
      %sign3A_113 = arith.constant 0 : i32
      %sign3A_114 = arith.cmpi slt, %jit3A, %sign3A_113 : i32
      %sign3A_115 = arith.extui %sign3A_114 : i1 to i32
      %sign3A_116 = arith.subi %sign3A_112, %sign3A_115 : i32
      %ne3A = arith.cmpi ne, %sign3A_109, %sign3A_116 : i32
      %rem3A = arith.remsi %scan3A_103, %jit3A : i32
      %ne3A_117 = arith.constant 0 : i32
      %ne3A_118 = arith.cmpi ne, %rem3A, %ne3A_117 : i32
      %and3A = arith.andi %ne3A, %ne3A_118 : i1
      %sub3A = arith.constant 1 : i32
      %sub3A_119 = arith.subi %div3A, %sub3A : i32
      %select_n3A = arith.select %and3A, %sub3A_119, %div3A : i32
      %mul3A_120 = arith.constant 16 : i32
      %mul3A_121 = arith.muli %select_n3A, %mul3A_120 : i32
      %add3A = arith.constant 19968 : i32
      %add3A_122 = arith.addi %add3A, %mul3A_121 : i32
      %get3A = arith.index_cast %add3A_122 : i32 to index
      %get3A_123 = tpu.vector_load %arg10[%get3A] {strides = array<i32>} : memref<20096xf32, #tpu.memory_space<vmem>>, vector<16xf32>,
      %get3A_124 = vector.shape_cast %get3A_123 : vector<16xf32> to vector<16xf32>
      %jit3A_125 = arith.constant 16 : i32
      %eq3A_126 = arith.constant 0 : i32
      %eq3A_127 = arith.cmpi eq, %jit3A_125, %eq3A_126 : i32
      %jit3A_128 = arith.constant 1 : i32
      %select_n3A_129 = arith.select %eq3A_127, %jit3A_128, %jit3A_125 : i32
      %rem3A_130 = arith.remsi %scan3A_103, %select_n3A_129 : i32
      %ne3A_131 = arith.constant 0 : i32
      %ne3A_132 = arith.cmpi ne, %rem3A_130, %ne3A_131 : i32
      %lt3A = arith.constant 0 : i32
      %lt3A_133 = arith.cmpi slt, %rem3A_130, %lt3A : i32
      %lt3A_134 = arith.constant 0 : i32
      %lt3A_135 = arith.cmpi slt, %select_n3A_129, %lt3A_134 : i32
      %ne3A_136 = arith.xori %lt3A_133, %lt3A_135 : i1
      %and3A_137 = arith.andi %ne3A_136, %ne3A_132 : i1
      %add3A_138 = arith.addi %rem3A_130, %select_n3A_129 : i32
      %select_n3A_139 = arith.select %and3A_137, %add3A_138, %rem3A_130 : i32
      %broadcast_in_dim3A = vector.broadcast %select_n3A_139 : i32 to vector<16xi32>
      %lt3A_140 = arith.constant 0 : i32
      %lt3A_141 = vector.broadcast %lt3A_140 : i32 to vector<16xi32>
      %lt3A_142 = arith.cmpi slt, %broadcast_in_dim3A, %lt3A_141 : vector<16xi32>
      %add3A_143 = arith.constant 16 : i32
      %add3A_144 = vector.broadcast %add3A_143 : i32 to vector<16xi32>
      %add3A_145 = arith.addi %broadcast_in_dim3A, %add3A_144 : vector<16xi32>
      %select_n3A_146 = arith.select %lt3A_142, %add3A_145, %broadcast_in_dim3A : vector<16xi1>, vector<16xi32>
      %broadcast_in_dim3A_147 = vector.shape_cast %select_n3A_146 : vector<16xi32> to vector<16x1xi32>
      %gather3A = vector.shape_cast %broadcast_in_dim3A_147 : vector<16x1xi32> to vector<16xi32>
      %gather3A_148 = tpu.dynamic_gather %get3A_124[%gather3A] in [0] : vector<16xf32>, vector<16xi32> -> vector<16xf32>
      %get3A_149 = arith.constant 0 : i32
      %get3A_150 = arith.constant 0 : i32
      %get3A_151 = tpu.memref_slice %arg11[%scan3A_49, %get3A_149, %get3A_150] : memref<3x128x64xf32, #tpu.memory_space<vmem>> -> memref<1x128x64xf32, #tpu.memory_space<vmem>>
      %get3A_152 = tpu.memref_squeeze %get3A_151 : memref<1x128x64xf32, #tpu.memory_space<vmem>> -> memref<128x64xf32, #tpu.memory_space<vmem>>
      %get3A_153 = arith.index_cast %scan3A_103 : i32 to index
      %get3A_154 = arith.constant 0 : index
      %get3A_155 = tpu.vector_load %get3A_152[%get3A_153, %get3A_154] {strides = array<i32>} : memref<128x64xf32, #tpu.memory_space<vmem>>, vector<1x16xf32>,
      %get3A_156 = vector.shape_cast %get3A_155 : vector<1x16xf32> to vector<16xf32>
      %mul3A_157 = arith.mulf %get3A_156, %gather3A_148 : vector<16xf32>
      %swap3A = arith.constant 0 : i32
      %swap3A_158 = arith.constant 0 : i32
      %swap3A_159 = tpu.memref_slice %arg11[%scan3A_49, %swap3A, %swap3A_158] : memref<3x128x64xf32, #tpu.memory_space<vmem>> -> memref<1x128x64xf32, #tpu.memory_space<vmem>>
      %swap3A_160 = tpu.memref_squeeze %swap3A_159 : memref<1x128x64xf32, #tpu.memory_space<vmem>> -> memref<128x64xf32, #tpu.memory_space<vmem>>
      %swap3A_161 = arith.index_cast %scan3A_103 : i32 to index
      %swap3A_162 = arith.constant 0 : index
      %swap3A_163 = tpu.vector_load %swap3A_160[%swap3A_161, %swap3A_162] {strides = array<i32>} : memref<128x64xf32, #tpu.memory_space<vmem>>, vector<1x16xf32>,
      %swap3A_164 = vector.shape_cast %swap3A_163 : vector<1x16xf32> to vector<16xf32>
      %swap3A_165 = vector.shape_cast %mul3A_157 : vector<16xf32> to vector<1x16xf32>
      tpu.vector_store %swap3A_160[%swap3A_161, %swap3A_162], %swap3A_165 {strides = array<i32>} : memref<128x64xf32, #tpu.memory_space<vmem>>, vector<1x16xf32>,
      %get3A_166 = arith.constant 0 : i32
      %get3A_167 = arith.constant 0 : i32
      %get3A_168 = tpu.memref_slice %arg11[%scan3A_49, %get3A_166, %get3A_167] : memref<3x128x64xf32, #tpu.memory_space<vmem>> -> memref<1x128x64xf32, #tpu.memory_space<vmem>>
      %get3A_169 = tpu.memref_squeeze %get3A_168 : memref<1x128x64xf32, #tpu.memory_space<vmem>> -> memref<128x64xf32, #tpu.memory_space<vmem>>
      %get3A_170 = arith.index_cast %scan3A_103 : i32 to index
      %get3A_171 = arith.constant 16 : index
      %get3A_172 = tpu.vector_load %get3A_169[%get3A_170, %get3A_171] {strides = array<i32>} : memref<128x64xf32, #tpu.memory_space<vmem>>, vector<1x16xf32>,
      %get3A_173 = vector.shape_cast %get3A_172 : vector<1x16xf32> to vector<16xf32>
      %mul3A_174 = arith.mulf %get3A_173, %gather3A_148 : vector<16xf32>
      %swap3A_175 = arith.constant 0 : i32
      %swap3A_176 = arith.constant 0 : i32
      %swap3A_177 = tpu.memref_slice %arg11[%scan3A_49, %swap3A_175, %swap3A_176] : memref<3x128x64xf32, #tpu.memory_space<vmem>> -> memref<1x128x64xf32, #tpu.memory_space<vmem>>
      %swap3A_178 = tpu.memref_squeeze %swap3A_177 : memref<1x128x64xf32, #tpu.memory_space<vmem>> -> memref<128x64xf32, #tpu.memory_space<vmem>>
      %swap3A_179 = arith.index_cast %scan3A_103 : i32 to index
      %swap3A_180 = arith.constant 16 : index
      %swap3A_181 = tpu.vector_load %swap3A_178[%swap3A_179, %swap3A_180] {strides = array<i32>} : memref<128x64xf32, #tpu.memory_space<vmem>>, vector<1x16xf32>,
      %swap3A_182 = vector.shape_cast %swap3A_181 : vector<1x16xf32> to vector<16xf32>
      %swap3A_183 = vector.shape_cast %mul3A_174 : vector<16xf32> to vector<1x16xf32>
      tpu.vector_store %swap3A_178[%swap3A_179, %swap3A_180], %swap3A_183 {strides = array<i32>} : memref<128x64xf32, #tpu.memory_space<vmem>>, vector<1x16xf32>,
      %get3A_184 = arith.constant 0 : i32
      %get3A_185 = arith.constant 0 : i32
      %get3A_186 = tpu.memref_slice %arg11[%scan3A_49, %get3A_184, %get3A_185] : memref<3x128x64xf32, #tpu.memory_space<vmem>> -> memref<1x128x64xf32, #tpu.memory_space<vmem>>
      %get3A_187 = tpu.memref_squeeze %get3A_186 : memref<1x128x64xf32, #tpu.memory_space<vmem>> -> memref<128x64xf32, #tpu.memory_space<vmem>>
      %get3A_188 = arith.index_cast %scan3A_103 : i32 to index
      %get3A_189 = arith.constant 32 : index
      %get3A_190 = tpu.vector_load %get3A_187[%get3A_188, %get3A_189] {strides = array<i32>} : memref<128x64xf32, #tpu.memory_space<vmem>>, vector<1x16xf32>,
      %get3A_191 = vector.shape_cast %get3A_190 : vector<1x16xf32> to vector<16xf32>
      %mul3A_192 = arith.mulf %get3A_191, %gather3A_148 : vector<16xf32>
      %swap3A_193 = arith.constant 0 : i32
      %swap3A_194 = arith.constant 0 : i32
      %swap3A_195 = tpu.memref_slice %arg11[%scan3A_49, %swap3A_193, %swap3A_194] : memref<3x128x64xf32, #tpu.memory_space<vmem>> -> memref<1x128x64xf32, #tpu.memory_space<vmem>>
      %swap3A_196 = tpu.memref_squeeze %swap3A_195 : memref<1x128x64xf32, #tpu.memory_space<vmem>> -> memref<128x64xf32, #tpu.memory_space<vmem>>
      %swap3A_197 = arith.index_cast %scan3A_103 : i32 to index
      %swap3A_198 = arith.constant 32 : index
      %swap3A_199 = tpu.vector_load %swap3A_196[%swap3A_197, %swap3A_198] {strides = array<i32>} : memref<128x64xf32, #tpu.memory_space<vmem>>, vector<1x16xf32>,
      %swap3A_200 = vector.shape_cast %swap3A_199 : vector<1x16xf32> to vector<16xf32>
      %swap3A_201 = vector.shape_cast %mul3A_192 : vector<16xf32> to vector<1x16xf32>
      tpu.vector_store %swap3A_196[%swap3A_197, %swap3A_198], %swap3A_201 {strides = array<i32>} : memref<128x64xf32, #tpu.memory_space<vmem>>, vector<1x16xf32>,
      %get3A_202 = arith.constant 0 : i32
      %get3A_203 = arith.constant 0 : i32
      %get3A_204 = tpu.memref_slice %arg11[%scan3A_49, %get3A_202, %get3A_203] : memref<3x128x64xf32, #tpu.memory_space<vmem>> -> memref<1x128x64xf32, #tpu.memory_space<vmem>>
      %get3A_205 = tpu.memref_squeeze %get3A_204 : memref<1x128x64xf32, #tpu.memory_space<vmem>> -> memref<128x64xf32, #tpu.memory_space<vmem>>
      %get3A_206 = arith.index_cast %scan3A_103 : i32 to index
      %get3A_207 = arith.constant 48 : index
      %get3A_208 = tpu.vector_load %get3A_205[%get3A_206, %get3A_207] {strides = array<i32>} : memref<128x64xf32, #tpu.memory_space<vmem>>, vector<1x16xf32>,
      %get3A_209 = vector.shape_cast %get3A_208 : vector<1x16xf32> to vector<16xf32>
      %mul3A_210 = arith.mulf %get3A_209, %gather3A_148 : vector<16xf32>
      %swap3A_211 = arith.constant 0 : i32
      %swap3A_212 = arith.constant 0 : i32
      %swap3A_213 = tpu.memref_slice %arg11[%scan3A_49, %swap3A_211, %swap3A_212] : memref<3x128x64xf32, #tpu.memory_space<vmem>> -> memref<1x128x64xf32, #tpu.memory_space<vmem>>
      %swap3A_214 = tpu.memref_squeeze %swap3A_213 : memref<1x128x64xf32, #tpu.memory_space<vmem>> -> memref<128x64xf32, #tpu.memory_space<vmem>>
      %swap3A_215 = arith.index_cast %scan3A_103 : i32 to index
      %swap3A_216 = arith.constant 48 : index
      %swap3A_217 = tpu.vector_load %swap3A_214[%swap3A_215, %swap3A_216] {strides = array<i32>} : memref<128x64xf32, #tpu.memory_space<vmem>>, vector<1x16xf32>,
      %swap3A_218 = vector.shape_cast %swap3A_217 : vector<1x16xf32> to vector<16xf32>
      %swap3A_219 = vector.shape_cast %mul3A_210 : vector<16xf32> to vector<1x16xf32>
      tpu.vector_store %swap3A_214[%swap3A_215, %swap3A_216], %swap3A_219 {strides = array<i32>} : memref<128x64xf32, #tpu.memory_space<vmem>>, vector<1x16xf32>,
      %scan3A_220 = arith.constant 1 : i32
      %scan3A_221 = arith.addi %scan3A_103, %scan3A_220 : i32
      %jit3A_222 = arith.constant 16 : i32
      %div3A_223 = arith.divsi %scan3A_221, %jit3A_222 : i32
      %sign3A_224 = arith.constant 0 : i32
      %sign3A_225 = arith.cmpi sgt, %scan3A_221, %sign3A_224 : i32
      %sign3A_226 = arith.extui %sign3A_225 : i1 to i32
      %sign3A_227 = arith.constant 0 : i32
      %sign3A_228 = arith.cmpi slt, %scan3A_221, %sign3A_227 : i32
      %sign3A_229 = arith.extui %sign3A_228 : i1 to i32
      %sign3A_230 = arith.subi %sign3A_226, %sign3A_229 : i32
      %sign3A_231 = arith.constant 0 : i32
      %sign3A_232 = arith.cmpi sgt, %jit3A_222, %sign3A_231 : i32
      %sign3A_233 = arith.extui %sign3A_232 : i1 to i32
      %sign3A_234 = arith.constant 0 : i32
      %sign3A_235 = arith.cmpi slt, %jit3A_222, %sign3A_234 : i32
      %sign3A_236 = arith.extui %sign3A_235 : i1 to i32
      %sign3A_237 = arith.subi %sign3A_233, %sign3A_236 : i32
      %ne3A_238 = arith.cmpi ne, %sign3A_230, %sign3A_237 : i32
      %rem3A_239 = arith.remsi %scan3A_221, %jit3A_222 : i32
      %ne3A_240 = arith.constant 0 : i32
      %ne3A_241 = arith.cmpi ne, %rem3A_239, %ne3A_240 : i32
      %and3A_242 = arith.andi %ne3A_238, %ne3A_241 : i1
      %sub3A_243 = arith.constant 1 : i32
      %sub3A_244 = arith.subi %div3A_223, %sub3A_243 : i32
      %select_n3A_245 = arith.select %and3A_242, %sub3A_244, %div3A_223 : i32
      %mul3A_246 = arith.constant 16 : i32
      %mul3A_247 = arith.muli %select_n3A_245, %mul3A_246 : i32
      %add3A_248 = arith.constant 19968 : i32
      %add3A_249 = arith.addi %add3A_248, %mul3A_247 : i32
      %get3A_250 = arith.index_cast %add3A_249 : i32 to index
      %get3A_251 = tpu.vector_load %arg10[%get3A_250] {strides = array<i32>} : memref<20096xf32, #tpu.memory_space<vmem>>, vector<16xf32>,
      %get3A_252 = vector.shape_cast %get3A_251 : vector<16xf32> to vector<16xf32>
      %jit3A_253 = arith.constant 16 : i32
      %eq3A_254 = arith.constant 0 : i32
      %eq3A_255 = arith.cmpi eq, %jit3A_253, %eq3A_254 : i32
      %jit3A_256 = arith.constant 1 : i32
      %select_n3A_257 = arith.select %eq3A_255, %jit3A_256, %jit3A_253 : i32
      %rem3A_258 = arith.remsi %scan3A_221, %select_n3A_257 : i32
      %ne3A_259 = arith.constant 0 : i32
      %ne3A_260 = arith.cmpi ne, %rem3A_258, %ne3A_259 : i32
      %lt3A_261 = arith.constant 0 : i32
      %lt3A_262 = arith.cmpi slt, %rem3A_258, %lt3A_261 : i32
      %lt3A_263 = arith.constant 0 : i32
      %lt3A_264 = arith.cmpi slt, %select_n3A_257, %lt3A_263 : i32
      %ne3A_265 = arith.xori %lt3A_262, %lt3A_264 : i1
      %and3A_266 = arith.andi %ne3A_265, %ne3A_260 : i1
      %add3A_267 = arith.addi %rem3A_258, %select_n3A_257 : i32
      %select_n3A_268 = arith.select %and3A_266, %add3A_267, %rem3A_258 : i32
      %broadcast_in_dim3A_269 = vector.broadcast %select_n3A_268 : i32 to vector<16xi32>
      %lt3A_270 = arith.constant 0 : i32
      %lt3A_271 = vector.broadcast %lt3A_270 : i32 to vector<16xi32>
      %lt3A_272 = arith.cmpi slt, %broadcast_in_dim3A_269, %lt3A_271 : vector<16xi32>
      %add3A_273 = arith.constant 16 : i32
      %add3A_274 = vector.broadcast %add3A_273 : i32 to vector<16xi32>
      %add3A_275 = arith.addi %broadcast_in_dim3A_269, %add3A_274 : vector<16xi32>
      %select_n3A_276 = arith.select %lt3A_272, %add3A_275, %broadcast_in_dim3A_269 : vector<16xi1>, vector<16xi32>
      %broadcast_in_dim3A_277 = vector.shape_cast %select_n3A_276 : vector<16xi32> to vector<16x1xi32>
      %gather3A_278 = vector.shape_cast %broadcast_in_dim3A_277 : vector<16x1xi32> to vector<16xi32>
      %gather3A_279 = tpu.dynamic_gather %get3A_252[%gather3A_278] in [0] : vector<16xf32>, vector<16xi32> -> vector<16xf32>
      %get3A_280 = arith.constant 0 : i32
      %get3A_281 = arith.constant 0 : i32
      %get3A_282 = tpu.memref_slice %arg11[%scan3A_49, %get3A_280, %get3A_281] : memref<3x128x64xf32, #tpu.memory_space<vmem>> -> memref<1x128x64xf32, #tpu.memory_space<vmem>>
      %get3A_283 = tpu.memref_squeeze %get3A_282 : memref<1x128x64xf32, #tpu.memory_space<vmem>> -> memref<128x64xf32, #tpu.memory_space<vmem>>
      %get3A_284 = arith.index_cast %scan3A_221 : i32 to index
      %get3A_285 = arith.constant 0 : index
      %get3A_286 = tpu.vector_load %get3A_283[%get3A_284, %get3A_285] {strides = array<i32>} : memref<128x64xf32, #tpu.memory_space<vmem>>, vector<1x16xf32>,
      %get3A_287 = vector.shape_cast %get3A_286 : vector<1x16xf32> to vector<16xf32>
      %mul3A_288 = arith.mulf %get3A_287, %gather3A_279 : vector<16xf32>
      %swap3A_289 = arith.constant 0 : i32
      %swap3A_290 = arith.constant 0 : i32
      %swap3A_291 = tpu.memref_slice %arg11[%scan3A_49, %swap3A_289, %swap3A_290] : memref<3x128x64xf32, #tpu.memory_space<vmem>> -> memref<1x128x64xf32, #tpu.memory_space<vmem>>
      %swap3A_292 = tpu.memref_squeeze %swap3A_291 : memref<1x128x64xf32, #tpu.memory_space<vmem>> -> memref<128x64xf32, #tpu.memory_space<vmem>>
      %swap3A_293 = arith.index_cast %scan3A_221 : i32 to index
      %swap3A_294 = arith.constant 0 : index
      %swap3A_295 = tpu.vector_load %swap3A_292[%swap3A_293, %swap3A_294] {strides = array<i32>} : memref<128x64xf32, #tpu.memory_space<vmem>>, vector<1x16xf32>,
      %swap3A_296 = vector.shape_cast %swap3A_295 : vector<1x16xf32> to vector<16xf32>
      %swap3A_297 = vector.shape_cast %mul3A_288 : vector<16xf32> to vector<1x16xf32>
      tpu.vector_store %swap3A_292[%swap3A_293, %swap3A_294], %swap3A_297 {strides = array<i32>} : memref<128x64xf32, #tpu.memory_space<vmem>>, vector<1x16xf32>,
      %get3A_298 = arith.constant 0 : i32
      %get3A_299 = arith.constant 0 : i32
      %get3A_300 = tpu.memref_slice %arg11[%scan3A_49, %get3A_298, %get3A_299] : memref<3x128x64xf32, #tpu.memory_space<vmem>> -> memref<1x128x64xf32, #tpu.memory_space<vmem>>
      %get3A_301 = tpu.memref_squeeze %get3A_300 : memref<1x128x64xf32, #tpu.memory_space<vmem>> -> memref<128x64xf32, #tpu.memory_space<vmem>>
      %get3A_302 = arith.index_cast %scan3A_221 : i32 to index
      %get3A_303 = arith.constant 16 : index
      %get3A_304 = tpu.vector_load %get3A_301[%get3A_302, %get3A_303] {strides = array<i32>} : memref<128x64xf32, #tpu.memory_space<vmem>>, vector<1x16xf32>,
      %get3A_305 = vector.shape_cast %get3A_304 : vector<1x16xf32> to vector<16xf32>
      %mul3A_306 = arith.mulf %get3A_305, %gather3A_279 : vector<16xf32>
      %swap3A_307 = arith.constant 0 : i32
      %swap3A_308 = arith.constant 0 : i32
      %swap3A_309 = tpu.memref_slice %arg11[%scan3A_49, %swap3A_307, %swap3A_308] : memref<3x128x64xf32, #tpu.memory_space<vmem>> -> memref<1x128x64xf32, #tpu.memory_space<vmem>>
      %swap3A_310 = tpu.memref_squeeze %swap3A_309 : memref<1x128x64xf32, #tpu.memory_space<vmem>> -> memref<128x64xf32, #tpu.memory_space<vmem>>
      %swap3A_311 = arith.index_cast %scan3A_221 : i32 to index
      %swap3A_312 = arith.constant 16 : index
      %swap3A_313 = tpu.vector_load %swap3A_310[%swap3A_311, %swap3A_312] {strides = array<i32>} : memref<128x64xf32, #tpu.memory_space<vmem>>, vector<1x16xf32>,
      %swap3A_314 = vector.shape_cast %swap3A_313 : vector<1x16xf32> to vector<16xf32>
      %swap3A_315 = vector.shape_cast %mul3A_306 : vector<16xf32> to vector<1x16xf32>
      tpu.vector_store %swap3A_310[%swap3A_311, %swap3A_312], %swap3A_315 {strides = array<i32>} : memref<128x64xf32, #tpu.memory_space<vmem>>, vector<1x16xf32>,
      %get3A_316 = arith.constant 0 : i32
      %get3A_317 = arith.constant 0 : i32
      %get3A_318 = tpu.memref_slice %arg11[%scan3A_49, %get3A_316, %get3A_317] : memref<3x128x64xf32, #tpu.memory_space<vmem>> -> memref<1x128x64xf32, #tpu.memory_space<vmem>>
      %get3A_319 = tpu.memref_squeeze %get3A_318 : memref<1x128x64xf32, #tpu.memory_space<vmem>> -> memref<128x64xf32, #tpu.memory_space<vmem>>
      %get3A_320 = arith.index_cast %scan3A_221 : i32 to index
      %get3A_321 = arith.constant 32 : index
      %get3A_322 = tpu.vector_load %get3A_319[%get3A_320, %get3A_321] {strides = array<i32>} : memref<128x64xf32, #tpu.memory_space<vmem>>, vector<1x16xf32>,
      %get3A_323 = vector.shape_cast %get3A_322 : vector<1x16xf32> to vector<16xf32>
      %mul3A_324 = arith.mulf %get3A_323, %gather3A_279 : vector<16xf32>
      %swap3A_325 = arith.constant 0 : i32
      %swap3A_326 = arith.constant 0 : i32
      %swap3A_327 = tpu.memref_slice %arg11[%scan3A_49, %swap3A_325, %swap3A_326] : memref<3x128x64xf32, #tpu.memory_space<vmem>> -> memref<1x128x64xf32, #tpu.memory_space<vmem>>
      %swap3A_328 = tpu.memref_squeeze %swap3A_327 : memref<1x128x64xf32, #tpu.memory_space<vmem>> -> memref<128x64xf32, #tpu.memory_space<vmem>>
      %swap3A_329 = arith.index_cast %scan3A_221 : i32 to index
      %swap3A_330 = arith.constant 32 : index
      %swap3A_331 = tpu.vector_load %swap3A_328[%swap3A_329, %swap3A_330] {strides = array<i32>} : memref<128x64xf32, #tpu.memory_space<vmem>>, vector<1x16xf32>,
      %swap3A_332 = vector.shape_cast %swap3A_331 : vector<1x16xf32> to vector<16xf32>
      %swap3A_333 = vector.shape_cast %mul3A_324 : vector<16xf32> to vector<1x16xf32>
      tpu.vector_store %swap3A_328[%swap3A_329, %swap3A_330], %swap3A_333 {strides = array<i32>} : memref<128x64xf32, #tpu.memory_space<vmem>>, vector<1x16xf32>,
      %get3A_334 = arith.constant 0 : i32
      %get3A_335 = arith.constant 0 : i32
      %get3A_336 = tpu.memref_slice %arg11[%scan3A_49, %get3A_334, %get3A_335] : memref<3x128x64xf32, #tpu.memory_space<vmem>> -> memref<1x128x64xf32, #tpu.memory_space<vmem>>
      %get3A_337 = tpu.memref_squeeze %get3A_336 : memref<1x128x64xf32, #tpu.memory_space<vmem>> -> memref<128x64xf32, #tpu.memory_space<vmem>>
      %get3A_338 = arith.index_cast %scan3A_221 : i32 to index
      %get3A_339 = arith.constant 48 : index
      %get3A_340 = tpu.vector_load %get3A_337[%get3A_338, %get3A_339] {strides = array<i32>} : memref<128x64xf32, #tpu.memory_space<vmem>>, vector<1x16xf32>,
      %get3A_341 = vector.shape_cast %get3A_340 : vector<1x16xf32> to vector<16xf32>
      %mul3A_342 = arith.mulf %get3A_341, %gather3A_279 : vector<16xf32>
      %swap3A_343 = arith.constant 0 : i32
      %swap3A_344 = arith.constant 0 : i32
      %swap3A_345 = tpu.memref_slice %arg11[%scan3A_49, %swap3A_343, %swap3A_344] : memref<3x128x64xf32, #tpu.memory_space<vmem>> -> memref<1x128x64xf32, #tpu.memory_space<vmem>>
      %swap3A_346 = tpu.memref_squeeze %swap3A_345 : memref<1x128x64xf32, #tpu.memory_space<vmem>> -> memref<128x64xf32, #tpu.memory_space<vmem>>
      %swap3A_347 = arith.index_cast %scan3A_221 : i32 to index
      %swap3A_348 = arith.constant 48 : index
      %swap3A_349 = tpu.vector_load %swap3A_346[%swap3A_347, %swap3A_348] {strides = array<i32>} : memref<128x64xf32, #tpu.memory_space<vmem>>, vector<1x16xf32>,
      %swap3A_350 = vector.shape_cast %swap3A_349 : vector<1x16xf32> to vector<16xf32>
      %swap3A_351 = vector.shape_cast %mul3A_342 : vector<16xf32> to vector<1x16xf32>
      tpu.vector_store %swap3A_346[%swap3A_347, %swap3A_348], %swap3A_351 {strides = array<i32>} : memref<128x64xf32, #tpu.memory_space<vmem>>, vector<1x16xf32>,
      %scan3A_352 = arith.constant 2 : i32
      %scan3A_353 = arith.addi %scan3A_103, %scan3A_352 : i32
      %jit3A_354 = arith.constant 16 : i32
      %div3A_355 = arith.divsi %scan3A_353, %jit3A_354 : i32
      %sign3A_356 = arith.constant 0 : i32
      %sign3A_357 = arith.cmpi sgt, %scan3A_353, %sign3A_356 : i32
      %sign3A_358 = arith.extui %sign3A_357 : i1 to i32
      %sign3A_359 = arith.constant 0 : i32
      %sign3A_360 = arith.cmpi slt, %scan3A_353, %sign3A_359 : i32
      %sign3A_361 = arith.extui %sign3A_360 : i1 to i32
      %sign3A_362 = arith.subi %sign3A_358, %sign3A_361 : i32
      %sign3A_363 = arith.constant 0 : i32
      %sign3A_364 = arith.cmpi sgt, %jit3A_354, %sign3A_363 : i32
      %sign3A_365 = arith.extui %sign3A_364 : i1 to i32
      %sign3A_366 = arith.constant 0 : i32
      %sign3A_367 = arith.cmpi slt, %jit3A_354, %sign3A_366 : i32
      %sign3A_368 = arith.extui %sign3A_367 : i1 to i32
      %sign3A_369 = arith.subi %sign3A_365, %sign3A_368 : i32
      %ne3A_370 = arith.cmpi ne, %sign3A_362, %sign3A_369 : i32
      %rem3A_371 = arith.remsi %scan3A_353, %jit3A_354 : i32
      %ne3A_372 = arith.constant 0 : i32
      %ne3A_373 = arith.cmpi ne, %rem3A_371, %ne3A_372 : i32
      %and3A_374 = arith.andi %ne3A_370, %ne3A_373 : i1
      %sub3A_375 = arith.constant 1 : i32
      %sub3A_376 = arith.subi %div3A_355, %sub3A_375 : i32
      %select_n3A_377 = arith.select %and3A_374, %sub3A_376, %div3A_355 : i32
      %mul3A_378 = arith.constant 16 : i32
      %mul3A_379 = arith.muli %select_n3A_377, %mul3A_378 : i32
      %add3A_380 = arith.constant 19968 : i32
      %add3A_381 = arith.addi %add3A_380, %mul3A_379 : i32
      %get3A_382 = arith.index_cast %add3A_381 : i32 to index
      %get3A_383 = tpu.vector_load %arg10[%get3A_382] {strides = array<i32>} : memref<20096xf32, #tpu.memory_space<vmem>>, vector<16xf32>,
      %get3A_384 = vector.shape_cast %get3A_383 : vector<16xf32> to vector<16xf32>
      %jit3A_385 = arith.constant 16 : i32
      %eq3A_386 = arith.constant 0 : i32
      %eq3A_387 = arith.cmpi eq, %jit3A_385, %eq3A_386 : i32
      %jit3A_388 = arith.constant 1 : i32
      %select_n3A_389 = arith.select %eq3A_387, %jit3A_388, %jit3A_385 : i32
      %rem3A_390 = arith.remsi %scan3A_353, %select_n3A_389 : i32
      %ne3A_391 = arith.constant 0 : i32
      %ne3A_392 = arith.cmpi ne, %rem3A_390, %ne3A_391 : i32
      %lt3A_393 = arith.constant 0 : i32
      %lt3A_394 = arith.cmpi slt, %rem3A_390, %lt3A_393 : i32
      %lt3A_395 = arith.constant 0 : i32
      %lt3A_396 = arith.cmpi slt, %select_n3A_389, %lt3A_395 : i32
      %ne3A_397 = arith.xori %lt3A_394, %lt3A_396 : i1
      %and3A_398 = arith.andi %ne3A_397, %ne3A_392 : i1
      %add3A_399 = arith.addi %rem3A_390, %select_n3A_389 : i32
      %select_n3A_400 = arith.select %and3A_398, %add3A_399, %rem3A_390 : i32
      %broadcast_in_dim3A_401 = vector.broadcast %select_n3A_400 : i32 to vector<16xi32>
      %lt3A_402 = arith.constant 0 : i32
      %lt3A_403 = vector.broadcast %lt3A_402 : i32 to vector<16xi32>
      %lt3A_404 = arith.cmpi slt, %broadcast_in_dim3A_401, %lt3A_403 : vector<16xi32>
      %add3A_405 = arith.constant 16 : i32
      %add3A_406 = vector.broadcast %add3A_405 : i32 to vector<16xi32>
      %add3A_407 = arith.addi %broadcast_in_dim3A_401, %add3A_406 : vector<16xi32>
      %select_n3A_408 = arith.select %lt3A_404, %add3A_407, %broadcast_in_dim3A_401 : vector<16xi1>, vector<16xi32>
      %broadcast_in_dim3A_409 = vector.shape_cast %select_n3A_408 : vector<16xi32> to vector<16x1xi32>
      %gather3A_410 = vector.shape_cast %broadcast_in_dim3A_409 : vector<16x1xi32> to vector<16xi32>
      %gather3A_411 = tpu.dynamic_gather %get3A_384[%gather3A_410] in [0] : vector<16xf32>, vector<16xi32> -> vector<16xf32>
      %get3A_412 = arith.constant 0 : i32
      %get3A_413 = arith.constant 0 : i32
      %get3A_414 = tpu.memref_slice %arg11[%scan3A_49, %get3A_412, %get3A_413] : memref<3x128x64xf32, #tpu.memory_space<vmem>> -> memref<1x128x64xf32, #tpu.memory_space<vmem>>
      %get3A_415 = tpu.memref_squeeze %get3A_414 : memref<1x128x64xf32, #tpu.memory_space<vmem>> -> memref<128x64xf32, #tpu.memory_space<vmem>>
      %get3A_416 = arith.index_cast %scan3A_353 : i32 to index
      %get3A_417 = arith.constant 0 : index
      %get3A_418 = tpu.vector_load %get3A_415[%get3A_416, %get3A_417] {strides = array<i32>} : memref<128x64xf32, #tpu.memory_space<vmem>>, vector<1x16xf32>,
      %get3A_419 = vector.shape_cast %get3A_418 : vector<1x16xf32> to vector<16xf32>
      %mul3A_420 = arith.mulf %get3A_419, %gather3A_411 : vector<16xf32>
      %swap3A_421 = arith.constant 0 : i32
      %swap3A_422 = arith.constant 0 : i32
      %swap3A_423 = tpu.memref_slice %arg11[%scan3A_49, %swap3A_421, %swap3A_422] : memref<3x128x64xf32, #tpu.memory_space<vmem>> -> memref<1x128x64xf32, #tpu.memory_space<vmem>>
      %swap3A_424 = tpu.memref_squeeze %swap3A_423 : memref<1x128x64xf32, #tpu.memory_space<vmem>> -> memref<128x64xf32, #tpu.memory_space<vmem>>
      %swap3A_425 = arith.index_cast %scan3A_353 : i32 to index
      %swap3A_426 = arith.constant 0 : index
      %swap3A_427 = tpu.vector_load %swap3A_424[%swap3A_425, %swap3A_426] {strides = array<i32>} : memref<128x64xf32, #tpu.memory_space<vmem>>, vector<1x16xf32>,
      %swap3A_428 = vector.shape_cast %swap3A_427 : vector<1x16xf32> to vector<16xf32>
      %swap3A_429 = vector.shape_cast %mul3A_420 : vector<16xf32> to vector<1x16xf32>
      tpu.vector_store %swap3A_424[%swap3A_425, %swap3A_426], %swap3A_429 {strides = array<i32>} : memref<128x64xf32, #tpu.memory_space<vmem>>, vector<1x16xf32>,
      %get3A_430 = arith.constant 0 : i32
      %get3A_431 = arith.constant 0 : i32
      %get3A_432 = tpu.memref_slice %arg11[%scan3A_49, %get3A_430, %get3A_431] : memref<3x128x64xf32, #tpu.memory_space<vmem>> -> memref<1x128x64xf32, #tpu.memory_space<vmem>>
      %get3A_433 = tpu.memref_squeeze %get3A_432 : memref<1x128x64xf32, #tpu.memory_space<vmem>> -> memref<128x64xf32, #tpu.memory_space<vmem>>
      %get3A_434 = arith.index_cast %scan3A_353 : i32 to index
      %get3A_435 = arith.constant 16 : index
      %get3A_436 = tpu.vector_load %get3A_433[%get3A_434, %get3A_435] {strides = array<i32>} : memref<128x64xf32, #tpu.memory_space<vmem>>, vector<1x16xf32>,
      %get3A_437 = vector.shape_cast %get3A_436 : vector<1x16xf32> to vector<16xf32>
      %mul3A_438 = arith.mulf %get3A_437, %gather3A_411 : vector<16xf32>
      %swap3A_439 = arith.constant 0 : i32
      %swap3A_440 = arith.constant 0 : i32
      %swap3A_441 = tpu.memref_slice %arg11[%scan3A_49, %swap3A_439, %swap3A_440] : memref<3x128x64xf32, #tpu.memory_space<vmem>> -> memref<1x128x64xf32, #tpu.memory_space<vmem>>
      %swap3A_442 = tpu.memref_squeeze %swap3A_441 : memref<1x128x64xf32, #tpu.memory_space<vmem>> -> memref<128x64xf32, #tpu.memory_space<vmem>>
      %swap3A_443 = arith.index_cast %scan3A_353 : i32 to index
      %swap3A_444 = arith.constant 16 : index
      %swap3A_445 = tpu.vector_load %swap3A_442[%swap3A_443, %swap3A_444] {strides = array<i32>} : memref<128x64xf32, #tpu.memory_space<vmem>>, vector<1x16xf32>,
      %swap3A_446 = vector.shape_cast %swap3A_445 : vector<1x16xf32> to vector<16xf32>
      %swap3A_447 = vector.shape_cast %mul3A_438 : vector<16xf32> to vector<1x16xf32>
      tpu.vector_store %swap3A_442[%swap3A_443, %swap3A_444], %swap3A_447 {strides = array<i32>} : memref<128x64xf32, #tpu.memory_space<vmem>>, vector<1x16xf32>,
      %get3A_448 = arith.constant 0 : i32
      %get3A_449 = arith.constant 0 : i32
      %get3A_450 = tpu.memref_slice %arg11[%scan3A_49, %get3A_448, %get3A_449] : memref<3x128x64xf32, #tpu.memory_space<vmem>> -> memref<1x128x64xf32, #tpu.memory_space<vmem>>
      %get3A_451 = tpu.memref_squeeze %get3A_450 : memref<1x128x64xf32, #tpu.memory_space<vmem>> -> memref<128x64xf32, #tpu.memory_space<vmem>>
      %get3A_452 = arith.index_cast %scan3A_353 : i32 to index
      %get3A_453 = arith.constant 32 : index
      %get3A_454 = tpu.vector_load %get3A_451[%get3A_452, %get3A_453] {strides = array<i32>} : memref<128x64xf32, #tpu.memory_space<vmem>>, vector<1x16xf32>,
      %get3A_455 = vector.shape_cast %get3A_454 : vector<1x16xf32> to vector<16xf32>
      %mul3A_456 = arith.mulf %get3A_455, %gather3A_411 : vector<16xf32>
      %swap3A_457 = arith.constant 0 : i32
      %swap3A_458 = arith.constant 0 : i32
      %swap3A_459 = tpu.memref_slice %arg11[%scan3A_49, %swap3A_457, %swap3A_458] : memref<3x128x64xf32, #tpu.memory_space<vmem>> -> memref<1x128x64xf32, #tpu.memory_space<vmem>>
      %swap3A_460 = tpu.memref_squeeze %swap3A_459 : memref<1x128x64xf32, #tpu.memory_space<vmem>> -> memref<128x64xf32, #tpu.memory_space<vmem>>
      %swap3A_461 = arith.index_cast %scan3A_353 : i32 to index
      %swap3A_462 = arith.constant 32 : index
      %swap3A_463 = tpu.vector_load %swap3A_460[%swap3A_461, %swap3A_462] {strides = array<i32>} : memref<128x64xf32, #tpu.memory_space<vmem>>, vector<1x16xf32>,
      %swap3A_464 = vector.shape_cast %swap3A_463 : vector<1x16xf32> to vector<16xf32>
      %swap3A_465 = vector.shape_cast %mul3A_456 : vector<16xf32> to vector<1x16xf32>
      tpu.vector_store %swap3A_460[%swap3A_461, %swap3A_462], %swap3A_465 {strides = array<i32>} : memref<128x64xf32, #tpu.memory_space<vmem>>, vector<1x16xf32>,
      %get3A_466 = arith.constant 0 : i32
      %get3A_467 = arith.constant 0 : i32
      %get3A_468 = tpu.memref_slice %arg11[%scan3A_49, %get3A_466, %get3A_467] : memref<3x128x64xf32, #tpu.memory_space<vmem>> -> memref<1x128x64xf32, #tpu.memory_space<vmem>>
      %get3A_469 = tpu.memref_squeeze %get3A_468 : memref<1x128x64xf32, #tpu.memory_space<vmem>> -> memref<128x64xf32, #tpu.memory_space<vmem>>
      %get3A_470 = arith.index_cast %scan3A_353 : i32 to index
      %get3A_471 = arith.constant 48 : index
      %get3A_472 = tpu.vector_load %get3A_469[%get3A_470, %get3A_471] {strides = array<i32>} : memref<128x64xf32, #tpu.memory_space<vmem>>, vector<1x16xf32>,
      %get3A_473 = vector.shape_cast %get3A_472 : vector<1x16xf32> to vector<16xf32>
      %mul3A_474 = arith.mulf %get3A_473, %gather3A_411 : vector<16xf32>
      %swap3A_475 = arith.constant 0 : i32
      %swap3A_476 = arith.constant 0 : i32
      %swap3A_477 = tpu.memref_slice %arg11[%scan3A_49, %swap3A_475, %swap3A_476] : memref<3x128x64xf32, #tpu.memory_space<vmem>> -> memref<1x128x64xf32, #tpu.memory_space<vmem>>
      %swap3A_478 = tpu.memref_squeeze %swap3A_477 : memref<1x128x64xf32, #tpu.memory_space<vmem>> -> memref<128x64xf32, #tpu.memory_space<vmem>>
      %swap3A_479 = arith.index_cast %scan3A_353 : i32 to index
      %swap3A_480 = arith.constant 48 : index
      %swap3A_481 = tpu.vector_load %swap3A_478[%swap3A_479, %swap3A_480] {strides = array<i32>} : memref<128x64xf32, #tpu.memory_space<vmem>>, vector<1x16xf32>,
      %swap3A_482 = vector.shape_cast %swap3A_481 : vector<1x16xf32> to vector<16xf32>
      %swap3A_483 = vector.shape_cast %mul3A_474 : vector<16xf32> to vector<1x16xf32>
      tpu.vector_store %swap3A_478[%swap3A_479, %swap3A_480], %swap3A_483 {strides = array<i32>} : memref<128x64xf32, #tpu.memory_space<vmem>>, vector<1x16xf32>,
      %scan3A_484 = arith.constant 3 : i32
      %scan3A_485 = arith.addi %scan3A_103, %scan3A_484 : i32
      %jit3A_486 = arith.constant 16 : i32
      %div3A_487 = arith.divsi %scan3A_485, %jit3A_486 : i32
      %sign3A_488 = arith.constant 0 : i32
      %sign3A_489 = arith.cmpi sgt, %scan3A_485, %sign3A_488 : i32
      %sign3A_490 = arith.extui %sign3A_489 : i1 to i32
      %sign3A_491 = arith.constant 0 : i32
      %sign3A_492 = arith.cmpi slt, %scan3A_485, %sign3A_491 : i32
      %sign3A_493 = arith.extui %sign3A_492 : i1 to i32
      %sign3A_494 = arith.subi %sign3A_490, %sign3A_493 : i32
      %sign3A_495 = arith.constant 0 : i32
      %sign3A_496 = arith.cmpi sgt, %jit3A_486, %sign3A_495 : i32
      %sign3A_497 = arith.extui %sign3A_496 : i1 to i32
      %sign3A_498 = arith.constant 0 : i32
      %sign3A_499 = arith.cmpi slt, %jit3A_486, %sign3A_498 : i32
      %sign3A_500 = arith.extui %sign3A_499 : i1 to i32
      %sign3A_501 = arith.subi %sign3A_497, %sign3A_500 : i32
      %ne3A_502 = arith.cmpi ne, %sign3A_494, %sign3A_501 : i32
      %rem3A_503 = arith.remsi %scan3A_485, %jit3A_486 : i32
      %ne3A_504 = arith.constant 0 : i32
      %ne3A_505 = arith.cmpi ne, %rem3A_503, %ne3A_504 : i32
      %and3A_506 = arith.andi %ne3A_502, %ne3A_505 : i1
      %sub3A_507 = arith.constant 1 : i32
      %sub3A_508 = arith.subi %div3A_487, %sub3A_507 : i32
      %select_n3A_509 = arith.select %and3A_506, %sub3A_508, %div3A_487 : i32
      %mul3A_510 = arith.constant 16 : i32
      %mul3A_511 = arith.muli %select_n3A_509, %mul3A_510 : i32
      %add3A_512 = arith.constant 19968 : i32
      %add3A_513 = arith.addi %add3A_512, %mul3A_511 : i32
      %get3A_514 = arith.index_cast %add3A_513 : i32 to index
      %get3A_515 = tpu.vector_load %arg10[%get3A_514] {strides = array<i32>} : memref<20096xf32, #tpu.memory_space<vmem>>, vector<16xf32>,
      %get3A_516 = vector.shape_cast %get3A_515 : vector<16xf32> to vector<16xf32>
      %jit3A_517 = arith.constant 16 : i32
      %eq3A_518 = arith.constant 0 : i32
      %eq3A_519 = arith.cmpi eq, %jit3A_517, %eq3A_518 : i32
      %jit3A_520 = arith.constant 1 : i32
      %select_n3A_521 = arith.select %eq3A_519, %jit3A_520, %jit3A_517 : i32
      %rem3A_522 = arith.remsi %scan3A_485, %select_n3A_521 : i32
      %ne3A_523 = arith.constant 0 : i32
      %ne3A_524 = arith.cmpi ne, %rem3A_522, %ne3A_523 : i32
      %lt3A_525 = arith.constant 0 : i32
      %lt3A_526 = arith.cmpi slt, %rem3A_522, %lt3A_525 : i32
      %lt3A_527 = arith.constant 0 : i32
      %lt3A_528 = arith.cmpi slt, %select_n3A_521, %lt3A_527 : i32
      %ne3A_529 = arith.xori %lt3A_526, %lt3A_528 : i1
      %and3A_530 = arith.andi %ne3A_529, %ne3A_524 : i1
      %add3A_531 = arith.addi %rem3A_522, %select_n3A_521 : i32
      %select_n3A_532 = arith.select %and3A_530, %add3A_531, %rem3A_522 : i32
      %broadcast_in_dim3A_533 = vector.broadcast %select_n3A_532 : i32 to vector<16xi32>
      %lt3A_534 = arith.constant 0 : i32
      %lt3A_535 = vector.broadcast %lt3A_534 : i32 to vector<16xi32>
      %lt3A_536 = arith.cmpi slt, %broadcast_in_dim3A_533, %lt3A_535 : vector<16xi32>
      %add3A_537 = arith.constant 16 : i32
      %add3A_538 = vector.broadcast %add3A_537 : i32 to vector<16xi32>
      %add3A_539 = arith.addi %broadcast_in_dim3A_533, %add3A_538 : vector<16xi32>
      %select_n3A_540 = arith.select %lt3A_536, %add3A_539, %broadcast_in_dim3A_533 : vector<16xi1>, vector<16xi32>
      %broadcast_in_dim3A_541 = vector.shape_cast %select_n3A_540 : vector<16xi32> to vector<16x1xi32>
      %gather3A_542 = vector.shape_cast %broadcast_in_dim3A_541 : vector<16x1xi32> to vector<16xi32>
      %gather3A_543 = tpu.dynamic_gather %get3A_516[%gather3A_542] in [0] : vector<16xf32>, vector<16xi32> -> vector<16xf32>
      %get3A_544 = arith.constant 0 : i32
      %get3A_545 = arith.constant 0 : i32
      %get3A_546 = tpu.memref_slice %arg11[%scan3A_49, %get3A_544, %get3A_545] : memref<3x128x64xf32, #tpu.memory_space<vmem>> -> memref<1x128x64xf32, #tpu.memory_space<vmem>>
      %get3A_547 = tpu.memref_squeeze %get3A_546 : memref<1x128x64xf32, #tpu.memory_space<vmem>> -> memref<128x64xf32, #tpu.memory_space<vmem>>
      %get3A_548 = arith.index_cast %scan3A_485 : i32 to index
      %get3A_549 = arith.constant 0 : index
      %get3A_550 = tpu.vector_load %get3A_547[%get3A_548, %get3A_549] {strides = array<i32>} : memref<128x64xf32, #tpu.memory_space<vmem>>, vector<1x16xf32>,
      %get3A_551 = vector.shape_cast %get3A_550 : vector<1x16xf32> to vector<16xf32>
      %mul3A_552 = arith.mulf %get3A_551, %gather3A_543 : vector<16xf32>
      %swap3A_553 = arith.constant 0 : i32
      %swap3A_554 = arith.constant 0 : i32
      %swap3A_555 = tpu.memref_slice %arg11[%scan3A_49, %swap3A_553, %swap3A_554] : memref<3x128x64xf32, #tpu.memory_space<vmem>> -> memref<1x128x64xf32, #tpu.memory_space<vmem>>
      %swap3A_556 = tpu.memref_squeeze %swap3A_555 : memref<1x128x64xf32, #tpu.memory_space<vmem>> -> memref<128x64xf32, #tpu.memory_space<vmem>>
      %swap3A_557 = arith.index_cast %scan3A_485 : i32 to index
      %swap3A_558 = arith.constant 0 : index
      %swap3A_559 = tpu.vector_load %swap3A_556[%swap3A_557, %swap3A_558] {strides = array<i32>} : memref<128x64xf32, #tpu.memory_space<vmem>>, vector<1x16xf32>,
      %swap3A_560 = vector.shape_cast %swap3A_559 : vector<1x16xf32> to vector<16xf32>
      %swap3A_561 = vector.shape_cast %mul3A_552 : vector<16xf32> to vector<1x16xf32>
      tpu.vector_store %swap3A_556[%swap3A_557, %swap3A_558], %swap3A_561 {strides = array<i32>} : memref<128x64xf32, #tpu.memory_space<vmem>>, vector<1x16xf32>,
      %get3A_562 = arith.constant 0 : i32
      %get3A_563 = arith.constant 0 : i32
      %get3A_564 = tpu.memref_slice %arg11[%scan3A_49, %get3A_562, %get3A_563] : memref<3x128x64xf32, #tpu.memory_space<vmem>> -> memref<1x128x64xf32, #tpu.memory_space<vmem>>
      %get3A_565 = tpu.memref_squeeze %get3A_564 : memref<1x128x64xf32, #tpu.memory_space<vmem>> -> memref<128x64xf32, #tpu.memory_space<vmem>>
      %get3A_566 = arith.index_cast %scan3A_485 : i32 to index
      %get3A_567 = arith.constant 16 : index
      %get3A_568 = tpu.vector_load %get3A_565[%get3A_566, %get3A_567] {strides = array<i32>} : memref<128x64xf32, #tpu.memory_space<vmem>>, vector<1x16xf32>,
      %get3A_569 = vector.shape_cast %get3A_568 : vector<1x16xf32> to vector<16xf32>
      %mul3A_570 = arith.mulf %get3A_569, %gather3A_543 : vector<16xf32>
      %swap3A_571 = arith.constant 0 : i32
      %swap3A_572 = arith.constant 0 : i32
      %swap3A_573 = tpu.memref_slice %arg11[%scan3A_49, %swap3A_571, %swap3A_572] : memref<3x128x64xf32, #tpu.memory_space<vmem>> -> memref<1x128x64xf32, #tpu.memory_space<vmem>>
      %swap3A_574 = tpu.memref_squeeze %swap3A_573 : memref<1x128x64xf32, #tpu.memory_space<vmem>> -> memref<128x64xf32, #tpu.memory_space<vmem>>
      %swap3A_575 = arith.index_cast %scan3A_485 : i32 to index
      %swap3A_576 = arith.constant 16 : index
      %swap3A_577 = tpu.vector_load %swap3A_574[%swap3A_575, %swap3A_576] {strides = array<i32>} : memref<128x64xf32, #tpu.memory_space<vmem>>, vector<1x16xf32>,
      %swap3A_578 = vector.shape_cast %swap3A_577 : vector<1x16xf32> to vector<16xf32>
      %swap3A_579 = vector.shape_cast %mul3A_570 : vector<16xf32> to vector<1x16xf32>
      tpu.vector_store %swap3A_574[%swap3A_575, %swap3A_576], %swap3A_579 {strides = array<i32>} : memref<128x64xf32, #tpu.memory_space<vmem>>, vector<1x16xf32>,
      %get3A_580 = arith.constant 0 : i32
      %get3A_581 = arith.constant 0 : i32
      %get3A_582 = tpu.memref_slice %arg11[%scan3A_49, %get3A_580, %get3A_581] : memref<3x128x64xf32, #tpu.memory_space<vmem>> -> memref<1x128x64xf32, #tpu.memory_space<vmem>>
      %get3A_583 = tpu.memref_squeeze %get3A_582 : memref<1x128x64xf32, #tpu.memory_space<vmem>> -> memref<128x64xf32, #tpu.memory_space<vmem>>
      %get3A_584 = arith.index_cast %scan3A_485 : i32 to index
      %get3A_585 = arith.constant 32 : index
      %get3A_586 = tpu.vector_load %get3A_583[%get3A_584, %get3A_585] {strides = array<i32>} : memref<128x64xf32, #tpu.memory_space<vmem>>, vector<1x16xf32>,
      %get3A_587 = vector.shape_cast %get3A_586 : vector<1x16xf32> to vector<16xf32>
      %mul3A_588 = arith.mulf %get3A_587, %gather3A_543 : vector<16xf32>
      %swap3A_589 = arith.constant 0 : i32
      %swap3A_590 = arith.constant 0 : i32
      %swap3A_591 = tpu.memref_slice %arg11[%scan3A_49, %swap3A_589, %swap3A_590] : memref<3x128x64xf32, #tpu.memory_space<vmem>> -> memref<1x128x64xf32, #tpu.memory_space<vmem>>
      %swap3A_592 = tpu.memref_squeeze %swap3A_591 : memref<1x128x64xf32, #tpu.memory_space<vmem>> -> memref<128x64xf32, #tpu.memory_space<vmem>>
      %swap3A_593 = arith.index_cast %scan3A_485 : i32 to index
      %swap3A_594 = arith.constant 32 : index
      %swap3A_595 = tpu.vector_load %swap3A_592[%swap3A_593, %swap3A_594] {strides = array<i32>} : memref<128x64xf32, #tpu.memory_space<vmem>>, vector<1x16xf32>,
      %swap3A_596 = vector.shape_cast %swap3A_595 : vector<1x16xf32> to vector<16xf32>
      %swap3A_597 = vector.shape_cast %mul3A_588 : vector<16xf32> to vector<1x16xf32>
      tpu.vector_store %swap3A_592[%swap3A_593, %swap3A_594], %swap3A_597 {strides = array<i32>} : memref<128x64xf32, #tpu.memory_space<vmem>>, vector<1x16xf32>,
      %get3A_598 = arith.constant 0 : i32
      %get3A_599 = arith.constant 0 : i32
      %get3A_600 = tpu.memref_slice %arg11[%scan3A_49, %get3A_598, %get3A_599] : memref<3x128x64xf32, #tpu.memory_space<vmem>> -> memref<1x128x64xf32, #tpu.memory_space<vmem>>
      %get3A_601 = tpu.memref_squeeze %get3A_600 : memref<1x128x64xf32, #tpu.memory_space<vmem>> -> memref<128x64xf32, #tpu.memory_space<vmem>>
      %get3A_602 = arith.index_cast %scan3A_485 : i32 to index
      %get3A_603 = arith.constant 48 : index
      %get3A_604 = tpu.vector_load %get3A_601[%get3A_602, %get3A_603] {strides = array<i32>} : memref<128x64xf32, #tpu.memory_space<vmem>>, vector<1x16xf32>,
      %get3A_605 = vector.shape_cast %get3A_604 : vector<1x16xf32> to vector<16xf32>
      %mul3A_606 = arith.mulf %get3A_605, %gather3A_543 : vector<16xf32>
      %swap3A_607 = arith.constant 0 : i32
      %swap3A_608 = arith.constant 0 : i32
      %swap3A_609 = tpu.memref_slice %arg11[%scan3A_49, %swap3A_607, %swap3A_608] : memref<3x128x64xf32, #tpu.memory_space<vmem>> -> memref<1x128x64xf32, #tpu.memory_space<vmem>>
      %swap3A_610 = tpu.memref_squeeze %swap3A_609 : memref<1x128x64xf32, #tpu.memory_space<vmem>> -> memref<128x64xf32, #tpu.memory_space<vmem>>
      %swap3A_611 = arith.index_cast %scan3A_485 : i32 to index
      %swap3A_612 = arith.constant 48 : index
      %swap3A_613 = tpu.vector_load %swap3A_610[%swap3A_611, %swap3A_612] {strides = array<i32>} : memref<128x64xf32, #tpu.memory_space<vmem>>, vector<1x16xf32>,
      %swap3A_614 = vector.shape_cast %swap3A_613 : vector<1x16xf32> to vector<16xf32>
      %swap3A_615 = vector.shape_cast %mul3A_606 : vector<16xf32> to vector<1x16xf32>
      tpu.vector_store %swap3A_610[%swap3A_611, %swap3A_612], %swap3A_615 {strides = array<i32>} : memref<128x64xf32, #tpu.memory_space<vmem>>, vector<1x16xf32>,
      %scan3A_616 = arith.constant 4 : i32
      %scan3A_617 = arith.addi %scan3A_103, %scan3A_616 : i32
      %jit3A_618 = arith.constant 16 : i32
      %div3A_619 = arith.divsi %scan3A_617, %jit3A_618 : i32
      %sign3A_620 = arith.constant 0 : i32
      %sign3A_621 = arith.cmpi sgt, %scan3A_617, %sign3A_620 : i32
      %sign3A_622 = arith.extui %sign3A_621 : i1 to i32
      %sign3A_623 = arith.constant 0 : i32
      %sign3A_624 = arith.cmpi slt, %scan3A_617, %sign3A_623 : i32
      %sign3A_625 = arith.extui %sign3A_624 : i1 to i32
      %sign3A_626 = arith.subi %sign3A_622, %sign3A_625 : i32
      %sign3A_627 = arith.constant 0 : i32
      %sign3A_628 = arith.cmpi sgt, %jit3A_618, %sign3A_627 : i32
      %sign3A_629 = arith.extui %sign3A_628 : i1 to i32
      %sign3A_630 = arith.constant 0 : i32
      %sign3A_631 = arith.cmpi slt, %jit3A_618, %sign3A_630 : i32
      %sign3A_632 = arith.extui %sign3A_631 : i1 to i32
      %sign3A_633 = arith.subi %sign3A_629, %sign3A_632 : i32
      %ne3A_634 = arith.cmpi ne, %sign3A_626, %sign3A_633 : i32
      %rem3A_635 = arith.remsi %scan3A_617, %jit3A_618 : i32
      %ne3A_636 = arith.constant 0 : i32
      %ne3A_637 = arith.cmpi ne, %rem3A_635, %ne3A_636 : i32
      %and3A_638 = arith.andi %ne3A_634, %ne3A_637 : i1
      %sub3A_639 = arith.constant 1 : i32
      %sub3A_640 = arith.subi %div3A_619, %sub3A_639 : i32
      %select_n3A_641 = arith.select %and3A_638, %sub3A_640, %div3A_619 : i32
      %mul3A_642 = arith.constant 16 : i32
      %mul3A_643 = arith.muli %select_n3A_641, %mul3A_642 : i32
      %add3A_644 = arith.constant 19968 : i32
      %add3A_645 = arith.addi %add3A_644, %mul3A_643 : i32
      %get3A_646 = arith.index_cast %add3A_645 : i32 to index
      %get3A_647 = tpu.vector_load %arg10[%get3A_646] {strides = array<i32>} : memref<20096xf32, #tpu.memory_space<vmem>>, vector<16xf32>,
      %get3A_648 = vector.shape_cast %get3A_647 : vector<16xf32> to vector<16xf32>
      %jit3A_649 = arith.constant 16 : i32
      %eq3A_650 = arith.constant 0 : i32
      %eq3A_651 = arith.cmpi eq, %jit3A_649, %eq3A_650 : i32
      %jit3A_652 = arith.constant 1 : i32
      %select_n3A_653 = arith.select %eq3A_651, %jit3A_652, %jit3A_649 : i32
      %rem3A_654 = arith.remsi %scan3A_617, %select_n3A_653 : i32
      %ne3A_655 = arith.constant 0 : i32
      %ne3A_656 = arith.cmpi ne, %rem3A_654, %ne3A_655 : i32
      %lt3A_657 = arith.constant 0 : i32
      %lt3A_658 = arith.cmpi slt, %rem3A_654, %lt3A_657 : i32
      %lt3A_659 = arith.constant 0 : i32
      %lt3A_660 = arith.cmpi slt, %select_n3A_653, %lt3A_659 : i32
      %ne3A_661 = arith.xori %lt3A_658, %lt3A_660 : i1
      %and3A_662 = arith.andi %ne3A_661, %ne3A_656 : i1
      %add3A_663 = arith.addi %rem3A_654, %select_n3A_653 : i32
      %select_n3A_664 = arith.select %and3A_662, %add3A_663, %rem3A_654 : i32
      %broadcast_in_dim3A_665 = vector.broadcast %select_n3A_664 : i32 to vector<16xi32>
      %lt3A_666 = arith.constant 0 : i32
      %lt3A_667 = vector.broadcast %lt3A_666 : i32 to vector<16xi32>
      %lt3A_668 = arith.cmpi slt, %broadcast_in_dim3A_665, %lt3A_667 : vector<16xi32>
      %add3A_669 = arith.constant 16 : i32
      %add3A_670 = vector.broadcast %add3A_669 : i32 to vector<16xi32>
      %add3A_671 = arith.addi %broadcast_in_dim3A_665, %add3A_670 : vector<16xi32>
      %select_n3A_672 = arith.select %lt3A_668, %add3A_671, %broadcast_in_dim3A_665 : vector<16xi1>, vector<16xi32>
      %broadcast_in_dim3A_673 = vector.shape_cast %select_n3A_672 : vector<16xi32> to vector<16x1xi32>
      %gather3A_674 = vector.shape_cast %broadcast_in_dim3A_673 : vector<16x1xi32> to vector<16xi32>
      %gather3A_675 = tpu.dynamic_gather %get3A_648[%gather3A_674] in [0] : vector<16xf32>, vector<16xi32> -> vector<16xf32>
      %get3A_676 = arith.constant 0 : i32
      %get3A_677 = arith.constant 0 : i32
      %get3A_678 = tpu.memref_slice %arg11[%scan3A_49, %get3A_676, %get3A_677] : memref<3x128x64xf32, #tpu.memory_space<vmem>> -> memref<1x128x64xf32, #tpu.memory_space<vmem>>
      %get3A_679 = tpu.memref_squeeze %get3A_678 : memref<1x128x64xf32, #tpu.memory_space<vmem>> -> memref<128x64xf32, #tpu.memory_space<vmem>>
      %get3A_680 = arith.index_cast %scan3A_617 : i32 to index
      %get3A_681 = arith.constant 0 : index
      %get3A_682 = tpu.vector_load %get3A_679[%get3A_680, %get3A_681] {strides = array<i32>} : memref<128x64xf32, #tpu.memory_space<vmem>>, vector<1x16xf32>,
      %get3A_683 = vector.shape_cast %get3A_682 : vector<1x16xf32> to vector<16xf32>
      %mul3A_684 = arith.mulf %get3A_683, %gather3A_675 : vector<16xf32>
      %swap3A_685 = arith.constant 0 : i32
      %swap3A_686 = arith.constant 0 : i32
      %swap3A_687 = tpu.memref_slice %arg11[%scan3A_49, %swap3A_685, %swap3A_686] : memref<3x128x64xf32, #tpu.memory_space<vmem>> -> memref<1x128x64xf32, #tpu.memory_space<vmem>>
      %swap3A_688 = tpu.memref_squeeze %swap3A_687 : memref<1x128x64xf32, #tpu.memory_space<vmem>> -> memref<128x64xf32, #tpu.memory_space<vmem>>
      %swap3A_689 = arith.index_cast %scan3A_617 : i32 to index
      %swap3A_690 = arith.constant 0 : index
      %swap3A_691 = tpu.vector_load %swap3A_688[%swap3A_689, %swap3A_690] {strides = array<i32>} : memref<128x64xf32, #tpu.memory_space<vmem>>, vector<1x16xf32>,
      %swap3A_692 = vector.shape_cast %swap3A_691 : vector<1x16xf32> to vector<16xf32>
      %swap3A_693 = vector.shape_cast %mul3A_684 : vector<16xf32> to vector<1x16xf32>
      tpu.vector_store %swap3A_688[%swap3A_689, %swap3A_690], %swap3A_693 {strides = array<i32>} : memref<128x64xf32, #tpu.memory_space<vmem>>, vector<1x16xf32>,
      %get3A_694 = arith.constant 0 : i32
      %get3A_695 = arith.constant 0 : i32
      %get3A_696 = tpu.memref_slice %arg11[%scan3A_49, %get3A_694, %get3A_695] : memref<3x128x64xf32, #tpu.memory_space<vmem>> -> memref<1x128x64xf32, #tpu.memory_space<vmem>>
      %get3A_697 = tpu.memref_squeeze %get3A_696 : memref<1x128x64xf32, #tpu.memory_space<vmem>> -> memref<128x64xf32, #tpu.memory_space<vmem>>
      %get3A_698 = arith.index_cast %scan3A_617 : i32 to index
      %get3A_699 = arith.constant 16 : index
      %get3A_700 = tpu.vector_load %get3A_697[%get3A_698, %get3A_699] {strides = array<i32>} : memref<128x64xf32, #tpu.memory_space<vmem>>, vector<1x16xf32>,
      %get3A_701 = vector.shape_cast %get3A_700 : vector<1x16xf32> to vector<16xf32>
      %mul3A_702 = arith.mulf %get3A_701, %gather3A_675 : vector<16xf32>
      %swap3A_703 = arith.constant 0 : i32
      %swap3A_704 = arith.constant 0 : i32
      %swap3A_705 = tpu.memref_slice %arg11[%scan3A_49, %swap3A_703, %swap3A_704] : memref<3x128x64xf32, #tpu.memory_space<vmem>> -> memref<1x128x64xf32, #tpu.memory_space<vmem>>
      %swap3A_706 = tpu.memref_squeeze %swap3A_705 : memref<1x128x64xf32, #tpu.memory_space<vmem>> -> memref<128x64xf32, #tpu.memory_space<vmem>>
      %swap3A_707 = arith.index_cast %scan3A_617 : i32 to index
      %swap3A_708 = arith.constant 16 : index
      %swap3A_709 = tpu.vector_load %swap3A_706[%swap3A_707, %swap3A_708] {strides = array<i32>} : memref<128x64xf32, #tpu.memory_space<vmem>>, vector<1x16xf32>,
      %swap3A_710 = vector.shape_cast %swap3A_709 : vector<1x16xf32> to vector<16xf32>
      %swap3A_711 = vector.shape_cast %mul3A_702 : vector<16xf32> to vector<1x16xf32>
      tpu.vector_store %swap3A_706[%swap3A_707, %swap3A_708], %swap3A_711 {strides = array<i32>} : memref<128x64xf32, #tpu.memory_space<vmem>>, vector<1x16xf32>,
      %get3A_712 = arith.constant 0 : i32
      %get3A_713 = arith.constant 0 : i32
      %get3A_714 = tpu.memref_slice %arg11[%scan3A_49, %get3A_712, %get3A_713] : memref<3x128x64xf32, #tpu.memory_space<vmem>> -> memref<1x128x64xf32, #tpu.memory_space<vmem>>
      %get3A_715 = tpu.memref_squeeze %get3A_714 : memref<1x128x64xf32, #tpu.memory_space<vmem>> -> memref<128x64xf32, #tpu.memory_space<vmem>>
      %get3A_716 = arith.index_cast %scan3A_617 : i32 to index
      %get3A_717 = arith.constant 32 : index
      %get3A_718 = tpu.vector_load %get3A_715[%get3A_716, %get3A_717] {strides = array<i32>} : memref<128x64xf32, #tpu.memory_space<vmem>>, vector<1x16xf32>,
      %get3A_719 = vector.shape_cast %get3A_718 : vector<1x16xf32> to vector<16xf32>
      %mul3A_720 = arith.mulf %get3A_719, %gather3A_675 : vector<16xf32>
      %swap3A_721 = arith.constant 0 : i32
      %swap3A_722 = arith.constant 0 : i32
      %swap3A_723 = tpu.memref_slice %arg11[%scan3A_49, %swap3A_721, %swap3A_722] : memref<3x128x64xf32, #tpu.memory_space<vmem>> -> memref<1x128x64xf32, #tpu.memory_space<vmem>>
      %swap3A_724 = tpu.memref_squeeze %swap3A_723 : memref<1x128x64xf32, #tpu.memory_space<vmem>> -> memref<128x64xf32, #tpu.memory_space<vmem>>
      %swap3A_725 = arith.index_cast %scan3A_617 : i32 to index
      %swap3A_726 = arith.constant 32 : index
      %swap3A_727 = tpu.vector_load %swap3A_724[%swap3A_725, %swap3A_726] {strides = array<i32>} : memref<128x64xf32, #tpu.memory_space<vmem>>, vector<1x16xf32>,
      %swap3A_728 = vector.shape_cast %swap3A_727 : vector<1x16xf32> to vector<16xf32>
      %swap3A_729 = vector.shape_cast %mul3A_720 : vector<16xf32> to vector<1x16xf32>
      tpu.vector_store %swap3A_724[%swap3A_725, %swap3A_726], %swap3A_729 {strides = array<i32>} : memref<128x64xf32, #tpu.memory_space<vmem>>, vector<1x16xf32>,
      %get3A_730 = arith.constant 0 : i32
      %get3A_731 = arith.constant 0 : i32
      %get3A_732 = tpu.memref_slice %arg11[%scan3A_49, %get3A_730, %get3A_731] : memref<3x128x64xf32, #tpu.memory_space<vmem>> -> memref<1x128x64xf32, #tpu.memory_space<vmem>>
      %get3A_733 = tpu.memref_squeeze %get3A_732 : memref<1x128x64xf32, #tpu.memory_space<vmem>> -> memref<128x64xf32, #tpu.memory_space<vmem>>
      %get3A_734 = arith.index_cast %scan3A_617 : i32 to index
      %get3A_735 = arith.constant 48 : index
      %get3A_736 = tpu.vector_load %get3A_733[%get3A_734, %get3A_735] {strides = array<i32>} : memref<128x64xf32, #tpu.memory_space<vmem>>, vector<1x16xf32>,
      %get3A_737 = vector.shape_cast %get3A_736 : vector<1x16xf32> to vector<16xf32>
      %mul3A_738 = arith.mulf %get3A_737, %gather3A_675 : vector<16xf32>
      %swap3A_739 = arith.constant 0 : i32
      %swap3A_740 = arith.constant 0 : i32
      %swap3A_741 = tpu.memref_slice %arg11[%scan3A_49, %swap3A_739, %swap3A_740] : memref<3x128x64xf32, #tpu.memory_space<vmem>> -> memref<1x128x64xf32, #tpu.memory_space<vmem>>
      %swap3A_742 = tpu.memref_squeeze %swap3A_741 : memref<1x128x64xf32, #tpu.memory_space<vmem>> -> memref<128x64xf32, #tpu.memory_space<vmem>>
      %swap3A_743 = arith.index_cast %scan3A_617 : i32 to index
      %swap3A_744 = arith.constant 48 : index
      %swap3A_745 = tpu.vector_load %swap3A_742[%swap3A_743, %swap3A_744] {strides = array<i32>} : memref<128x64xf32, #tpu.memory_space<vmem>>, vector<1x16xf32>,
      %swap3A_746 = vector.shape_cast %swap3A_745 : vector<1x16xf32> to vector<16xf32>
      %swap3A_747 = vector.shape_cast %mul3A_738 : vector<16xf32> to vector<1x16xf32>
      tpu.vector_store %swap3A_742[%swap3A_743, %swap3A_744], %swap3A_747 {strides = array<i32>} : memref<128x64xf32, #tpu.memory_space<vmem>>, vector<1x16xf32>,
      %scan3A_748 = arith.constant 5 : i32
      %scan3A_749 = arith.addi %scan3A_103, %scan3A_748 : i32
      %jit3A_750 = arith.constant 16 : i32
      %div3A_751 = arith.divsi %scan3A_749, %jit3A_750 : i32
      %sign3A_752 = arith.constant 0 : i32
      %sign3A_753 = arith.cmpi sgt, %scan3A_749, %sign3A_752 : i32
      %sign3A_754 = arith.extui %sign3A_753 : i1 to i32
      %sign3A_755 = arith.constant 0 : i32
      %sign3A_756 = arith.cmpi slt, %scan3A_749, %sign3A_755 : i32
      %sign3A_757 = arith.extui %sign3A_756 : i1 to i32
      %sign3A_758 = arith.subi %sign3A_754, %sign3A_757 : i32
      %sign3A_759 = arith.constant 0 : i32
      %sign3A_760 = arith.cmpi sgt, %jit3A_750, %sign3A_759 : i32
      %sign3A_761 = arith.extui %sign3A_760 : i1 to i32
      %sign3A_762 = arith.constant 0 : i32
      %sign3A_763 = arith.cmpi slt, %jit3A_750, %sign3A_762 : i32
      %sign3A_764 = arith.extui %sign3A_763 : i1 to i32
      %sign3A_765 = arith.subi %sign3A_761, %sign3A_764 : i32
      %ne3A_766 = arith.cmpi ne, %sign3A_758, %sign3A_765 : i32
      %rem3A_767 = arith.remsi %scan3A_749, %jit3A_750 : i32
      %ne3A_768 = arith.constant 0 : i32
      %ne3A_769 = arith.cmpi ne, %rem3A_767, %ne3A_768 : i32
      %and3A_770 = arith.andi %ne3A_766, %ne3A_769 : i1
      %sub3A_771 = arith.constant 1 : i32
      %sub3A_772 = arith.subi %div3A_751, %sub3A_771 : i32
      %select_n3A_773 = arith.select %and3A_770, %sub3A_772, %div3A_751 : i32
      %mul3A_774 = arith.constant 16 : i32
      %mul3A_775 = arith.muli %select_n3A_773, %mul3A_774 : i32
      %add3A_776 = arith.constant 19968 : i32
      %add3A_777 = arith.addi %add3A_776, %mul3A_775 : i32
      %get3A_778 = arith.index_cast %add3A_777 : i32 to index
      %get3A_779 = tpu.vector_load %arg10[%get3A_778] {strides = array<i32>} : memref<20096xf32, #tpu.memory_space<vmem>>, vector<16xf32>,
      %get3A_780 = vector.shape_cast %get3A_779 : vector<16xf32> to vector<16xf32>
      %jit3A_781 = arith.constant 16 : i32
      %eq3A_782 = arith.constant 0 : i32
      %eq3A_783 = arith.cmpi eq, %jit3A_781, %eq3A_782 : i32
      %jit3A_784 = arith.constant 1 : i32
      %select_n3A_785 = arith.select %eq3A_783, %jit3A_784, %jit3A_781 : i32
      %rem3A_786 = arith.remsi %scan3A_749, %select_n3A_785 : i32
      %ne3A_787 = arith.constant 0 : i32
      %ne3A_788 = arith.cmpi ne, %rem3A_786, %ne3A_787 : i32
      %lt3A_789 = arith.constant 0 : i32
      %lt3A_790 = arith.cmpi slt, %rem3A_786, %lt3A_789 : i32
      %lt3A_791 = arith.constant 0 : i32
      %lt3A_792 = arith.cmpi slt, %select_n3A_785, %lt3A_791 : i32
      %ne3A_793 = arith.xori %lt3A_790, %lt3A_792 : i1
      %and3A_794 = arith.andi %ne3A_793, %ne3A_788 : i1
      %add3A_795 = arith.addi %rem3A_786, %select_n3A_785 : i32
      %select_n3A_796 = arith.select %and3A_794, %add3A_795, %rem3A_786 : i32
      %broadcast_in_dim3A_797 = vector.broadcast %select_n3A_796 : i32 to vector<16xi32>
      %lt3A_798 = arith.constant 0 : i32
      %lt3A_799 = vector.broadcast %lt3A_798 : i32 to vector<16xi32>
      %lt3A_800 = arith.cmpi slt, %broadcast_in_dim3A_797, %lt3A_799 : vector<16xi32>
      %add3A_801 = arith.constant 16 : i32
      %add3A_802 = vector.broadcast %add3A_801 : i32 to vector<16xi32>
      %add3A_803 = arith.addi %broadcast_in_dim3A_797, %add3A_802 : vector<16xi32>
      %select_n3A_804 = arith.select %lt3A_800, %add3A_803, %broadcast_in_dim3A_797 : vector<16xi1>, vector<16xi32>
      %broadcast_in_dim3A_805 = vector.shape_cast %select_n3A_804 : vector<16xi32> to vector<16x1xi32>
      %gather3A_806 = vector.shape_cast %broadcast_in_dim3A_805 : vector<16x1xi32> to vector<16xi32>
      %gather3A_807 = tpu.dynamic_gather %get3A_780[%gather3A_806] in [0] : vector<16xf32>, vector<16xi32> -> vector<16xf32>
      %get3A_808 = arith.constant 0 : i32
      %get3A_809 = arith.constant 0 : i32
      %get3A_810 = tpu.memref_slice %arg11[%scan3A_49, %get3A_808, %get3A_809] : memref<3x128x64xf32, #tpu.memory_space<vmem>> -> memref<1x128x64xf32, #tpu.memory_space<vmem>>
      %get3A_811 = tpu.memref_squeeze %get3A_810 : memref<1x128x64xf32, #tpu.memory_space<vmem>> -> memref<128x64xf32, #tpu.memory_space<vmem>>
      %get3A_812 = arith.index_cast %scan3A_749 : i32 to index
      %get3A_813 = arith.constant 0 : index
      %get3A_814 = tpu.vector_load %get3A_811[%get3A_812, %get3A_813] {strides = array<i32>} : memref<128x64xf32, #tpu.memory_space<vmem>>, vector<1x16xf32>,
      %get3A_815 = vector.shape_cast %get3A_814 : vector<1x16xf32> to vector<16xf32>
      %mul3A_816 = arith.mulf %get3A_815, %gather3A_807 : vector<16xf32>
      %swap3A_817 = arith.constant 0 : i32
      %swap3A_818 = arith.constant 0 : i32
      %swap3A_819 = tpu.memref_slice %arg11[%scan3A_49, %swap3A_817, %swap3A_818] : memref<3x128x64xf32, #tpu.memory_space<vmem>> -> memref<1x128x64xf32, #tpu.memory_space<vmem>>
      %swap3A_820 = tpu.memref_squeeze %swap3A_819 : memref<1x128x64xf32, #tpu.memory_space<vmem>> -> memref<128x64xf32, #tpu.memory_space<vmem>>
      %swap3A_821 = arith.index_cast %scan3A_749 : i32 to index
      %swap3A_822 = arith.constant 0 : index
      %swap3A_823 = tpu.vector_load %swap3A_820[%swap3A_821, %swap3A_822] {strides = array<i32>} : memref<128x64xf32, #tpu.memory_space<vmem>>, vector<1x16xf32>,
      %swap3A_824 = vector.shape_cast %swap3A_823 : vector<1x16xf32> to vector<16xf32>
      %swap3A_825 = vector.shape_cast %mul3A_816 : vector<16xf32> to vector<1x16xf32>
      tpu.vector_store %swap3A_820[%swap3A_821, %swap3A_822], %swap3A_825 {strides = array<i32>} : memref<128x64xf32, #tpu.memory_space<vmem>>, vector<1x16xf32>,
      %get3A_826 = arith.constant 0 : i32
      %get3A_827 = arith.constant 0 : i32
      %get3A_828 = tpu.memref_slice %arg11[%scan3A_49, %get3A_826, %get3A_827] : memref<3x128x64xf32, #tpu.memory_space<vmem>> -> memref<1x128x64xf32, #tpu.memory_space<vmem>>
      %get3A_829 = tpu.memref_squeeze %get3A_828 : memref<1x128x64xf32, #tpu.memory_space<vmem>> -> memref<128x64xf32, #tpu.memory_space<vmem>>
      %get3A_830 = arith.index_cast %scan3A_749 : i32 to index
      %get3A_831 = arith.constant 16 : index
      %get3A_832 = tpu.vector_load %get3A_829[%get3A_830, %get3A_831] {strides = array<i32>} : memref<128x64xf32, #tpu.memory_space<vmem>>, vector<1x16xf32>,
      %get3A_833 = vector.shape_cast %get3A_832 : vector<1x16xf32> to vector<16xf32>
      %mul3A_834 = arith.mulf %get3A_833, %gather3A_807 : vector<16xf32>
      %swap3A_835 = arith.constant 0 : i32
      %swap3A_836 = arith.constant 0 : i32
      %swap3A_837 = tpu.memref_slice %arg11[%scan3A_49, %swap3A_835, %swap3A_836] : memref<3x128x64xf32, #tpu.memory_space<vmem>> -> memref<1x128x64xf32, #tpu.memory_space<vmem>>
      %swap3A_838 = tpu.memref_squeeze %swap3A_837 : memref<1x128x64xf32, #tpu.memory_space<vmem>> -> memref<128x64xf32, #tpu.memory_space<vmem>>
      %swap3A_839 = arith.index_cast %scan3A_749 : i32 to index
      %swap3A_840 = arith.constant 16 : index
      %swap3A_841 = tpu.vector_load %swap3A_838[%swap3A_839, %swap3A_840] {strides = array<i32>} : memref<128x64xf32, #tpu.memory_space<vmem>>, vector<1x16xf32>,
      %swap3A_842 = vector.shape_cast %swap3A_841 : vector<1x16xf32> to vector<16xf32>
      %swap3A_843 = vector.shape_cast %mul3A_834 : vector<16xf32> to vector<1x16xf32>
      tpu.vector_store %swap3A_838[%swap3A_839, %swap3A_840], %swap3A_843 {strides = array<i32>} : memref<128x64xf32, #tpu.memory_space<vmem>>, vector<1x16xf32>,
      %get3A_844 = arith.constant 0 : i32
      %get3A_845 = arith.constant 0 : i32
      %get3A_846 = tpu.memref_slice %arg11[%scan3A_49, %get3A_844, %get3A_845] : memref<3x128x64xf32, #tpu.memory_space<vmem>> -> memref<1x128x64xf32, #tpu.memory_space<vmem>>
      %get3A_847 = tpu.memref_squeeze %get3A_846 : memref<1x128x64xf32, #tpu.memory_space<vmem>> -> memref<128x64xf32, #tpu.memory_space<vmem>>
      %get3A_848 = arith.index_cast %scan3A_749 : i32 to index
      %get3A_849 = arith.constant 32 : index
      %get3A_850 = tpu.vector_load %get3A_847[%get3A_848, %get3A_849] {strides = array<i32>} : memref<128x64xf32, #tpu.memory_space<vmem>>, vector<1x16xf32>,
      %get3A_851 = vector.shape_cast %get3A_850 : vector<1x16xf32> to vector<16xf32>
      %mul3A_852 = arith.mulf %get3A_851, %gather3A_807 : vector<16xf32>
      %swap3A_853 = arith.constant 0 : i32
      %swap3A_854 = arith.constant 0 : i32
      %swap3A_855 = tpu.memref_slice %arg11[%scan3A_49, %swap3A_853, %swap3A_854] : memref<3x128x64xf32, #tpu.memory_space<vmem>> -> memref<1x128x64xf32, #tpu.memory_space<vmem>>
      %swap3A_856 = tpu.memref_squeeze %swap3A_855 : memref<1x128x64xf32, #tpu.memory_space<vmem>> -> memref<128x64xf32, #tpu.memory_space<vmem>>
      %swap3A_857 = arith.index_cast %scan3A_749 : i32 to index
      %swap3A_858 = arith.constant 32 : index
      %swap3A_859 = tpu.vector_load %swap3A_856[%swap3A_857, %swap3A_858] {strides = array<i32>} : memref<128x64xf32, #tpu.memory_space<vmem>>, vector<1x16xf32>,
      %swap3A_860 = vector.shape_cast %swap3A_859 : vector<1x16xf32> to vector<16xf32>
      %swap3A_861 = vector.shape_cast %mul3A_852 : vector<16xf32> to vector<1x16xf32>
      tpu.vector_store %swap3A_856[%swap3A_857, %swap3A_858], %swap3A_861 {strides = array<i32>} : memref<128x64xf32, #tpu.memory_space<vmem>>, vector<1x16xf32>,
      %get3A_862 = arith.constant 0 : i32
      %get3A_863 = arith.constant 0 : i32
      %get3A_864 = tpu.memref_slice %arg11[%scan3A_49, %get3A_862, %get3A_863] : memref<3x128x64xf32, #tpu.memory_space<vmem>> -> memref<1x128x64xf32, #tpu.memory_space<vmem>>
      %get3A_865 = tpu.memref_squeeze %get3A_864 : memref<1x128x64xf32, #tpu.memory_space<vmem>> -> memref<128x64xf32, #tpu.memory_space<vmem>>
      %get3A_866 = arith.index_cast %scan3A_749 : i32 to index
      %get3A_867 = arith.constant 48 : index
      %get3A_868 = tpu.vector_load %get3A_865[%get3A_866, %get3A_867] {strides = array<i32>} : memref<128x64xf32, #tpu.memory_space<vmem>>, vector<1x16xf32>,
      %get3A_869 = vector.shape_cast %get3A_868 : vector<1x16xf32> to vector<16xf32>
      %mul3A_870 = arith.mulf %get3A_869, %gather3A_807 : vector<16xf32>
      %swap3A_871 = arith.constant 0 : i32
      %swap3A_872 = arith.constant 0 : i32
      %swap3A_873 = tpu.memref_slice %arg11[%scan3A_49, %swap3A_871, %swap3A_872] : memref<3x128x64xf32, #tpu.memory_space<vmem>> -> memref<1x128x64xf32, #tpu.memory_space<vmem>>
      %swap3A_874 = tpu.memref_squeeze %swap3A_873 : memref<1x128x64xf32, #tpu.memory_space<vmem>> -> memref<128x64xf32, #tpu.memory_space<vmem>>
      %swap3A_875 = arith.index_cast %scan3A_749 : i32 to index
      %swap3A_876 = arith.constant 48 : index
      %swap3A_877 = tpu.vector_load %swap3A_874[%swap3A_875, %swap3A_876] {strides = array<i32>} : memref<128x64xf32, #tpu.memory_space<vmem>>, vector<1x16xf32>,
      %swap3A_878 = vector.shape_cast %swap3A_877 : vector<1x16xf32> to vector<16xf32>
      %swap3A_879 = vector.shape_cast %mul3A_870 : vector<16xf32> to vector<1x16xf32>
      tpu.vector_store %swap3A_874[%swap3A_875, %swap3A_876], %swap3A_879 {strides = array<i32>} : memref<128x64xf32, #tpu.memory_space<vmem>>, vector<1x16xf32>,
      %scan3A_880 = arith.constant 6 : i32
      %scan3A_881 = arith.addi %scan3A_103, %scan3A_880 : i32
      %jit3A_882 = arith.constant 16 : i32
      %div3A_883 = arith.divsi %scan3A_881, %jit3A_882 : i32
      %sign3A_884 = arith.constant 0 : i32
      %sign3A_885 = arith.cmpi sgt, %scan3A_881, %sign3A_884 : i32
      %sign3A_886 = arith.extui %sign3A_885 : i1 to i32
      %sign3A_887 = arith.constant 0 : i32
      %sign3A_888 = arith.cmpi slt, %scan3A_881, %sign3A_887 : i32
      %sign3A_889 = arith.extui %sign3A_888 : i1 to i32
      %sign3A_890 = arith.subi %sign3A_886, %sign3A_889 : i32
      %sign3A_891 = arith.constant 0 : i32
      %sign3A_892 = arith.cmpi sgt, %jit3A_882, %sign3A_891 : i32
      %sign3A_893 = arith.extui %sign3A_892 : i1 to i32
      %sign3A_894 = arith.constant 0 : i32
      %sign3A_895 = arith.cmpi slt, %jit3A_882, %sign3A_894 : i32
      %sign3A_896 = arith.extui %sign3A_895 : i1 to i32
      %sign3A_897 = arith.subi %sign3A_893, %sign3A_896 : i32
      %ne3A_898 = arith.cmpi ne, %sign3A_890, %sign3A_897 : i32
      %rem3A_899 = arith.remsi %scan3A_881, %jit3A_882 : i32
      %ne3A_900 = arith.constant 0 : i32
      %ne3A_901 = arith.cmpi ne, %rem3A_899, %ne3A_900 : i32
      %and3A_902 = arith.andi %ne3A_898, %ne3A_901 : i1
      %sub3A_903 = arith.constant 1 : i32
      %sub3A_904 = arith.subi %div3A_883, %sub3A_903 : i32
      %select_n3A_905 = arith.select %and3A_902, %sub3A_904, %div3A_883 : i32
      %mul3A_906 = arith.constant 16 : i32
      %mul3A_907 = arith.muli %select_n3A_905, %mul3A_906 : i32
      %add3A_908 = arith.constant 19968 : i32
      %add3A_909 = arith.addi %add3A_908, %mul3A_907 : i32
      %get3A_910 = arith.index_cast %add3A_909 : i32 to index
      %get3A_911 = tpu.vector_load %arg10[%get3A_910] {strides = array<i32>} : memref<20096xf32, #tpu.memory_space<vmem>>, vector<16xf32>,
      %get3A_912 = vector.shape_cast %get3A_911 : vector<16xf32> to vector<16xf32>
      %jit3A_913 = arith.constant 16 : i32
      %eq3A_914 = arith.constant 0 : i32
      %eq3A_915 = arith.cmpi eq, %jit3A_913, %eq3A_914 : i32
      %jit3A_916 = arith.constant 1 : i32
      %select_n3A_917 = arith.select %eq3A_915, %jit3A_916, %jit3A_913 : i32
      %rem3A_918 = arith.remsi %scan3A_881, %select_n3A_917 : i32
      %ne3A_919 = arith.constant 0 : i32
      %ne3A_920 = arith.cmpi ne, %rem3A_918, %ne3A_919 : i32
      %lt3A_921 = arith.constant 0 : i32
      %lt3A_922 = arith.cmpi slt, %rem3A_918, %lt3A_921 : i32
      %lt3A_923 = arith.constant 0 : i32
      %lt3A_924 = arith.cmpi slt, %select_n3A_917, %lt3A_923 : i32
      %ne3A_925 = arith.xori %lt3A_922, %lt3A_924 : i1
      %and3A_926 = arith.andi %ne3A_925, %ne3A_920 : i1
      %add3A_927 = arith.addi %rem3A_918, %select_n3A_917 : i32
      %select_n3A_928 = arith.select %and3A_926, %add3A_927, %rem3A_918 : i32
      %broadcast_in_dim3A_929 = vector.broadcast %select_n3A_928 : i32 to vector<16xi32>
      %lt3A_930 = arith.constant 0 : i32
      %lt3A_931 = vector.broadcast %lt3A_930 : i32 to vector<16xi32>
      %lt3A_932 = arith.cmpi slt, %broadcast_in_dim3A_929, %lt3A_931 : vector<16xi32>
      %add3A_933 = arith.constant 16 : i32
      %add3A_934 = vector.broadcast %add3A_933 : i32 to vector<16xi32>
      %add3A_935 = arith.addi %broadcast_in_dim3A_929, %add3A_934 : vector<16xi32>
      %select_n3A_936 = arith.select %lt3A_932, %add3A_935, %broadcast_in_dim3A_929 : vector<16xi1>, vector<16xi32>
      %broadcast_in_dim3A_937 = vector.shape_cast %select_n3A_936 : vector<16xi32> to vector<16x1xi32>
      %gather3A_938 = vector.shape_cast %broadcast_in_dim3A_937 : vector<16x1xi32> to vector<16xi32>
      %gather3A_939 = tpu.dynamic_gather %get3A_912[%gather3A_938] in [0] : vector<16xf32>, vector<16xi32> -> vector<16xf32>
      %get3A_940 = arith.constant 0 : i32
      %get3A_941 = arith.constant 0 : i32
      %get3A_942 = tpu.memref_slice %arg11[%scan3A_49, %get3A_940, %get3A_941] : memref<3x128x64xf32, #tpu.memory_space<vmem>> -> memref<1x128x64xf32, #tpu.memory_space<vmem>>
      %get3A_943 = tpu.memref_squeeze %get3A_942 : memref<1x128x64xf32, #tpu.memory_space<vmem>> -> memref<128x64xf32, #tpu.memory_space<vmem>>
      %get3A_944 = arith.index_cast %scan3A_881 : i32 to index
      %get3A_945 = arith.constant 0 : index
      %get3A_946 = tpu.vector_load %get3A_943[%get3A_944, %get3A_945] {strides = array<i32>} : memref<128x64xf32, #tpu.memory_space<vmem>>, vector<1x16xf32>,
      %get3A_947 = vector.shape_cast %get3A_946 : vector<1x16xf32> to vector<16xf32>
      %mul3A_948 = arith.mulf %get3A_947, %gather3A_939 : vector<16xf32>
      %swap3A_949 = arith.constant 0 : i32
      %swap3A_950 = arith.constant 0 : i32
      %swap3A_951 = tpu.memref_slice %arg11[%scan3A_49, %swap3A_949, %swap3A_950] : memref<3x128x64xf32, #tpu.memory_space<vmem>> -> memref<1x128x64xf32, #tpu.memory_space<vmem>>
      %swap3A_952 = tpu.memref_squeeze %swap3A_951 : memref<1x128x64xf32, #tpu.memory_space<vmem>> -> memref<128x64xf32, #tpu.memory_space<vmem>>
      %swap3A_953 = arith.index_cast %scan3A_881 : i32 to index
      %swap3A_954 = arith.constant 0 : index
      %swap3A_955 = tpu.vector_load %swap3A_952[%swap3A_953, %swap3A_954] {strides = array<i32>} : memref<128x64xf32, #tpu.memory_space<vmem>>, vector<1x16xf32>,
      %swap3A_956 = vector.shape_cast %swap3A_955 : vector<1x16xf32> to vector<16xf32>
      %swap3A_957 = vector.shape_cast %mul3A_948 : vector<16xf32> to vector<1x16xf32>
      tpu.vector_store %swap3A_952[%swap3A_953, %swap3A_954], %swap3A_957 {strides = array<i32>} : memref<128x64xf32, #tpu.memory_space<vmem>>, vector<1x16xf32>,
      %get3A_958 = arith.constant 0 : i32
      %get3A_959 = arith.constant 0 : i32
      %get3A_960 = tpu.memref_slice %arg11[%scan3A_49, %get3A_958, %get3A_959] : memref<3x128x64xf32, #tpu.memory_space<vmem>> -> memref<1x128x64xf32, #tpu.memory_space<vmem>>
      %get3A_961 = tpu.memref_squeeze %get3A_960 : memref<1x128x64xf32, #tpu.memory_space<vmem>> -> memref<128x64xf32, #tpu.memory_space<vmem>>
      %get3A_962 = arith.index_cast %scan3A_881 : i32 to index
      %get3A_963 = arith.constant 16 : index
      %get3A_964 = tpu.vector_load %get3A_961[%get3A_962, %get3A_963] {strides = array<i32>} : memref<128x64xf32, #tpu.memory_space<vmem>>, vector<1x16xf32>,
      %get3A_965 = vector.shape_cast %get3A_964 : vector<1x16xf32> to vector<16xf32>
      %mul3A_966 = arith.mulf %get3A_965, %gather3A_939 : vector<16xf32>
      %swap3A_967 = arith.constant 0 : i32
      %swap3A_968 = arith.constant 0 : i32
      %swap3A_969 = tpu.memref_slice %arg11[%scan3A_49, %swap3A_967, %swap3A_968] : memref<3x128x64xf32, #tpu.memory_space<vmem>> -> memref<1x128x64xf32, #tpu.memory_space<vmem>>
      %swap3A_970 = tpu.memref_squeeze %swap3A_969 : memref<1x128x64xf32, #tpu.memory_space<vmem>> -> memref<128x64xf32, #tpu.memory_space<vmem>>
      %swap3A_971 = arith.index_cast %scan3A_881 : i32 to index
      %swap3A_972 = arith.constant 16 : index
      %swap3A_973 = tpu.vector_load %swap3A_970[%swap3A_971, %swap3A_972] {strides = array<i32>} : memref<128x64xf32, #tpu.memory_space<vmem>>, vector<1x16xf32>,
      %swap3A_974 = vector.shape_cast %swap3A_973 : vector<1x16xf32> to vector<16xf32>
      %swap3A_975 = vector.shape_cast %mul3A_966 : vector<16xf32> to vector<1x16xf32>
      tpu.vector_store %swap3A_970[%swap3A_971, %swap3A_972], %swap3A_975 {strides = array<i32>} : memref<128x64xf32, #tpu.memory_space<vmem>>, vector<1x16xf32>,
      %get3A_976 = arith.constant 0 : i32
      %get3A_977 = arith.constant 0 : i32
      %get3A_978 = tpu.memref_slice %arg11[%scan3A_49, %get3A_976, %get3A_977] : memref<3x128x64xf32, #tpu.memory_space<vmem>> -> memref<1x128x64xf32, #tpu.memory_space<vmem>>
      %get3A_979 = tpu.memref_squeeze %get3A_978 : memref<1x128x64xf32, #tpu.memory_space<vmem>> -> memref<128x64xf32, #tpu.memory_space<vmem>>
      %get3A_980 = arith.index_cast %scan3A_881 : i32 to index
      %get3A_981 = arith.constant 32 : index
      %get3A_982 = tpu.vector_load %get3A_979[%get3A_980, %get3A_981] {strides = array<i32>} : memref<128x64xf32, #tpu.memory_space<vmem>>, vector<1x16xf32>,
      %get3A_983 = vector.shape_cast %get3A_982 : vector<1x16xf32> to vector<16xf32>
      %mul3A_984 = arith.mulf %get3A_983, %gather3A_939 : vector<16xf32>
      %swap3A_985 = arith.constant 0 : i32
      %swap3A_986 = arith.constant 0 : i32
      %swap3A_987 = tpu.memref_slice %arg11[%scan3A_49, %swap3A_985, %swap3A_986] : memref<3x128x64xf32, #tpu.memory_space<vmem>> -> memref<1x128x64xf32, #tpu.memory_space<vmem>>
      %swap3A_988 = tpu.memref_squeeze %swap3A_987 : memref<1x128x64xf32, #tpu.memory_space<vmem>> -> memref<128x64xf32, #tpu.memory_space<vmem>>
      %swap3A_989 = arith.index_cast %scan3A_881 : i32 to index
      %swap3A_990 = arith.constant 32 : index
      %swap3A_991 = tpu.vector_load %swap3A_988[%swap3A_989, %swap3A_990] {strides = array<i32>} : memref<128x64xf32, #tpu.memory_space<vmem>>, vector<1x16xf32>,
      %swap3A_992 = vector.shape_cast %swap3A_991 : vector<1x16xf32> to vector<16xf32>
      %swap3A_993 = vector.shape_cast %mul3A_984 : vector<16xf32> to vector<1x16xf32>
      tpu.vector_store %swap3A_988[%swap3A_989, %swap3A_990], %swap3A_993 {strides = array<i32>} : memref<128x64xf32, #tpu.memory_space<vmem>>, vector<1x16xf32>,
      %get3A_994 = arith.constant 0 : i32
      %get3A_995 = arith.constant 0 : i32
      %get3A_996 = tpu.memref_slice %arg11[%scan3A_49, %get3A_994, %get3A_995] : memref<3x128x64xf32, #tpu.memory_space<vmem>> -> memref<1x128x64xf32, #tpu.memory_space<vmem>>
      %get3A_997 = tpu.memref_squeeze %get3A_996 : memref<1x128x64xf32, #tpu.memory_space<vmem>> -> memref<128x64xf32, #tpu.memory_space<vmem>>
      %get3A_998 = arith.index_cast %scan3A_881 : i32 to index
      %get3A_999 = arith.constant 48 : index
      %get3A_1000 = tpu.vector_load %get3A_997[%get3A_998, %get3A_999] {strides = array<i32>} : memref<128x64xf32, #tpu.memory_space<vmem>>, vector<1x16xf32>,
      %get3A_1001 = vector.shape_cast %get3A_1000 : vector<1x16xf32> to vector<16xf32>
      %mul3A_1002 = arith.mulf %get3A_1001, %gather3A_939 : vector<16xf32>
      %swap3A_1003 = arith.constant 0 : i32
      %swap3A_1004 = arith.constant 0 : i32
      %swap3A_1005 = tpu.memref_slice %arg11[%scan3A_49, %swap3A_1003, %swap3A_1004] : memref<3x128x64xf32, #tpu.memory_space<vmem>> -> memref<1x128x64xf32, #tpu.memory_space<vmem>>
      %swap3A_1006 = tpu.memref_squeeze %swap3A_1005 : memref<1x128x64xf32, #tpu.memory_space<vmem>> -> memref<128x64xf32, #tpu.memory_space<vmem>>
      %swap3A_1007 = arith.index_cast %scan3A_881 : i32 to index
      %swap3A_1008 = arith.constant 48 : index
      %swap3A_1009 = tpu.vector_load %swap3A_1006[%swap3A_1007, %swap3A_1008] {strides = array<i32>} : memref<128x64xf32, #tpu.memory_space<vmem>>, vector<1x16xf32>,
      %swap3A_1010 = vector.shape_cast %swap3A_1009 : vector<1x16xf32> to vector<16xf32>
      %swap3A_1011 = vector.shape_cast %mul3A_1002 : vector<16xf32> to vector<1x16xf32>
      tpu.vector_store %swap3A_1006[%swap3A_1007, %swap3A_1008], %swap3A_1011 {strides = array<i32>} : memref<128x64xf32, #tpu.memory_space<vmem>>, vector<1x16xf32>,
      %scan3A_1012 = arith.constant 7 : i32
      %scan3A_1013 = arith.addi %scan3A_103, %scan3A_1012 : i32
      %jit3A_1014 = arith.constant 16 : i32
      %div3A_1015 = arith.divsi %scan3A_1013, %jit3A_1014 : i32
      %sign3A_1016 = arith.constant 0 : i32
      %sign3A_1017 = arith.cmpi sgt, %scan3A_1013, %sign3A_1016 : i32
      %sign3A_1018 = arith.extui %sign3A_1017 : i1 to i32
      %sign3A_1019 = arith.constant 0 : i32
      %sign3A_1020 = arith.cmpi slt, %scan3A_1013, %sign3A_1019 : i32
      %sign3A_1021 = arith.extui %sign3A_1020 : i1 to i32
      %sign3A_1022 = arith.subi %sign3A_1018, %sign3A_1021 : i32
      %sign3A_1023 = arith.constant 0 : i32
      %sign3A_1024 = arith.cmpi sgt, %jit3A_1014, %sign3A_1023 : i32
      %sign3A_1025 = arith.extui %sign3A_1024 : i1 to i32
      %sign3A_1026 = arith.constant 0 : i32
      %sign3A_1027 = arith.cmpi slt, %jit3A_1014, %sign3A_1026 : i32
      %sign3A_1028 = arith.extui %sign3A_1027 : i1 to i32
      %sign3A_1029 = arith.subi %sign3A_1025, %sign3A_1028 : i32
      %ne3A_1030 = arith.cmpi ne, %sign3A_1022, %sign3A_1029 : i32
      %rem3A_1031 = arith.remsi %scan3A_1013, %jit3A_1014 : i32
      %ne3A_1032 = arith.constant 0 : i32
      %ne3A_1033 = arith.cmpi ne, %rem3A_1031, %ne3A_1032 : i32
      %and3A_1034 = arith.andi %ne3A_1030, %ne3A_1033 : i1
      %sub3A_1035 = arith.constant 1 : i32
      %sub3A_1036 = arith.subi %div3A_1015, %sub3A_1035 : i32
      %select_n3A_1037 = arith.select %and3A_1034, %sub3A_1036, %div3A_1015 : i32
      %mul3A_1038 = arith.constant 16 : i32
      %mul3A_1039 = arith.muli %select_n3A_1037, %mul3A_1038 : i32
      %add3A_1040 = arith.constant 19968 : i32
      %add3A_1041 = arith.addi %add3A_1040, %mul3A_1039 : i32
      %get3A_1042 = arith.index_cast %add3A_1041 : i32 to index
      %get3A_1043 = tpu.vector_load %arg10[%get3A_1042] {strides = array<i32>} : memref<20096xf32, #tpu.memory_space<vmem>>, vector<16xf32>,
      %get3A_1044 = vector.shape_cast %get3A_1043 : vector<16xf32> to vector<16xf32>
      %jit3A_1045 = arith.constant 16 : i32
      %eq3A_1046 = arith.constant 0 : i32
      %eq3A_1047 = arith.cmpi eq, %jit3A_1045, %eq3A_1046 : i32
      %jit3A_1048 = arith.constant 1 : i32
      %select_n3A_1049 = arith.select %eq3A_1047, %jit3A_1048, %jit3A_1045 : i32
      %rem3A_1050 = arith.remsi %scan3A_1013, %select_n3A_1049 : i32
      %ne3A_1051 = arith.constant 0 : i32
      %ne3A_1052 = arith.cmpi ne, %rem3A_1050, %ne3A_1051 : i32
      %lt3A_1053 = arith.constant 0 : i32
      %lt3A_1054 = arith.cmpi slt, %rem3A_1050, %lt3A_1053 : i32
      %lt3A_1055 = arith.constant 0 : i32
      %lt3A_1056 = arith.cmpi slt, %select_n3A_1049, %lt3A_1055 : i32
      %ne3A_1057 = arith.xori %lt3A_1054, %lt3A_1056 : i1
      %and3A_1058 = arith.andi %ne3A_1057, %ne3A_1052 : i1
      %add3A_1059 = arith.addi %rem3A_1050, %select_n3A_1049 : i32
      %select_n3A_1060 = arith.select %and3A_1058, %add3A_1059, %rem3A_1050 : i32
      %broadcast_in_dim3A_1061 = vector.broadcast %select_n3A_1060 : i32 to vector<16xi32>
      %lt3A_1062 = arith.constant 0 : i32
      %lt3A_1063 = vector.broadcast %lt3A_1062 : i32 to vector<16xi32>
      %lt3A_1064 = arith.cmpi slt, %broadcast_in_dim3A_1061, %lt3A_1063 : vector<16xi32>
      %add3A_1065 = arith.constant 16 : i32
      %add3A_1066 = vector.broadcast %add3A_1065 : i32 to vector<16xi32>
      %add3A_1067 = arith.addi %broadcast_in_dim3A_1061, %add3A_1066 : vector<16xi32>
      %select_n3A_1068 = arith.select %lt3A_1064, %add3A_1067, %broadcast_in_dim3A_1061 : vector<16xi1>, vector<16xi32>
      %broadcast_in_dim3A_1069 = vector.shape_cast %select_n3A_1068 : vector<16xi32> to vector<16x1xi32>
      %gather3A_1070 = vector.shape_cast %broadcast_in_dim3A_1069 : vector<16x1xi32> to vector<16xi32>
      %gather3A_1071 = tpu.dynamic_gather %get3A_1044[%gather3A_1070] in [0] : vector<16xf32>, vector<16xi32> -> vector<16xf32>
      %get3A_1072 = arith.constant 0 : i32
      %get3A_1073 = arith.constant 0 : i32
      %get3A_1074 = tpu.memref_slice %arg11[%scan3A_49, %get3A_1072, %get3A_1073] : memref<3x128x64xf32, #tpu.memory_space<vmem>> -> memref<1x128x64xf32, #tpu.memory_space<vmem>>
      %get3A_1075 = tpu.memref_squeeze %get3A_1074 : memref<1x128x64xf32, #tpu.memory_space<vmem>> -> memref<128x64xf32, #tpu.memory_space<vmem>>
      %get3A_1076 = arith.index_cast %scan3A_1013 : i32 to index
      %get3A_1077 = arith.constant 0 : index
      %get3A_1078 = tpu.vector_load %get3A_1075[%get3A_1076, %get3A_1077] {strides = array<i32>} : memref<128x64xf32, #tpu.memory_space<vmem>>, vector<1x16xf32>,
      %get3A_1079 = vector.shape_cast %get3A_1078 : vector<1x16xf32> to vector<16xf32>
      %mul3A_1080 = arith.mulf %get3A_1079, %gather3A_1071 : vector<16xf32>
      %swap3A_1081 = arith.constant 0 : i32
      %swap3A_1082 = arith.constant 0 : i32
      %swap3A_1083 = tpu.memref_slice %arg11[%scan3A_49, %swap3A_1081, %swap3A_1082] : memref<3x128x64xf32, #tpu.memory_space<vmem>> -> memref<1x128x64xf32, #tpu.memory_space<vmem>>
      %swap3A_1084 = tpu.memref_squeeze %swap3A_1083 : memref<1x128x64xf32, #tpu.memory_space<vmem>> -> memref<128x64xf32, #tpu.memory_space<vmem>>
      %swap3A_1085 = arith.index_cast %scan3A_1013 : i32 to index
      %swap3A_1086 = arith.constant 0 : index
      %swap3A_1087 = tpu.vector_load %swap3A_1084[%swap3A_1085, %swap3A_1086] {strides = array<i32>} : memref<128x64xf32, #tpu.memory_space<vmem>>, vector<1x16xf32>,
      %swap3A_1088 = vector.shape_cast %swap3A_1087 : vector<1x16xf32> to vector<16xf32>
      %swap3A_1089 = vector.shape_cast %mul3A_1080 : vector<16xf32> to vector<1x16xf32>
      tpu.vector_store %swap3A_1084[%swap3A_1085, %swap3A_1086], %swap3A_1089 {strides = array<i32>} : memref<128x64xf32, #tpu.memory_space<vmem>>, vector<1x16xf32>,
      %get3A_1090 = arith.constant 0 : i32
      %get3A_1091 = arith.constant 0 : i32
      %get3A_1092 = tpu.memref_slice %arg11[%scan3A_49, %get3A_1090, %get3A_1091] : memref<3x128x64xf32, #tpu.memory_space<vmem>> -> memref<1x128x64xf32, #tpu.memory_space<vmem>>
      %get3A_1093 = tpu.memref_squeeze %get3A_1092 : memref<1x128x64xf32, #tpu.memory_space<vmem>> -> memref<128x64xf32, #tpu.memory_space<vmem>>
      %get3A_1094 = arith.index_cast %scan3A_1013 : i32 to index
      %get3A_1095 = arith.constant 16 : index
      %get3A_1096 = tpu.vector_load %get3A_1093[%get3A_1094, %get3A_1095] {strides = array<i32>} : memref<128x64xf32, #tpu.memory_space<vmem>>, vector<1x16xf32>,
      %get3A_1097 = vector.shape_cast %get3A_1096 : vector<1x16xf32> to vector<16xf32>
      %mul3A_1098 = arith.mulf %get3A_1097, %gather3A_1071 : vector<16xf32>
      %swap3A_1099 = arith.constant 0 : i32
      %swap3A_1100 = arith.constant 0 : i32
      %swap3A_1101 = tpu.memref_slice %arg11[%scan3A_49, %swap3A_1099, %swap3A_1100] : memref<3x128x64xf32, #tpu.memory_space<vmem>> -> memref<1x128x64xf32, #tpu.memory_space<vmem>>
      %swap3A_1102 = tpu.memref_squeeze %swap3A_1101 : memref<1x128x64xf32, #tpu.memory_space<vmem>> -> memref<128x64xf32, #tpu.memory_space<vmem>>
      %swap3A_1103 = arith.index_cast %scan3A_1013 : i32 to index
      %swap3A_1104 = arith.constant 16 : index
      %swap3A_1105 = tpu.vector_load %swap3A_1102[%swap3A_1103, %swap3A_1104] {strides = array<i32>} : memref<128x64xf32, #tpu.memory_space<vmem>>, vector<1x16xf32>,
      %swap3A_1106 = vector.shape_cast %swap3A_1105 : vector<1x16xf32> to vector<16xf32>
      %swap3A_1107 = vector.shape_cast %mul3A_1098 : vector<16xf32> to vector<1x16xf32>
      tpu.vector_store %swap3A_1102[%swap3A_1103, %swap3A_1104], %swap3A_1107 {strides = array<i32>} : memref<128x64xf32, #tpu.memory_space<vmem>>, vector<1x16xf32>,
      %get3A_1108 = arith.constant 0 : i32
      %get3A_1109 = arith.constant 0 : i32
      %get3A_1110 = tpu.memref_slice %arg11[%scan3A_49, %get3A_1108, %get3A_1109] : memref<3x128x64xf32, #tpu.memory_space<vmem>> -> memref<1x128x64xf32, #tpu.memory_space<vmem>>
      %get3A_1111 = tpu.memref_squeeze %get3A_1110 : memref<1x128x64xf32, #tpu.memory_space<vmem>> -> memref<128x64xf32, #tpu.memory_space<vmem>>
      %get3A_1112 = arith.index_cast %scan3A_1013 : i32 to index
      %get3A_1113 = arith.constant 32 : index
      %get3A_1114 = tpu.vector_load %get3A_1111[%get3A_1112, %get3A_1113] {strides = array<i32>} : memref<128x64xf32, #tpu.memory_space<vmem>>, vector<1x16xf32>,
      %get3A_1115 = vector.shape_cast %get3A_1114 : vector<1x16xf32> to vector<16xf32>
      %mul3A_1116 = arith.mulf %get3A_1115, %gather3A_1071 : vector<16xf32>
      %swap3A_1117 = arith.constant 0 : i32
      %swap3A_1118 = arith.constant 0 : i32
      %swap3A_1119 = tpu.memref_slice %arg11[%scan3A_49, %swap3A_1117, %swap3A_1118] : memref<3x128x64xf32, #tpu.memory_space<vmem>> -> memref<1x128x64xf32, #tpu.memory_space<vmem>>
      %swap3A_1120 = tpu.memref_squeeze %swap3A_1119 : memref<1x128x64xf32, #tpu.memory_space<vmem>> -> memref<128x64xf32, #tpu.memory_space<vmem>>
      %swap3A_1121 = arith.index_cast %scan3A_1013 : i32 to index
      %swap3A_1122 = arith.constant 32 : index
      %swap3A_1123 = tpu.vector_load %swap3A_1120[%swap3A_1121, %swap3A_1122] {strides = array<i32>} : memref<128x64xf32, #tpu.memory_space<vmem>>, vector<1x16xf32>,
      %swap3A_1124 = vector.shape_cast %swap3A_1123 : vector<1x16xf32> to vector<16xf32>
      %swap3A_1125 = vector.shape_cast %mul3A_1116 : vector<16xf32> to vector<1x16xf32>
      tpu.vector_store %swap3A_1120[%swap3A_1121, %swap3A_1122], %swap3A_1125 {strides = array<i32>} : memref<128x64xf32, #tpu.memory_space<vmem>>, vector<1x16xf32>,
      %get3A_1126 = arith.constant 0 : i32
      %get3A_1127 = arith.constant 0 : i32
      %get3A_1128 = tpu.memref_slice %arg11[%scan3A_49, %get3A_1126, %get3A_1127] : memref<3x128x64xf32, #tpu.memory_space<vmem>> -> memref<1x128x64xf32, #tpu.memory_space<vmem>>
      %get3A_1129 = tpu.memref_squeeze %get3A_1128 : memref<1x128x64xf32, #tpu.memory_space<vmem>> -> memref<128x64xf32, #tpu.memory_space<vmem>>
      %get3A_1130 = arith.index_cast %scan3A_1013 : i32 to index
      %get3A_1131 = arith.constant 48 : index
      %get3A_1132 = tpu.vector_load %get3A_1129[%get3A_1130, %get3A_1131] {strides = array<i32>} : memref<128x64xf32, #tpu.memory_space<vmem>>, vector<1x16xf32>,
      %get3A_1133 = vector.shape_cast %get3A_1132 : vector<1x16xf32> to vector<16xf32>
      %mul3A_1134 = arith.mulf %get3A_1133, %gather3A_1071 : vector<16xf32>
      %swap3A_1135 = arith.constant 0 : i32
      %swap3A_1136 = arith.constant 0 : i32
      %swap3A_1137 = tpu.memref_slice %arg11[%scan3A_49, %swap3A_1135, %swap3A_1136] : memref<3x128x64xf32, #tpu.memory_space<vmem>> -> memref<1x128x64xf32, #tpu.memory_space<vmem>>
      %swap3A_1138 = tpu.memref_squeeze %swap3A_1137 : memref<1x128x64xf32, #tpu.memory_space<vmem>> -> memref<128x64xf32, #tpu.memory_space<vmem>>
      %swap3A_1139 = arith.index_cast %scan3A_1013 : i32 to index
      %swap3A_1140 = arith.constant 48 : index
      %swap3A_1141 = tpu.vector_load %swap3A_1138[%swap3A_1139, %swap3A_1140] {strides = array<i32>} : memref<128x64xf32, #tpu.memory_space<vmem>>, vector<1x16xf32>,
      %swap3A_1142 = vector.shape_cast %swap3A_1141 : vector<1x16xf32> to vector<16xf32>
      %swap3A_1143 = vector.shape_cast %mul3A_1134 : vector<16xf32> to vector<1x16xf32>
      tpu.vector_store %swap3A_1138[%swap3A_1139, %swap3A_1140], %swap3A_1143 {strides = array<i32>} : memref<128x64xf32, #tpu.memory_space<vmem>>, vector<1x16xf32>,
    }
    %scan3A_54 = arith.constant 128 : i32
    %dma_start3A_55 = arith.constant 0 : i32
    %dma_start3A_56 = arith.constant 156 : i32
    %dma_start3A_57 = arith.constant 0 : i32
    %dma_start3A_58 = arith.constant 0 : i32
    %dma_start3A_59 = tpu.memref_slice %arg11[%dma_start3A_55, %dma_start3A_57, %dma_start3A_58] : memref<3x128x64xf32, #tpu.memory_space<vmem>> -> memref<1x128x64xf32, #tpu.memory_space<vmem>>
    %dma_start3A_60 = tpu.memref_squeeze %dma_start3A_59 : memref<1x128x64xf32, #tpu.memory_space<vmem>> -> memref<128x64xf32, #tpu.memory_space<vmem>>
    %dma_start3A_61 = arith.constant 0 : i32
    %dma_start3A_62 = tpu.memref_slice %arg9[%dma_start3A_56, %dma_start3A_61] : memref<157x128xi32, #tpu.memory_space<vmem>> -> memref<1x128xi32, #tpu.memory_space<vmem>>
    %dma_start3A_63 = tpu.memref_squeeze %dma_start3A_62 : memref<1x128xi32, #tpu.memory_space<vmem>> -> memref<128xi32, #tpu.memory_space<vmem>>
    %dma_start3A_64 = arith.constant 0 : i32
    %dma_start3A_65 = arith.constant 0 : i32
    %dma_start3A_66 = tpu.memref_slice %arg12[%dma_start3A_64, %dma_start3A_65] : memref<10000x64xf32, #tpu.memory_space<vmem_shared>> -> memref<10000x64xf32, #tpu.memory_space<vmem_shared>>
    tpu.enqueue_indirect_dma source(%dma_start3A_60 : memref<128x64xf32, #tpu.memory_space<vmem>>) target(%dma_start3A_66 : memref<10000x64xf32, #tpu.memory_space<vmem_shared>>) offsets(%dma_start3A_63 : memref<128xi32, #tpu.memory_space<vmem>>) semaphore(%arg14 : memref<!tpu.dma_semaphore, #tpu.memory_space<semaphore_mem>>) {add = true}
    %dma_wait3A_67 = arith.constant 2 : i32
    %dma_wait3A_68 = arith.constant 155 : i32
    %dma_wait3A_69 = arith.constant 0 : i32
    %dma_wait3A_70 = arith.constant 0 : i32
    %dma_wait3A_71 = tpu.memref_slice %arg11[%dma_wait3A_67, %dma_wait3A_69, %dma_wait3A_70] : memref<3x128x64xf32, #tpu.memory_space<vmem>> -> memref<1x128x64xf32, #tpu.memory_space<vmem>>
    %dma_wait3A_72 = tpu.memref_squeeze %dma_wait3A_71 : memref<1x128x64xf32, #tpu.memory_space<vmem>> -> memref<128x64xf32, #tpu.memory_space<vmem>>
    %dma_wait3A_73 = arith.constant 0 : i32
    %dma_wait3A_74 = tpu.memref_slice %arg9[%dma_wait3A_68, %dma_wait3A_73] : memref<157x128xi32, #tpu.memory_space<vmem>> -> memref<1x128xi32, #tpu.memory_space<vmem>>
    %dma_wait3A_75 = tpu.memref_squeeze %dma_wait3A_74 : memref<1x128xi32, #tpu.memory_space<vmem>> -> memref<128xi32, #tpu.memory_space<vmem>>
    %dma_wait3A_76 = arith.constant 0 : i32
    %dma_wait3A_77 = arith.constant 0 : i32
    %dma_wait3A_78 = tpu.memref_slice %arg12[%dma_wait3A_76, %dma_wait3A_77] : memref<10000x64xf32, #tpu.memory_space<vmem_shared>> -> memref<10000x64xf32, #tpu.memory_space<vmem_shared>>
    tpu.wait_indirect_dma semaphore(%arg14 : memref<!tpu.dma_semaphore, #tpu.memory_space<semaphore_mem>>) src(%dma_wait3A_72 : memref<128x64xf32, #tpu.memory_space<vmem>>) dst(%dma_wait3A_78 : memref<10000x64xf32, #tpu.memory_space<vmem_shared>>)
    %dma_wait3A_79 = arith.constant 0 : i32
    %dma_wait3A_80 = arith.constant 156 : i32
    %dma_wait3A_81 = arith.constant 0 : i32
    %dma_wait3A_82 = arith.constant 0 : i32
    %dma_wait3A_83 = tpu.memref_slice %arg11[%dma_wait3A_79, %dma_wait3A_81, %dma_wait3A_82] : memref<3x128x64xf32, #tpu.memory_space<vmem>> -> memref<1x128x64xf32, #tpu.memory_space<vmem>>
    %dma_wait3A_84 = tpu.memref_squeeze %dma_wait3A_83 : memref<1x128x64xf32, #tpu.memory_space<vmem>> -> memref<128x64xf32, #tpu.memory_space<vmem>>
    %dma_wait3A_85 = arith.constant 0 : i32
    %dma_wait3A_86 = tpu.memref_slice %arg9[%dma_wait3A_80, %dma_wait3A_85] : memref<157x128xi32, #tpu.memory_space<vmem>> -> memref<1x128xi32, #tpu.memory_space<vmem>>
    %dma_wait3A_87 = tpu.memref_squeeze %dma_wait3A_86 : memref<1x128xi32, #tpu.memory_space<vmem>> -> memref<128xi32, #tpu.memory_space<vmem>>
    %dma_wait3A_88 = arith.constant 0 : i32
    %dma_wait3A_89 = arith.constant 0 : i32
    %dma_wait3A_90 = tpu.memref_slice %arg12[%dma_wait3A_88, %dma_wait3A_89] : memref<10000x64xf32, #tpu.memory_space<vmem_shared>> -> memref<10000x64xf32, #tpu.memory_space<vmem_shared>>
    tpu.wait_indirect_dma semaphore(%arg14 : memref<!tpu.dma_semaphore, #tpu.memory_space<semaphore_mem>>) src(%dma_wait3A_84 : memref<128x64xf32, #tpu.memory_space<vmem>>) dst(%dma_wait3A_90 : memref<10000x64xf32, #tpu.memory_space<vmem_shared>>)
    %barrier3A_91 = arith.constant 0 : index
    tpu.barrier barrier_id(%barrier3A_91)
    %mul3A_92 = arith.constant 624 : i32
    %mul3A_93 = arith.muli %arg1, %mul3A_92 : i32
    %mul3A_94 = arith.constant 624 : i32
    %mul3A_95 = arith.muli %arg1, %mul3A_94 : i32
    %mul3A_96 = arith.constant 64 : i32
    %mul3A_97 = arith.muli %arg0, %mul3A_96 : i32
    "tpu.region"() ({
      %run_scoped3A = tpu.sem_alloc : memref<!tpu.dma_semaphore, #tpu.memory_space<semaphore_mem>>
      %dma_start3A_103 = tpu.memref_slice %arg7[%mul3A_95, %mul3A_97] : memref<10000x128xf32, #tpu.memory_space<hbm>> -> memref<624x64xf32, #tpu.memory_space<hbm>>
      %dma_start3A_104 = arith.constant 0 : i32
      %dma_start3A_105 = tpu.memref_slice %arg12[%mul3A_93, %dma_start3A_104] : memref<10000x64xf32, #tpu.memory_space<vmem_shared>> -> memref<624x64xf32, #tpu.memory_space<vmem_shared>>
      tpu.enqueue_dma source(%dma_start3A_105 : memref<624x64xf32, #tpu.memory_space<vmem_shared>>) target(%dma_start3A_103 : memref<624x64xf32, #tpu.memory_space<hbm>>) target_semaphore(%run_scoped3A : memref<!tpu.dma_semaphore, #tpu.memory_space<semaphore_mem>>)
      %dma_wait3A_106 = tpu.memref_slice %arg7[%mul3A_95, %mul3A_97] : memref<10000x128xf32, #tpu.memory_space<hbm>> -> memref<624x64xf32, #tpu.memory_space<hbm>>
      %dma_wait3A_107 = arith.constant 0 : i32
      %dma_wait3A_108 = tpu.memref_slice %arg12[%mul3A_93, %dma_wait3A_107] : memref<10000x64xf32, #tpu.memory_space<vmem_shared>> -> memref<624x64xf32, #tpu.memory_space<vmem_shared>>
      tpu.wait_dma2 semaphore(%run_scoped3A : memref<!tpu.dma_semaphore, #tpu.memory_space<semaphore_mem>>) src(%dma_wait3A_108 : memref<624x64xf32, #tpu.memory_space<vmem_shared>>) dst(%dma_wait3A_106 : memref<624x64xf32, #tpu.memory_space<hbm>>)
      tpu.yield
    }) : () -> ()
    %eq3A_98 = arith.constant 15 : i32
    %eq3A_99 = arith.cmpi eq, %arg1, %eq3A_98 : i32
    %convert_element_type3A_100 = arith.extui %eq3A_99 : i1 to i32
    %cond3A_101 = arith.constant 0 : i32
    %cond3A_102 = arith.cmpi ne, %convert_element_type3A_100, %cond3A_101 : i32
    scf.if %cond3A_102 {
      %mul3A_103 = arith.constant 64 : i32
      %mul3A_104 = arith.muli %arg0, %mul3A_103 : i32
      "tpu.region"() ({
        %run_scoped3A = tpu.sem_alloc : memref<!tpu.dma_semaphore, #tpu.memory_space<semaphore_mem>>
        %dma_start3A_105 = arith.constant 9984 : i32
        %dma_start3A_106 = tpu.memref_slice %arg7[%dma_start3A_105, %mul3A_104] : memref<10000x128xf32, #tpu.memory_space<hbm>> -> memref<16x64xf32, #tpu.memory_space<hbm>>
        %dma_start3A_107 = arith.constant 9984 : i32
        %dma_start3A_108 = arith.constant 0 : i32
        %dma_start3A_109 = tpu.memref_slice %arg12[%dma_start3A_107, %dma_start3A_108] : memref<10000x64xf32, #tpu.memory_space<vmem_shared>> -> memref<16x64xf32, #tpu.memory_space<vmem_shared>>
        tpu.enqueue_dma source(%dma_start3A_109 : memref<16x64xf32, #tpu.memory_space<vmem_shared>>) target(%dma_start3A_106 : memref<16x64xf32, #tpu.memory_space<hbm>>) target_semaphore(%run_scoped3A : memref<!tpu.dma_semaphore, #tpu.memory_space<semaphore_mem>>)
        %dma_wait3A_110 = arith.constant 9984 : i32
        %dma_wait3A_111 = tpu.memref_slice %arg7[%dma_wait3A_110, %mul3A_104] : memref<10000x128xf32, #tpu.memory_space<hbm>> -> memref<16x64xf32, #tpu.memory_space<hbm>>
        %dma_wait3A_112 = arith.constant 9984 : i32
        %dma_wait3A_113 = arith.constant 0 : i32
        %dma_wait3A_114 = tpu.memref_slice %arg12[%dma_wait3A_112, %dma_wait3A_113] : memref<10000x64xf32, #tpu.memory_space<vmem_shared>> -> memref<16x64xf32, #tpu.memory_space<vmem_shared>>
        tpu.wait_dma2 semaphore(%run_scoped3A : memref<!tpu.dma_semaphore, #tpu.memory_space<semaphore_mem>>) src(%dma_wait3A_114 : memref<16x64xf32, #tpu.memory_space<vmem_shared>>) dst(%dma_wait3A_111 : memref<16x64xf32, #tpu.memory_space<hbm>>)
        tpu.yield
      }) : () -> ()
    } else {
    }
    return
  }
}

module attributes {stable_mosaic.version = 14 : i64} {
  func.func @_mm_body(%arg0: i32, %arg1: memref<1000x128xf32, #tpu.memory_space<vmem>>, %arg2: memref<128x128xf32, #tpu.memory_space<vmem>>, %arg3: memref<2x1000x64xf32, #tpu.memory_space<vmem>>) attributes {dimension_semantics = [#tpu.dimension_semantics<arbitrary>], iteration_bounds = array<i64: 10>, scalar_prefetch = 0 : i64, scratch_operands = 0 : i64, tpu.core_type = #tpu.core_type<tc>, window_params = [{transform_indices = @transform_0, window_bounds = array<i64: 1000, 128>}, {pipeline_mode = #tpu.pipeline_mode<synchronous>, transform_indices = @transform_1, window_bounds = array<i64: 128, 128>}, {transform_indices = @transform_2, window_bounds = array<i64: 2, 1000, 64>}]} {
    %get3A = arith.constant 0 : index
    %get3A_0 = arith.constant 0 : index
    %get3A_1 = vector.load %arg1[%get3A, %get3A_0] : memref<1000x128xf32, #tpu.memory_space<vmem>>, vector<1000x128xf32>
    %get3A_2 = arith.constant 0 : index
    %get3A_3 = arith.constant 0 : index
    %get3A_4 = vector.load %arg2[%get3A_2, %get3A_3] : memref<128x128xf32, #tpu.memory_space<vmem>>, vector<128x128xf32>
    %dot_general3A = arith.constant dense<0.000000e+00> : vector<1000x128xf32>
    %dot_general3A_5 = tpu.matmul %get3A_1, %get3A_4, %dot_general3A {dimension_numbers = #tpu.dot_dimension_numbers<[1], [0], [0], [1], [0, 0, 1, 1], [], []>, transpose_lhs_hint = false} : vector<1000x128xf32>, vector<128x128xf32>, vector<1000x128xf32> -> vector<1000x128xf32>
    %slice3A = vector.extract_strided_slice %dot_general3A_5 {offsets = [0, 0], sizes = [1000, 64], strides = [1, 1]} : vector<1000x128xf32> to vector<1000x64xf32>
    %swap3A = arith.constant 0 : index
    %swap3A_6 = arith.constant 0 : index
    %swap3A_7 = arith.constant 0 : index
    %swap3A_8 = vector.load %arg3[%swap3A, %swap3A_6, %swap3A_7] : memref<2x1000x64xf32, #tpu.memory_space<vmem>>, vector<1x1000x64xf32>
    %swap3A_9 = vector.shape_cast %swap3A_8 : vector<1x1000x64xf32> to vector<1000x64xf32>
    %swap3A_10 = vector.shape_cast %slice3A : vector<1000x64xf32> to vector<1x1000x64xf32>
    tpu.vector_store %arg3[%swap3A, %swap3A_6, %swap3A_7], %swap3A_10 {strides = array<i32>} : memref<2x1000x64xf32, #tpu.memory_space<vmem>>, vector<1x1000x64xf32>,
    %slice3A_11 = vector.extract_strided_slice %dot_general3A_5 {offsets = [0, 64], sizes = [1000, 64], strides = [1, 1]} : vector<1000x128xf32> to vector<1000x64xf32>
    %swap3A_12 = arith.constant 1 : index
    %swap3A_13 = arith.constant 0 : index
    %swap3A_14 = arith.constant 0 : index
    %swap3A_15 = vector.load %arg3[%swap3A_12, %swap3A_13, %swap3A_14] : memref<2x1000x64xf32, #tpu.memory_space<vmem>>, vector<1x1000x64xf32>
    %swap3A_16 = vector.shape_cast %swap3A_15 : vector<1x1000x64xf32> to vector<1000x64xf32>
    %swap3A_17 = vector.shape_cast %slice3A_11 : vector<1000x64xf32> to vector<1x1000x64xf32>
    tpu.vector_store %arg3[%swap3A_12, %swap3A_13, %swap3A_14], %swap3A_17 {strides = array<i32>} : memref<2x1000x64xf32, #tpu.memory_space<vmem>>, vector<1x1000x64xf32>,
    return
  }
  func.func @transform_0(%arg0: i32) -> (i32, i32) {
    %c0_i32 = arith.constant 0 : i32
    %c0_i32_0 = arith.constant 0 : i32
    return %arg0, %c0_i32 : i32, i32
  }
  func.func @transform_1(%arg0: i32) -> (i32, i32) {
    %c0_i32 = arith.constant 0 : i32
    %c0_i32_0 = arith.constant 0 : i32
    %c0_i32_1 = arith.constant 0 : i32
    return %c0_i32, %c0_i32_0 : i32, i32
  }
  func.func @transform_2(%arg0: i32) -> (i32, i32, i32) {
    %c0_i32 = arith.constant 0 : i32
    %c0_i32_0 = arith.constant 0 : i32
    %c0_i32_1 = arith.constant 0 : i32
    return %c0_i32, %arg0, %c0_i32_0 : i32, i32, i32
  }
}

</mosaic_0001>

<sc_bundles>
// kernel: kernel.4.cloned.1.call-start
scs
__scs_entry_jumppad:
0x0: {  	(pc) =	sbr.rel $0x88, $3  }
0x1: {  	(tag) =	ssettag $0x0;
	lr =	simm.s32 $0x1  }
0x2: {  	[smem:$0x3F9D] =	sst lr;
	_ =	strace $0xD0000000  }
0x3: {  	_ = 	snop  }
0x4: {  	_ = 	snop  }
0x5: {  	_ = 	snop  }
0x6: {  	_ = 	snop  }
0x7: {  	_ = 	snop  }
__scs_overlays_trampoline_lowered:
0x8: {  	[smem:$0x3FAC] =	sst s0  }
0x9: {  	[smem:$0x3FAD] =	sst s1  }
0xa: {  	[smem:$0x3FAE] =	sst s2  }
0xb: {  	[smem:$0x3FAF] =	sst s3  }
0xc: {  	[smem:$0x3FB0] =	sst s4  }
0xd: {  	[smem:$0x3FB1] =	sst s5  }
0xe: {  	[smem:$0x3FB2] =	sst s6  }
0xf: {  	[smem:$0x3FB3] =	sst s7  }
0x10: {  	[smem:$0x3FB4] =	sst s8  }
0x11: {  	[smem:$0x3FB5] =	sst s9;
	s0 =	simm.s32 @!p0 $0x0  }
0x12: {  	s1 =	sld [smem:$0x3F9B];
	s0 =	simm.s32 @p0 $0x1  }
0x13: {  	[smem:$0x3FB6] =	sst s0;
	s0 =	simm.s32 @!p1 $0x0  }
0x14: {  	s2 =	sld [smem:$0x3F9A];
	s0 =	simm.s32 @p1 $0x1  }
0x15: {  	[smem:$0x3FB7] =	sst s0;
	s0 =	simm.s32 @!p2 $0x0  }
0x16: {  	s3 =	sld [smem:$0x3FDB];
	s0 =	simm.s32 @p2 $0x1  }
0x17: {  	s4 =	simm.s32 $0x1BF5;
	[smem:$0x3FB9] =	sst s0  }
0x18: {  	s0 =	sld [smem:$0x3F9C];
	_ =	swait.ge [sflag:s4], $0x0  }
0x19: {  	s7 =	sld [smem:$0x3F9D]  }
0x1a: {  	s8 =	sadd.s32 $0xFFFFE003, lr  }
0x1b: {  	s9 =	sadd.s32 $0xFFFFFEF7, lr;
	s5 =	simm.s32 $0xFFFFFFFF;
	p2 =	slt.u32 s8, $0xFFFFF086  }
0x1c: {  	p1 =	slt.u32 s9, $0xF7A;
	s5 =	simm.s32 @!p2 $0x0  }
0x1d: {  	s5 =	simm.s32 @p1 $0x1;
	p0 =	seq.s32 s7, s2  }
0x1e: {  	s7 =	smul.u32 @!p0 $0xF7A, s2;
	p2 =	seq.s32 @!p0 s5, $0x0  }
0x1f: {  	s9 =	smul.u32 $0xF7A, s1;
	s8 =	simm.s32 @!p0 $0x1BF5;
	p2 =	por !p2, p0  }
0x20: {  	[sflag:s8] =	ssyncset.s32 @!p0 $0xFFFFF086;
	s6 =	sadd.s32 @!p0 s3, s7;
	s7 =	simm.s32 @!p0 $0x108  }
0x21: {  	s3 =	sadd.s32 s3, s9;
	s6 =	sadd.s32 @!p0 $0x88, s6;
	s7 =	simm.s32 @p2 $0x1082  }
0x22: {  	[simem:s7], [sflag:s8] =	dma.local @!p0 [hbm:s6], $0xF7A  }
0x23: {  	s9 =	sor.u32 $0xD0000000, s2;
	s6 =	simm.s32 $0x108;
	_ =	swait.ge @!p0 [sflag:s8], $0x0  }
0x24: {  	s3 =	sadd.s32 $0x88, s3;
	s6 =	simm.s32 @!p1 $0x1082;
	[sflag:s4] =	ssyncset.s32 $0xFFFFF086  }
0x25: {  	[simem:s6], [sflag:s4] =	dma.local [hbm:s3], $0xF7A  }
0x26: {  	[smem:$0x3F9D] =	sst s1;
	(tag) =	ssettag s2;
	_ =	strace s9  }
0x27: {  	s1 =	sld [smem:$0x3FAD]  }
0x28: {  	s2 =	sld [smem:$0x3FAE]  }
0x29: {  	s4 =	sld [smem:$0x3FB0]  }
0x2a: {  	p0 =	seq.s32 s5, $0x0;
	s5 =	sld [smem:$0x3FB1]  }
0x2b: {  	s6 =	sld [smem:$0x3FB2]  }
0x2c: {  	s7 =	sld [smem:$0x3FB3]  }
0x2d: {  	s3 =	simm.s32 $0x108;
	s8 =	sld [smem:$0x3FB4]  }
0x2e: {  	s3 =	simm.s32 @!p0 $0x1082;
	s9 =	sld [smem:$0x3FB5]  }
0x2f: {  	lr =	sadd.s32 s0, s3;
	s0 =	sld [smem:$0x3FAC]  }
0x30: {  	s3 =	sld [smem:$0x3FAF]  }
0x31: {  	[smem:$0x3FB8] =	sst s10  }
0x32: {  	s10 =	sld [smem:$0x3FB6];
	_ =	sdelay $0x3  }
0x33: {  	p0 =	seq.s32 s10, $0x1;
	s10 =	sld [smem:$0x3FB8];
	_ =	sdelay $0x3  }
0x34: {  	[smem:$0x3FB8] =	sst s10  }
0x35: {  	s10 =	sld [smem:$0x3FB7];
	_ =	sdelay $0x3  }
0x36: {  	p1 =	seq.s32 s10, $0x1;
	s10 =	sld [smem:$0x3FB8];
	_ =	sdelay $0x3  }
0x37: {  	[smem:$0x3FB8] =	sst s10  }
0x38: {  	s10 =	sld [smem:$0x3FB9]  }
0x39: {  	_ = 	snop;
	(pc) =	sbr.ind lr, $3  }
0x3a: {  	_ = 	snop  }
0x3b: {  	_ = 	snop  }
0x3c: {  	p2 =	seq.s32 s10, $0x1;
	s10 =	sld [smem:$0x3FB8]  }
0x3d: {  	_ =	shalt  }
0x3e: {  	_ =	shalt  }
0x3f: {  	_ =	shalt  }
0x40: {  	_ =	shalt  }
0x41: {  	_ =	shalt  }
0x42: {  	_ =	shalt  }
0x43: {  	_ =	shalt  }
0x44: {  	_ =	shalt  }
0x45: {  	_ =	shalt  }
0x46: {  	_ =	shalt  }
0x47: {  	_ =	shalt  }
0x48: {  	_ =	shalt  }
0x49: {  	_ =	shalt  }
0x4a: {  	_ =	shalt  }
0x4b: {  	_ =	shalt  }
0x4c: {  	_ =	shalt  }
0x4d: {  	_ =	shalt  }
0x4e: {  	_ =	shalt  }
0x4f: {  	_ =	shalt  }
0x50: {  	_ =	shalt  }
0x51: {  	_ =	shalt  }
0x52: {  	_ =	shalt  }
0x53: {  	_ =	shalt  }
0x54: {  	_ =	shalt  }
0x55: {  	_ =	shalt  }
0x56: {  	_ =	shalt  }
0x57: {  	_ =	shalt  }
0x58: {  	_ =	shalt  }
0x59: {  	_ =	shalt  }
0x5a: {  	_ =	shalt  }
0x5b: {  	_ =	shalt  }
0x5c: {  	_ =	shalt  }
0x5d: {  	_ =	shalt  }
0x5e: {  	_ =	shalt  }
0x5f: {  	_ =	shalt  }
0x60: {  	_ =	shalt  }
0x61: {  	_ =	shalt  }
0x62: {  	_ =	shalt  }
0x63: {  	_ =	shalt  }
0x64: {  	_ =	shalt  }
0x65: {  	_ =	shalt  }
0x66: {  	_ =	shalt  }
0x67: {  	_ =	shalt  }
0x68: {  	_ =	shalt  }
0x69: {  	_ =	shalt  }
0x6a: {  	_ =	shalt  }
0x6b: {  	_ =	shalt  }
0x6c: {  	_ =	shalt  }
0x6d: {  	_ =	shalt  }
0x6e: {  	_ =	shalt  }
0x6f: {  	_ =	shalt  }
0x70: {  	_ =	shalt  }
0x71: {  	_ =	shalt  }
0x72: {  	_ =	shalt  }
0x73: {  	_ =	shalt  }
0x74: {  	_ =	shalt  }
0x75: {  	_ =	shalt  }
0x76: {  	_ =	shalt  }
0x77: {  	_ =	shalt  }
0x78: {  	_ =	shalt  }
0x79: {  	_ =	shalt  }
0x7a: {  	_ =	shalt  }
0x7b: {  	_ =	shalt  }
0x7c: {  	_ =	shalt  }
0x7d: {  	_ =	shalt  }
0x7e: {  	_ =	shalt  }
0x7f: {  	_ =	shalt  }
0x80: {  	_ =	shalt  }
0x81: {  	_ =	shalt  }
0x82: {  	_ =	shalt  }
0x83: {  	_ =	shalt  }
0x84: {  	_ =	shalt  }
0x85: {  	_ =	shalt  }
0x86: {  	_ =	shalt  }
0x87: {  	_ =	shalt  }
.Lfunc_end0:
.L_simem_size_0:
called_computation_lowered:
.L_overlay_start_0:
0x88: {  	s2 =	sld [smem:$0x3FD9]  }
0x89: {  	s3 =	sld [smem:$0x3FFE];
	_ =	sdelay $0x1  }
0x8a: {  	s1 =	srdreg.scid  }
0x8b: {  	s0 =	sand.u32 $0x1, s1  }
0x8c: {  	s17 =	sshll.u32 s0, $0xA;
	s2 =	sadd.s32 s3, s2  }
0x8d: {  	s2 =	sadd.s32 s2, s17  }
0x8e: {  	[smem:$0x3FC4] =	sst s2  }
0x8f: {  	_ = 	snop  }
0x90: {  	s2 =	sld [smem:$0x3FD0];
	(tm) =	ssettm $0x1  }
0x91: {  	s18 =	sld [smem:$0x3FFB];
	_ =	sdelay $0x3  }
0x92: {  	_ =	strace s18  }
0x93: {  	s3 =	sld [smem:$0x3FFC];
	_ =	sdelay $0x3  }
0x94: {  	_ =	strace s3  }
0x95: {  	s3 =	sld [smem:$0x3FFD];
	_ =	sdelay $0x3  }
0x96: {  	_ =	strace s3  }
0x97: {  	_ =	strace $0x8FFFFFFF  }
0x98: {  	s19 =	sld [smem:$0x3FDB];
	_ =	sdelay $0x1  }
0x99: {  	s4 =	simm.s32 $_scs_section_size  }
0x9a: {  	s5 =	simm.s32 $_size__tile_overlayer_lowered;
	s6 =	simm.s32 $_tile_overlayer_lowered  }
0x9b: {  	s22 =	simm.s32 $0x1BFF;
	s21 =	sshll.u32 s6, $0x1;
	s3 =	sadd.s32 s4, s19  }
0x9c: {  	s7 =	simm.s32 $0x0;
	s20 =	sshll.u32 s5, $0x1;
	s5 =	sadd.s32 s21, s3  }
0x9d: {  	[timem:s7], [sflag:s22] =	dma.local [hbm:s5], s20  }
0x9e: {  	_ =	swait.ge [sflag:s22], s20  }
0x9f: {  	s4 =	ssub.s32 $0x0, s20;
	[sflag:s22] =	ssyncset.done $0x0  }
0xa0: {  	[sflag:s22] =	ssyncadd.s32 s4;
	_ =	sdelay $0x1  }
0xa1: {  	s23 =	simm.s32 $0x1B8B  }
0xa2: {  	_ =	swait.ge [sflag:s23], $0x1  }
0xa3: {  	[sflag:s23] =	ssyncset.done $0x0  }
0xa4: {  	s25 =	simm.s32 $0x1B8E;
	s24 =	sld [smem:$0x3FFE];
	[sflag:s23] =	ssyncadd.s32 $0xFFFFFFFF  }
0xa5: {  	s26 =	simm.s32 $execute0_lowered;
	[smem:$0x3FD2] =	sst s25  }
0xa6: {  	s5 =	sshll.u32 s26, $0x1;
	_ =	strace $0x80000046;
	[dreg:$0x1] =	wrdreg $0xFFFFFFFF  }
0xa7: {  	s28 =	simm.s32 $_size_execute0_lowered;
	s3 =	sadd.s32 s3, s5;
	[dreg:$0x0] =	wrdreg $0x0  }
0xa8: {  	s5 =	sshll.u32 s28, $0x1;
	[dreg:$0x2] =	wrdreg s3  }
0xa9: {  	[dreg:$0x3] =	wrdreg s5  }
0xaa: {  	[dreg:$0x4] =	wrdreg $0xC0  }
0xab: {  	_ =	task [dreg:s7], $0x5FFFF  }
0xac: {  	[dreg:$0x1] =	wrdreg $0xFFFFFFFF  }
0xad: {  	[dreg:$0x0] =	wrdreg $0x60  }
0xae: {  	[dreg:$0x2] =	wrdreg s24  }
0xaf: {  	[dreg:$0x3] =	wrdreg s2  }
0xb0: {  	[dreg:$0x4] =	wrdreg $0x14B800  }
0xb1: {  	[dreg:$0x5] =	wrdreg $0x9  }
0xb2: {  	_ =	task.clear_ibuf [dreg:s7], $0x6FFFF;
	_ =	strace $0x90000046  }
0xb3: {  	s29 =	simm.s32 $0x9;
	_ =	strace $0x80000048  }
0xb4: {  	_ =	swait.ge [sflag:s29], $0x1  }
0xb5: {  	[sflag:s29] =	ssyncadd.s32 $0xFFFFFFFF  }
0xb6: {  	_ =	strace $0x90000048  }
0xb7: {  	_ =	sfence  }
0xb8: {  	s30 =	sld [smem:$0x0];
	_ =	sdelay $0x2  }
0xb9: {  	s31 =	sshll.u32 s1, $0xD;
	s1 =	sshrl.u32 s1, $0x2  }
0xba: {  	s3 =	sand.u32 $0x4000, s31;
	s1 =	sadd.s32 s1, s30  }
0xbb: {  	s0 =	sor.u32 s3, s0;
	s1 =	sshll.u32 s1, $0x11  }
0xbc: {  	s0 =	sor.u32 s1, s0  }
0xbd: {  	s0 =	sadd.s32 $0x8F2B, s0  }
0xbe: {  	[sflag:s0] =	ssyncadd.remote.s32 $0x1  }
0xbf: {  	_ =	sfence.sel $0xFFFF  }
0xc0: {  	[dreg:$0x0] =	wrdreg $0xFFFFFFFF;
	(pc) =	sbr.abs _section_cstart, $3  }
0xc1: {  	[dreg:$0x1] =	wrdreg $0xFFFFFFFF  }
0xc2: {  	_ =	task.clear_ibuf [dreg:s7], $0x2FFFF;
	_ =	strace $0x9FFFFFFF  }
0xc3: {  	(tm) =	ssettm $0x7FFFFFFF  }
tec
execute0_lowered:
.L_overlay_start_1:
0x0: {  	(tag) =	ssettag $0x1  }
0x1: {  	s0 =	rddreg [dreg:$0x0]  }
0x2: {  	s2 =	rddreg [dreg:$0x1]  }
0x3: {  	s1 =	rddreg [dreg:$0x2]  }
0x4: {  	s3 =	srdreg.scid;
	s14 =	stileid.u32  }
0x5: {  	s15 =	simm.s32 $0x3;
	s19 =	simm.s32 $0x80;
	s20 =	simm.s32 $0xEB80  }
0x6: {  	s21 =	simm.s32 $0x10B80;
	s22 =	simm.s32 $0x1;
	s6 =	smul.u32 $0x9C00, s14  }
0x7: {  	s29 =	simm.s32 $0x0;
	s4 =	sand.u32 $0x1, s3;
	s7 =	smul.u32 $0x9D0, s14  }
0x8: {  	s3 =	simm.s32 $0x0;
	s25 =	sshll.u32 s14, $0x6;
	s11 =	smul.u32 $0x13800, s14  }
0x9: {  	s16 =	sadd.s32 $0x9C000, s1;
	p0 =	sne.s32 s14, $0xF;
	s5 =	smul.u32 $0x13880, s4  }
0xa: {  	[smem:$0x7FF] =	sst s3;
	s8 =	ssub.s32 $0x2, s4;
	s26 =	sshll.u32 s4, $0x6  }
0xb: {  	s4 =	sshll.u32 s4, $0x3;
	s16 =	sshrl.u32 @!p0 s16, $0x3;
	_ =	strace $0x80000047  }
0xc: {  	s23 =	sshrl.u32 s6, $0x3;
	s9 =	sadd.s32 s7, s0;
	s24 =	sshrl.u32 s8, $0x1  }
0xd: {  	s6 =	sadd.s32 s6, s1;
	s31 =	sadd.s32 s4, s2;
	s10 =	sadd.s32 s5, s0  }
0xe: {  	s5 =	sadd.s32 s23, s0;
	s13 =	ssub.s32 s8, s24;
	s0 =	sadd.s32 $0x58800, s0  }
0xf: {  	s28 =	sadd.s32 $0x27600, s9;
	s30 =	sadd.s32 $0x31400, s9;
	s9 =	sadd.s32 $0x3B200, s9  }
0x10: {  	s12 =	sadd.s32 $0x27000, s31;
	s14 =	sshrl.u32 s6, $0x3;
	[dreg:$0x5] =	wrdreg s0  }
0x11: {  	s23 =	simm.s32 $0x12B80;
	s24 =	simm.s32 $0x2;
	[dreg:$0x6] =	wrdreg s28  }
0x12: {  	s5 =	sadd.s32 $0x45000, s5;
	[dreg:$0x7] =	wrdreg s30;
	s0 =	sor.u32 s26, s11  }
0x13: {  	s10 =	sadd.s32 $0x400, s10;
	s13 =	smax.u32 s13, $0x1;
	s0 =	sshrl.u32 s0, $0x3  }
0x14: {  	[dreg:$0x4] =	wrdreg s5;
	s5 =	sor.u32 $0x1C03, s25;
	s11 =	sadd.s32 s2, s0  }
.LBB2_1:
0x15: {  	s0 =	rddreg [dreg:$0x4]  }
0x16: {  	[spmem:s14], [sflag:s5] =	dma.local [hbm:s0], $0x1380  }
0x17: {  	_ =	swait.ge [sflag:s15], $0x1380  }
0x18: {  	[sflag:s15] =	ssyncset.done $0x0  }
0x19: {  	s0 =	rddreg [dreg:$0x5];
	[sflag:s15] =	ssyncadd.s32 $0xFFFFEC80  }
0x1a: {  	[spmem:s16], [sflag:s5] =	dma.local @!p0 [hbm:s0], $0x80  }
0x1b: {  	s0 =	simm.s32 @!p0 $0x3  }
0x1c: {  	_ =	swait.ge @!p0 [sflag:s0], $0x80  }
0x1d: {  	[sflag:s0] =	ssyncset.done @!p0 $0x0  }
0x1e: {  	s26 =	rddreg [dreg:$0x6];
	[sflag:s0] =	ssyncadd.s32 @!p0 $0xFFFFFF80  }
0x1f: {  	[tilespmem:s3], [sflag:$0x3] =	stream.linear.gather [hbm4b:s26+s3], $0x4E80, $0x38;
	[tilespmem:$0x1E7C0] =	vst v63  }
0x20: {  	_ =	swait.ge [sflag:s15], $0x4E80  }
0x21: {  	[sflag:s15] =	ssyncset.done $0x0  }
0x22: {  	s2 =	simm.s32 $0x4E80;
	s28 =	rddreg [dreg:$0x7];
	[sflag:s15] =	ssyncadd.s32 $0xFFFFB180  }
0x23: {  	[tilespmem:s2], [sflag:$0x3] =	stream.linear.gather [hbm4b:s28+s3], $0x4E80, $0x38;
	[tilespmem:$0x1E7C0] =	vst v63  }
0x24: {  	_ =	swait.ge [sflag:s15], $0x4E80  }
0x25: {  	[sflag:s15] =	ssyncset.done $0x0  }
0x26: {  	s31 =	simm.s32 $0x9D00;
	[sflag:s15] =	ssyncadd.s32 $0xFFFFB180  }
0x27: {  	[tilespmem:s31], [sflag:$0x3] =	stream.linear.gather [hbm4b:s9+s3], $0x4E80, $0x38;
	[tilespmem:$0x1E7C0] =	vst v63  }
0x28: {  	_ =	swait.ge [sflag:s15], $0x4E80  }
0x29: {  	[sflag:s15] =	ssyncset.done $0x0  }
0x2a: {  	[sflag:s15] =	ssyncadd.s32 $0xFFFFB180  }
0x2b: {  	s30 =	simm.s32 $0x0;
	[bflag:$0x0] =	sbarrier.arrive $0xFFFF  }
0x2c: {  	[tilespmem:s20], [sflag:$0x1] =	stream.indirect.gather [hbm4b:s10+s19], $0x40, s3, s19, $0xb8;
	[tilespmem:$0x1E7C0] =	vst v63  }
.LBB2_2:
0x2d: {  	p1 =	seq.s32 s30, $0x0;
	s2 =	smul.u32 $0x600, s30  }
0x2e: {  	s0 =	simm.s32 @!p1 $0x2  }
0x2f: {  	_ =	swait.ge @!p1 [sflag:s0], $0x2000;
	s31 =	sshra.s32 s2, $0x2  }
0x30: {  	s4 =	sadd.s32 $0x200, s2;
	[sflag:s0] =	ssyncset.done @!p1 $0x0;
	s6 =	sadd.s32 $0x9D00, s31  }
0x31: {  	[sflag:s0] =	ssyncadd.s32 @!p1 $0xFFFFE000;
	s0 =	sshra.s32 s4, $0x2;
	v0 =	vmov s6  }
0x32: {  	[tilespmem:s21], [sflag:$0x1] =	stream.indirect.gather [hbm4b:s10+s19], $0x40, s0, s19, $0xb8;
	[tilespmem:$0x1E7C0] =	vst v63  }
0x33: {  	s18 =	simm.s32 $0x0;
	_ =	swait.ge [sflag:s22], $0x2000  }
0x34: {  	s26 =	sand.u32 $0x1C0, s18;
	[sflag:s22] =	ssyncset.done $0x0  }
0x35: {  	s26 =	sshrl.u32 s26, $0x2;
	[sflag:s22] =	ssyncadd.s32 $0xFFFFE000  }
0x36: {  	v1 =	vld.idx.msk [tilespmem:v0+s26+$0x0 ss:$0x1], $0xffff  }
0x37: {  	s17 =	simm.s32 $0xEC80  }
0x38: {  	s25 =	simm.s32 $0x0;
	v2 =	vld [tilespmem:s17+$0xFFFFFF30]  }
0x39: {  	s6 =	sand.u32 $0x8, s25;
	v3 =	vld [tilespmem:s17+$0xFFFFFF00]  }
0x3a: {  	v5 =	vmov s6;
	v4 =	vld [tilespmem:s17+$0xFFFFFF10]  }
0x3b: {  	v6 =	vld [tilespmem:s17+$0xFFFFFF20];
	v1 =	vperm.xlane v1, v5;
	_ =	sdelay $0x1  }
0x3c: {  	v2 =	vmul.f32 v2, v1  }
0x3d: {  	v3 =	vmul.f32 v3, v1  }
0x3e: {  	v4 =	vmul.f32 v4, v1;
	[tilespmem:s17+$0xFFFFFF30] =	vst v2  }
0x3f: {  	v1 =	vmul.f32 v6, v1;
	[tilespmem:s17+$0xFFFFFF00] =	vst v3  }
0x40: {  	[tilespmem:s17+$0xFFFFFF10] =	vst v4  }
0x41: {  	[tilespmem:s17+$0xFFFFFF20] =	vst v1  }
0x42: {  	v1 =	vld.idx.msk [tilespmem:v0+s26+$0x0 ss:$0x1], $0xffff;
	_ =	sdelay $0x1  }
0x43: {  	s7 =	simm.s32 $0x1;
	v2 =	vld [tilespmem:s17+$0xFFFFFF40]  }
0x44: {  	s4 =	sand.u32 $0x9, s7;
	v3 =	vld [tilespmem:s17+$0xFFFFFF50]  }
0x45: {  	v5 =	vmov s4;
	v4 =	vld [tilespmem:s17+$0xFFFFFF70]  }
0x46: {  	v59 =	vld [tilespmem:s17+$0xFFFFFF60];
	v1 =	vperm.xlane v1, v5;
	_ =	sdelay $0x1  }
0x47: {  	v2 =	vmul.f32 v2, v1  }
0x48: {  	v3 =	vmul.f32 v3, v1  }
0x49: {  	v4 =	vmul.f32 v4, v1;
	[tilespmem:s17+$0xFFFFFF40] =	vst v2  }
0x4a: {  	v1 =	vmul.f32 v59, v1;
	[tilespmem:s17+$0xFFFFFF50] =	vst v3  }
0x4b: {  	[tilespmem:s17+$0xFFFFFF70] =	vst v4  }
0x4c: {  	[tilespmem:s17+$0xFFFFFF60] =	vst v1  }
0x4d: {  	v1 =	vld.idx.msk [tilespmem:v0+s26+$0x0 ss:$0x1], $0xffff;
	_ =	sdelay $0x1  }
0x4e: {  	s8 =	simm.s32 $0x2;
	v2 =	vld [tilespmem:s17+$0xFFFFFF80]  }
0x4f: {  	s4 =	sand.u32 $0xA, s8;
	v3 =	vld [tilespmem:s17+$0xFFFFFF90]  }
0x50: {  	v5 =	vmov s4;
	v4 =	vld [tilespmem:s17+$0xFFFFFFB0]  }
0x51: {  	v60 =	vld [tilespmem:s17+$0xFFFFFFA0];
	v1 =	vperm.xlane v1, v5;
	_ =	sdelay $0x1  }
0x52: {  	v2 =	vmul.f32 v2, v1  }
0x53: {  	v3 =	vmul.f32 v3, v1  }
0x54: {  	v4 =	vmul.f32 v4, v1;
	[tilespmem:s17+$0xFFFFFF80] =	vst v2  }
0x55: {  	v1 =	vmul.f32 v60, v1;
	[tilespmem:s17+$0xFFFFFF90] =	vst v3  }
0x56: {  	[tilespmem:s17+$0xFFFFFFB0] =	vst v4  }
0x57: {  	[tilespmem:s17+$0xFFFFFFA0] =	vst v1  }
0x58: {  	v1 =	vld.idx.msk [tilespmem:v0+s26+$0x0 ss:$0x1], $0xffff;
	_ =	sdelay $0x1  }
0x59: {  	s6 =	simm.s32 $0x3;
	v2 =	vld [tilespmem:s17+$0xFFFFFFC0]  }
0x5a: {  	s4 =	sand.u32 $0xB, s6;
	v3 =	vld [tilespmem:s17+$0xFFFFFFD0]  }
0x5b: {  	v5 =	vmov s4;
	v4 =	vld [tilespmem:s17+$0xFFFFFFF0]  }
0x5c: {  	v61 =	vld [tilespmem:s17+$0xFFFFFFE0];
	v1 =	vperm.xlane v1, v5;
	_ =	sdelay $0x1  }
0x5d: {  	v2 =	vmul.f32 v2, v1  }
0x5e: {  	v3 =	vmul.f32 v3, v1  }
0x5f: {  	v4 =	vmul.f32 v4, v1;
	[tilespmem:s17+$0xFFFFFFC0] =	vst v2  }
0x60: {  	v1 =	vmul.f32 v61, v1;
	[tilespmem:s17+$0xFFFFFFD0] =	vst v3  }
0x61: {  	[tilespmem:s17+$0xFFFFFFF0] =	vst v4  }
0x62: {  	[tilespmem:s17+$0xFFFFFFE0] =	vst v1  }
0x63: {  	v1 =	vld.idx.msk [tilespmem:v0+s26+$0x0 ss:$0x1], $0xffff;
	_ =	sdelay $0x1  }
0x64: {  	s7 =	simm.s32 $0x4;
	v2 =	vld [tilespmem:s17+$0x0]  }
0x65: {  	s4 =	sand.u32 $0xC, s7;
	v3 =	vld [tilespmem:s17+$0x10]  }
0x66: {  	v5 =	vmov s4;
	v4 =	vld [tilespmem:s17+$0x30]  }
0x67: {  	v62 =	vld [tilespmem:s17+$0x20];
	v1 =	vperm.xlane v1, v5;
	_ =	sdelay $0x1  }
0x68: {  	v2 =	vmul.f32 v2, v1  }
0x69: {  	v3 =	vmul.f32 v3, v1  }
0x6a: {  	v4 =	vmul.f32 v4, v1;
	[tilespmem:s17+$0x0] =	vst v2  }
0x6b: {  	v1 =	vmul.f32 v62, v1;
	[tilespmem:s17+$0x10] =	vst v3  }
0x6c: {  	[tilespmem:s17+$0x30] =	vst v4  }
0x6d: {  	[tilespmem:s17+$0x20] =	vst v1  }
0x6e: {  	v1 =	vld.idx.msk [tilespmem:v0+s26+$0x0 ss:$0x1], $0xffff;
	_ =	sdelay $0x1  }
0x6f: {  	s8 =	simm.s32 $0x5;
	v2 =	vld [tilespmem:s17+$0x40]  }
0x70: {  	s4 =	sand.u32 $0xD, s8;
	v3 =	vld [tilespmem:s17+$0x60]  }
0x71: {  	v5 =	vmov s4;
	v4 =	vld [tilespmem:s17+$0x70]  }
0x72: {  	v63 =	vld [tilespmem:s17+$0x50];
	v5 =	vperm.xlane v1, v5;
	_ =	sdelay $0x1  }
0x73: {  	v7 =	vmul.f32 v2, v5  }
0x74: {  	v3 =	vmul.f32 v3, v5  }
0x75: {  	v4 =	vmul.f32 v4, v5;
	[tilespmem:s17+$0x40] =	vst v7  }
0x76: {  	v5 =	vmul.f32 v63, v5;
	[tilespmem:s17+$0x60] =	vst v3  }
0x77: {  	v1 =	vld [tilespmem:s17+$0x80];
	[tilespmem:s17+$0x70] =	vst v4  }
0x78: {  	v2 =	vld [tilespmem:s17+$0x90];
	[tilespmem:s17+$0x50] =	vst v5  }
0x79: {  	s28 =	simm.s32 $0xFFFFFFF8;
	s4 =	simm.s32 $0xEE80;
	v3 =	vld.idx.msk [tilespmem:v0+s26+$0x0 ss:$0x1], $0xffff  }
.LBB2_3:
0x7a: {  	s7 =	sadd.s32 $0xE, s28  }
0x7b: {  	v4 =	vld [tilespmem:s17+$0xA0];
	s18 =	sadd.s32 $0x20, s18;
	s8 =	smov.u32 s25;
	s25 =	sadd.s32 $0x8, s25  }
0x7c: {  	s6 =	sand.u32 $0x8, s25;
	p2 =	slt.u32 s25, $0x78;
	s7 =	sand.u32 $0xE, s7;
	v5 =	vld [tilespmem:s17+$0xB0]  }
0x7d: {  	v6 =	vmov s7  }
0x7e: {  	v3 =	vperm.xlane v3, v6;
	_ =	sdelay $0x1  }
0x7f: {  	v1 =	vmul.f32 v1, v3;
	v2 =	vmul.f32 v2, v3  }
0x80: {  	v4 =	vmul.f32 v4, v3;
	v3 =	vmul.f32 v5, v3  }
0x81: {  	[tilespmem:s17+$0x80] =	vst v1  }
0x82: {  	v1 =	vld [tilespmem:s4+$0x80];
	[tilespmem:s17+$0x90] =	vst v2  }
0x83: {  	v2 =	vld [tilespmem:s4+$0x90];
	[tilespmem:s17+$0xA0] =	vst v4  }
0x84: {  	[tilespmem:s17+$0xB0] =	vst v3  }
0x85: {  	v3 =	vld.idx.msk [tilespmem:v0+s26+$0x0 ss:$0x1], $0xffff  }
0x86: {  	v4 =	vld [tilespmem:s17+$0xF0]  }
0x87: {  	v5 =	vld [tilespmem:s17+$0xC0]  }
0x88: {  	v6 =	vld [tilespmem:s17+$0xD0]  }
0x89: {  	s7 =	sadd.s32 $0xF, s28;
	s28 =	smov.u32 s8;
	v7 =	vld [tilespmem:s17+$0xE0]  }
0x8a: {  	v8 =	vmov s7  }
0x8b: {  	v3 =	vperm.xlane v3, v8;
	_ =	sdelay $0x1  }
0x8c: {  	v5 =	vmul.f32 v5, v3;
	v6 =	vmul.f32 v6, v3  }
0x8d: {  	v7 =	vmul.f32 v7, v3;
	v3 =	vmul.f32 v4, v3  }
0x8e: {  	[tilespmem:s17+$0xC0] =	vst v5  }
0x8f: {  	[tilespmem:s17+$0xF0] =	vst v3  }
0x90: {  	s7 =	sand.u32 $0x1C0, s18;
	[tilespmem:s17+$0xD0] =	vst v6  }
0x91: {  	s26 =	sshrl.u32 s7, $0x2;
	[tilespmem:s17+$0xE0] =	vst v7;
	s17 =	smov.u32 s4  }
0x92: {  	v3 =	vld.idx.msk [tilespmem:v0+s26+$0x0 ss:$0x1], $0xffff  }
0x93: {  	v4 =	vld [tilespmem:s4+$0xFFFFFF20]  }
0x94: {  	v5 =	vld [tilespmem:s4+$0xFFFFFF30]  }
0x95: {  	v6 =	vld [tilespmem:s4+$0xFFFFFF00]  }
0x96: {  	v7 =	vld [tilespmem:s4+$0xFFFFFF10]  }
0x97: {  	v8 =	vmov s6  }
0x98: {  	v3 =	vperm.xlane v3, v8;
	_ =	sdelay $0x1  }
0x99: {  	v5 =	vmul.f32 v5, v3;
	v6 =	vmul.f32 v6, v3  }
0x9a: {  	v7 =	vmul.f32 v7, v3;
	v3 =	vmul.f32 v4, v3  }
0x9b: {  	[tilespmem:s4+$0xFFFFFF30] =	vst v5  }
0x9c: {  	[tilespmem:s4+$0xFFFFFF00] =	vst v6  }
0x9d: {  	[tilespmem:s4+$0xFFFFFF10] =	vst v7  }
0x9e: {  	[tilespmem:s4+$0xFFFFFF20] =	vst v3  }
0x9f: {  	v3 =	vld.idx.msk [tilespmem:v0+s26+$0x0 ss:$0x1], $0xffff  }
0xa0: {  	v4 =	vld [tilespmem:s4+$0xFFFFFF70]  }
0xa1: {  	v5 =	vld [tilespmem:s4+$0xFFFFFF50]  }
0xa2: {  	s6 =	sadd.s32 $0x9, s28;
	v6 =	vld [tilespmem:s4+$0xFFFFFF40]  }
0xa3: {  	s6 =	sand.u32 $0x9, s6;
	v7 =	vld [tilespmem:s4+$0xFFFFFF60]  }
0xa4: {  	v8 =	vmov s6  }
0xa5: {  	v3 =	vperm.xlane v3, v8;
	_ =	sdelay $0x1  }
0xa6: {  	v5 =	vmul.f32 v5, v3;
	v6 =	vmul.f32 v6, v3  }
0xa7: {  	v7 =	vmul.f32 v7, v3;
	v3 =	vmul.f32 v4, v3  }
0xa8: {  	[tilespmem:s4+$0xFFFFFF40] =	vst v6  }
0xa9: {  	[tilespmem:s4+$0xFFFFFF50] =	vst v5  }
0xaa: {  	[tilespmem:s4+$0xFFFFFF70] =	vst v3  }
0xab: {  	[tilespmem:s4+$0xFFFFFF60] =	vst v7  }
0xac: {  	v3 =	vld.idx.msk [tilespmem:v0+s26+$0x0 ss:$0x1], $0xffff  }
0xad: {  	v4 =	vld [tilespmem:s4+$0xFFFFFFB0]  }
0xae: {  	v5 =	vld [tilespmem:s4+$0xFFFFFF90]  }
0xaf: {  	s6 =	sadd.s32 $0xA, s28;
	v6 =	vld [tilespmem:s4+$0xFFFFFF80]  }
0xb0: {  	s6 =	sand.u32 $0xA, s6;
	v7 =	vld [tilespmem:s4+$0xFFFFFFA0]  }
0xb1: {  	v8 =	vmov s6  }
0xb2: {  	v3 =	vperm.xlane v3, v8;
	_ =	sdelay $0x1  }
0xb3: {  	v5 =	vmul.f32 v5, v3;
	v6 =	vmul.f32 v6, v3  }
0xb4: {  	v7 =	vmul.f32 v7, v3;
	v3 =	vmul.f32 v4, v3  }
0xb5: {  	[tilespmem:s4+$0xFFFFFF80] =	vst v6  }
0xb6: {  	[tilespmem:s4+$0xFFFFFF90] =	vst v5  }
0xb7: {  	[tilespmem:s4+$0xFFFFFFB0] =	vst v3  }
0xb8: {  	[tilespmem:s4+$0xFFFFFFA0] =	vst v7  }
0xb9: {  	v3 =	vld.idx.msk [tilespmem:v0+s26+$0x0 ss:$0x1], $0xffff  }
0xba: {  	v4 =	vld [tilespmem:s4+$0xFFFFFFF0]  }
0xbb: {  	v5 =	vld [tilespmem:s4+$0xFFFFFFD0]  }
0xbc: {  	s6 =	sadd.s32 $0xB, s28;
	v6 =	vld [tilespmem:s4+$0xFFFFFFC0]  }
0xbd: {  	s6 =	sand.u32 $0xB, s6;
	v7 =	vld [tilespmem:s4+$0xFFFFFFE0]  }
0xbe: {  	v8 =	vmov s6  }
0xbf: {  	v3 =	vperm.xlane v3, v8;
	_ =	sdelay $0x1  }
0xc0: {  	v5 =	vmul.f32 v5, v3;
	v6 =	vmul.f32 v6, v3  }
0xc1: {  	v7 =	vmul.f32 v7, v3;
	v3 =	vmul.f32 v4, v3  }
0xc2: {  	[tilespmem:s4+$0xFFFFFFC0] =	vst v6  }
0xc3: {  	[tilespmem:s4+$0xFFFFFFD0] =	vst v5  }
0xc4: {  	[tilespmem:s4+$0xFFFFFFF0] =	vst v3  }
0xc5: {  	[tilespmem:s4+$0xFFFFFFE0] =	vst v7  }
0xc6: {  	v3 =	vld.idx.msk [tilespmem:v0+s26+$0x0 ss:$0x1], $0xffff  }
0xc7: {  	v4 =	vld [tilespmem:s4+$0x30]  }
0xc8: {  	v5 =	vld [tilespmem:s4+$0x10]  }
0xc9: {  	s6 =	sadd.s32 $0xC, s28;
	v6 =	vld [tilespmem:s4+$0x0]  }
0xca: {  	s6 =	sand.u32 $0xC, s6;
	v7 =	vld [tilespmem:s4+$0x20]  }
0xcb: {  	v8 =	vmov s6  }
0xcc: {  	v3 =	vperm.xlane v3, v8;
	_ =	sdelay $0x1  }
0xcd: {  	v5 =	vmul.f32 v5, v3;
	v6 =	vmul.f32 v6, v3  }
0xce: {  	v7 =	vmul.f32 v7, v3;
	v3 =	vmul.f32 v4, v3  }
0xcf: {  	[tilespmem:s4+$0x0] =	vst v6  }
0xd0: {  	[tilespmem:s4+$0x10] =	vst v5  }
0xd1: {  	[tilespmem:s4+$0x30] =	vst v3  }
0xd2: {  	[tilespmem:s4+$0x20] =	vst v7  }
0xd3: {  	v3 =	vld.idx.msk [tilespmem:v0+s26+$0x0 ss:$0x1], $0xffff  }
0xd4: {  	v4 =	vld [tilespmem:s4+$0x70]  }
0xd5: {  	v5 =	vld [tilespmem:s4+$0x50]  }
0xd6: {  	s6 =	sadd.s32 $0xD, s28;
	v6 =	vld [tilespmem:s4+$0x40]  }
0xd7: {  	s6 =	sand.u32 $0xD, s6;
	v7 =	vld [tilespmem:s4+$0x60]  }
0xd8: {  	v8 =	vmov s6  }
0xd9: {  	v3 =	vperm.xlane v3, v8;
	_ =	sdelay $0x1  }
0xda: {  	v5 =	vmul.f32 v5, v3;
	v6 =	vmul.f32 v6, v3  }
0xdb: {  	v7 =	vmul.f32 v7, v3;
	v3 =	vmul.f32 v4, v3  }
0xdc: {  	[tilespmem:s4+$0x40] =	vst v6  }
0xdd: {  	[tilespmem:s4+$0x60] =	vst v7  }
.Ltmp0:
0xde: {  	[tilespmem:s4+$0x70] =	vst v3;
	(pc) =	sbr.rel @p2 .LBB2_3-.Ltmp0, $3  }
0xdf: {  	[tilespmem:s4+$0x50] =	vst v5  }
0xe0: {  	v3 =	vld.idx.msk [tilespmem:v0+s26+$0x0 ss:$0x1], $0xffff;
	_ =	sdelay $0x1  }
0xe1: {  	s4 =	sadd.s32 $0x200, s4  }
0xe2: {  	s4 =	sadd.s32 $0xE, s28  }
0xe3: {  	s4 =	sand.u32 $0xE, s4  }
0xe4: {  	v4 =	vld [tilespmem:s17+$0xA0];
	v5 =	vmov s4  }
0xe5: {  	v6 =	vld [tilespmem:s17+$0xB0];
	v3 =	vperm.xlane v3, v5;
	_ =	sdelay $0x1  }
0xe6: {  	v1 =	vmul.f32 v1, v3  }
0xe7: {  	v2 =	vmul.f32 v2, v3  }
0xe8: {  	v4 =	vmul.f32 v4, v3;
	[tilespmem:s17+$0x80] =	vst v1  }
0xe9: {  	v1 =	vmul.f32 v6, v3;
	[tilespmem:s17+$0x90] =	vst v2  }
0xea: {  	[tilespmem:s17+$0xA0] =	vst v4  }
0xeb: {  	[tilespmem:s17+$0xB0] =	vst v1  }
0xec: {  	v0 =	vld.idx.msk [tilespmem:v0+s26+$0x0 ss:$0x1], $0xffff;
	_ =	sdelay $0x1  }
0xed: {  	v1 =	vld [tilespmem:s17+$0xC0]  }
0xee: {  	s18 =	sadd.s32 $0xF, s28;
	v2 =	vld [tilespmem:s17+$0xF0]  }
0xef: {  	v3 =	vld [tilespmem:s17+$0xD0];
	v4 =	vmov s18  }
0xf0: {  	v5 =	vld [tilespmem:s17+$0xE0];
	v0 =	vperm.xlane v0, v4;
	_ =	sdelay $0x1  }
0xf1: {  	v1 =	vmul.f32 v1, v0  }
0xf2: {  	v2 =	vmul.f32 v2, v0  }
0xf3: {  	v3 =	vmul.f32 v3, v0;
	[tilespmem:s17+$0xC0] =	vst v1  }
0xf4: {  	v0 =	vmul.f32 v5, v0;
	[tilespmem:s17+$0xF0] =	vst v2  }
0xf5: {  	[tilespmem:s17+$0xD0] =	vst v3  }
0xf6: {  	s25 =	sadd.s32 $0x4E80, s31;
	s4 =	simm.s32 @!p1 $0x2;
	[tilespmem:s17+$0xE0] =	vst v0  }
0xf7: {  	[spmem:s1] =	stream.indirect.scatter.add.f32 [tilespmem:s20], [sflag:$0x2], $0x40, s25, s19, $0xb8;
	[tilespmem:$0x1E7C0] =	vst v63  }
0xf8: {  	_ =	swait.ge @!p1 [sflag:s4], $0x2000  }
0xf9: {  	s2 =	sadd.s32 $0x400, s2;
	s6 =	sadd.s32 $0x9D00, s0;
	[sflag:s4] =	ssyncset.done @!p1 $0x0  }
0xfa: {  	s2 =	sshra.s32 s2, $0x2;
	v0 =	vmov s6;
	[sflag:s4] =	ssyncadd.s32 @!p1 $0xFFFFE000  }
0xfb: {  	[tilespmem:s23], [sflag:$0x1] =	stream.indirect.gather [hbm4b:s10+s19], $0x40, s2, s19, $0xb8;
	[tilespmem:$0x1E7C0] =	vst v63  }
0xfc: {  	s18 =	simm.s32 $0x0;
	_ =	swait.ge [sflag:s22], $0x2000  }
0xfd: {  	s26 =	sand.u32 $0x1C0, s18;
	[sflag:s22] =	ssyncset.done $0x0  }
0xfe: {  	s26 =	sshrl.u32 s26, $0x2;
	[sflag:s22] =	ssyncadd.s32 $0xFFFFE000  }
0xff: {  	v1 =	vld.idx.msk [tilespmem:v0+s26+$0x0 ss:$0x1], $0xffff  }
0x100: {  	s17 =	simm.s32 $0x10D70  }
0x101: {  	s25 =	simm.s32 $0x0;
	v2 =	vld [tilespmem:s17+$0xFFFFFE40]  }
0x102: {  	s6 =	sand.u32 $0x8, s25;
	v3 =	vld [tilespmem:s17+$0xFFFFFE10]  }
0x103: {  	v5 =	vmov s6;
	v4 =	vld [tilespmem:s17+$0xFFFFFE20]  }
0x104: {  	v58 =	vld [tilespmem:s17+$0xFFFFFE30];
	v1 =	vperm.xlane v1, v5;
	_ =	sdelay $0x1  }
0x105: {  	v2 =	vmul.f32 v2, v1  }
0x106: {  	v3 =	vmul.f32 v3, v1  }
0x107: {  	v4 =	vmul.f32 v4, v1;
	[tilespmem:s17+$0xFFFFFE40] =	vst v2  }
0x108: {  	v1 =	vmul.f32 v58, v1;
	[tilespmem:s17+$0xFFFFFE10] =	vst v3  }
0x109: {  	[tilespmem:s17+$0xFFFFFE20] =	vst v4  }
0x10a: {  	[tilespmem:s17+$0xFFFFFE30] =	vst v1  }
0x10b: {  	v1 =	vld.idx.msk [tilespmem:v0+s26+$0x0 ss:$0x1], $0xffff;
	_ =	sdelay $0x1  }
0x10c: {  	s7 =	simm.s32 $0x1;
	v2 =	vld [tilespmem:s17+$0xFFFFFE50]  }
0x10d: {  	s4 =	sand.u32 $0x9, s7;
	v3 =	vld [tilespmem:s17+$0xFFFFFE60]  }
0x10e: {  	v5 =	vmov s4;
	v4 =	vld [tilespmem:s17+$0xFFFFFE80]  }
0x10f: {  	v59 =	vld [tilespmem:s17+$0xFFFFFE70];
	v1 =	vperm.xlane v1, v5;
	_ =	sdelay $0x1  }
0x110: {  	v2 =	vmul.f32 v2, v1  }
0x111: {  	v3 =	vmul.f32 v3, v1  }
0x112: {  	v4 =	vmul.f32 v4, v1;
	[tilespmem:s17+$0xFFFFFE50] =	vst v2  }
0x113: {  	v1 =	vmul.f32 v59, v1;
	[tilespmem:s17+$0xFFFFFE60] =	vst v3  }
0x114: {  	[tilespmem:s17+$0xFFFFFE80] =	vst v4  }
0x115: {  	[tilespmem:s17+$0xFFFFFE70] =	vst v1  }
0x116: {  	v1 =	vld.idx.msk [tilespmem:v0+s26+$0x0 ss:$0x1], $0xffff;
	_ =	sdelay $0x1  }
0x117: {  	s8 =	simm.s32 $0x2;
	v2 =	vld [tilespmem:s17+$0xFFFFFE90]  }
0x118: {  	s4 =	sand.u32 $0xA, s8;
	v3 =	vld [tilespmem:s17+$0xFFFFFEA0]  }
0x119: {  	v5 =	vmov s4;
	v4 =	vld [tilespmem:s17+$0xFFFFFEC0]  }
0x11a: {  	v60 =	vld [tilespmem:s17+$0xFFFFFEB0];
	v1 =	vperm.xlane v1, v5;
	_ =	sdelay $0x1  }
0x11b: {  	v2 =	vmul.f32 v2, v1  }
0x11c: {  	v3 =	vmul.f32 v3, v1  }
0x11d: {  	v4 =	vmul.f32 v4, v1;
	[tilespmem:s17+$0xFFFFFE90] =	vst v2  }
0x11e: {  	v1 =	vmul.f32 v60, v1;
	[tilespmem:s17+$0xFFFFFEA0] =	vst v3  }
0x11f: {  	[tilespmem:s17+$0xFFFFFEC0] =	vst v4  }
0x120: {  	[tilespmem:s17+$0xFFFFFEB0] =	vst v1  }
0x121: {  	v1 =	vld.idx.msk [tilespmem:v0+s26+$0x0 ss:$0x1], $0xffff;
	_ =	sdelay $0x1  }
0x122: {  	s6 =	simm.s32 $0x3;
	v2 =	vld [tilespmem:s17+$0xFFFFFED0]  }
0x123: {  	s4 =	sand.u32 $0xB, s6;
	v3 =	vld [tilespmem:s17+$0xFFFFFEE0]  }
0x124: {  	v5 =	vmov s4;
	v4 =	vld [tilespmem:s17+$0xFFFFFF00]  }
0x125: {  	v61 =	vld [tilespmem:s17+$0xFFFFFEF0];
	v1 =	vperm.xlane v1, v5;
	_ =	sdelay $0x1  }
0x126: {  	v2 =	vmul.f32 v2, v1  }
0x127: {  	v3 =	vmul.f32 v3, v1  }
0x128: {  	v4 =	vmul.f32 v4, v1;
	[tilespmem:s17+$0xFFFFFED0] =	vst v2  }
0x129: {  	v1 =	vmul.f32 v61, v1;
	[tilespmem:s17+$0xFFFFFEE0] =	vst v3  }
0x12a: {  	[tilespmem:s17+$0xFFFFFF00] =	vst v4  }
0x12b: {  	[tilespmem:s17+$0xFFFFFEF0] =	vst v1  }
0x12c: {  	v1 =	vld.idx.msk [tilespmem:v0+s26+$0x0 ss:$0x1], $0xffff;
	_ =	sdelay $0x1  }
0x12d: {  	s7 =	simm.s32 $0x4;
	v2 =	vld [tilespmem:s17+$0xFFFFFF10]  }
0x12e: {  	s4 =	sand.u32 $0xC, s7;
	v3 =	vld [tilespmem:s17+$0xFFFFFF20]  }
0x12f: {  	v5 =	vmov s4;
	v4 =	vld [tilespmem:s17+$0xFFFFFF40]  }
0x130: {  	v62 =	vld [tilespmem:s17+$0xFFFFFF30];
	v1 =	vperm.xlane v1, v5;
	_ =	sdelay $0x1  }
0x131: {  	v2 =	vmul.f32 v2, v1  }
0x132: {  	v3 =	vmul.f32 v3, v1  }
0x133: {  	v4 =	vmul.f32 v4, v1;
	[tilespmem:s17+$0xFFFFFF10] =	vst v2  }
0x134: {  	v1 =	vmul.f32 v62, v1;
	[tilespmem:s17+$0xFFFFFF20] =	vst v3  }
0x135: {  	[tilespmem:s17+$0xFFFFFF40] =	vst v4  }
0x136: {  	[tilespmem:s17+$0xFFFFFF30] =	vst v1  }
0x137: {  	v1 =	vld.idx.msk [tilespmem:v0+s26+$0x0 ss:$0x1], $0xffff;
	_ =	sdelay $0x1  }
0x138: {  	s8 =	simm.s32 $0x5;
	v2 =	vld [tilespmem:s17+$0xFFFFFF50]  }
0x139: {  	s4 =	sand.u32 $0xD, s8;
	v3 =	vld [tilespmem:s17+$0xFFFFFF70]  }
0x13a: {  	v5 =	vmov s4;
	v4 =	vld [tilespmem:s17+$0xFFFFFF80]  }
0x13b: {  	v63 =	vld [tilespmem:s17+$0xFFFFFF60];
	v5 =	vperm.xlane v1, v5;
	_ =	sdelay $0x1  }
0x13c: {  	v7 =	vmul.f32 v2, v5  }
0x13d: {  	v3 =	vmul.f32 v3, v5  }
0x13e: {  	v4 =	vmul.f32 v4, v5;
	[tilespmem:s17+$0xFFFFFF50] =	vst v7  }
0x13f: {  	v5 =	vmul.f32 v63, v5;
	[tilespmem:s17+$0xFFFFFF70] =	vst v3  }
0x140: {  	v1 =	vld [tilespmem:s17+$0xFFFFFF90];
	[tilespmem:s17+$0xFFFFFF80] =	vst v4  }
0x141: {  	v2 =	vld [tilespmem:s17+$0xFFFFFFA0];
	[tilespmem:s17+$0xFFFFFF60] =	vst v5  }
0x142: {  	s28 =	simm.s32 $0xFFFFFFF8;
	s4 =	simm.s32 $0x10F70;
	v3 =	vld.idx.msk [tilespmem:v0+s26+$0x0 ss:$0x1], $0xffff  }
.LBB2_5:
0x143: {  	s7 =	sadd.s32 $0xE, s28  }
0x144: {  	v4 =	vld [tilespmem:s17+$0xFFFFFFB0];
	s18 =	sadd.s32 $0x20, s18;
	s8 =	smov.u32 s25;
	s25 =	sadd.s32 $0x8, s25  }
0x145: {  	s6 =	sand.u32 $0x8, s25;
	p1 =	slt.u32 s25, $0x78;
	s7 =	sand.u32 $0xE, s7;
	v5 =	vld [tilespmem:s17+$0xFFFFFFC0]  }
0x146: {  	v6 =	vmov s7  }
0x147: {  	v3 =	vperm.xlane v3, v6;
	_ =	sdelay $0x1  }
0x148: {  	v1 =	vmul.f32 v1, v3;
	v2 =	vmul.f32 v2, v3  }
0x149: {  	v4 =	vmul.f32 v4, v3;
	v3 =	vmul.f32 v5, v3  }
0x14a: {  	[tilespmem:s17+$0xFFFFFF90] =	vst v1  }
0x14b: {  	v1 =	vld [tilespmem:s4+$0xFFFFFF90];
	[tilespmem:s17+$0xFFFFFFA0] =	vst v2  }
0x14c: {  	v2 =	vld [tilespmem:s4+$0xFFFFFFA0];
	[tilespmem:s17+$0xFFFFFFB0] =	vst v4  }
0x14d: {  	[tilespmem:s17+$0xFFFFFFC0] =	vst v3  }
0x14e: {  	v3 =	vld.idx.msk [tilespmem:v0+s26+$0x0 ss:$0x1], $0xffff  }
0x14f: {  	v4 =	vld [tilespmem:s17+$0xFFFFFFF0]  }
0x150: {  	v5 =	vld [tilespmem:s17+$0xFFFFFFD0]  }
0x151: {  	v6 =	vld [tilespmem:s17+$0xFFFFFFE0]  }
0x152: {  	s7 =	sadd.s32 $0xF, s28;
	s28 =	smov.u32 s8;
	v7 =	vld [tilespmem:s17+$0x0]  }
0x153: {  	v8 =	vmov s7  }
0x154: {  	v3 =	vperm.xlane v3, v8;
	_ =	sdelay $0x1  }
0x155: {  	v5 =	vmul.f32 v5, v3;
	v6 =	vmul.f32 v6, v3  }
0x156: {  	v4 =	vmul.f32 v4, v3;
	v3 =	vmul.f32 v7, v3  }
0x157: {  	[tilespmem:s17+$0xFFFFFFD0] =	vst v5  }
0x158: {  	[tilespmem:s17+$0x0] =	vst v3  }
0x159: {  	s7 =	sand.u32 $0x1C0, s18;
	[tilespmem:s17+$0xFFFFFFE0] =	vst v6  }
0x15a: {  	s26 =	sshrl.u32 s7, $0x2;
	[tilespmem:s17+$0xFFFFFFF0] =	vst v4;
	s17 =	smov.u32 s4  }
0x15b: {  	v3 =	vld.idx.msk [tilespmem:v0+s26+$0x0 ss:$0x1], $0xffff  }
0x15c: {  	v4 =	vld [tilespmem:s4+$0xFFFFFE30]  }
0x15d: {  	v5 =	vld [tilespmem:s4+$0xFFFFFE40]  }
0x15e: {  	v6 =	vld [tilespmem:s4+$0xFFFFFE10]  }
0x15f: {  	v7 =	vld [tilespmem:s4+$0xFFFFFE20]  }
0x160: {  	v8 =	vmov s6  }
0x161: {  	v3 =	vperm.xlane v3, v8;
	_ =	sdelay $0x1  }
0x162: {  	v5 =	vmul.f32 v5, v3;
	v6 =	vmul.f32 v6, v3  }
0x163: {  	v7 =	vmul.f32 v7, v3;
	v3 =	vmul.f32 v4, v3  }
0x164: {  	[tilespmem:s4+$0xFFFFFE40] =	vst v5  }
0x165: {  	[tilespmem:s4+$0xFFFFFE10] =	vst v6  }
0x166: {  	[tilespmem:s4+$0xFFFFFE20] =	vst v7  }
0x167: {  	[tilespmem:s4+$0xFFFFFE30] =	vst v3  }
0x168: {  	v3 =	vld.idx.msk [tilespmem:v0+s26+$0x0 ss:$0x1], $0xffff  }
0x169: {  	v4 =	vld [tilespmem:s4+$0xFFFFFE80]  }
0x16a: {  	v5 =	vld [tilespmem:s4+$0xFFFFFE60]  }
0x16b: {  	s6 =	sadd.s32 $0x9, s28;
	v6 =	vld [tilespmem:s4+$0xFFFFFE50]  }
0x16c: {  	s6 =	sand.u32 $0x9, s6;
	v7 =	vld [tilespmem:s4+$0xFFFFFE70]  }
0x16d: {  	v8 =	vmov s6  }
0x16e: {  	v3 =	vperm.xlane v3, v8;
	_ =	sdelay $0x1  }
0x16f: {  	v5 =	vmul.f32 v5, v3;
	v6 =	vmul.f32 v6, v3  }
0x170: {  	v7 =	vmul.f32 v7, v3;
	v3 =	vmul.f32 v4, v3  }
0x171: {  	[tilespmem:s4+$0xFFFFFE50] =	vst v6  }
0x172: {  	[tilespmem:s4+$0xFFFFFE60] =	vst v5  }
0x173: {  	[tilespmem:s4+$0xFFFFFE80] =	vst v3  }
0x174: {  	[tilespmem:s4+$0xFFFFFE70] =	vst v7  }
0x175: {  	v3 =	vld.idx.msk [tilespmem:v0+s26+$0x0 ss:$0x1], $0xffff  }
0x176: {  	v4 =	vld [tilespmem:s4+$0xFFFFFEC0]  }
0x177: {  	v5 =	vld [tilespmem:s4+$0xFFFFFEA0]  }
0x178: {  	s6 =	sadd.s32 $0xA, s28;
	v6 =	vld [tilespmem:s4+$0xFFFFFE90]  }
0x179: {  	s6 =	sand.u32 $0xA, s6;
	v7 =	vld [tilespmem:s4+$0xFFFFFEB0]  }
0x17a: {  	v8 =	vmov s6  }
0x17b: {  	v3 =	vperm.xlane v3, v8;
	_ =	sdelay $0x1  }
0x17c: {  	v5 =	vmul.f32 v5, v3;
	v6 =	vmul.f32 v6, v3  }
0x17d: {  	v7 =	vmul.f32 v7, v3;
	v3 =	vmul.f32 v4, v3  }
0x17e: {  	[tilespmem:s4+$0xFFFFFE90] =	vst v6  }
0x17f: {  	[tilespmem:s4+$0xFFFFFEA0] =	vst v5  }
0x180: {  	[tilespmem:s4+$0xFFFFFEC0] =	vst v3  }
0x181: {  	[tilespmem:s4+$0xFFFFFEB0] =	vst v7  }
0x182: {  	v3 =	vld.idx.msk [tilespmem:v0+s26+$0x0 ss:$0x1], $0xffff  }
0x183: {  	v4 =	vld [tilespmem:s4+$0xFFFFFF00]  }
0x184: {  	v5 =	vld [tilespmem:s4+$0xFFFFFEE0]  }
0x185: {  	s6 =	sadd.s32 $0xB, s28;
	v6 =	vld [tilespmem:s4+$0xFFFFFED0]  }
0x186: {  	s6 =	sand.u32 $0xB, s6;
	v7 =	vld [tilespmem:s4+$0xFFFFFEF0]  }
0x187: {  	v8 =	vmov s6  }
0x188: {  	v3 =	vperm.xlane v3, v8;
	_ =	sdelay $0x1  }
0x189: {  	v5 =	vmul.f32 v5, v3;
	v6 =	vmul.f32 v6, v3  }
0x18a: {  	v7 =	vmul.f32 v7, v3;
	v3 =	vmul.f32 v4, v3  }
0x18b: {  	[tilespmem:s4+$0xFFFFFED0] =	vst v6  }
0x18c: {  	[tilespmem:s4+$0xFFFFFEE0] =	vst v5  }
0x18d: {  	[tilespmem:s4+$0xFFFFFF00] =	vst v3  }
0x18e: {  	[tilespmem:s4+$0xFFFFFEF0] =	vst v7  }
0x18f: {  	v3 =	vld.idx.msk [tilespmem:v0+s26+$0x0 ss:$0x1], $0xffff  }
0x190: {  	v4 =	vld [tilespmem:s4+$0xFFFFFF40]  }
0x191: {  	v5 =	vld [tilespmem:s4+$0xFFFFFF20]  }
0x192: {  	s6 =	sadd.s32 $0xC, s28;
	v6 =	vld [tilespmem:s4+$0xFFFFFF10]  }
0x193: {  	s6 =	sand.u32 $0xC, s6;
	v7 =	vld [tilespmem:s4+$0xFFFFFF30]  }
0x194: {  	v8 =	vmov s6  }
0x195: {  	v3 =	vperm.xlane v3, v8;
	_ =	sdelay $0x1  }
0x196: {  	v5 =	vmul.f32 v5, v3;
	v6 =	vmul.f32 v6, v3  }
0x197: {  	v7 =	vmul.f32 v7, v3;
	v3 =	vmul.f32 v4, v3  }
0x198: {  	[tilespmem:s4+$0xFFFFFF10] =	vst v6  }
0x199: {  	[tilespmem:s4+$0xFFFFFF20] =	vst v5  }
0x19a: {  	[tilespmem:s4+$0xFFFFFF40] =	vst v3  }
0x19b: {  	[tilespmem:s4+$0xFFFFFF30] =	vst v7  }
0x19c: {  	v3 =	vld.idx.msk [tilespmem:v0+s26+$0x0 ss:$0x1], $0xffff  }
0x19d: {  	v4 =	vld [tilespmem:s4+$0xFFFFFF80]  }
0x19e: {  	v5 =	vld [tilespmem:s4+$0xFFFFFF60]  }
0x19f: {  	s6 =	sadd.s32 $0xD, s28;
	v6 =	vld [tilespmem:s4+$0xFFFFFF50]  }
0x1a0: {  	s6 =	sand.u32 $0xD, s6;
	v7 =	vld [tilespmem:s4+$0xFFFFFF70]  }
0x1a1: {  	v8 =	vmov s6  }
0x1a2: {  	v3 =	vperm.xlane v3, v8;
	_ =	sdelay $0x1  }
0x1a3: {  	v5 =	vmul.f32 v5, v3;
	v6 =	vmul.f32 v6, v3  }
0x1a4: {  	v7 =	vmul.f32 v7, v3;
	v3 =	vmul.f32 v4, v3  }
0x1a5: {  	[tilespmem:s4+$0xFFFFFF50] =	vst v6  }
0x1a6: {  	[tilespmem:s4+$0xFFFFFF70] =	vst v7  }
.Ltmp1:
0x1a7: {  	[tilespmem:s4+$0xFFFFFF80] =	vst v3;
	(pc) =	sbr.rel @p1 .LBB2_5-.Ltmp1, $3  }
0x1a8: {  	[tilespmem:s4+$0xFFFFFF60] =	vst v5  }
0x1a9: {  	v3 =	vld.idx.msk [tilespmem:v0+s26+$0x0 ss:$0x1], $0xffff;
	_ =	sdelay $0x1  }
0x1aa: {  	s4 =	sadd.s32 $0x200, s4  }
0x1ab: {  	s4 =	sadd.s32 $0xE, s28  }
0x1ac: {  	s4 =	sand.u32 $0xE, s4  }
0x1ad: {  	v4 =	vld [tilespmem:s17+$0xFFFFFFB0];
	v5 =	vmov s4  }
0x1ae: {  	v6 =	vld [tilespmem:s17+$0xFFFFFFC0];
	v3 =	vperm.xlane v3, v5;
	_ =	sdelay $0x1  }
0x1af: {  	v1 =	vmul.f32 v1, v3  }
0x1b0: {  	v2 =	vmul.f32 v2, v3  }
0x1b1: {  	v4 =	vmul.f32 v4, v3;
	[tilespmem:s17+$0xFFFFFF90] =	vst v1  }
0x1b2: {  	v1 =	vmul.f32 v6, v3;
	[tilespmem:s17+$0xFFFFFFA0] =	vst v2  }
0x1b3: {  	[tilespmem:s17+$0xFFFFFFB0] =	vst v4  }
0x1b4: {  	[tilespmem:s17+$0xFFFFFFC0] =	vst v1  }
0x1b5: {  	v0 =	vld.idx.msk [tilespmem:v0+s26+$0x0 ss:$0x1], $0xffff;
	_ =	sdelay $0x1  }
0x1b6: {  	v1 =	vld [tilespmem:s17+$0xFFFFFFD0]  }
0x1b7: {  	v2 =	vld [tilespmem:s17+$0x0];
	s26 =	sadd.s32 $0xF, s28  }
0x1b8: {  	v3 =	vld [tilespmem:s17+$0xFFFFFFE0];
	v4 =	vmov s26  }
0x1b9: {  	v5 =	vld [tilespmem:s17+$0xFFFFFFF0];
	v0 =	vperm.xlane v0, v4;
	_ =	sdelay $0x1  }
0x1ba: {  	v1 =	vmul.f32 v1, v0  }
0x1bb: {  	v2 =	vmul.f32 v2, v0  }
0x1bc: {  	v3 =	vmul.f32 v3, v0;
	[tilespmem:s17+$0xFFFFFFD0] =	vst v1  }
0x1bd: {  	v0 =	vmul.f32 v5, v0;
	[tilespmem:s17+$0x0] =	vst v2  }
0x1be: {  	[tilespmem:s17+$0xFFFFFFE0] =	vst v3  }
0x1bf: {  	s0 =	sadd.s32 $0x4E80, s0;
	[tilespmem:s17+$0xFFFFFFF0] =	vst v0  }
0x1c0: {  	[spmem:s1] =	stream.indirect.scatter.add.f32 [tilespmem:s21], [sflag:$0x2], $0x40, s0, s19, $0xb8;
	[tilespmem:$0x1E7C0] =	vst v63  }
0x1c1: {  	_ =	swait.ge [sflag:s24], $0x2000  }
0x1c2: {  	s28 =	sadd.s32 $0x9D00, s2;
	[sflag:s24] =	ssyncset.done $0x0  }
0x1c3: {  	s31 =	sadd.s32 $0x180, s31;
	v0 =	vmov s28;
	[sflag:s24] =	ssyncadd.s32 $0xFFFFE000  }
0x1c4: {  	[tilespmem:s20], [sflag:$0x1] =	stream.indirect.gather [hbm4b:s10+s19], $0x40, s31, s19, $0xb8;
	[tilespmem:$0x1E7C0] =	vst v63  }
0x1c5: {  	s6 =	simm.s32 $0x0;
	_ =	swait.ge [sflag:s22], $0x2000  }
0x1c6: {  	s0 =	sand.u32 $0x1C0, s6;
	[sflag:s22] =	ssyncset.done $0x0  }
0x1c7: {  	s18 =	sshrl.u32 s0, $0x2;
	[sflag:s22] =	ssyncadd.s32 $0xFFFFE000  }
0x1c8: {  	v1 =	vld.idx.msk [tilespmem:v0+s18+$0x0 ss:$0x1], $0xffff  }
0x1c9: {  	s0 =	simm.s32 $0x12D70  }
0x1ca: {  	s17 =	simm.s32 $0x0;
	v2 =	vld [tilespmem:s0+$0xFFFFFE40]  }
0x1cb: {  	s7 =	sand.u32 $0x8, s17;
	v3 =	vld [tilespmem:s0+$0xFFFFFE10]  }
0x1cc: {  	v5 =	vmov s7;
	v4 =	vld [tilespmem:s0+$0xFFFFFE20]  }
0x1cd: {  	v58 =	vld [tilespmem:s0+$0xFFFFFE30];
	v1 =	vperm.xlane v1, v5;
	_ =	sdelay $0x1  }
0x1ce: {  	v2 =	vmul.f32 v2, v1  }
0x1cf: {  	v3 =	vmul.f32 v3, v1  }
0x1d0: {  	v4 =	vmul.f32 v4, v1;
	[tilespmem:s0+$0xFFFFFE40] =	vst v2  }
0x1d1: {  	v1 =	vmul.f32 v58, v1;
	[tilespmem:s0+$0xFFFFFE10] =	vst v3  }
0x1d2: {  	[tilespmem:s0+$0xFFFFFE20] =	vst v4  }
0x1d3: {  	[tilespmem:s0+$0xFFFFFE30] =	vst v1  }
0x1d4: {  	v1 =	vld.idx.msk [tilespmem:v0+s18+$0x0 ss:$0x1], $0xffff;
	_ =	sdelay $0x1  }
0x1d5: {  	s8 =	simm.s32 $0x1;
	v2 =	vld [tilespmem:s0+$0xFFFFFE50]  }
0x1d6: {  	s4 =	sand.u32 $0x9, s8;
	v3 =	vld [tilespmem:s0+$0xFFFFFE60]  }
0x1d7: {  	v5 =	vmov s4;
	v4 =	vld [tilespmem:s0+$0xFFFFFE80]  }
0x1d8: {  	v59 =	vld [tilespmem:s0+$0xFFFFFE70];
	v1 =	vperm.xlane v1, v5;
	_ =	sdelay $0x1  }
0x1d9: {  	v2 =	vmul.f32 v2, v1  }
0x1da: {  	v3 =	vmul.f32 v3, v1  }
0x1db: {  	v4 =	vmul.f32 v4, v1;
	[tilespmem:s0+$0xFFFFFE50] =	vst v2  }
0x1dc: {  	v1 =	vmul.f32 v59, v1;
	[tilespmem:s0+$0xFFFFFE60] =	vst v3  }
0x1dd: {  	[tilespmem:s0+$0xFFFFFE80] =	vst v4  }
0x1de: {  	[tilespmem:s0+$0xFFFFFE70] =	vst v1  }
0x1df: {  	v1 =	vld.idx.msk [tilespmem:v0+s18+$0x0 ss:$0x1], $0xffff;
	_ =	sdelay $0x1  }
0x1e0: {  	s25 =	simm.s32 $0x2;
	v2 =	vld [tilespmem:s0+$0xFFFFFE90]  }
0x1e1: {  	s4 =	sand.u32 $0xA, s25;
	v3 =	vld [tilespmem:s0+$0xFFFFFEA0]  }
0x1e2: {  	v5 =	vmov s4;
	v4 =	vld [tilespmem:s0+$0xFFFFFEC0]  }
0x1e3: {  	v60 =	vld [tilespmem:s0+$0xFFFFFEB0];
	v1 =	vperm.xlane v1, v5;
	_ =	sdelay $0x1  }
0x1e4: {  	v2 =	vmul.f32 v2, v1  }
0x1e5: {  	v3 =	vmul.f32 v3, v1  }
0x1e6: {  	v4 =	vmul.f32 v4, v1;
	[tilespmem:s0+$0xFFFFFE90] =	vst v2  }
0x1e7: {  	v1 =	vmul.f32 v60, v1;
	[tilespmem:s0+$0xFFFFFEA0] =	vst v3  }
0x1e8: {  	[tilespmem:s0+$0xFFFFFEC0] =	vst v4  }
0x1e9: {  	[tilespmem:s0+$0xFFFFFEB0] =	vst v1  }
0x1ea: {  	v1 =	vld.idx.msk [tilespmem:v0+s18+$0x0 ss:$0x1], $0xffff;
	_ =	sdelay $0x1  }
0x1eb: {  	s26 =	simm.s32 $0x3;
	v2 =	vld [tilespmem:s0+$0xFFFFFED0]  }
0x1ec: {  	s4 =	sand.u32 $0xB, s26;
	v3 =	vld [tilespmem:s0+$0xFFFFFEE0]  }
0x1ed: {  	v5 =	vmov s4;
	v4 =	vld [tilespmem:s0+$0xFFFFFF00]  }
0x1ee: {  	v61 =	vld [tilespmem:s0+$0xFFFFFEF0];
	v1 =	vperm.xlane v1, v5;
	_ =	sdelay $0x1  }
0x1ef: {  	v2 =	vmul.f32 v2, v1  }
0x1f0: {  	v3 =	vmul.f32 v3, v1  }
0x1f1: {  	v4 =	vmul.f32 v4, v1;
	[tilespmem:s0+$0xFFFFFED0] =	vst v2  }
0x1f2: {  	v1 =	vmul.f32 v61, v1;
	[tilespmem:s0+$0xFFFFFEE0] =	vst v3  }
0x1f3: {  	[tilespmem:s0+$0xFFFFFF00] =	vst v4  }
0x1f4: {  	[tilespmem:s0+$0xFFFFFEF0] =	vst v1  }
0x1f5: {  	v1 =	vld.idx.msk [tilespmem:v0+s18+$0x0 ss:$0x1], $0xffff;
	_ =	sdelay $0x1  }
0x1f6: {  	s28 =	simm.s32 $0x4;
	v2 =	vld [tilespmem:s0+$0xFFFFFF10]  }
0x1f7: {  	s4 =	sand.u32 $0xC, s28;
	v3 =	vld [tilespmem:s0+$0xFFFFFF20]  }
0x1f8: {  	v5 =	vmov s4;
	v4 =	vld [tilespmem:s0+$0xFFFFFF40]  }
0x1f9: {  	v62 =	vld [tilespmem:s0+$0xFFFFFF30];
	v1 =	vperm.xlane v1, v5;
	_ =	sdelay $0x1  }
0x1fa: {  	v2 =	vmul.f32 v2, v1  }
0x1fb: {  	v3 =	vmul.f32 v3, v1  }
0x1fc: {  	v4 =	vmul.f32 v4, v1;
	[tilespmem:s0+$0xFFFFFF10] =	vst v2  }
0x1fd: {  	v1 =	vmul.f32 v62, v1;
	[tilespmem:s0+$0xFFFFFF20] =	vst v3  }
0x1fe: {  	[tilespmem:s0+$0xFFFFFF40] =	vst v4  }
0x1ff: {  	[tilespmem:s0+$0xFFFFFF30] =	vst v1  }
0x200: {  	v1 =	vld.idx.msk [tilespmem:v0+s18+$0x0 ss:$0x1], $0xffff;
	_ =	sdelay $0x1  }
0x201: {  	s31 =	simm.s32 $0x5;
	v2 =	vld [tilespmem:s0+$0xFFFFFF50]  }
0x202: {  	s4 =	sand.u32 $0xD, s31;
	v3 =	vld [tilespmem:s0+$0xFFFFFF70]  }
0x203: {  	v5 =	vmov s4;
	v4 =	vld [tilespmem:s0+$0xFFFFFF80]  }
0x204: {  	v63 =	vld [tilespmem:s0+$0xFFFFFF60];
	v5 =	vperm.xlane v1, v5;
	_ =	sdelay $0x1  }
0x205: {  	v7 =	vmul.f32 v2, v5  }
0x206: {  	v3 =	vmul.f32 v3, v5  }
0x207: {  	v4 =	vmul.f32 v4, v5;
	[tilespmem:s0+$0xFFFFFF50] =	vst v7  }
0x208: {  	v5 =	vmul.f32 v63, v5;
	[tilespmem:s0+$0xFFFFFF70] =	vst v3  }
0x209: {  	v1 =	vld [tilespmem:s0+$0xFFFFFF90];
	[tilespmem:s0+$0xFFFFFF80] =	vst v4  }
0x20a: {  	v2 =	vld [tilespmem:s0+$0xFFFFFFA0];
	[tilespmem:s0+$0xFFFFFF60] =	vst v5  }
0x20b: {  	s25 =	simm.s32 $0xFFFFFFF8;
	s26 =	simm.s32 $0x20;
	s4 =	simm.s32 $0x12D70;
	v3 =	vld.idx.msk [tilespmem:v0+s18+$0x0 ss:$0x1], $0xffff  }
.LBB2_7:
0x20c: {  	s7 =	sadd.s32 $0xE, s25  }
0x20d: {  	v4 =	vld [tilespmem:s0+$0xFFFFFFB0];
	s4 =	sadd.s32 $0x200, s4;
	s8 =	smov.u32 s17;
	s17 =	sadd.s32 $0x8, s17  }
0x20e: {  	s6 =	sand.u32 $0x8, s17;
	p1 =	slt.u32 s17, $0x78;
	s7 =	sand.u32 $0xE, s7;
	v5 =	vld [tilespmem:s0+$0xFFFFFFC0]  }
0x20f: {  	v6 =	vmov s7  }
0x210: {  	v3 =	vperm.xlane v3, v6;
	_ =	sdelay $0x1  }
0x211: {  	v1 =	vmul.f32 v1, v3;
	v2 =	vmul.f32 v2, v3  }
0x212: {  	v4 =	vmul.f32 v4, v3;
	v3 =	vmul.f32 v5, v3  }
0x213: {  	[tilespmem:s0+$0xFFFFFF90] =	vst v1  }
0x214: {  	v1 =	vld [tilespmem:s4+$0xFFFFFF90];
	[tilespmem:s0+$0xFFFFFFA0] =	vst v2  }
0x215: {  	v2 =	vld [tilespmem:s4+$0xFFFFFFA0];
	[tilespmem:s0+$0xFFFFFFB0] =	vst v4  }
0x216: {  	[tilespmem:s0+$0xFFFFFFC0] =	vst v3  }
0x217: {  	v3 =	vld.idx.msk [tilespmem:v0+s18+$0x0 ss:$0x1], $0xffff  }
0x218: {  	v4 =	vld [tilespmem:s0+$0xFFFFFFF0]  }
0x219: {  	v5 =	vld [tilespmem:s0+$0xFFFFFFD0]  }
0x21a: {  	v6 =	vld [tilespmem:s0+$0xFFFFFFE0]  }
0x21b: {  	s7 =	sadd.s32 $0xF, s25;
	s25 =	smov.u32 s8;
	v7 =	vld [tilespmem:s0+$0x0]  }
0x21c: {  	v8 =	vmov s7  }
0x21d: {  	v3 =	vperm.xlane v3, v8;
	_ =	sdelay $0x1  }
0x21e: {  	v5 =	vmul.f32 v5, v3;
	v6 =	vmul.f32 v6, v3  }
0x21f: {  	v4 =	vmul.f32 v4, v3;
	v3 =	vmul.f32 v7, v3  }
0x220: {  	[tilespmem:s0+$0xFFFFFFD0] =	vst v5  }
0x221: {  	[tilespmem:s0+$0x0] =	vst v3  }
0x222: {  	s7 =	sand.u32 $0x1C0, s26;
	[tilespmem:s0+$0xFFFFFFE0] =	vst v6  }
0x223: {  	s18 =	sshrl.u32 s7, $0x2;
	[tilespmem:s0+$0xFFFFFFF0] =	vst v4;
	s0 =	smov.u32 s4  }
0x224: {  	v3 =	vld.idx.msk [tilespmem:v0+s18+$0x0 ss:$0x1], $0xffff  }
0x225: {  	v4 =	vld [tilespmem:s4+$0xFFFFFE30]  }
0x226: {  	v5 =	vld [tilespmem:s4+$0xFFFFFE40]  }
0x227: {  	v6 =	vld [tilespmem:s4+$0xFFFFFE10]  }
0x228: {  	v7 =	vld [tilespmem:s4+$0xFFFFFE20]  }
0x229: {  	v8 =	vmov s6  }
0x22a: {  	v3 =	vperm.xlane v3, v8;
	_ =	sdelay $0x1  }
0x22b: {  	v5 =	vmul.f32 v5, v3;
	v6 =	vmul.f32 v6, v3  }
0x22c: {  	v7 =	vmul.f32 v7, v3;
	v3 =	vmul.f32 v4, v3  }
0x22d: {  	[tilespmem:s4+$0xFFFFFE40] =	vst v5  }
0x22e: {  	[tilespmem:s4+$0xFFFFFE10] =	vst v6  }
0x22f: {  	[tilespmem:s4+$0xFFFFFE20] =	vst v7  }
0x230: {  	[tilespmem:s4+$0xFFFFFE30] =	vst v3  }
0x231: {  	v3 =	vld.idx.msk [tilespmem:v0+s18+$0x0 ss:$0x1], $0xffff  }
0x232: {  	v4 =	vld [tilespmem:s4+$0xFFFFFE80]  }
0x233: {  	v5 =	vld [tilespmem:s4+$0xFFFFFE60]  }
0x234: {  	s6 =	sadd.s32 $0x9, s25;
	v6 =	vld [tilespmem:s4+$0xFFFFFE50]  }
0x235: {  	s6 =	sand.u32 $0x9, s6;
	v7 =	vld [tilespmem:s4+$0xFFFFFE70]  }
0x236: {  	v8 =	vmov s6  }
0x237: {  	v3 =	vperm.xlane v3, v8;
	_ =	sdelay $0x1  }
0x238: {  	v5 =	vmul.f32 v5, v3;
	v6 =	vmul.f32 v6, v3  }
0x239: {  	v7 =	vmul.f32 v7, v3;
	v3 =	vmul.f32 v4, v3  }
0x23a: {  	[tilespmem:s4+$0xFFFFFE50] =	vst v6  }
0x23b: {  	[tilespmem:s4+$0xFFFFFE60] =	vst v5  }
0x23c: {  	[tilespmem:s4+$0xFFFFFE80] =	vst v3  }
0x23d: {  	[tilespmem:s4+$0xFFFFFE70] =	vst v7  }
0x23e: {  	v3 =	vld.idx.msk [tilespmem:v0+s18+$0x0 ss:$0x1], $0xffff  }
0x23f: {  	v4 =	vld [tilespmem:s4+$0xFFFFFEC0]  }
0x240: {  	v5 =	vld [tilespmem:s4+$0xFFFFFEA0]  }
0x241: {  	s6 =	sadd.s32 $0xA, s25;
	v6 =	vld [tilespmem:s4+$0xFFFFFE90]  }
0x242: {  	s6 =	sand.u32 $0xA, s6;
	v7 =	vld [tilespmem:s4+$0xFFFFFEB0]  }
0x243: {  	v8 =	vmov s6  }
0x244: {  	v3 =	vperm.xlane v3, v8;
	_ =	sdelay $0x1  }
0x245: {  	v5 =	vmul.f32 v5, v3;
	v6 =	vmul.f32 v6, v3  }
0x246: {  	v7 =	vmul.f32 v7, v3;
	v3 =	vmul.f32 v4, v3  }
0x247: {  	[tilespmem:s4+$0xFFFFFE90] =	vst v6  }
0x248: {  	[tilespmem:s4+$0xFFFFFEA0] =	vst v5  }
0x249: {  	[tilespmem:s4+$0xFFFFFEC0] =	vst v3  }
0x24a: {  	[tilespmem:s4+$0xFFFFFEB0] =	vst v7  }
0x24b: {  	v3 =	vld.idx.msk [tilespmem:v0+s18+$0x0 ss:$0x1], $0xffff  }
0x24c: {  	v4 =	vld [tilespmem:s4+$0xFFFFFF00]  }
0x24d: {  	v5 =	vld [tilespmem:s4+$0xFFFFFEE0]  }
0x24e: {  	s6 =	sadd.s32 $0xB, s25;
	v6 =	vld [tilespmem:s4+$0xFFFFFED0]  }
0x24f: {  	s6 =	sand.u32 $0xB, s6;
	v7 =	vld [tilespmem:s4+$0xFFFFFEF0]  }
0x250: {  	v8 =	vmov s6  }
0x251: {  	v3 =	vperm.xlane v3, v8;
	_ =	sdelay $0x1  }
0x252: {  	v5 =	vmul.f32 v5, v3;
	v6 =	vmul.f32 v6, v3  }
0x253: {  	v7 =	vmul.f32 v7, v3;
	v3 =	vmul.f32 v4, v3  }
0x254: {  	[tilespmem:s4+$0xFFFFFED0] =	vst v6  }
0x255: {  	[tilespmem:s4+$0xFFFFFEE0] =	vst v5  }
0x256: {  	[tilespmem:s4+$0xFFFFFF00] =	vst v3  }
0x257: {  	[tilespmem:s4+$0xFFFFFEF0] =	vst v7  }
0x258: {  	v3 =	vld.idx.msk [tilespmem:v0+s18+$0x0 ss:$0x1], $0xffff  }
0x259: {  	v4 =	vld [tilespmem:s4+$0xFFFFFF40]  }
0x25a: {  	v5 =	vld [tilespmem:s4+$0xFFFFFF20]  }
0x25b: {  	s6 =	sadd.s32 $0xC, s25;
	v6 =	vld [tilespmem:s4+$0xFFFFFF10]  }
0x25c: {  	s6 =	sand.u32 $0xC, s6;
	v7 =	vld [tilespmem:s4+$0xFFFFFF30]  }
0x25d: {  	v8 =	vmov s6  }
0x25e: {  	v3 =	vperm.xlane v3, v8;
	_ =	sdelay $0x1  }
0x25f: {  	v5 =	vmul.f32 v5, v3;
	v6 =	vmul.f32 v6, v3  }
0x260: {  	v7 =	vmul.f32 v7, v3;
	v3 =	vmul.f32 v4, v3  }
0x261: {  	[tilespmem:s4+$0xFFFFFF10] =	vst v6  }
0x262: {  	[tilespmem:s4+$0xFFFFFF20] =	vst v5  }
0x263: {  	[tilespmem:s4+$0xFFFFFF40] =	vst v3  }
0x264: {  	[tilespmem:s4+$0xFFFFFF30] =	vst v7  }
0x265: {  	v3 =	vld.idx.msk [tilespmem:v0+s18+$0x0 ss:$0x1], $0xffff  }
0x266: {  	v4 =	vld [tilespmem:s4+$0xFFFFFF80]  }
0x267: {  	v5 =	vld [tilespmem:s4+$0xFFFFFF60]  }
0x268: {  	s6 =	sadd.s32 $0xD, s25;
	v6 =	vld [tilespmem:s4+$0xFFFFFF50]  }
0x269: {  	s6 =	sand.u32 $0xD, s6;
	v7 =	vld [tilespmem:s4+$0xFFFFFF70]  }
0x26a: {  	v8 =	vmov s6  }
0x26b: {  	v3 =	vperm.xlane v3, v8;
	_ =	sdelay $0x1  }
0x26c: {  	v5 =	vmul.f32 v5, v3;
	v6 =	vmul.f32 v6, v3  }
0x26d: {  	v7 =	vmul.f32 v7, v3;
	v3 =	vmul.f32 v4, v3  }
0x26e: {  	[tilespmem:s4+$0xFFFFFF50] =	vst v6  }
0x26f: {  	[tilespmem:s4+$0xFFFFFF70] =	vst v7  }
.Ltmp2:
0x270: {  	[tilespmem:s4+$0xFFFFFF80] =	vst v3;
	(pc) =	sbr.rel @p1 .LBB2_7-.Ltmp2, $3  }
0x271: {  	[tilespmem:s4+$0xFFFFFF60] =	vst v5  }
0x272: {  	v3 =	vld.idx.msk [tilespmem:v0+s18+$0x0 ss:$0x1], $0xffff;
	_ =	sdelay $0x1  }
0x273: {  	s26 =	sadd.s32 $0x20, s26  }
0x274: {  	s4 =	sadd.s32 $0xE, s25  }
0x275: {  	s4 =	sand.u32 $0xE, s4  }
0x276: {  	v4 =	vld [tilespmem:s0+$0xFFFFFFB0];
	v5 =	vmov s4  }
0x277: {  	v6 =	vld [tilespmem:s0+$0xFFFFFFC0];
	v3 =	vperm.xlane v3, v5;
	_ =	sdelay $0x1  }
0x278: {  	v1 =	vmul.f32 v1, v3  }
0x279: {  	v2 =	vmul.f32 v2, v3  }
0x27a: {  	v4 =	vmul.f32 v4, v3;
	[tilespmem:s0+$0xFFFFFF90] =	vst v1  }
0x27b: {  	v58 =	vmul.f32 v6, v3;
	[tilespmem:s0+$0xFFFFFFA0] =	vst v2  }
0x27c: {  	[tilespmem:s0+$0xFFFFFFB0] =	vst v4  }
0x27d: {  	[tilespmem:s0+$0xFFFFFFC0] =	vst v58  }
0x27e: {  	v0 =	vld.idx.msk [tilespmem:v0+s18+$0x0 ss:$0x1], $0xffff;
	_ =	sdelay $0x1  }
0x27f: {  	v59 =	vld [tilespmem:s0+$0xFFFFFFD0]  }
0x280: {  	s28 =	sadd.s32 $0xF, s25;
	v60 =	vld [tilespmem:s0+$0x0]  }
0x281: {  	v61 =	vld [tilespmem:s0+$0xFFFFFFE0];
	v62 =	vmov s28  }
0x282: {  	v63 =	vld [tilespmem:s0+$0xFFFFFFF0];
	v0 =	vperm.xlane v0, v62;
	_ =	sdelay $0x1  }
0x283: {  	s30 =	sadd.s32 $0x1, s30;
	v1 =	vmul.f32 v59, v0  }
0x284: {  	p1 =	sne.s32 s30, $0x34;
	v2 =	vmul.f32 v60, v0  }
.Ltmp3:
0x285: {  	v3 =	vmul.f32 v61, v0;
	[tilespmem:s0+$0xFFFFFFD0] =	vst v1;
	(pc) =	sbr.rel @p1 .LBB2_2-.Ltmp3, $4  }
0x286: {  	v0 =	vmul.f32 v63, v0;
	[tilespmem:s0+$0x0] =	vst v2  }
0x287: {  	[tilespmem:s0+$0xFFFFFFE0] =	vst v3  }
0x288: {  	s31 =	sadd.s32 $0x4E80, s2;
	[tilespmem:s0+$0xFFFFFFF0] =	vst v0  }
0x289: {  	[spmem:s1] =	stream.indirect.scatter.add.f32 [tilespmem:s23], [sflag:$0x2], $0x40, s31, s19, $0xb8;
	[tilespmem:$0x1E7C0] =	vst v63  }
0x28a: {  	_ =	swait.ge [sflag:s24], $0x2000  }
0x28b: {  	[sflag:s24] =	ssyncset.done $0x0  }
0x28c: {  	[sflag:s24] =	ssyncadd.s32 $0xFFFFE000  }
0x28d: {  	s2 =	simm.s32 $0x0;
	_ =	swait.ge [sflag:s22], $0x2000  }
0x28e: {  	s0 =	sand.u32 $0x1C0, s2;
	[sflag:s22] =	ssyncset.done $0x0  }
0x28f: {  	s18 =	sshrl.u32 s0, $0x2;
	[sflag:s22] =	ssyncadd.s32 $0xFFFFE000  }
0x290: {  	v0 =	vld [tilespmem:s18+$0xEB00]  }
0x291: {  	s0 =	simm.s32 $0xEC80  }
0x292: {  	s17 =	simm.s32 $0x0;
	v1 =	vld [tilespmem:s0+$0xFFFFFF30]  }
0x293: {  	s4 =	sand.u32 $0x8, s17;
	v2 =	vld [tilespmem:s0+$0xFFFFFF00]  }
0x294: {  	v4 =	vmov s4;
	v3 =	vld [tilespmem:s0+$0xFFFFFF10]  }
0x295: {  	v5 =	vld [tilespmem:s0+$0xFFFFFF20];
	v0 =	vperm.xlane v0, v4;
	_ =	sdelay $0x1  }
0x296: {  	v1 =	vmul.f32 v1, v0  }
0x297: {  	v2 =	vmul.f32 v2, v0  }
0x298: {  	v3 =	vmul.f32 v3, v0;
	[tilespmem:s0+$0xFFFFFF30] =	vst v1  }
0x299: {  	v0 =	vmul.f32 v5, v0;
	[tilespmem:s0+$0xFFFFFF00] =	vst v2  }
0x29a: {  	[tilespmem:s0+$0xFFFFFF10] =	vst v3  }
0x29b: {  	[tilespmem:s0+$0xFFFFFF20] =	vst v0  }
0x29c: {  	v0 =	vld [tilespmem:s18+$0xEB00];
	_ =	sdelay $0x1  }
0x29d: {  	s25 =	simm.s32 $0x1;
	v1 =	vld [tilespmem:s0+$0xFFFFFF40]  }
0x29e: {  	s4 =	sand.u32 $0x9, s25;
	v2 =	vld [tilespmem:s0+$0xFFFFFF50]  }
0x29f: {  	v54 =	vmov s4;
	v3 =	vld [tilespmem:s0+$0xFFFFFF70]  }
0x2a0: {  	v55 =	vld [tilespmem:s0+$0xFFFFFF60];
	v0 =	vperm.xlane v0, v54;
	_ =	sdelay $0x1  }
0x2a1: {  	v1 =	vmul.f32 v1, v0  }
0x2a2: {  	v2 =	vmul.f32 v2, v0  }
0x2a3: {  	v3 =	vmul.f32 v3, v0;
	[tilespmem:s0+$0xFFFFFF40] =	vst v1  }
0x2a4: {  	v0 =	vmul.f32 v55, v0;
	[tilespmem:s0+$0xFFFFFF50] =	vst v2  }
0x2a5: {  	[tilespmem:s0+$0xFFFFFF70] =	vst v3  }
0x2a6: {  	[tilespmem:s0+$0xFFFFFF60] =	vst v0  }
0x2a7: {  	v0 =	vld [tilespmem:s18+$0xEB00];
	_ =	sdelay $0x1  }
0x2a8: {  	s26 =	simm.s32 $0x2;
	v1 =	vld [tilespmem:s0+$0xFFFFFF80]  }
0x2a9: {  	s4 =	sand.u32 $0xA, s26;
	v2 =	vld [tilespmem:s0+$0xFFFFFF90]  }
0x2aa: {  	v56 =	vmov s4;
	v3 =	vld [tilespmem:s0+$0xFFFFFFB0]  }
0x2ab: {  	v57 =	vld [tilespmem:s0+$0xFFFFFFA0];
	v0 =	vperm.xlane v0, v56;
	_ =	sdelay $0x1  }
0x2ac: {  	v1 =	vmul.f32 v1, v0  }
0x2ad: {  	v2 =	vmul.f32 v2, v0  }
0x2ae: {  	v3 =	vmul.f32 v3, v0;
	[tilespmem:s0+$0xFFFFFF80] =	vst v1  }
0x2af: {  	v0 =	vmul.f32 v57, v0;
	[tilespmem:s0+$0xFFFFFF90] =	vst v2  }
0x2b0: {  	[tilespmem:s0+$0xFFFFFFB0] =	vst v3  }
0x2b1: {  	[tilespmem:s0+$0xFFFFFFA0] =	vst v0  }
0x2b2: {  	v0 =	vld [tilespmem:s18+$0xEB00];
	_ =	sdelay $0x1  }
0x2b3: {  	s28 =	simm.s32 $0x3;
	v1 =	vld [tilespmem:s0+$0xFFFFFFC0]  }
0x2b4: {  	s4 =	sand.u32 $0xB, s28;
	v2 =	vld [tilespmem:s0+$0xFFFFFFD0]  }
0x2b5: {  	v58 =	vmov s4;
	v3 =	vld [tilespmem:s0+$0xFFFFFFF0]  }
0x2b6: {  	v59 =	vld [tilespmem:s0+$0xFFFFFFE0];
	v0 =	vperm.xlane v0, v58;
	_ =	sdelay $0x1  }
0x2b7: {  	v1 =	vmul.f32 v1, v0  }
0x2b8: {  	v2 =	vmul.f32 v2, v0  }
0x2b9: {  	v3 =	vmul.f32 v3, v0;
	[tilespmem:s0+$0xFFFFFFC0] =	vst v1  }
0x2ba: {  	v0 =	vmul.f32 v59, v0;
	[tilespmem:s0+$0xFFFFFFD0] =	vst v2  }
0x2bb: {  	[tilespmem:s0+$0xFFFFFFF0] =	vst v3  }
0x2bc: {  	[tilespmem:s0+$0xFFFFFFE0] =	vst v0  }
0x2bd: {  	v0 =	vld [tilespmem:s18+$0xEB00];
	_ =	sdelay $0x1  }
0x2be: {  	s30 =	simm.s32 $0x4;
	v1 =	vld [tilespmem:s0+$0x0]  }
0x2bf: {  	s4 =	sand.u32 $0xC, s30;
	v2 =	vld [tilespmem:s0+$0x10]  }
0x2c0: {  	v60 =	vmov s4;
	v3 =	vld [tilespmem:s0+$0x30]  }
0x2c1: {  	v61 =	vld [tilespmem:s0+$0x20];
	v0 =	vperm.xlane v0, v60;
	_ =	sdelay $0x1  }
0x2c2: {  	v1 =	vmul.f32 v1, v0  }
0x2c3: {  	v2 =	vmul.f32 v2, v0  }
0x2c4: {  	v3 =	vmul.f32 v3, v0;
	[tilespmem:s0+$0x0] =	vst v1  }
0x2c5: {  	v0 =	vmul.f32 v61, v0;
	[tilespmem:s0+$0x10] =	vst v2  }
0x2c6: {  	[tilespmem:s0+$0x30] =	vst v3  }
0x2c7: {  	[tilespmem:s0+$0x20] =	vst v0  }
0x2c8: {  	v0 =	vld [tilespmem:s18+$0xEB00];
	_ =	sdelay $0x1  }
0x2c9: {  	s31 =	simm.s32 $0x5;
	v1 =	vld [tilespmem:s0+$0x40]  }
0x2ca: {  	s4 =	sand.u32 $0xD, s31;
	v2 =	vld [tilespmem:s0+$0x70]  }
0x2cb: {  	v62 =	vmov s4;
	v3 =	vld [tilespmem:s0+$0x50]  }
0x2cc: {  	v63 =	vld [tilespmem:s0+$0x60];
	v0 =	vperm.xlane v0, v62;
	_ =	sdelay $0x1  }
0x2cd: {  	v1 =	vmul.f32 v1, v0  }
0x2ce: {  	v2 =	vmul.f32 v2, v0  }
0x2cf: {  	v3 =	vmul.f32 v3, v0;
	[tilespmem:s0+$0x40] =	vst v1  }
0x2d0: {  	v0 =	vmul.f32 v63, v0;
	[tilespmem:s0+$0x70] =	vst v2  }
0x2d1: {  	[tilespmem:s0+$0x50] =	vst v3  }
0x2d2: {  	[tilespmem:s0+$0x60] =	vst v0;
	v0 =	vld [tilespmem:s0+$0x80]  }
0x2d3: {  	s25 =	simm.s32 $0xFFFFFFF8;
	s4 =	simm.s32 $0xEC80;
	v1 =	vld [tilespmem:s18+$0xEB00]  }
.LBB2_10:
0x2d4: {  	s2 =	sadd.s32 $0x20, s2  }
0x2d5: {  	v2 =	vld [tilespmem:s0+$0xA0];
	s4 =	sadd.s32 $0x200, s4;
	s7 =	smov.u32 s17;
	s17 =	sadd.s32 $0x8, s17  }
0x2d6: {  	s8 =	sadd.s32 $0xE, s25;
	s6 =	sand.u32 $0x8, s17;
	p1 =	slt.u32 s17, $0x78;
	v3 =	vld [tilespmem:s0+$0x90]  }
0x2d7: {  	s8 =	sand.u32 $0xE, s8;
	v4 =	vld [tilespmem:s0+$0xB0]  }
0x2d8: {  	v5 =	vmov s8  }
0x2d9: {  	v1 =	vperm.xlane v1, v5;
	_ =	sdelay $0x1  }
0x2da: {  	v0 =	vmul.f32 v0, v1;
	v3 =	vmul.f32 v3, v1  }
0x2db: {  	v2 =	vmul.f32 v2, v1;
	v1 =	vmul.f32 v4, v1  }
0x2dc: {  	[tilespmem:s0+$0x80] =	vst v0  }
0x2dd: {  	[tilespmem:s0+$0x90] =	vst v3  }
0x2de: {  	[tilespmem:s0+$0xA0] =	vst v2  }
0x2df: {  	[tilespmem:s0+$0xB0] =	vst v1;
	v0 =	vld [tilespmem:s0+$0xF0]  }
0x2e0: {  	v1 =	vld [tilespmem:s18+$0xEB00]  }
0x2e1: {  	v2 =	vld [tilespmem:s0+$0xC0]  }
0x2e2: {  	v3 =	vld [tilespmem:s0+$0xD0]  }
0x2e3: {  	s8 =	sadd.s32 $0xF, s25;
	s25 =	smov.u32 s7;
	v4 =	vld [tilespmem:s0+$0xE0]  }
0x2e4: {  	v5 =	vmov s8  }
0x2e5: {  	v1 =	vperm.xlane v1, v5;
	_ =	sdelay $0x1  }
0x2e6: {  	v2 =	vmul.f32 v2, v1;
	v3 =	vmul.f32 v3, v1  }
0x2e7: {  	v0 =	vmul.f32 v0, v1;
	v4 =	vmul.f32 v4, v1  }
0x2e8: {  	[tilespmem:s0+$0xC0] =	vst v2  }
0x2e9: {  	[tilespmem:s0+$0xF0] =	vst v0  }
0x2ea: {  	s7 =	sand.u32 $0x1C0, s2;
	[tilespmem:s0+$0xD0] =	vst v3  }
0x2eb: {  	s18 =	sshrl.u32 s7, $0x2;
	v0 =	vld [tilespmem:s4+$0xFFFFFF20];
	[tilespmem:s0+$0xE0] =	vst v4;
	s0 =	smov.u32 s4  }
0x2ec: {  	v1 =	vld [tilespmem:s18+$0xEB00]  }
0x2ed: {  	v2 =	vld [tilespmem:s4+$0xFFFFFF30]  }
0x2ee: {  	v3 =	vld [tilespmem:s4+$0xFFFFFF00]  }
0x2ef: {  	v4 =	vld [tilespmem:s4+$0xFFFFFF10]  }
0x2f0: {  	v5 =	vmov s6  }
0x2f1: {  	v1 =	vperm.xlane v1, v5;
	_ =	sdelay $0x1  }
0x2f2: {  	v3 =	vmul.f32 v3, v1;
	v2 =	vmul.f32 v2, v1  }
0x2f3: {  	v0 =	vmul.f32 v0, v1;
	v4 =	vmul.f32 v4, v1  }
0x2f4: {  	[tilespmem:s4+$0xFFFFFF30] =	vst v2  }
0x2f5: {  	[tilespmem:s4+$0xFFFFFF00] =	vst v3  }
0x2f6: {  	[tilespmem:s4+$0xFFFFFF10] =	vst v4  }
0x2f7: {  	[tilespmem:s4+$0xFFFFFF20] =	vst v0;
	v0 =	vld [tilespmem:s4+$0xFFFFFF70]  }
0x2f8: {  	v1 =	vld [tilespmem:s18+$0xEB00]  }
0x2f9: {  	v2 =	vld [tilespmem:s4+$0xFFFFFF50]  }
0x2fa: {  	s6 =	sadd.s32 $0x9, s25;
	v3 =	vld [tilespmem:s4+$0xFFFFFF40]  }
0x2fb: {  	s6 =	sand.u32 $0x9, s6;
	v4 =	vld [tilespmem:s4+$0xFFFFFF60]  }
0x2fc: {  	v5 =	vmov s6  }
0x2fd: {  	v1 =	vperm.xlane v1, v5;
	_ =	sdelay $0x1  }
0x2fe: {  	v3 =	vmul.f32 v3, v1;
	v2 =	vmul.f32 v2, v1  }
0x2ff: {  	v0 =	vmul.f32 v0, v1;
	v4 =	vmul.f32 v4, v1  }
0x300: {  	[tilespmem:s4+$0xFFFFFF40] =	vst v3  }
0x301: {  	[tilespmem:s4+$0xFFFFFF50] =	vst v2  }
0x302: {  	[tilespmem:s4+$0xFFFFFF70] =	vst v0  }
0x303: {  	[tilespmem:s4+$0xFFFFFF60] =	vst v4;
	v0 =	vld [tilespmem:s4+$0xFFFFFFB0]  }
0x304: {  	v1 =	vld [tilespmem:s18+$0xEB00]  }
0x305: {  	v2 =	vld [tilespmem:s4+$0xFFFFFF90]  }
0x306: {  	s6 =	sadd.s32 $0xA, s25;
	v3 =	vld [tilespmem:s4+$0xFFFFFF80]  }
0x307: {  	s6 =	sand.u32 $0xA, s6;
	v4 =	vld [tilespmem:s4+$0xFFFFFFA0]  }
0x308: {  	v5 =	vmov s6  }
0x309: {  	v1 =	vperm.xlane v1, v5;
	_ =	sdelay $0x1  }
0x30a: {  	v3 =	vmul.f32 v3, v1;
	v2 =	vmul.f32 v2, v1  }
0x30b: {  	v0 =	vmul.f32 v0, v1;
	v4 =	vmul.f32 v4, v1  }
0x30c: {  	[tilespmem:s4+$0xFFFFFF80] =	vst v3  }
0x30d: {  	[tilespmem:s4+$0xFFFFFF90] =	vst v2  }
0x30e: {  	[tilespmem:s4+$0xFFFFFFB0] =	vst v0  }
0x30f: {  	[tilespmem:s4+$0xFFFFFFA0] =	vst v4;
	v0 =	vld [tilespmem:s4+$0xFFFFFFF0]  }
0x310: {  	v1 =	vld [tilespmem:s18+$0xEB00]  }
0x311: {  	v2 =	vld [tilespmem:s4+$0xFFFFFFD0]  }
0x312: {  	s6 =	sadd.s32 $0xB, s25;
	v3 =	vld [tilespmem:s4+$0xFFFFFFC0]  }
0x313: {  	s6 =	sand.u32 $0xB, s6;
	v4 =	vld [tilespmem:s4+$0xFFFFFFE0]  }
0x314: {  	v5 =	vmov s6  }
0x315: {  	v1 =	vperm.xlane v1, v5;
	_ =	sdelay $0x1  }
0x316: {  	v3 =	vmul.f32 v3, v1;
	v2 =	vmul.f32 v2, v1  }
0x317: {  	v0 =	vmul.f32 v0, v1;
	v4 =	vmul.f32 v4, v1  }
0x318: {  	[tilespmem:s4+$0xFFFFFFC0] =	vst v3  }
0x319: {  	[tilespmem:s4+$0xFFFFFFD0] =	vst v2  }
0x31a: {  	[tilespmem:s4+$0xFFFFFFF0] =	vst v0  }
0x31b: {  	[tilespmem:s4+$0xFFFFFFE0] =	vst v4;
	v0 =	vld [tilespmem:s4+$0x30]  }
0x31c: {  	v1 =	vld [tilespmem:s18+$0xEB00]  }
0x31d: {  	v2 =	vld [tilespmem:s4+$0x10]  }
0x31e: {  	s6 =	sadd.s32 $0xC, s25;
	v3 =	vld [tilespmem:s4+$0x0]  }
0x31f: {  	s6 =	sand.u32 $0xC, s6;
	v4 =	vld [tilespmem:s4+$0x20]  }
0x320: {  	v5 =	vmov s6  }
0x321: {  	v1 =	vperm.xlane v1, v5;
	_ =	sdelay $0x1  }
0x322: {  	v3 =	vmul.f32 v3, v1;
	v2 =	vmul.f32 v2, v1  }
0x323: {  	v0 =	vmul.f32 v0, v1;
	v4 =	vmul.f32 v4, v1  }
0x324: {  	[tilespmem:s4+$0x0] =	vst v3  }
0x325: {  	[tilespmem:s4+$0x10] =	vst v2  }
0x326: {  	[tilespmem:s4+$0x30] =	vst v0  }
0x327: {  	[tilespmem:s4+$0x20] =	vst v4;
	v0 =	vld [tilespmem:s4+$0x70]  }
0x328: {  	v1 =	vld [tilespmem:s18+$0xEB00]  }
0x329: {  	v2 =	vld [tilespmem:s4+$0x50]  }
0x32a: {  	s6 =	sadd.s32 $0xD, s25;
	v3 =	vld [tilespmem:s4+$0x40]  }
0x32b: {  	s6 =	sand.u32 $0xD, s6;
	v4 =	vld [tilespmem:s4+$0x60]  }
0x32c: {  	v5 =	vmov s6  }
0x32d: {  	v1 =	vperm.xlane v1, v5;
	_ =	sdelay $0x1  }
0x32e: {  	v3 =	vmul.f32 v3, v1;
	v2 =	vmul.f32 v2, v1  }
0x32f: {  	v0 =	vmul.f32 v0, v1;
	v4 =	vmul.f32 v4, v1  }
.Ltmp4:
0x330: {  	[tilespmem:s4+$0x40] =	vst v3;
	(pc) =	sbr.rel @p1 .LBB2_10-.Ltmp4, $4  }
0x331: {  	[tilespmem:s4+$0x70] =	vst v0  }
0x332: {  	[tilespmem:s4+$0x50] =	vst v2  }
0x333: {  	[tilespmem:s4+$0x60] =	vst v4;
	v0 =	vld [tilespmem:s4+$0x80]  }
0x334: {  	v1 =	vld [tilespmem:s18+$0xEB00]  }
0x335: {  	_ = 	snop  }
0x336: {  	s2 =	sadd.s32 $0xE, s25  }
0x337: {  	v2 =	vld [tilespmem:s0+$0x90];
	s2 =	sand.u32 $0xE, s2  }
0x338: {  	v3 =	vld [tilespmem:s0+$0xA0];
	v4 =	vmov s2  }
0x339: {  	v5 =	vld [tilespmem:s0+$0xB0];
	v1 =	vperm.xlane v1, v4;
	_ =	sdelay $0x1  }
0x33a: {  	v0 =	vmul.f32 v0, v1  }
0x33b: {  	v2 =	vmul.f32 v2, v1  }
0x33c: {  	v3 =	vmul.f32 v3, v1;
	[tilespmem:s0+$0x80] =	vst v0  }
0x33d: {  	v58 =	vmul.f32 v5, v1;
	[tilespmem:s0+$0x90] =	vst v2  }
0x33e: {  	[tilespmem:s0+$0xA0] =	vst v3  }
0x33f: {  	[tilespmem:s0+$0xB0] =	vst v58  }
0x340: {  	v0 =	vld [tilespmem:s18+$0xEB00];
	_ =	sdelay $0x1  }
0x341: {  	v59 =	vld [tilespmem:s0+$0xC0]  }
0x342: {  	v60 =	vld [tilespmem:s0+$0xF0];
	s26 =	sadd.s32 $0xF, s25  }
0x343: {  	v61 =	vld [tilespmem:s0+$0xD0];
	v62 =	vmov s26  }
0x344: {  	v63 =	vld [tilespmem:s0+$0xE0];
	v0 =	vperm.xlane v0, v62;
	_ =	sdelay $0x1  }
0x345: {  	v1 =	vmul.f32 v59, v0  }
0x346: {  	v2 =	vmul.f32 v60, v0  }
0x347: {  	v3 =	vmul.f32 v61, v0;
	[tilespmem:s0+$0xC0] =	vst v1  }
0x348: {  	v0 =	vmul.f32 v63, v0;
	[tilespmem:s0+$0xF0] =	vst v2  }
0x349: {  	[tilespmem:s0+$0xD0] =	vst v3  }
0x34a: {  	s28 =	simm.s32 $0x9C80;
	[tilespmem:s0+$0xE0] =	vst v0  }
0x34b: {  	[spmem:s1] =	stream.indirect.scatter.add.f32 [tilespmem:s20], [sflag:$0x2], $0x40, s28, s19, $0xb8;
	[tilespmem:$0x1E7C0] =	vst v63  }
0x34c: {  	_ =	swait.ge [sflag:s24], $0x2000  }
0x34d: {  	[sflag:s24] =	ssyncset.done $0x0  }
0x34e: {  	[sflag:s24] =	ssyncadd.s32 $0xFFFFE000  }
0x34f: {  	_ =	swait.ge [sflag:s24], $0x2000  }
0x350: {  	[sflag:s24] =	ssyncset.done $0x0  }
0x351: {  	[sflag:s24] =	ssyncadd.s32 $0xFFFFE000  }
0x352: {  	s30 =	simm.s32 $0x10;
	s31 =	simm.s32 $0x8;
	[bflag:$0x0] =	sbarrier.arrive $0xFFFF  }
0x353: {  	[hbm:s11@s30], [sflag:s5] =	dma.strided [spmem:s14@s31], $0x1380, s22, $0x8   }
0x354: {  	s29 =	sadd.s32 $0x1, s29;
	_ =	swait.ge [sflag:s15], $0x1380  }
0x355: {  	s4 =	simm.s32 @!p0 $0x8;
	p1 =	sne.s32 s29, s13;
	[sflag:s15] =	ssyncset.done $0x0  }
0x356: {  	s2 =	simm.s32 @!p0 $0x10;
	s0 =	simm.s32 @!p0 $0x1;
	[sflag:s15] =	ssyncadd.s32 $0xFFFFEC80  }
0x357: {  	[hbm:s12@s2], [sflag:s5] =	dma.strided @!p0 [spmem:s16@s4], $0x80, s0, $0x8   }
.Ltmp5:
0x358: {  	_ = 	snop;
	(pc) =	sbr.rel @p1 .LBB2_1-.Ltmp5, $4  }
0x359: {  	s0 =	simm.s32 @!p0 $0x3  }
0x35a: {  	_ =	swait.ge @!p0 [sflag:s0], $0x80  }
0x35b: {  	[sflag:s0] =	ssyncset.done @!p0 $0x0  }
0x35c: {  	[sflag:s0] =	ssyncadd.s32 @!p0 $0xFFFFFF80  }
0x35d: {  	_ =	sfence.sel $0x180000  }
0x35e: {  	[bflag:$0x0] =	sbarrier.arrive $0xFFFF  }
0x35f: {  	_ =	strace $0x90000047  }
0x360: {  	s0 =	stileid.u32;
	[bflag:$0x2] =	sbarrier.arrive $0xFFFF  }
0x361: {  	p0 =	sne.s32 s0, $0x0;
	s0 =	rddreg [dreg:$0x3]  }
0x362: {  	s0 =	sadd.s32 @!p0 $0x100000, s0  }
0x363: {  	[sflag:s0] =	ssyncadd.tile.s32 @!p0 $0x1;
	_ =	shalt  }
.Lfunc_end2:
_tile_overlayer_lowered:
.L_overlay_start_2:
0x364: {  	(tag) =	ssettag $0x2  }
0x365: {  	s0 =	rddreg [dreg:$0x0];
	s2 =	stileid.u32  }
0x366: {  	s1 =	rddreg [dreg:$0x1];
	p0 =	sne.s32 s2, $0x0  }
0x367: {  	s3 =	rddreg [dreg:$0x2];
	[bflag:$0x3] =	sbarrier.arrive $0xFFFF;
	s2 =	simm.s32 @!p0 $0x1C03  }
0x368: {  	[timem:s3], [sflag:s2] =	dma.local @!p0 [hbm:s0], s1  }
0x369: {  	s0 =	simm.s32 @!p0 $0x3  }
0x36a: {  	_ =	swait.ge @!p0 [sflag:s0], s1  }
0x36b: {  	s1 =	ssub.s32 @!p0 $0x0, s1;
	[sflag:s0] =	ssyncset.done @!p0 $0x0  }
0x36c: {  	[sflag:s0] =	ssyncadd.s32 @!p0 s1  }
0x36d: {  	[bflag:$0x3] =	sbarrier.arrive $0xFFFF  }
0x36e: {  	_ =	shalt  }

</sc_bundles>
